<compile_context>
chip_gen: v7x
topology: tpu7x:2x2x1
jax: 0.10.2.dev20260603
libtpu: 0.0.44.dev20260713+nightly
codegen_flags: <defaults>
</compile_context>

<pallas_src>
import functools

import jax
import jax.numpy as jnp
from jax import lax
from jax.experimental import pallas as pl
from jax.experimental.pallas import tpu as pltpu
from jax.experimental.pallas import tpu_sc as plsc

N, L, D = 16, 4096, 256
Q = 16384
WIDTH = 8
WIN = 2 * WIDTH + 1
INV = 1.0 / (L - WIN)
QWRAP = 4096

NC, NS = 2, 16
NW = NC * NS
BPW = Q // NW
CH = 64
NCHUNK = BPW // CH
QB = 512
NQB = Q // QB
LANES = 16

BB = 256
NB = L // BB


def _band_mats():
    import numpy as np
    r = np.arange(BB)
    diff = r[None, :] - r[:, None]
    m0 = (np.abs(diff) <= WIDTH).astype(np.float32)
    mm = (diff >= BB - WIDTH).astype(np.float32)
    mp = (diff <= -(BB - WIDTH)).astype(np.float32)
    return jnp.asarray(m0), jnp.asarray(mm), jnp.asarray(mp)


def _w_body(m0_ref, mm_ref, mp_ref, x_ref, b_ref, t_ref):
    xb = x_ref[0]
    total = jnp.sum(xb, axis=0, keepdims=True)
    m0, mm, mp = m0_ref[...], mm_ref[...], mp_ref[...]
    outs = []
    for b in range(NB):
        x0 = xb[b * BB:(b + 1) * BB]
        bm = (b - 1) % NB
        bp = (b + 1) % NB
        xm = xb[bm * BB:bm * BB + BB]
        xp = xb[bp * BB:bp * BB + BB]
        ws = (jnp.dot(m0, x0, preferred_element_type=jnp.float32)
              + jnp.dot(mm, xm, preferred_element_type=jnp.float32)
              + jnp.dot(mp, xp, preferred_element_type=jnp.float32))
        outs.append(ws)
    acc = jnp.concatenate(outs, axis=0)
    b_ref[0] = acc * (-INV)
    t_ref[0] = total * INV


def _compute_tables(x):
    m0, mm, mp = _band_mats()
    mat_spec = pl.BlockSpec((BB, BB), lambda i: (0, 0))
    return pl.pallas_call(
        _w_body,
        grid=(N,),
        in_specs=[mat_spec, mat_spec, mat_spec,
                  pl.BlockSpec((1, L, D), lambda i: (i, 0, 0))],
        out_specs=[pl.BlockSpec((1, L, D), lambda i: (i, 0, 0)),
                   pl.BlockSpec((1, 1, D), lambda i: (i, 0, 0))],
        out_shape=[jax.ShapeDtypeStruct((N, L, D), jnp.float32),
                   jax.ShapeDtypeStruct((N, 1, D), jnp.float32)],
        compiler_params=pltpu.CompilerParams(
            dimension_semantics=("arbitrary",)),
    )(m0, mm, mp, x)


def _expand_body(t_ref, idx_ref, tg_ref):
    ids = idx_ref[0, 0]
    onehot = (ids[:, None] ==
              lax.broadcasted_iota(jnp.int32, (QB, N), 1)).astype(jnp.float32)
    tg_ref[...] = jnp.dot(onehot, t_ref[...],
                          precision=lax.Precision.HIGHEST,
                          preferred_element_type=jnp.float32)


def _expand_t(ttab, idx):
    return pl.pallas_call(
        _expand_body,
        grid=(NQB,),
        in_specs=[pl.BlockSpec((N, D), lambda i: (0, 0)),
                  pl.BlockSpec((1, 1, QB), lambda i: (i, 0, 0))],
        out_specs=pl.BlockSpec((QB, D), lambda i: (i, 0)),
        out_shape=jax.ShapeDtypeStruct((Q, D), jnp.float32),
        compiler_params=pltpu.CompilerParams(
            dimension_semantics=("arbitrary",)),
    )(ttab, idx.reshape(NQB, 1, QB))


def _gather_body(b_hbm, tg_hbm, idx_hbm, cen_hbm, out_hbm,
                 idxw_v, cen_v, rid_v, rows_v, trows_v,
                 semb0, semb1, semt0, semt1):
    wid = lax.axis_index("s") * NC + lax.axis_index("c")
    base = wid * BPW
    wbase = lax.rem(base, QWRAP)
    pltpu.sync_copy(idx_hbm.at[pl.ds(wbase, BPW)], idxw_v)
    pltpu.sync_copy(cen_hbm.at[pl.ds(base, BPW)], cen_v)

    def rid_body(i, carry):
        sl = pl.ds(i * LANES, LANES)
        rid_v[sl] = idxw_v[sl] * L + cen_v[sl]
        return carry

    lax.fori_loop(0, BPW // LANES, rid_body, 0)

    semb = (semb0, semb1)
    semt = (semt0, semt1)

    def start(c, buf):
        db = pltpu.async_copy(
            b_hbm.at[rid_v.at[pl.ds(c * CH, CH)]], rows_v.at[buf], semb[buf])
        dt = pltpu.async_copy(
            tg_hbm.at[pl.ds(base + c * CH, CH)], trows_v.at[buf], semt[buf])
        return (db, dt)

    descs = [None, None]
    descs[0] = start(0, 0)
    for c in range(NCHUNK):
        b = c % 2
        for d in descs[b]:
            d.wait()
        if c + 1 < NCHUNK:
            descs[1 - b] = start(c + 1, 1 - b)

        def add_body(r, carry, b=b):
            for k in range(D // LANES):
                sl = pl.ds(k * LANES, LANES)
                rows_v[b, r, sl] = rows_v[b, r, sl] + trows_v[b, r, sl]
            return carry

        lax.fori_loop(0, CH, add_body, 0)
        pltpu.sync_copy(rows_v.at[b], out_hbm.at[pl.ds(base + c * CH, CH)])


@functools.lru_cache(maxsize=1)
def _make_gather():
    mesh = plsc.VectorSubcoreMesh(
        core_axis_name="c", subcore_axis_name="s",
        num_cores=NC, num_subcores=NS)

    return pl.kernel(
        _gather_body,
        mesh=mesh,
        out_type=jax.ShapeDtypeStruct((Q, D), jnp.float32),
        scratch_types=[
            pltpu.VMEM((BPW,), jnp.int32),
            pltpu.VMEM((BPW,), jnp.int32),
            pltpu.VMEM((BPW,), jnp.int32),
            pltpu.VMEM((2, CH, D), jnp.float32),
            pltpu.VMEM((2, CH, D), jnp.float32),
            pltpu.SemaphoreType.DMA,
            pltpu.SemaphoreType.DMA,
            pltpu.SemaphoreType.DMA,
            pltpu.SemaphoreType.DMA,
        ],
    )


def kernel(x, idx, centers):
    btab, ttab = _compute_tables(x)
    tg = _expand_t(ttab.reshape(N, D), idx)
    return _make_gather()(btab.reshape(N * L, D), tg, idx, centers)

# --- scband reference (transcript-rebuilt; emitter-appended) ---
"""Pipeline reference for scband-activation-mean-outside-24060406792900 (READ-ONLY COPY).

The authoritative reference and input builder live on the scoring server;
editing this copy changes nothing except your own understanding.
"""

import jax, jax.numpy as jnp
import numpy as np

N, L, D = 16, 4096, 256
Q = 16384
WIDTH = 8


def setup_inputs(seed: int = 0) -> dict:
    key = jax.random.key(seed)
    k1, k2, k3 = jax.random.split(key, 3)
    x = jax.random.normal(k1, (N, L, D), dtype=jnp.float32)
    idx = jax.random.randint(k2, (Q,), 0, N, dtype=jnp.int32)
    centers = jax.random.randint(k3, (Q,), 0, L, dtype=jnp.int32)
    return {"x": x, "idx": idx, "centers": centers}


def reference(x, idx, centers):
    # Phase 1 ('full' mode): sow x and its per-sequence sum over axis=1.
    width = WIDTH
    Lloc = x.shape[1]
    L0 = 2 * width + 1
    stored_sum = jnp.sum(x, axis=1)  # [N, D]

    # Phase 2 ('partial' mode): gather windows of width 2w+1 around each
    # center (circular), reduce them, and subtract from the stored total
    # to get the mean of activations OUTSIDE the window.
    offsets = jnp.arange(-width, width + 1)
    l_slice = (centers[:, None] + offsets) % Lloc  # [Q, 2w+1]

    def slice_one(i, ls):
        return jnp.take(x[i], ls, axis=0)  # [2w+1, D]

    sliced = jax.vmap(slice_one)(idx, l_slice)  # [Q, 2w+1, D]
    sum_inside = jnp.sum(sliced, axis=1)  # [Q, D]
    mean_outside = (stored_sum[idx, :] - sum_inside) / (Lloc - L0)
    return mean_outside

if __name__ == "__main__":
    import jax
    _d = setup_inputs()
    print(jax.jit(kernel)(*tuple(_d.values())))

</pallas_src>

<mosaic_0001>
#map = affine_map<(d0, d1) -> (0, 0)>
#map1 = affine_map<(d0, d1) -> (0)>
module attributes {stable_mosaic.version = 14 : i64} {
  func.func @_gather_body(%arg0: i32, %arg1: i32, %arg2: memref<65536x256xf32, #tpu.memory_space<hbm>>, %arg3: memref<16384x256xf32, #tpu.memory_space<hbm>>, %arg4: memref<16384xi32, #tpu.memory_space<hbm>>, %arg5: memref<16384xi32, #tpu.memory_space<hbm>>, %arg6: memref<16384x256xf32, #tpu.memory_space<hbm>>, %arg7: memref<512xi32, #tpu.memory_space<vmem>>, %arg8: memref<512xi32, #tpu.memory_space<vmem>>, %arg9: memref<512xi32, #tpu.memory_space<vmem>>, %arg10: memref<2x64x256xf32, #tpu.memory_space<vmem>>, %arg11: memref<2x64x256xf32, #tpu.memory_space<vmem>>, %arg12: memref<!tpu.dma_semaphore, #tpu.memory_space<semaphore_mem>>, %arg13: memref<!tpu.dma_semaphore, #tpu.memory_space<semaphore_mem>>, %arg14: memref<!tpu.dma_semaphore, #tpu.memory_space<semaphore_mem>>, %arg15: memref<!tpu.dma_semaphore, #tpu.memory_space<semaphore_mem>>) attributes {dimension_semantics = [#tpu.dimension_semantics<core_parallel>, #tpu.dimension_semantics<subcore_parallel>], iteration_bounds = array<i64: 2, 16>, scalar_prefetch = 0 : i64, scratch_operands = 9 : i64, tpu.core_type = #tpu.core_type<sc_vector_subcore>, window_params = [{transform_indices = #map}, {transform_indices = #map}, {transform_indices = #map1}, {transform_indices = #map1}, {transform_indices = #map}]} {
    %mul3A = arith.constant 2 : i32
    %mul3A_0 = arith.muli %arg1, %mul3A : i32
    %add3A = arith.addi %mul3A_0, %arg0 : i32
    %mul3A_1 = arith.constant 512 : i32
    %mul3A_2 = arith.muli %add3A, %mul3A_1 : i32
    %rem3A = arith.constant 4096 : i32
    %rem3A_3 = arith.remsi %mul3A_2, %rem3A : i32
    "tpu.region"() ({
      %run_scoped3A_462 = tpu.sem_alloc : memref<!tpu.dma_semaphore, #tpu.memory_space<semaphore_mem>>
      %dma_start3A_463 = tpu.memref_slice %arg4[%rem3A_3] : memref<16384xi32, #tpu.memory_space<hbm>> -> memref<512xi32, #tpu.memory_space<hbm>>
      %dma_start3A_464 = tpu.memref_slice %arg4[%rem3A_3] : memref<16384xi32, #tpu.memory_space<hbm>> -> memref<512xi32, #tpu.memory_space<hbm>>
      tpu.enqueue_dma source(%dma_start3A_464 : memref<512xi32, #tpu.memory_space<hbm>>) target(%arg7 : memref<512xi32, #tpu.memory_space<vmem>>) target_semaphore(%run_scoped3A_462 : memref<!tpu.dma_semaphore, #tpu.memory_space<semaphore_mem>>)
      %dma_wait3A_465 = tpu.memref_slice %arg4[%rem3A_3] : memref<16384xi32, #tpu.memory_space<hbm>> -> memref<512xi32, #tpu.memory_space<hbm>>
      %dma_wait3A_466 = tpu.memref_slice %arg4[%rem3A_3] : memref<16384xi32, #tpu.memory_space<hbm>> -> memref<512xi32, #tpu.memory_space<hbm>>
      tpu.wait_dma2 semaphore(%run_scoped3A_462 : memref<!tpu.dma_semaphore, #tpu.memory_space<semaphore_mem>>) src(%dma_wait3A_466 : memref<512xi32, #tpu.memory_space<hbm>>) dst(%arg7 : memref<512xi32, #tpu.memory_space<vmem>>)
      tpu.yield
    }) : () -> ()
    "tpu.region"() ({
      %run_scoped3A_462 = tpu.sem_alloc : memref<!tpu.dma_semaphore, #tpu.memory_space<semaphore_mem>>
      %dma_start3A_463 = tpu.memref_slice %arg5[%mul3A_2] : memref<16384xi32, #tpu.memory_space<hbm>> -> memref<512xi32, #tpu.memory_space<hbm>>
      %dma_start3A_464 = tpu.memref_slice %arg5[%mul3A_2] : memref<16384xi32, #tpu.memory_space<hbm>> -> memref<512xi32, #tpu.memory_space<hbm>>
      tpu.enqueue_dma source(%dma_start3A_464 : memref<512xi32, #tpu.memory_space<hbm>>) target(%arg8 : memref<512xi32, #tpu.memory_space<vmem>>) target_semaphore(%run_scoped3A_462 : memref<!tpu.dma_semaphore, #tpu.memory_space<semaphore_mem>>)
      %dma_wait3A_465 = tpu.memref_slice %arg5[%mul3A_2] : memref<16384xi32, #tpu.memory_space<hbm>> -> memref<512xi32, #tpu.memory_space<hbm>>
      %dma_wait3A_466 = tpu.memref_slice %arg5[%mul3A_2] : memref<16384xi32, #tpu.memory_space<hbm>> -> memref<512xi32, #tpu.memory_space<hbm>>
      tpu.wait_dma2 semaphore(%run_scoped3A_462 : memref<!tpu.dma_semaphore, #tpu.memory_space<semaphore_mem>>) src(%dma_wait3A_466 : memref<512xi32, #tpu.memory_space<hbm>>) dst(%arg8 : memref<512xi32, #tpu.memory_space<vmem>>)
      tpu.yield
    }) : () -> ()
    %scan3A = arith.constant 0 : i32
    %scan3A_4 = arith.constant 0 : i32
    %scan3A_5 = arith.constant 32 : i32
    %scan3A_6 = arith.addi %scan3A_4, %scan3A_5 : i32
    %scan3A_7 = arith.constant 1 : i32
    scf.for %scan3A_462 = %scan3A_4 to %scan3A_6 step %scan3A_7  : i32 {
      %mul3A_463 = arith.constant 16 : i32
      %mul3A_464 = arith.muli %scan3A_462, %mul3A_463 : i32
      %get3A = arith.index_cast %mul3A_464 : i32 to index
      %get3A_465 = tpu.vector_load %arg7[%get3A] {strides = array<i32>} : memref<512xi32, #tpu.memory_space<vmem>>, vector<16xi32>,
      %get3A_466 = vector.shape_cast %get3A_465 : vector<16xi32> to vector<16xi32>
      %mul3A_467 = arith.constant 4096 : i32
      %mul3A_468 = vector.broadcast %mul3A_467 : i32 to vector<16xi32>
      %mul3A_469 = arith.muli %get3A_466, %mul3A_468 : vector<16xi32>
      %get3A_470 = arith.index_cast %mul3A_464 : i32 to index
      %get3A_471 = tpu.vector_load %arg8[%get3A_470] {strides = array<i32>} : memref<512xi32, #tpu.memory_space<vmem>>, vector<16xi32>,
      %get3A_472 = vector.shape_cast %get3A_471 : vector<16xi32> to vector<16xi32>
      %add3A_473 = arith.addi %mul3A_469, %get3A_472 : vector<16xi32>
      %swap3A = arith.index_cast %mul3A_464 : i32 to index
      %swap3A_474 = tpu.vector_load %arg9[%swap3A] {strides = array<i32>} : memref<512xi32, #tpu.memory_space<vmem>>, vector<16xi32>,
      %swap3A_475 = vector.shape_cast %swap3A_474 : vector<16xi32> to vector<16xi32>
      %swap3A_476 = vector.shape_cast %add3A_473 : vector<16xi32> to vector<16xi32>
      tpu.vector_store %arg9[%swap3A], %swap3A_476 {strides = array<i32>} : memref<512xi32, #tpu.memory_space<vmem>>, vector<16xi32>,
    }
    %scan3A_8 = arith.constant 32 : i32
    %dma_start3A = arith.constant 0 : i32
    %dma_start3A_9 = arith.constant 0 : i32
    %dma_start3A_10 = arith.constant 0 : i32
    %dma_start3A_11 = tpu.memref_slice %arg10[%dma_start3A, %dma_start3A_9, %dma_start3A_10] : memref<2x64x256xf32, #tpu.memory_space<vmem>> -> memref<1x64x256xf32, #tpu.memory_space<vmem>>
    %dma_start3A_12 = tpu.memref_squeeze %dma_start3A_11 : memref<1x64x256xf32, #tpu.memory_space<vmem>> -> memref<64x256xf32, #tpu.memory_space<vmem>>
    %dma_start3A_13 = arith.constant 0 : i32
    %dma_start3A_14 = tpu.memref_slice %arg9[%dma_start3A_13] : memref<512xi32, #tpu.memory_space<vmem>> -> memref<64xi32, #tpu.memory_space<vmem>>
    %dma_start3A_15 = arith.constant 0 : i32
    %dma_start3A_16 = arith.constant 0 : i32
    %dma_start3A_17 = tpu.memref_slice %arg2[%dma_start3A_15, %dma_start3A_16] : memref<65536x256xf32, #tpu.memory_space<hbm>> -> memref<65536x256xf32, #tpu.memory_space<hbm>>
    tpu.enqueue_indirect_dma source(%dma_start3A_17 : memref<65536x256xf32, #tpu.memory_space<hbm>>) target(%dma_start3A_12 : memref<64x256xf32, #tpu.memory_space<vmem>>) offsets(%dma_start3A_14 : memref<64xi32, #tpu.memory_space<vmem>>) semaphore(%arg12 : memref<!tpu.dma_semaphore, #tpu.memory_space<semaphore_mem>>)
    %add3A_18 = arith.constant 0 : i32
    %add3A_19 = arith.addi %mul3A_2, %add3A_18 : i32
    %dma_start3A_20 = arith.constant 0 : i32
    %dma_start3A_21 = arith.constant 0 : i32
    %dma_start3A_22 = arith.constant 0 : i32
    %dma_start3A_23 = tpu.memref_slice %arg11[%dma_start3A_20, %dma_start3A_21, %dma_start3A_22] : memref<2x64x256xf32, #tpu.memory_space<vmem>> -> memref<1x64x256xf32, #tpu.memory_space<vmem>>
    %dma_start3A_24 = tpu.memref_squeeze %dma_start3A_23 : memref<1x64x256xf32, #tpu.memory_space<vmem>> -> memref<64x256xf32, #tpu.memory_space<vmem>>
    %dma_start3A_25 = arith.constant 0 : i32
    %dma_start3A_26 = tpu.memref_slice %arg3[%add3A_19, %dma_start3A_25] : memref<16384x256xf32, #tpu.memory_space<hbm>> -> memref<64x256xf32, #tpu.memory_space<hbm>>
    %dma_start3A_27 = arith.constant 0 : i32
    %dma_start3A_28 = arith.constant 0 : i32
    %dma_start3A_29 = tpu.memref_slice %arg11[%dma_start3A_20, %dma_start3A_27, %dma_start3A_28] : memref<2x64x256xf32, #tpu.memory_space<vmem>> -> memref<1x64x256xf32, #tpu.memory_space<vmem>>
    %dma_start3A_30 = tpu.memref_squeeze %dma_start3A_29 : memref<1x64x256xf32, #tpu.memory_space<vmem>> -> memref<64x256xf32, #tpu.memory_space<vmem>>
    %dma_start3A_31 = arith.constant 0 : i32
    %dma_start3A_32 = tpu.memref_slice %arg3[%add3A_19, %dma_start3A_31] : memref<16384x256xf32, #tpu.memory_space<hbm>> -> memref<64x256xf32, #tpu.memory_space<hbm>>
    tpu.enqueue_dma source(%dma_start3A_32 : memref<64x256xf32, #tpu.memory_space<hbm>>) target(%dma_start3A_30 : memref<64x256xf32, #tpu.memory_space<vmem>>) target_semaphore(%arg14 : memref<!tpu.dma_semaphore, #tpu.memory_space<semaphore_mem>>)
    %dma_wait3A = arith.constant 0 : i32
    %dma_wait3A_33 = arith.constant 0 : i32
    %dma_wait3A_34 = arith.constant 0 : i32
    %dma_wait3A_35 = tpu.memref_slice %arg10[%dma_wait3A, %dma_wait3A_33, %dma_wait3A_34] : memref<2x64x256xf32, #tpu.memory_space<vmem>> -> memref<1x64x256xf32, #tpu.memory_space<vmem>>
    %dma_wait3A_36 = tpu.memref_squeeze %dma_wait3A_35 : memref<1x64x256xf32, #tpu.memory_space<vmem>> -> memref<64x256xf32, #tpu.memory_space<vmem>>
    %dma_wait3A_37 = arith.constant 0 : i32
    %dma_wait3A_38 = tpu.memref_slice %arg9[%dma_wait3A_37] : memref<512xi32, #tpu.memory_space<vmem>> -> memref<64xi32, #tpu.memory_space<vmem>>
    %dma_wait3A_39 = arith.constant 0 : i32
    %dma_wait3A_40 = arith.constant 0 : i32
    %dma_wait3A_41 = tpu.memref_slice %arg2[%dma_wait3A_39, %dma_wait3A_40] : memref<65536x256xf32, #tpu.memory_space<hbm>> -> memref<65536x256xf32, #tpu.memory_space<hbm>>
    tpu.wait_indirect_dma semaphore(%arg12 : memref<!tpu.dma_semaphore, #tpu.memory_space<semaphore_mem>>) src(%dma_wait3A_41 : memref<65536x256xf32, #tpu.memory_space<hbm>>) dst(%dma_wait3A_36 : memref<64x256xf32, #tpu.memory_space<vmem>>)
    %dma_wait3A_42 = arith.constant 0 : i32
    %dma_wait3A_43 = arith.constant 0 : i32
    %dma_wait3A_44 = arith.constant 0 : i32
    %dma_wait3A_45 = tpu.memref_slice %arg11[%dma_wait3A_42, %dma_wait3A_43, %dma_wait3A_44] : memref<2x64x256xf32, #tpu.memory_space<vmem>> -> memref<1x64x256xf32, #tpu.memory_space<vmem>>
    %dma_wait3A_46 = tpu.memref_squeeze %dma_wait3A_45 : memref<1x64x256xf32, #tpu.memory_space<vmem>> -> memref<64x256xf32, #tpu.memory_space<vmem>>
    %dma_wait3A_47 = arith.constant 0 : i32
    %dma_wait3A_48 = tpu.memref_slice %arg3[%add3A_19, %dma_wait3A_47] : memref<16384x256xf32, #tpu.memory_space<hbm>> -> memref<64x256xf32, #tpu.memory_space<hbm>>
    %dma_wait3A_49 = arith.constant 0 : i32
    %dma_wait3A_50 = arith.constant 0 : i32
    %dma_wait3A_51 = tpu.memref_slice %arg11[%dma_wait3A_42, %dma_wait3A_49, %dma_wait3A_50] : memref<2x64x256xf32, #tpu.memory_space<vmem>> -> memref<1x64x256xf32, #tpu.memory_space<vmem>>
    %dma_wait3A_52 = tpu.memref_squeeze %dma_wait3A_51 : memref<1x64x256xf32, #tpu.memory_space<vmem>> -> memref<64x256xf32, #tpu.memory_space<vmem>>
    %dma_wait3A_53 = arith.constant 0 : i32
    %dma_wait3A_54 = tpu.memref_slice %arg3[%add3A_19, %dma_wait3A_53] : memref<16384x256xf32, #tpu.memory_space<hbm>> -> memref<64x256xf32, #tpu.memory_space<hbm>>
    tpu.wait_dma2 semaphore(%arg14 : memref<!tpu.dma_semaphore, #tpu.memory_space<semaphore_mem>>) src(%dma_wait3A_54 : memref<64x256xf32, #tpu.memory_space<hbm>>) dst(%dma_wait3A_52 : memref<64x256xf32, #tpu.memory_space<vmem>>)
    %dma_start3A_55 = arith.constant 1 : i32
    %dma_start3A_56 = arith.constant 0 : i32
    %dma_start3A_57 = arith.constant 0 : i32
    %dma_start3A_58 = tpu.memref_slice %arg10[%dma_start3A_55, %dma_start3A_56, %dma_start3A_57] : memref<2x64x256xf32, #tpu.memory_space<vmem>> -> memref<1x64x256xf32, #tpu.memory_space<vmem>>
    %dma_start3A_59 = tpu.memref_squeeze %dma_start3A_58 : memref<1x64x256xf32, #tpu.memory_space<vmem>> -> memref<64x256xf32, #tpu.memory_space<vmem>>
    %dma_start3A_60 = arith.constant 64 : i32
    %dma_start3A_61 = tpu.memref_slice %arg9[%dma_start3A_60] : memref<512xi32, #tpu.memory_space<vmem>> -> memref<64xi32, #tpu.memory_space<vmem>>
    %dma_start3A_62 = arith.constant 0 : i32
    %dma_start3A_63 = arith.constant 0 : i32
    %dma_start3A_64 = tpu.memref_slice %arg2[%dma_start3A_62, %dma_start3A_63] : memref<65536x256xf32, #tpu.memory_space<hbm>> -> memref<65536x256xf32, #tpu.memory_space<hbm>>
    tpu.enqueue_indirect_dma source(%dma_start3A_64 : memref<65536x256xf32, #tpu.memory_space<hbm>>) target(%dma_start3A_59 : memref<64x256xf32, #tpu.memory_space<vmem>>) offsets(%dma_start3A_61 : memref<64xi32, #tpu.memory_space<vmem>>) semaphore(%arg13 : memref<!tpu.dma_semaphore, #tpu.memory_space<semaphore_mem>>)
    %add3A_65 = arith.constant 64 : i32
    %add3A_66 = arith.addi %mul3A_2, %add3A_65 : i32
    %dma_start3A_67 = arith.constant 1 : i32
    %dma_start3A_68 = arith.constant 0 : i32
    %dma_start3A_69 = arith.constant 0 : i32
    %dma_start3A_70 = tpu.memref_slice %arg11[%dma_start3A_67, %dma_start3A_68, %dma_start3A_69] : memref<2x64x256xf32, #tpu.memory_space<vmem>> -> memref<1x64x256xf32, #tpu.memory_space<vmem>>
    %dma_start3A_71 = tpu.memref_squeeze %dma_start3A_70 : memref<1x64x256xf32, #tpu.memory_space<vmem>> -> memref<64x256xf32, #tpu.memory_space<vmem>>
    %dma_start3A_72 = arith.constant 0 : i32
    %dma_start3A_73 = tpu.memref_slice %arg3[%add3A_66, %dma_start3A_72] : memref<16384x256xf32, #tpu.memory_space<hbm>> -> memref<64x256xf32, #tpu.memory_space<hbm>>
    %dma_start3A_74 = arith.constant 0 : i32
    %dma_start3A_75 = arith.constant 0 : i32
    %dma_start3A_76 = tpu.memref_slice %arg11[%dma_start3A_67, %dma_start3A_74, %dma_start3A_75] : memref<2x64x256xf32, #tpu.memory_space<vmem>> -> memref<1x64x256xf32, #tpu.memory_space<vmem>>
    %dma_start3A_77 = tpu.memref_squeeze %dma_start3A_76 : memref<1x64x256xf32, #tpu.memory_space<vmem>> -> memref<64x256xf32, #tpu.memory_space<vmem>>
    %dma_start3A_78 = arith.constant 0 : i32
    %dma_start3A_79 = tpu.memref_slice %arg3[%add3A_66, %dma_start3A_78] : memref<16384x256xf32, #tpu.memory_space<hbm>> -> memref<64x256xf32, #tpu.memory_space<hbm>>
    tpu.enqueue_dma source(%dma_start3A_79 : memref<64x256xf32, #tpu.memory_space<hbm>>) target(%dma_start3A_77 : memref<64x256xf32, #tpu.memory_space<vmem>>) target_semaphore(%arg15 : memref<!tpu.dma_semaphore, #tpu.memory_space<semaphore_mem>>)
    %scan3A_80 = arith.constant 0 : i32
    %scan3A_81 = arith.constant 0 : i32
    %scan3A_82 = arith.constant 64 : i32
    %scan3A_83 = arith.addi %scan3A_81, %scan3A_82 : i32
    %scan3A_84 = arith.constant 1 : i32
    scf.for %scan3A_462 = %scan3A_81 to %scan3A_83 step %scan3A_84  : i32 {
      %get3A = arith.constant 0 : i32
      %get3A_463 = arith.index_cast %get3A : i32 to index
      %get3A_464 = arith.index_cast %scan3A_462 : i32 to index
      %get3A_465 = arith.constant 0 : index
      %get3A_466 = tpu.vector_load %arg10[%get3A_463, %get3A_464, %get3A_465] {strides = array<i32>} : memref<2x64x256xf32, #tpu.memory_space<vmem>>, vector<1x1x16xf32>,
      %get3A_467 = vector.shape_cast %get3A_466 : vector<1x1x16xf32> to vector<16xf32>
      %get3A_468 = arith.constant 0 : i32
      %get3A_469 = arith.index_cast %get3A_468 : i32 to index
      %get3A_470 = arith.index_cast %scan3A_462 : i32 to index
      %get3A_471 = arith.constant 0 : index
      %get3A_472 = tpu.vector_load %arg11[%get3A_469, %get3A_470, %get3A_471] {strides = array<i32>} : memref<2x64x256xf32, #tpu.memory_space<vmem>>, vector<1x1x16xf32>,
      %get3A_473 = vector.shape_cast %get3A_472 : vector<1x1x16xf32> to vector<16xf32>
      %add3A_474 = arith.addf %get3A_467, %get3A_473 : vector<16xf32>
      %swap3A = arith.constant 0 : i32
      %swap3A_475 = arith.index_cast %swap3A : i32 to index
      %swap3A_476 = arith.index_cast %scan3A_462 : i32 to index
      %swap3A_477 = arith.constant 0 : index
      %swap3A_478 = tpu.vector_load %arg10[%swap3A_475, %swap3A_476, %swap3A_477] {strides = array<i32>} : memref<2x64x256xf32, #tpu.memory_space<vmem>>, vector<1x1x16xf32>,
      %swap3A_479 = vector.shape_cast %swap3A_478 : vector<1x1x16xf32> to vector<16xf32>
      %swap3A_480 = vector.shape_cast %add3A_474 : vector<16xf32> to vector<1x1x16xf32>
      tpu.vector_store %arg10[%swap3A_475, %swap3A_476, %swap3A_477], %swap3A_480 {strides = array<i32>} : memref<2x64x256xf32, #tpu.memory_space<vmem>>, vector<1x1x16xf32>,
      %get3A_481 = arith.constant 0 : i32
      %get3A_482 = arith.index_cast %get3A_481 : i32 to index
      %get3A_483 = arith.index_cast %scan3A_462 : i32 to index
      %get3A_484 = arith.constant 16 : index
      %get3A_485 = tpu.vector_load %arg10[%get3A_482, %get3A_483, %get3A_484] {strides = array<i32>} : memref<2x64x256xf32, #tpu.memory_space<vmem>>, vector<1x1x16xf32>,
      %get3A_486 = vector.shape_cast %get3A_485 : vector<1x1x16xf32> to vector<16xf32>
      %get3A_487 = arith.constant 0 : i32
      %get3A_488 = arith.index_cast %get3A_487 : i32 to index
      %get3A_489 = arith.index_cast %scan3A_462 : i32 to index
      %get3A_490 = arith.constant 16 : index
      %get3A_491 = tpu.vector_load %arg11[%get3A_488, %get3A_489, %get3A_490] {strides = array<i32>} : memref<2x64x256xf32, #tpu.memory_space<vmem>>, vector<1x1x16xf32>,
      %get3A_492 = vector.shape_cast %get3A_491 : vector<1x1x16xf32> to vector<16xf32>
      %add3A_493 = arith.addf %get3A_486, %get3A_492 : vector<16xf32>
      %swap3A_494 = arith.constant 0 : i32
      %swap3A_495 = arith.index_cast %swap3A_494 : i32 to index
      %swap3A_496 = arith.index_cast %scan3A_462 : i32 to index
      %swap3A_497 = arith.constant 16 : index
      %swap3A_498 = tpu.vector_load %arg10[%swap3A_495, %swap3A_496, %swap3A_497] {strides = array<i32>} : memref<2x64x256xf32, #tpu.memory_space<vmem>>, vector<1x1x16xf32>,
      %swap3A_499 = vector.shape_cast %swap3A_498 : vector<1x1x16xf32> to vector<16xf32>
      %swap3A_500 = vector.shape_cast %add3A_493 : vector<16xf32> to vector<1x1x16xf32>
      tpu.vector_store %arg10[%swap3A_495, %swap3A_496, %swap3A_497], %swap3A_500 {strides = array<i32>} : memref<2x64x256xf32, #tpu.memory_space<vmem>>, vector<1x1x16xf32>,
      %get3A_501 = arith.constant 0 : i32
      %get3A_502 = arith.index_cast %get3A_501 : i32 to index
      %get3A_503 = arith.index_cast %scan3A_462 : i32 to index
      %get3A_504 = arith.constant 32 : index
      %get3A_505 = tpu.vector_load %arg10[%get3A_502, %get3A_503, %get3A_504] {strides = array<i32>} : memref<2x64x256xf32, #tpu.memory_space<vmem>>, vector<1x1x16xf32>,
      %get3A_506 = vector.shape_cast %get3A_505 : vector<1x1x16xf32> to vector<16xf32>
      %get3A_507 = arith.constant 0 : i32
      %get3A_508 = arith.index_cast %get3A_507 : i32 to index
      %get3A_509 = arith.index_cast %scan3A_462 : i32 to index
      %get3A_510 = arith.constant 32 : index
      %get3A_511 = tpu.vector_load %arg11[%get3A_508, %get3A_509, %get3A_510] {strides = array<i32>} : memref<2x64x256xf32, #tpu.memory_space<vmem>>, vector<1x1x16xf32>,
      %get3A_512 = vector.shape_cast %get3A_511 : vector<1x1x16xf32> to vector<16xf32>
      %add3A_513 = arith.addf %get3A_506, %get3A_512 : vector<16xf32>
      %swap3A_514 = arith.constant 0 : i32
      %swap3A_515 = arith.index_cast %swap3A_514 : i32 to index
      %swap3A_516 = arith.index_cast %scan3A_462 : i32 to index
      %swap3A_517 = arith.constant 32 : index
      %swap3A_518 = tpu.vector_load %arg10[%swap3A_515, %swap3A_516, %swap3A_517] {strides = array<i32>} : memref<2x64x256xf32, #tpu.memory_space<vmem>>, vector<1x1x16xf32>,
      %swap3A_519 = vector.shape_cast %swap3A_518 : vector<1x1x16xf32> to vector<16xf32>
      %swap3A_520 = vector.shape_cast %add3A_513 : vector<16xf32> to vector<1x1x16xf32>
      tpu.vector_store %arg10[%swap3A_515, %swap3A_516, %swap3A_517], %swap3A_520 {strides = array<i32>} : memref<2x64x256xf32, #tpu.memory_space<vmem>>, vector<1x1x16xf32>,
      %get3A_521 = arith.constant 0 : i32
      %get3A_522 = arith.index_cast %get3A_521 : i32 to index
      %get3A_523 = arith.index_cast %scan3A_462 : i32 to index
      %get3A_524 = arith.constant 48 : index
      %get3A_525 = tpu.vector_load %arg10[%get3A_522, %get3A_523, %get3A_524] {strides = array<i32>} : memref<2x64x256xf32, #tpu.memory_space<vmem>>, vector<1x1x16xf32>,
      %get3A_526 = vector.shape_cast %get3A_525 : vector<1x1x16xf32> to vector<16xf32>
      %get3A_527 = arith.constant 0 : i32
      %get3A_528 = arith.index_cast %get3A_527 : i32 to index
      %get3A_529 = arith.index_cast %scan3A_462 : i32 to index
      %get3A_530 = arith.constant 48 : index
      %get3A_531 = tpu.vector_load %arg11[%get3A_528, %get3A_529, %get3A_530] {strides = array<i32>} : memref<2x64x256xf32, #tpu.memory_space<vmem>>, vector<1x1x16xf32>,
      %get3A_532 = vector.shape_cast %get3A_531 : vector<1x1x16xf32> to vector<16xf32>
      %add3A_533 = arith.addf %get3A_526, %get3A_532 : vector<16xf32>
      %swap3A_534 = arith.constant 0 : i32
      %swap3A_535 = arith.index_cast %swap3A_534 : i32 to index
      %swap3A_536 = arith.index_cast %scan3A_462 : i32 to index
      %swap3A_537 = arith.constant 48 : index
      %swap3A_538 = tpu.vector_load %arg10[%swap3A_535, %swap3A_536, %swap3A_537] {strides = array<i32>} : memref<2x64x256xf32, #tpu.memory_space<vmem>>, vector<1x1x16xf32>,
      %swap3A_539 = vector.shape_cast %swap3A_538 : vector<1x1x16xf32> to vector<16xf32>
      %swap3A_540 = vector.shape_cast %add3A_533 : vector<16xf32> to vector<1x1x16xf32>
      tpu.vector_store %arg10[%swap3A_535, %swap3A_536, %swap3A_537], %swap3A_540 {strides = array<i32>} : memref<2x64x256xf32, #tpu.memory_space<vmem>>, vector<1x1x16xf32>,
      %get3A_541 = arith.constant 0 : i32
      %get3A_542 = arith.index_cast %get3A_541 : i32 to index
      %get3A_543 = arith.index_cast %scan3A_462 : i32 to index
      %get3A_544 = arith.constant 64 : index
      %get3A_545 = tpu.vector_load %arg10[%get3A_542, %get3A_543, %get3A_544] {strides = array<i32>} : memref<2x64x256xf32, #tpu.memory_space<vmem>>, vector<1x1x16xf32>,
      %get3A_546 = vector.shape_cast %get3A_545 : vector<1x1x16xf32> to vector<16xf32>
      %get3A_547 = arith.constant 0 : i32
      %get3A_548 = arith.index_cast %get3A_547 : i32 to index
      %get3A_549 = arith.index_cast %scan3A_462 : i32 to index
      %get3A_550 = arith.constant 64 : index
      %get3A_551 = tpu.vector_load %arg11[%get3A_548, %get3A_549, %get3A_550] {strides = array<i32>} : memref<2x64x256xf32, #tpu.memory_space<vmem>>, vector<1x1x16xf32>,
      %get3A_552 = vector.shape_cast %get3A_551 : vector<1x1x16xf32> to vector<16xf32>
      %add3A_553 = arith.addf %get3A_546, %get3A_552 : vector<16xf32>
      %swap3A_554 = arith.constant 0 : i32
      %swap3A_555 = arith.index_cast %swap3A_554 : i32 to index
      %swap3A_556 = arith.index_cast %scan3A_462 : i32 to index
      %swap3A_557 = arith.constant 64 : index
      %swap3A_558 = tpu.vector_load %arg10[%swap3A_555, %swap3A_556, %swap3A_557] {strides = array<i32>} : memref<2x64x256xf32, #tpu.memory_space<vmem>>, vector<1x1x16xf32>,
      %swap3A_559 = vector.shape_cast %swap3A_558 : vector<1x1x16xf32> to vector<16xf32>
      %swap3A_560 = vector.shape_cast %add3A_553 : vector<16xf32> to vector<1x1x16xf32>
      tpu.vector_store %arg10[%swap3A_555, %swap3A_556, %swap3A_557], %swap3A_560 {strides = array<i32>} : memref<2x64x256xf32, #tpu.memory_space<vmem>>, vector<1x1x16xf32>,
      %get3A_561 = arith.constant 0 : i32
      %get3A_562 = arith.index_cast %get3A_561 : i32 to index
      %get3A_563 = arith.index_cast %scan3A_462 : i32 to index
      %get3A_564 = arith.constant 80 : index
      %get3A_565 = tpu.vector_load %arg10[%get3A_562, %get3A_563, %get3A_564] {strides = array<i32>} : memref<2x64x256xf32, #tpu.memory_space<vmem>>, vector<1x1x16xf32>,
      %get3A_566 = vector.shape_cast %get3A_565 : vector<1x1x16xf32> to vector<16xf32>
      %get3A_567 = arith.constant 0 : i32
      %get3A_568 = arith.index_cast %get3A_567 : i32 to index
      %get3A_569 = arith.index_cast %scan3A_462 : i32 to index
      %get3A_570 = arith.constant 80 : index
      %get3A_571 = tpu.vector_load %arg11[%get3A_568, %get3A_569, %get3A_570] {strides = array<i32>} : memref<2x64x256xf32, #tpu.memory_space<vmem>>, vector<1x1x16xf32>,
      %get3A_572 = vector.shape_cast %get3A_571 : vector<1x1x16xf32> to vector<16xf32>
      %add3A_573 = arith.addf %get3A_566, %get3A_572 : vector<16xf32>
      %swap3A_574 = arith.constant 0 : i32
      %swap3A_575 = arith.index_cast %swap3A_574 : i32 to index
      %swap3A_576 = arith.index_cast %scan3A_462 : i32 to index
      %swap3A_577 = arith.constant 80 : index
      %swap3A_578 = tpu.vector_load %arg10[%swap3A_575, %swap3A_576, %swap3A_577] {strides = array<i32>} : memref<2x64x256xf32, #tpu.memory_space<vmem>>, vector<1x1x16xf32>,
      %swap3A_579 = vector.shape_cast %swap3A_578 : vector<1x1x16xf32> to vector<16xf32>
      %swap3A_580 = vector.shape_cast %add3A_573 : vector<16xf32> to vector<1x1x16xf32>
      tpu.vector_store %arg10[%swap3A_575, %swap3A_576, %swap3A_577], %swap3A_580 {strides = array<i32>} : memref<2x64x256xf32, #tpu.memory_space<vmem>>, vector<1x1x16xf32>,
      %get3A_581 = arith.constant 0 : i32
      %get3A_582 = arith.index_cast %get3A_581 : i32 to index
      %get3A_583 = arith.index_cast %scan3A_462 : i32 to index
      %get3A_584 = arith.constant 96 : index
      %get3A_585 = tpu.vector_load %arg10[%get3A_582, %get3A_583, %get3A_584] {strides = array<i32>} : memref<2x64x256xf32, #tpu.memory_space<vmem>>, vector<1x1x16xf32>,
      %get3A_586 = vector.shape_cast %get3A_585 : vector<1x1x16xf32> to vector<16xf32>
      %get3A_587 = arith.constant 0 : i32
      %get3A_588 = arith.index_cast %get3A_587 : i32 to index
      %get3A_589 = arith.index_cast %scan3A_462 : i32 to index
      %get3A_590 = arith.constant 96 : index
      %get3A_591 = tpu.vector_load %arg11[%get3A_588, %get3A_589, %get3A_590] {strides = array<i32>} : memref<2x64x256xf32, #tpu.memory_space<vmem>>, vector<1x1x16xf32>,
      %get3A_592 = vector.shape_cast %get3A_591 : vector<1x1x16xf32> to vector<16xf32>
      %add3A_593 = arith.addf %get3A_586, %get3A_592 : vector<16xf32>
      %swap3A_594 = arith.constant 0 : i32
      %swap3A_595 = arith.index_cast %swap3A_594 : i32 to index
      %swap3A_596 = arith.index_cast %scan3A_462 : i32 to index
      %swap3A_597 = arith.constant 96 : index
      %swap3A_598 = tpu.vector_load %arg10[%swap3A_595, %swap3A_596, %swap3A_597] {strides = array<i32>} : memref<2x64x256xf32, #tpu.memory_space<vmem>>, vector<1x1x16xf32>,
      %swap3A_599 = vector.shape_cast %swap3A_598 : vector<1x1x16xf32> to vector<16xf32>
      %swap3A_600 = vector.shape_cast %add3A_593 : vector<16xf32> to vector<1x1x16xf32>
      tpu.vector_store %arg10[%swap3A_595, %swap3A_596, %swap3A_597], %swap3A_600 {strides = array<i32>} : memref<2x64x256xf32, #tpu.memory_space<vmem>>, vector<1x1x16xf32>,
      %get3A_601 = arith.constant 0 : i32
      %get3A_602 = arith.index_cast %get3A_601 : i32 to index
      %get3A_603 = arith.index_cast %scan3A_462 : i32 to index
      %get3A_604 = arith.constant 112 : index
      %get3A_605 = tpu.vector_load %arg10[%get3A_602, %get3A_603, %get3A_604] {strides = array<i32>} : memref<2x64x256xf32, #tpu.memory_space<vmem>>, vector<1x1x16xf32>,
      %get3A_606 = vector.shape_cast %get3A_605 : vector<1x1x16xf32> to vector<16xf32>
      %get3A_607 = arith.constant 0 : i32
      %get3A_608 = arith.index_cast %get3A_607 : i32 to index
      %get3A_609 = arith.index_cast %scan3A_462 : i32 to index
      %get3A_610 = arith.constant 112 : index
      %get3A_611 = tpu.vector_load %arg11[%get3A_608, %get3A_609, %get3A_610] {strides = array<i32>} : memref<2x64x256xf32, #tpu.memory_space<vmem>>, vector<1x1x16xf32>,
      %get3A_612 = vector.shape_cast %get3A_611 : vector<1x1x16xf32> to vector<16xf32>
      %add3A_613 = arith.addf %get3A_606, %get3A_612 : vector<16xf32>
      %swap3A_614 = arith.constant 0 : i32
      %swap3A_615 = arith.index_cast %swap3A_614 : i32 to index
      %swap3A_616 = arith.index_cast %scan3A_462 : i32 to index
      %swap3A_617 = arith.constant 112 : index
      %swap3A_618 = tpu.vector_load %arg10[%swap3A_615, %swap3A_616, %swap3A_617] {strides = array<i32>} : memref<2x64x256xf32, #tpu.memory_space<vmem>>, vector<1x1x16xf32>,
      %swap3A_619 = vector.shape_cast %swap3A_618 : vector<1x1x16xf32> to vector<16xf32>
      %swap3A_620 = vector.shape_cast %add3A_613 : vector<16xf32> to vector<1x1x16xf32>
      tpu.vector_store %arg10[%swap3A_615, %swap3A_616, %swap3A_617], %swap3A_620 {strides = array<i32>} : memref<2x64x256xf32, #tpu.memory_space<vmem>>, vector<1x1x16xf32>,
      %get3A_621 = arith.constant 0 : i32
      %get3A_622 = arith.index_cast %get3A_621 : i32 to index
      %get3A_623 = arith.index_cast %scan3A_462 : i32 to index
      %get3A_624 = arith.constant 128 : index
      %get3A_625 = tpu.vector_load %arg10[%get3A_622, %get3A_623, %get3A_624] {strides = array<i32>} : memref<2x64x256xf32, #tpu.memory_space<vmem>>, vector<1x1x16xf32>,
      %get3A_626 = vector.shape_cast %get3A_625 : vector<1x1x16xf32> to vector<16xf32>
      %get3A_627 = arith.constant 0 : i32
      %get3A_628 = arith.index_cast %get3A_627 : i32 to index
      %get3A_629 = arith.index_cast %scan3A_462 : i32 to index
      %get3A_630 = arith.constant 128 : index
      %get3A_631 = tpu.vector_load %arg11[%get3A_628, %get3A_629, %get3A_630] {strides = array<i32>} : memref<2x64x256xf32, #tpu.memory_space<vmem>>, vector<1x1x16xf32>,
      %get3A_632 = vector.shape_cast %get3A_631 : vector<1x1x16xf32> to vector<16xf32>
      %add3A_633 = arith.addf %get3A_626, %get3A_632 : vector<16xf32>
      %swap3A_634 = arith.constant 0 : i32
      %swap3A_635 = arith.index_cast %swap3A_634 : i32 to index
      %swap3A_636 = arith.index_cast %scan3A_462 : i32 to index
      %swap3A_637 = arith.constant 128 : index
      %swap3A_638 = tpu.vector_load %arg10[%swap3A_635, %swap3A_636, %swap3A_637] {strides = array<i32>} : memref<2x64x256xf32, #tpu.memory_space<vmem>>, vector<1x1x16xf32>,
      %swap3A_639 = vector.shape_cast %swap3A_638 : vector<1x1x16xf32> to vector<16xf32>
      %swap3A_640 = vector.shape_cast %add3A_633 : vector<16xf32> to vector<1x1x16xf32>
      tpu.vector_store %arg10[%swap3A_635, %swap3A_636, %swap3A_637], %swap3A_640 {strides = array<i32>} : memref<2x64x256xf32, #tpu.memory_space<vmem>>, vector<1x1x16xf32>,
      %get3A_641 = arith.constant 0 : i32
      %get3A_642 = arith.index_cast %get3A_641 : i32 to index
      %get3A_643 = arith.index_cast %scan3A_462 : i32 to index
      %get3A_644 = arith.constant 144 : index
      %get3A_645 = tpu.vector_load %arg10[%get3A_642, %get3A_643, %get3A_644] {strides = array<i32>} : memref<2x64x256xf32, #tpu.memory_space<vmem>>, vector<1x1x16xf32>,
      %get3A_646 = vector.shape_cast %get3A_645 : vector<1x1x16xf32> to vector<16xf32>
      %get3A_647 = arith.constant 0 : i32
      %get3A_648 = arith.index_cast %get3A_647 : i32 to index
      %get3A_649 = arith.index_cast %scan3A_462 : i32 to index
      %get3A_650 = arith.constant 144 : index
      %get3A_651 = tpu.vector_load %arg11[%get3A_648, %get3A_649, %get3A_650] {strides = array<i32>} : memref<2x64x256xf32, #tpu.memory_space<vmem>>, vector<1x1x16xf32>,
      %get3A_652 = vector.shape_cast %get3A_651 : vector<1x1x16xf32> to vector<16xf32>
      %add3A_653 = arith.addf %get3A_646, %get3A_652 : vector<16xf32>
      %swap3A_654 = arith.constant 0 : i32
      %swap3A_655 = arith.index_cast %swap3A_654 : i32 to index
      %swap3A_656 = arith.index_cast %scan3A_462 : i32 to index
      %swap3A_657 = arith.constant 144 : index
      %swap3A_658 = tpu.vector_load %arg10[%swap3A_655, %swap3A_656, %swap3A_657] {strides = array<i32>} : memref<2x64x256xf32, #tpu.memory_space<vmem>>, vector<1x1x16xf32>,
      %swap3A_659 = vector.shape_cast %swap3A_658 : vector<1x1x16xf32> to vector<16xf32>
      %swap3A_660 = vector.shape_cast %add3A_653 : vector<16xf32> to vector<1x1x16xf32>
      tpu.vector_store %arg10[%swap3A_655, %swap3A_656, %swap3A_657], %swap3A_660 {strides = array<i32>} : memref<2x64x256xf32, #tpu.memory_space<vmem>>, vector<1x1x16xf32>,
      %get3A_661 = arith.constant 0 : i32
      %get3A_662 = arith.index_cast %get3A_661 : i32 to index
      %get3A_663 = arith.index_cast %scan3A_462 : i32 to index
      %get3A_664 = arith.constant 160 : index
      %get3A_665 = tpu.vector_load %arg10[%get3A_662, %get3A_663, %get3A_664] {strides = array<i32>} : memref<2x64x256xf32, #tpu.memory_space<vmem>>, vector<1x1x16xf32>,
      %get3A_666 = vector.shape_cast %get3A_665 : vector<1x1x16xf32> to vector<16xf32>
      %get3A_667 = arith.constant 0 : i32
      %get3A_668 = arith.index_cast %get3A_667 : i32 to index
      %get3A_669 = arith.index_cast %scan3A_462 : i32 to index
      %get3A_670 = arith.constant 160 : index
      %get3A_671 = tpu.vector_load %arg11[%get3A_668, %get3A_669, %get3A_670] {strides = array<i32>} : memref<2x64x256xf32, #tpu.memory_space<vmem>>, vector<1x1x16xf32>,
      %get3A_672 = vector.shape_cast %get3A_671 : vector<1x1x16xf32> to vector<16xf32>
      %add3A_673 = arith.addf %get3A_666, %get3A_672 : vector<16xf32>
      %swap3A_674 = arith.constant 0 : i32
      %swap3A_675 = arith.index_cast %swap3A_674 : i32 to index
      %swap3A_676 = arith.index_cast %scan3A_462 : i32 to index
      %swap3A_677 = arith.constant 160 : index
      %swap3A_678 = tpu.vector_load %arg10[%swap3A_675, %swap3A_676, %swap3A_677] {strides = array<i32>} : memref<2x64x256xf32, #tpu.memory_space<vmem>>, vector<1x1x16xf32>,
      %swap3A_679 = vector.shape_cast %swap3A_678 : vector<1x1x16xf32> to vector<16xf32>
      %swap3A_680 = vector.shape_cast %add3A_673 : vector<16xf32> to vector<1x1x16xf32>
      tpu.vector_store %arg10[%swap3A_675, %swap3A_676, %swap3A_677], %swap3A_680 {strides = array<i32>} : memref<2x64x256xf32, #tpu.memory_space<vmem>>, vector<1x1x16xf32>,
      %get3A_681 = arith.constant 0 : i32
      %get3A_682 = arith.index_cast %get3A_681 : i32 to index
      %get3A_683 = arith.index_cast %scan3A_462 : i32 to index
      %get3A_684 = arith.constant 176 : index
      %get3A_685 = tpu.vector_load %arg10[%get3A_682, %get3A_683, %get3A_684] {strides = array<i32>} : memref<2x64x256xf32, #tpu.memory_space<vmem>>, vector<1x1x16xf32>,
      %get3A_686 = vector.shape_cast %get3A_685 : vector<1x1x16xf32> to vector<16xf32>
      %get3A_687 = arith.constant 0 : i32
      %get3A_688 = arith.index_cast %get3A_687 : i32 to index
      %get3A_689 = arith.index_cast %scan3A_462 : i32 to index
      %get3A_690 = arith.constant 176 : index
      %get3A_691 = tpu.vector_load %arg11[%get3A_688, %get3A_689, %get3A_690] {strides = array<i32>} : memref<2x64x256xf32, #tpu.memory_space<vmem>>, vector<1x1x16xf32>,
      %get3A_692 = vector.shape_cast %get3A_691 : vector<1x1x16xf32> to vector<16xf32>
      %add3A_693 = arith.addf %get3A_686, %get3A_692 : vector<16xf32>
      %swap3A_694 = arith.constant 0 : i32
      %swap3A_695 = arith.index_cast %swap3A_694 : i32 to index
      %swap3A_696 = arith.index_cast %scan3A_462 : i32 to index
      %swap3A_697 = arith.constant 176 : index
      %swap3A_698 = tpu.vector_load %arg10[%swap3A_695, %swap3A_696, %swap3A_697] {strides = array<i32>} : memref<2x64x256xf32, #tpu.memory_space<vmem>>, vector<1x1x16xf32>,
      %swap3A_699 = vector.shape_cast %swap3A_698 : vector<1x1x16xf32> to vector<16xf32>
      %swap3A_700 = vector.shape_cast %add3A_693 : vector<16xf32> to vector<1x1x16xf32>
      tpu.vector_store %arg10[%swap3A_695, %swap3A_696, %swap3A_697], %swap3A_700 {strides = array<i32>} : memref<2x64x256xf32, #tpu.memory_space<vmem>>, vector<1x1x16xf32>,
      %get3A_701 = arith.constant 0 : i32
      %get3A_702 = arith.index_cast %get3A_701 : i32 to index
      %get3A_703 = arith.index_cast %scan3A_462 : i32 to index
      %get3A_704 = arith.constant 192 : index
      %get3A_705 = tpu.vector_load %arg10[%get3A_702, %get3A_703, %get3A_704] {strides = array<i32>} : memref<2x64x256xf32, #tpu.memory_space<vmem>>, vector<1x1x16xf32>,
      %get3A_706 = vector.shape_cast %get3A_705 : vector<1x1x16xf32> to vector<16xf32>
      %get3A_707 = arith.constant 0 : i32
      %get3A_708 = arith.index_cast %get3A_707 : i32 to index
      %get3A_709 = arith.index_cast %scan3A_462 : i32 to index
      %get3A_710 = arith.constant 192 : index
      %get3A_711 = tpu.vector_load %arg11[%get3A_708, %get3A_709, %get3A_710] {strides = array<i32>} : memref<2x64x256xf32, #tpu.memory_space<vmem>>, vector<1x1x16xf32>,
      %get3A_712 = vector.shape_cast %get3A_711 : vector<1x1x16xf32> to vector<16xf32>
      %add3A_713 = arith.addf %get3A_706, %get3A_712 : vector<16xf32>
      %swap3A_714 = arith.constant 0 : i32
      %swap3A_715 = arith.index_cast %swap3A_714 : i32 to index
      %swap3A_716 = arith.index_cast %scan3A_462 : i32 to index
      %swap3A_717 = arith.constant 192 : index
      %swap3A_718 = tpu.vector_load %arg10[%swap3A_715, %swap3A_716, %swap3A_717] {strides = array<i32>} : memref<2x64x256xf32, #tpu.memory_space<vmem>>, vector<1x1x16xf32>,
      %swap3A_719 = vector.shape_cast %swap3A_718 : vector<1x1x16xf32> to vector<16xf32>
      %swap3A_720 = vector.shape_cast %add3A_713 : vector<16xf32> to vector<1x1x16xf32>
      tpu.vector_store %arg10[%swap3A_715, %swap3A_716, %swap3A_717], %swap3A_720 {strides = array<i32>} : memref<2x64x256xf32, #tpu.memory_space<vmem>>, vector<1x1x16xf32>,
      %get3A_721 = arith.constant 0 : i32
      %get3A_722 = arith.index_cast %get3A_721 : i32 to index
      %get3A_723 = arith.index_cast %scan3A_462 : i32 to index
      %get3A_724 = arith.constant 208 : index
      %get3A_725 = tpu.vector_load %arg10[%get3A_722, %get3A_723, %get3A_724] {strides = array<i32>} : memref<2x64x256xf32, #tpu.memory_space<vmem>>, vector<1x1x16xf32>,
      %get3A_726 = vector.shape_cast %get3A_725 : vector<1x1x16xf32> to vector<16xf32>
      %get3A_727 = arith.constant 0 : i32
      %get3A_728 = arith.index_cast %get3A_727 : i32 to index
      %get3A_729 = arith.index_cast %scan3A_462 : i32 to index
      %get3A_730 = arith.constant 208 : index
      %get3A_731 = tpu.vector_load %arg11[%get3A_728, %get3A_729, %get3A_730] {strides = array<i32>} : memref<2x64x256xf32, #tpu.memory_space<vmem>>, vector<1x1x16xf32>,
      %get3A_732 = vector.shape_cast %get3A_731 : vector<1x1x16xf32> to vector<16xf32>
      %add3A_733 = arith.addf %get3A_726, %get3A_732 : vector<16xf32>
      %swap3A_734 = arith.constant 0 : i32
      %swap3A_735 = arith.index_cast %swap3A_734 : i32 to index
      %swap3A_736 = arith.index_cast %scan3A_462 : i32 to index
      %swap3A_737 = arith.constant 208 : index
      %swap3A_738 = tpu.vector_load %arg10[%swap3A_735, %swap3A_736, %swap3A_737] {strides = array<i32>} : memref<2x64x256xf32, #tpu.memory_space<vmem>>, vector<1x1x16xf32>,
      %swap3A_739 = vector.shape_cast %swap3A_738 : vector<1x1x16xf32> to vector<16xf32>
      %swap3A_740 = vector.shape_cast %add3A_733 : vector<16xf32> to vector<1x1x16xf32>
      tpu.vector_store %arg10[%swap3A_735, %swap3A_736, %swap3A_737], %swap3A_740 {strides = array<i32>} : memref<2x64x256xf32, #tpu.memory_space<vmem>>, vector<1x1x16xf32>,
      %get3A_741 = arith.constant 0 : i32
      %get3A_742 = arith.index_cast %get3A_741 : i32 to index
      %get3A_743 = arith.index_cast %scan3A_462 : i32 to index
      %get3A_744 = arith.constant 224 : index
      %get3A_745 = tpu.vector_load %arg10[%get3A_742, %get3A_743, %get3A_744] {strides = array<i32>} : memref<2x64x256xf32, #tpu.memory_space<vmem>>, vector<1x1x16xf32>,
      %get3A_746 = vector.shape_cast %get3A_745 : vector<1x1x16xf32> to vector<16xf32>
      %get3A_747 = arith.constant 0 : i32
      %get3A_748 = arith.index_cast %get3A_747 : i32 to index
      %get3A_749 = arith.index_cast %scan3A_462 : i32 to index
      %get3A_750 = arith.constant 224 : index
      %get3A_751 = tpu.vector_load %arg11[%get3A_748, %get3A_749, %get3A_750] {strides = array<i32>} : memref<2x64x256xf32, #tpu.memory_space<vmem>>, vector<1x1x16xf32>,
      %get3A_752 = vector.shape_cast %get3A_751 : vector<1x1x16xf32> to vector<16xf32>
      %add3A_753 = arith.addf %get3A_746, %get3A_752 : vector<16xf32>
      %swap3A_754 = arith.constant 0 : i32
      %swap3A_755 = arith.index_cast %swap3A_754 : i32 to index
      %swap3A_756 = arith.index_cast %scan3A_462 : i32 to index
      %swap3A_757 = arith.constant 224 : index
      %swap3A_758 = tpu.vector_load %arg10[%swap3A_755, %swap3A_756, %swap3A_757] {strides = array<i32>} : memref<2x64x256xf32, #tpu.memory_space<vmem>>, vector<1x1x16xf32>,
      %swap3A_759 = vector.shape_cast %swap3A_758 : vector<1x1x16xf32> to vector<16xf32>
      %swap3A_760 = vector.shape_cast %add3A_753 : vector<16xf32> to vector<1x1x16xf32>
      tpu.vector_store %arg10[%swap3A_755, %swap3A_756, %swap3A_757], %swap3A_760 {strides = array<i32>} : memref<2x64x256xf32, #tpu.memory_space<vmem>>, vector<1x1x16xf32>,
      %get3A_761 = arith.constant 0 : i32
      %get3A_762 = arith.index_cast %get3A_761 : i32 to index
      %get3A_763 = arith.index_cast %scan3A_462 : i32 to index
      %get3A_764 = arith.constant 240 : index
      %get3A_765 = tpu.vector_load %arg10[%get3A_762, %get3A_763, %get3A_764] {strides = array<i32>} : memref<2x64x256xf32, #tpu.memory_space<vmem>>, vector<1x1x16xf32>,
      %get3A_766 = vector.shape_cast %get3A_765 : vector<1x1x16xf32> to vector<16xf32>
      %get3A_767 = arith.constant 0 : i32
      %get3A_768 = arith.index_cast %get3A_767 : i32 to index
      %get3A_769 = arith.index_cast %scan3A_462 : i32 to index
      %get3A_770 = arith.constant 240 : index
      %get3A_771 = tpu.vector_load %arg11[%get3A_768, %get3A_769, %get3A_770] {strides = array<i32>} : memref<2x64x256xf32, #tpu.memory_space<vmem>>, vector<1x1x16xf32>,
      %get3A_772 = vector.shape_cast %get3A_771 : vector<1x1x16xf32> to vector<16xf32>
      %add3A_773 = arith.addf %get3A_766, %get3A_772 : vector<16xf32>
      %swap3A_774 = arith.constant 0 : i32
      %swap3A_775 = arith.index_cast %swap3A_774 : i32 to index
      %swap3A_776 = arith.index_cast %scan3A_462 : i32 to index
      %swap3A_777 = arith.constant 240 : index
      %swap3A_778 = tpu.vector_load %arg10[%swap3A_775, %swap3A_776, %swap3A_777] {strides = array<i32>} : memref<2x64x256xf32, #tpu.memory_space<vmem>>, vector<1x1x16xf32>,
      %swap3A_779 = vector.shape_cast %swap3A_778 : vector<1x1x16xf32> to vector<16xf32>
      %swap3A_780 = vector.shape_cast %add3A_773 : vector<16xf32> to vector<1x1x16xf32>
      tpu.vector_store %arg10[%swap3A_775, %swap3A_776, %swap3A_777], %swap3A_780 {strides = array<i32>} : memref<2x64x256xf32, #tpu.memory_space<vmem>>, vector<1x1x16xf32>,
    }
    %scan3A_85 = arith.constant 64 : i32
    %add3A_86 = arith.constant 0 : i32
    %add3A_87 = arith.addi %mul3A_2, %add3A_86 : i32
    %run_scoped3A = arith.constant 0 : i32
    "tpu.region"() ({
      %run_scoped3A_462 = tpu.sem_alloc : memref<!tpu.dma_semaphore, #tpu.memory_space<semaphore_mem>>
      %dma_start3A_463 = arith.constant 0 : i32
      %dma_start3A_464 = arith.constant 0 : i32
      %dma_start3A_465 = tpu.memref_slice %arg10[%run_scoped3A, %dma_start3A_463, %dma_start3A_464] : memref<2x64x256xf32, #tpu.memory_space<vmem>> -> memref<1x64x256xf32, #tpu.memory_space<vmem>>
      %dma_start3A_466 = tpu.memref_squeeze %dma_start3A_465 : memref<1x64x256xf32, #tpu.memory_space<vmem>> -> memref<64x256xf32, #tpu.memory_space<vmem>>
      %dma_start3A_467 = arith.constant 0 : i32
      %dma_start3A_468 = tpu.memref_slice %arg6[%add3A_87, %dma_start3A_467] : memref<16384x256xf32, #tpu.memory_space<hbm>> -> memref<64x256xf32, #tpu.memory_space<hbm>>
      %dma_start3A_469 = arith.constant 0 : i32
      %dma_start3A_470 = tpu.memref_slice %arg6[%add3A_87, %dma_start3A_469] : memref<16384x256xf32, #tpu.memory_space<hbm>> -> memref<64x256xf32, #tpu.memory_space<hbm>>
      %dma_start3A_471 = arith.constant 0 : i32
      %dma_start3A_472 = arith.constant 0 : i32
      %dma_start3A_473 = tpu.memref_slice %arg10[%run_scoped3A, %dma_start3A_471, %dma_start3A_472] : memref<2x64x256xf32, #tpu.memory_space<vmem>> -> memref<1x64x256xf32, #tpu.memory_space<vmem>>
      %dma_start3A_474 = tpu.memref_squeeze %dma_start3A_473 : memref<1x64x256xf32, #tpu.memory_space<vmem>> -> memref<64x256xf32, #tpu.memory_space<vmem>>
      tpu.enqueue_dma source(%dma_start3A_474 : memref<64x256xf32, #tpu.memory_space<vmem>>) target(%dma_start3A_470 : memref<64x256xf32, #tpu.memory_space<hbm>>) target_semaphore(%run_scoped3A_462 : memref<!tpu.dma_semaphore, #tpu.memory_space<semaphore_mem>>)
      %dma_wait3A_475 = arith.constant 0 : i32
      %dma_wait3A_476 = arith.constant 0 : i32
      %dma_wait3A_477 = tpu.memref_slice %arg10[%run_scoped3A, %dma_wait3A_475, %dma_wait3A_476] : memref<2x64x256xf32, #tpu.memory_space<vmem>> -> memref<1x64x256xf32, #tpu.memory_space<vmem>>
      %dma_wait3A_478 = tpu.memref_squeeze %dma_wait3A_477 : memref<1x64x256xf32, #tpu.memory_space<vmem>> -> memref<64x256xf32, #tpu.memory_space<vmem>>
      %dma_wait3A_479 = arith.constant 0 : i32
      %dma_wait3A_480 = tpu.memref_slice %arg6[%add3A_87, %dma_wait3A_479] : memref<16384x256xf32, #tpu.memory_space<hbm>> -> memref<64x256xf32, #tpu.memory_space<hbm>>
      %dma_wait3A_481 = arith.constant 0 : i32
      %dma_wait3A_482 = tpu.memref_slice %arg6[%add3A_87, %dma_wait3A_481] : memref<16384x256xf32, #tpu.memory_space<hbm>> -> memref<64x256xf32, #tpu.memory_space<hbm>>
      %dma_wait3A_483 = arith.constant 0 : i32
      %dma_wait3A_484 = arith.constant 0 : i32
      %dma_wait3A_485 = tpu.memref_slice %arg10[%run_scoped3A, %dma_wait3A_483, %dma_wait3A_484] : memref<2x64x256xf32, #tpu.memory_space<vmem>> -> memref<1x64x256xf32, #tpu.memory_space<vmem>>
      %dma_wait3A_486 = tpu.memref_squeeze %dma_wait3A_485 : memref<1x64x256xf32, #tpu.memory_space<vmem>> -> memref<64x256xf32, #tpu.memory_space<vmem>>
      tpu.wait_dma2 semaphore(%run_scoped3A_462 : memref<!tpu.dma_semaphore, #tpu.memory_space<semaphore_mem>>) src(%dma_wait3A_486 : memref<64x256xf32, #tpu.memory_space<vmem>>) dst(%dma_wait3A_482 : memref<64x256xf32, #tpu.memory_space<hbm>>)
      tpu.yield
    }) : () -> ()
    %dma_wait3A_88 = arith.constant 1 : i32
    %dma_wait3A_89 = arith.constant 0 : i32
    %dma_wait3A_90 = arith.constant 0 : i32
    %dma_wait3A_91 = tpu.memref_slice %arg10[%dma_wait3A_88, %dma_wait3A_89, %dma_wait3A_90] : memref<2x64x256xf32, #tpu.memory_space<vmem>> -> memref<1x64x256xf32, #tpu.memory_space<vmem>>
    %dma_wait3A_92 = tpu.memref_squeeze %dma_wait3A_91 : memref<1x64x256xf32, #tpu.memory_space<vmem>> -> memref<64x256xf32, #tpu.memory_space<vmem>>
    %dma_wait3A_93 = arith.constant 64 : i32
    %dma_wait3A_94 = tpu.memref_slice %arg9[%dma_wait3A_93] : memref<512xi32, #tpu.memory_space<vmem>> -> memref<64xi32, #tpu.memory_space<vmem>>
    %dma_wait3A_95 = arith.constant 0 : i32
    %dma_wait3A_96 = arith.constant 0 : i32
    %dma_wait3A_97 = tpu.memref_slice %arg2[%dma_wait3A_95, %dma_wait3A_96] : memref<65536x256xf32, #tpu.memory_space<hbm>> -> memref<65536x256xf32, #tpu.memory_space<hbm>>
    tpu.wait_indirect_dma semaphore(%arg13 : memref<!tpu.dma_semaphore, #tpu.memory_space<semaphore_mem>>) src(%dma_wait3A_97 : memref<65536x256xf32, #tpu.memory_space<hbm>>) dst(%dma_wait3A_92 : memref<64x256xf32, #tpu.memory_space<vmem>>)
    %dma_wait3A_98 = arith.constant 1 : i32
    %dma_wait3A_99 = arith.constant 0 : i32
    %dma_wait3A_100 = arith.constant 0 : i32
    %dma_wait3A_101 = tpu.memref_slice %arg11[%dma_wait3A_98, %dma_wait3A_99, %dma_wait3A_100] : memref<2x64x256xf32, #tpu.memory_space<vmem>> -> memref<1x64x256xf32, #tpu.memory_space<vmem>>
    %dma_wait3A_102 = tpu.memref_squeeze %dma_wait3A_101 : memref<1x64x256xf32, #tpu.memory_space<vmem>> -> memref<64x256xf32, #tpu.memory_space<vmem>>
    %dma_wait3A_103 = arith.constant 0 : i32
    %dma_wait3A_104 = tpu.memref_slice %arg3[%add3A_66, %dma_wait3A_103] : memref<16384x256xf32, #tpu.memory_space<hbm>> -> memref<64x256xf32, #tpu.memory_space<hbm>>
    %dma_wait3A_105 = arith.constant 0 : i32
    %dma_wait3A_106 = arith.constant 0 : i32
    %dma_wait3A_107 = tpu.memref_slice %arg11[%dma_wait3A_98, %dma_wait3A_105, %dma_wait3A_106] : memref<2x64x256xf32, #tpu.memory_space<vmem>> -> memref<1x64x256xf32, #tpu.memory_space<vmem>>
    %dma_wait3A_108 = tpu.memref_squeeze %dma_wait3A_107 : memref<1x64x256xf32, #tpu.memory_space<vmem>> -> memref<64x256xf32, #tpu.memory_space<vmem>>
    %dma_wait3A_109 = arith.constant 0 : i32
    %dma_wait3A_110 = tpu.memref_slice %arg3[%add3A_66, %dma_wait3A_109] : memref<16384x256xf32, #tpu.memory_space<hbm>> -> memref<64x256xf32, #tpu.memory_space<hbm>>
    tpu.wait_dma2 semaphore(%arg15 : memref<!tpu.dma_semaphore, #tpu.memory_space<semaphore_mem>>) src(%dma_wait3A_110 : memref<64x256xf32, #tpu.memory_space<hbm>>) dst(%dma_wait3A_108 : memref<64x256xf32, #tpu.memory_space<vmem>>)
    %dma_start3A_111 = arith.constant 0 : i32
    %dma_start3A_112 = arith.constant 0 : i32
    %dma_start3A_113 = arith.constant 0 : i32
    %dma_start3A_114 = tpu.memref_slice %arg10[%dma_start3A_111, %dma_start3A_112, %dma_start3A_113] : memref<2x64x256xf32, #tpu.memory_space<vmem>> -> memref<1x64x256xf32, #tpu.memory_space<vmem>>
    %dma_start3A_115 = tpu.memref_squeeze %dma_start3A_114 : memref<1x64x256xf32, #tpu.memory_space<vmem>> -> memref<64x256xf32, #tpu.memory_space<vmem>>
    %dma_start3A_116 = arith.constant 128 : i32
    %dma_start3A_117 = tpu.memref_slice %arg9[%dma_start3A_116] : memref<512xi32, #tpu.memory_space<vmem>> -> memref<64xi32, #tpu.memory_space<vmem>>
    %dma_start3A_118 = arith.constant 0 : i32
    %dma_start3A_119 = arith.constant 0 : i32
    %dma_start3A_120 = tpu.memref_slice %arg2[%dma_start3A_118, %dma_start3A_119] : memref<65536x256xf32, #tpu.memory_space<hbm>> -> memref<65536x256xf32, #tpu.memory_space<hbm>>
    tpu.enqueue_indirect_dma source(%dma_start3A_120 : memref<65536x256xf32, #tpu.memory_space<hbm>>) target(%dma_start3A_115 : memref<64x256xf32, #tpu.memory_space<vmem>>) offsets(%dma_start3A_117 : memref<64xi32, #tpu.memory_space<vmem>>) semaphore(%arg12 : memref<!tpu.dma_semaphore, #tpu.memory_space<semaphore_mem>>)
    %add3A_121 = arith.constant 128 : i32
    %add3A_122 = arith.addi %mul3A_2, %add3A_121 : i32
    %dma_start3A_123 = arith.constant 0 : i32
    %dma_start3A_124 = arith.constant 0 : i32
    %dma_start3A_125 = arith.constant 0 : i32
    %dma_start3A_126 = tpu.memref_slice %arg11[%dma_start3A_123, %dma_start3A_124, %dma_start3A_125] : memref<2x64x256xf32, #tpu.memory_space<vmem>> -> memref<1x64x256xf32, #tpu.memory_space<vmem>>
    %dma_start3A_127 = tpu.memref_squeeze %dma_start3A_126 : memref<1x64x256xf32, #tpu.memory_space<vmem>> -> memref<64x256xf32, #tpu.memory_space<vmem>>
    %dma_start3A_128 = arith.constant 0 : i32
    %dma_start3A_129 = tpu.memref_slice %arg3[%add3A_122, %dma_start3A_128] : memref<16384x256xf32, #tpu.memory_space<hbm>> -> memref<64x256xf32, #tpu.memory_space<hbm>>
    %dma_start3A_130 = arith.constant 0 : i32
    %dma_start3A_131 = arith.constant 0 : i32
    %dma_start3A_132 = tpu.memref_slice %arg11[%dma_start3A_123, %dma_start3A_130, %dma_start3A_131] : memref<2x64x256xf32, #tpu.memory_space<vmem>> -> memref<1x64x256xf32, #tpu.memory_space<vmem>>
    %dma_start3A_133 = tpu.memref_squeeze %dma_start3A_132 : memref<1x64x256xf32, #tpu.memory_space<vmem>> -> memref<64x256xf32, #tpu.memory_space<vmem>>
    %dma_start3A_134 = arith.constant 0 : i32
    %dma_start3A_135 = tpu.memref_slice %arg3[%add3A_122, %dma_start3A_134] : memref<16384x256xf32, #tpu.memory_space<hbm>> -> memref<64x256xf32, #tpu.memory_space<hbm>>
    tpu.enqueue_dma source(%dma_start3A_135 : memref<64x256xf32, #tpu.memory_space<hbm>>) target(%dma_start3A_133 : memref<64x256xf32, #tpu.memory_space<vmem>>) target_semaphore(%arg14 : memref<!tpu.dma_semaphore, #tpu.memory_space<semaphore_mem>>)
    %scan3A_136 = arith.constant 0 : i32
    %scan3A_137 = arith.constant 0 : i32
    %scan3A_138 = arith.constant 64 : i32
    %scan3A_139 = arith.addi %scan3A_137, %scan3A_138 : i32
    %scan3A_140 = arith.constant 1 : i32
    scf.for %scan3A_462 = %scan3A_137 to %scan3A_139 step %scan3A_140  : i32 {
      %get3A = arith.constant 1 : i32
      %get3A_463 = arith.index_cast %get3A : i32 to index
      %get3A_464 = arith.index_cast %scan3A_462 : i32 to index
      %get3A_465 = arith.constant 0 : index
      %get3A_466 = tpu.vector_load %arg10[%get3A_463, %get3A_464, %get3A_465] {strides = array<i32>} : memref<2x64x256xf32, #tpu.memory_space<vmem>>, vector<1x1x16xf32>,
      %get3A_467 = vector.shape_cast %get3A_466 : vector<1x1x16xf32> to vector<16xf32>
      %get3A_468 = arith.constant 1 : i32
      %get3A_469 = arith.index_cast %get3A_468 : i32 to index
      %get3A_470 = arith.index_cast %scan3A_462 : i32 to index
      %get3A_471 = arith.constant 0 : index
      %get3A_472 = tpu.vector_load %arg11[%get3A_469, %get3A_470, %get3A_471] {strides = array<i32>} : memref<2x64x256xf32, #tpu.memory_space<vmem>>, vector<1x1x16xf32>,
      %get3A_473 = vector.shape_cast %get3A_472 : vector<1x1x16xf32> to vector<16xf32>
      %add3A_474 = arith.addf %get3A_467, %get3A_473 : vector<16xf32>
      %swap3A = arith.constant 1 : i32
      %swap3A_475 = arith.index_cast %swap3A : i32 to index
      %swap3A_476 = arith.index_cast %scan3A_462 : i32 to index
      %swap3A_477 = arith.constant 0 : index
      %swap3A_478 = tpu.vector_load %arg10[%swap3A_475, %swap3A_476, %swap3A_477] {strides = array<i32>} : memref<2x64x256xf32, #tpu.memory_space<vmem>>, vector<1x1x16xf32>,
      %swap3A_479 = vector.shape_cast %swap3A_478 : vector<1x1x16xf32> to vector<16xf32>
      %swap3A_480 = vector.shape_cast %add3A_474 : vector<16xf32> to vector<1x1x16xf32>
      tpu.vector_store %arg10[%swap3A_475, %swap3A_476, %swap3A_477], %swap3A_480 {strides = array<i32>} : memref<2x64x256xf32, #tpu.memory_space<vmem>>, vector<1x1x16xf32>,
      %get3A_481 = arith.constant 1 : i32
      %get3A_482 = arith.index_cast %get3A_481 : i32 to index
      %get3A_483 = arith.index_cast %scan3A_462 : i32 to index
      %get3A_484 = arith.constant 16 : index
      %get3A_485 = tpu.vector_load %arg10[%get3A_482, %get3A_483, %get3A_484] {strides = array<i32>} : memref<2x64x256xf32, #tpu.memory_space<vmem>>, vector<1x1x16xf32>,
      %get3A_486 = vector.shape_cast %get3A_485 : vector<1x1x16xf32> to vector<16xf32>
      %get3A_487 = arith.constant 1 : i32
      %get3A_488 = arith.index_cast %get3A_487 : i32 to index
      %get3A_489 = arith.index_cast %scan3A_462 : i32 to index
      %get3A_490 = arith.constant 16 : index
      %get3A_491 = tpu.vector_load %arg11[%get3A_488, %get3A_489, %get3A_490] {strides = array<i32>} : memref<2x64x256xf32, #tpu.memory_space<vmem>>, vector<1x1x16xf32>,
      %get3A_492 = vector.shape_cast %get3A_491 : vector<1x1x16xf32> to vector<16xf32>
      %add3A_493 = arith.addf %get3A_486, %get3A_492 : vector<16xf32>
      %swap3A_494 = arith.constant 1 : i32
      %swap3A_495 = arith.index_cast %swap3A_494 : i32 to index
      %swap3A_496 = arith.index_cast %scan3A_462 : i32 to index
      %swap3A_497 = arith.constant 16 : index
      %swap3A_498 = tpu.vector_load %arg10[%swap3A_495, %swap3A_496, %swap3A_497] {strides = array<i32>} : memref<2x64x256xf32, #tpu.memory_space<vmem>>, vector<1x1x16xf32>,
      %swap3A_499 = vector.shape_cast %swap3A_498 : vector<1x1x16xf32> to vector<16xf32>
      %swap3A_500 = vector.shape_cast %add3A_493 : vector<16xf32> to vector<1x1x16xf32>
      tpu.vector_store %arg10[%swap3A_495, %swap3A_496, %swap3A_497], %swap3A_500 {strides = array<i32>} : memref<2x64x256xf32, #tpu.memory_space<vmem>>, vector<1x1x16xf32>,
      %get3A_501 = arith.constant 1 : i32
      %get3A_502 = arith.index_cast %get3A_501 : i32 to index
      %get3A_503 = arith.index_cast %scan3A_462 : i32 to index
      %get3A_504 = arith.constant 32 : index
      %get3A_505 = tpu.vector_load %arg10[%get3A_502, %get3A_503, %get3A_504] {strides = array<i32>} : memref<2x64x256xf32, #tpu.memory_space<vmem>>, vector<1x1x16xf32>,
      %get3A_506 = vector.shape_cast %get3A_505 : vector<1x1x16xf32> to vector<16xf32>
      %get3A_507 = arith.constant 1 : i32
      %get3A_508 = arith.index_cast %get3A_507 : i32 to index
      %get3A_509 = arith.index_cast %scan3A_462 : i32 to index
      %get3A_510 = arith.constant 32 : index
      %get3A_511 = tpu.vector_load %arg11[%get3A_508, %get3A_509, %get3A_510] {strides = array<i32>} : memref<2x64x256xf32, #tpu.memory_space<vmem>>, vector<1x1x16xf32>,
      %get3A_512 = vector.shape_cast %get3A_511 : vector<1x1x16xf32> to vector<16xf32>
      %add3A_513 = arith.addf %get3A_506, %get3A_512 : vector<16xf32>
      %swap3A_514 = arith.constant 1 : i32
      %swap3A_515 = arith.index_cast %swap3A_514 : i32 to index
      %swap3A_516 = arith.index_cast %scan3A_462 : i32 to index
      %swap3A_517 = arith.constant 32 : index
      %swap3A_518 = tpu.vector_load %arg10[%swap3A_515, %swap3A_516, %swap3A_517] {strides = array<i32>} : memref<2x64x256xf32, #tpu.memory_space<vmem>>, vector<1x1x16xf32>,
      %swap3A_519 = vector.shape_cast %swap3A_518 : vector<1x1x16xf32> to vector<16xf32>
      %swap3A_520 = vector.shape_cast %add3A_513 : vector<16xf32> to vector<1x1x16xf32>
      tpu.vector_store %arg10[%swap3A_515, %swap3A_516, %swap3A_517], %swap3A_520 {strides = array<i32>} : memref<2x64x256xf32, #tpu.memory_space<vmem>>, vector<1x1x16xf32>,
      %get3A_521 = arith.constant 1 : i32
      %get3A_522 = arith.index_cast %get3A_521 : i32 to index
      %get3A_523 = arith.index_cast %scan3A_462 : i32 to index
      %get3A_524 = arith.constant 48 : index
      %get3A_525 = tpu.vector_load %arg10[%get3A_522, %get3A_523, %get3A_524] {strides = array<i32>} : memref<2x64x256xf32, #tpu.memory_space<vmem>>, vector<1x1x16xf32>,
      %get3A_526 = vector.shape_cast %get3A_525 : vector<1x1x16xf32> to vector<16xf32>
      %get3A_527 = arith.constant 1 : i32
      %get3A_528 = arith.index_cast %get3A_527 : i32 to index
      %get3A_529 = arith.index_cast %scan3A_462 : i32 to index
      %get3A_530 = arith.constant 48 : index
      %get3A_531 = tpu.vector_load %arg11[%get3A_528, %get3A_529, %get3A_530] {strides = array<i32>} : memref<2x64x256xf32, #tpu.memory_space<vmem>>, vector<1x1x16xf32>,
      %get3A_532 = vector.shape_cast %get3A_531 : vector<1x1x16xf32> to vector<16xf32>
      %add3A_533 = arith.addf %get3A_526, %get3A_532 : vector<16xf32>
      %swap3A_534 = arith.constant 1 : i32
      %swap3A_535 = arith.index_cast %swap3A_534 : i32 to index
      %swap3A_536 = arith.index_cast %scan3A_462 : i32 to index
      %swap3A_537 = arith.constant 48 : index
      %swap3A_538 = tpu.vector_load %arg10[%swap3A_535, %swap3A_536, %swap3A_537] {strides = array<i32>} : memref<2x64x256xf32, #tpu.memory_space<vmem>>, vector<1x1x16xf32>,
      %swap3A_539 = vector.shape_cast %swap3A_538 : vector<1x1x16xf32> to vector<16xf32>
      %swap3A_540 = vector.shape_cast %add3A_533 : vector<16xf32> to vector<1x1x16xf32>
      tpu.vector_store %arg10[%swap3A_535, %swap3A_536, %swap3A_537], %swap3A_540 {strides = array<i32>} : memref<2x64x256xf32, #tpu.memory_space<vmem>>, vector<1x1x16xf32>,
      %get3A_541 = arith.constant 1 : i32
      %get3A_542 = arith.index_cast %get3A_541 : i32 to index
      %get3A_543 = arith.index_cast %scan3A_462 : i32 to index
      %get3A_544 = arith.constant 64 : index
      %get3A_545 = tpu.vector_load %arg10[%get3A_542, %get3A_543, %get3A_544] {strides = array<i32>} : memref<2x64x256xf32, #tpu.memory_space<vmem>>, vector<1x1x16xf32>,
      %get3A_546 = vector.shape_cast %get3A_545 : vector<1x1x16xf32> to vector<16xf32>
      %get3A_547 = arith.constant 1 : i32
      %get3A_548 = arith.index_cast %get3A_547 : i32 to index
      %get3A_549 = arith.index_cast %scan3A_462 : i32 to index
      %get3A_550 = arith.constant 64 : index
      %get3A_551 = tpu.vector_load %arg11[%get3A_548, %get3A_549, %get3A_550] {strides = array<i32>} : memref<2x64x256xf32, #tpu.memory_space<vmem>>, vector<1x1x16xf32>,
      %get3A_552 = vector.shape_cast %get3A_551 : vector<1x1x16xf32> to vector<16xf32>
      %add3A_553 = arith.addf %get3A_546, %get3A_552 : vector<16xf32>
      %swap3A_554 = arith.constant 1 : i32
      %swap3A_555 = arith.index_cast %swap3A_554 : i32 to index
      %swap3A_556 = arith.index_cast %scan3A_462 : i32 to index
      %swap3A_557 = arith.constant 64 : index
      %swap3A_558 = tpu.vector_load %arg10[%swap3A_555, %swap3A_556, %swap3A_557] {strides = array<i32>} : memref<2x64x256xf32, #tpu.memory_space<vmem>>, vector<1x1x16xf32>,
      %swap3A_559 = vector.shape_cast %swap3A_558 : vector<1x1x16xf32> to vector<16xf32>
      %swap3A_560 = vector.shape_cast %add3A_553 : vector<16xf32> to vector<1x1x16xf32>
      tpu.vector_store %arg10[%swap3A_555, %swap3A_556, %swap3A_557], %swap3A_560 {strides = array<i32>} : memref<2x64x256xf32, #tpu.memory_space<vmem>>, vector<1x1x16xf32>,
      %get3A_561 = arith.constant 1 : i32
      %get3A_562 = arith.index_cast %get3A_561 : i32 to index
      %get3A_563 = arith.index_cast %scan3A_462 : i32 to index
      %get3A_564 = arith.constant 80 : index
      %get3A_565 = tpu.vector_load %arg10[%get3A_562, %get3A_563, %get3A_564] {strides = array<i32>} : memref<2x64x256xf32, #tpu.memory_space<vmem>>, vector<1x1x16xf32>,
      %get3A_566 = vector.shape_cast %get3A_565 : vector<1x1x16xf32> to vector<16xf32>
      %get3A_567 = arith.constant 1 : i32
      %get3A_568 = arith.index_cast %get3A_567 : i32 to index
      %get3A_569 = arith.index_cast %scan3A_462 : i32 to index
      %get3A_570 = arith.constant 80 : index
      %get3A_571 = tpu.vector_load %arg11[%get3A_568, %get3A_569, %get3A_570] {strides = array<i32>} : memref<2x64x256xf32, #tpu.memory_space<vmem>>, vector<1x1x16xf32>,
      %get3A_572 = vector.shape_cast %get3A_571 : vector<1x1x16xf32> to vector<16xf32>
      %add3A_573 = arith.addf %get3A_566, %get3A_572 : vector<16xf32>
      %swap3A_574 = arith.constant 1 : i32
      %swap3A_575 = arith.index_cast %swap3A_574 : i32 to index
      %swap3A_576 = arith.index_cast %scan3A_462 : i32 to index
      %swap3A_577 = arith.constant 80 : index
      %swap3A_578 = tpu.vector_load %arg10[%swap3A_575, %swap3A_576, %swap3A_577] {strides = array<i32>} : memref<2x64x256xf32, #tpu.memory_space<vmem>>, vector<1x1x16xf32>,
      %swap3A_579 = vector.shape_cast %swap3A_578 : vector<1x1x16xf32> to vector<16xf32>
      %swap3A_580 = vector.shape_cast %add3A_573 : vector<16xf32> to vector<1x1x16xf32>
      tpu.vector_store %arg10[%swap3A_575, %swap3A_576, %swap3A_577], %swap3A_580 {strides = array<i32>} : memref<2x64x256xf32, #tpu.memory_space<vmem>>, vector<1x1x16xf32>,
      %get3A_581 = arith.constant 1 : i32
      %get3A_582 = arith.index_cast %get3A_581 : i32 to index
      %get3A_583 = arith.index_cast %scan3A_462 : i32 to index
      %get3A_584 = arith.constant 96 : index
      %get3A_585 = tpu.vector_load %arg10[%get3A_582, %get3A_583, %get3A_584] {strides = array<i32>} : memref<2x64x256xf32, #tpu.memory_space<vmem>>, vector<1x1x16xf32>,
      %get3A_586 = vector.shape_cast %get3A_585 : vector<1x1x16xf32> to vector<16xf32>
      %get3A_587 = arith.constant 1 : i32
      %get3A_588 = arith.index_cast %get3A_587 : i32 to index
      %get3A_589 = arith.index_cast %scan3A_462 : i32 to index
      %get3A_590 = arith.constant 96 : index
      %get3A_591 = tpu.vector_load %arg11[%get3A_588, %get3A_589, %get3A_590] {strides = array<i32>} : memref<2x64x256xf32, #tpu.memory_space<vmem>>, vector<1x1x16xf32>,
      %get3A_592 = vector.shape_cast %get3A_591 : vector<1x1x16xf32> to vector<16xf32>
      %add3A_593 = arith.addf %get3A_586, %get3A_592 : vector<16xf32>
      %swap3A_594 = arith.constant 1 : i32
      %swap3A_595 = arith.index_cast %swap3A_594 : i32 to index
      %swap3A_596 = arith.index_cast %scan3A_462 : i32 to index
      %swap3A_597 = arith.constant 96 : index
      %swap3A_598 = tpu.vector_load %arg10[%swap3A_595, %swap3A_596, %swap3A_597] {strides = array<i32>} : memref<2x64x256xf32, #tpu.memory_space<vmem>>, vector<1x1x16xf32>,
      %swap3A_599 = vector.shape_cast %swap3A_598 : vector<1x1x16xf32> to vector<16xf32>
      %swap3A_600 = vector.shape_cast %add3A_593 : vector<16xf32> to vector<1x1x16xf32>
      tpu.vector_store %arg10[%swap3A_595, %swap3A_596, %swap3A_597], %swap3A_600 {strides = array<i32>} : memref<2x64x256xf32, #tpu.memory_space<vmem>>, vector<1x1x16xf32>,
      %get3A_601 = arith.constant 1 : i32
      %get3A_602 = arith.index_cast %get3A_601 : i32 to index
      %get3A_603 = arith.index_cast %scan3A_462 : i32 to index
      %get3A_604 = arith.constant 112 : index
      %get3A_605 = tpu.vector_load %arg10[%get3A_602, %get3A_603, %get3A_604] {strides = array<i32>} : memref<2x64x256xf32, #tpu.memory_space<vmem>>, vector<1x1x16xf32>,
      %get3A_606 = vector.shape_cast %get3A_605 : vector<1x1x16xf32> to vector<16xf32>
      %get3A_607 = arith.constant 1 : i32
      %get3A_608 = arith.index_cast %get3A_607 : i32 to index
      %get3A_609 = arith.index_cast %scan3A_462 : i32 to index
      %get3A_610 = arith.constant 112 : index
      %get3A_611 = tpu.vector_load %arg11[%get3A_608, %get3A_609, %get3A_610] {strides = array<i32>} : memref<2x64x256xf32, #tpu.memory_space<vmem>>, vector<1x1x16xf32>,
      %get3A_612 = vector.shape_cast %get3A_611 : vector<1x1x16xf32> to vector<16xf32>
      %add3A_613 = arith.addf %get3A_606, %get3A_612 : vector<16xf32>
      %swap3A_614 = arith.constant 1 : i32
      %swap3A_615 = arith.index_cast %swap3A_614 : i32 to index
      %swap3A_616 = arith.index_cast %scan3A_462 : i32 to index
      %swap3A_617 = arith.constant 112 : index
      %swap3A_618 = tpu.vector_load %arg10[%swap3A_615, %swap3A_616, %swap3A_617] {strides = array<i32>} : memref<2x64x256xf32, #tpu.memory_space<vmem>>, vector<1x1x16xf32>,
      %swap3A_619 = vector.shape_cast %swap3A_618 : vector<1x1x16xf32> to vector<16xf32>
      %swap3A_620 = vector.shape_cast %add3A_613 : vector<16xf32> to vector<1x1x16xf32>
      tpu.vector_store %arg10[%swap3A_615, %swap3A_616, %swap3A_617], %swap3A_620 {strides = array<i32>} : memref<2x64x256xf32, #tpu.memory_space<vmem>>, vector<1x1x16xf32>,
      %get3A_621 = arith.constant 1 : i32
      %get3A_622 = arith.index_cast %get3A_621 : i32 to index
      %get3A_623 = arith.index_cast %scan3A_462 : i32 to index
      %get3A_624 = arith.constant 128 : index
      %get3A_625 = tpu.vector_load %arg10[%get3A_622, %get3A_623, %get3A_624] {strides = array<i32>} : memref<2x64x256xf32, #tpu.memory_space<vmem>>, vector<1x1x16xf32>,
      %get3A_626 = vector.shape_cast %get3A_625 : vector<1x1x16xf32> to vector<16xf32>
      %get3A_627 = arith.constant 1 : i32
      %get3A_628 = arith.index_cast %get3A_627 : i32 to index
      %get3A_629 = arith.index_cast %scan3A_462 : i32 to index
      %get3A_630 = arith.constant 128 : index
      %get3A_631 = tpu.vector_load %arg11[%get3A_628, %get3A_629, %get3A_630] {strides = array<i32>} : memref<2x64x256xf32, #tpu.memory_space<vmem>>, vector<1x1x16xf32>,
      %get3A_632 = vector.shape_cast %get3A_631 : vector<1x1x16xf32> to vector<16xf32>
      %add3A_633 = arith.addf %get3A_626, %get3A_632 : vector<16xf32>
      %swap3A_634 = arith.constant 1 : i32
      %swap3A_635 = arith.index_cast %swap3A_634 : i32 to index
      %swap3A_636 = arith.index_cast %scan3A_462 : i32 to index
      %swap3A_637 = arith.constant 128 : index
      %swap3A_638 = tpu.vector_load %arg10[%swap3A_635, %swap3A_636, %swap3A_637] {strides = array<i32>} : memref<2x64x256xf32, #tpu.memory_space<vmem>>, vector<1x1x16xf32>,
      %swap3A_639 = vector.shape_cast %swap3A_638 : vector<1x1x16xf32> to vector<16xf32>
      %swap3A_640 = vector.shape_cast %add3A_633 : vector<16xf32> to vector<1x1x16xf32>
      tpu.vector_store %arg10[%swap3A_635, %swap3A_636, %swap3A_637], %swap3A_640 {strides = array<i32>} : memref<2x64x256xf32, #tpu.memory_space<vmem>>, vector<1x1x16xf32>,
      %get3A_641 = arith.constant 1 : i32
      %get3A_642 = arith.index_cast %get3A_641 : i32 to index
      %get3A_643 = arith.index_cast %scan3A_462 : i32 to index
      %get3A_644 = arith.constant 144 : index
      %get3A_645 = tpu.vector_load %arg10[%get3A_642, %get3A_643, %get3A_644] {strides = array<i32>} : memref<2x64x256xf32, #tpu.memory_space<vmem>>, vector<1x1x16xf32>,
      %get3A_646 = vector.shape_cast %get3A_645 : vector<1x1x16xf32> to vector<16xf32>
      %get3A_647 = arith.constant 1 : i32
      %get3A_648 = arith.index_cast %get3A_647 : i32 to index
      %get3A_649 = arith.index_cast %scan3A_462 : i32 to index
      %get3A_650 = arith.constant 144 : index
      %get3A_651 = tpu.vector_load %arg11[%get3A_648, %get3A_649, %get3A_650] {strides = array<i32>} : memref<2x64x256xf32, #tpu.memory_space<vmem>>, vector<1x1x16xf32>,
      %get3A_652 = vector.shape_cast %get3A_651 : vector<1x1x16xf32> to vector<16xf32>
      %add3A_653 = arith.addf %get3A_646, %get3A_652 : vector<16xf32>
      %swap3A_654 = arith.constant 1 : i32
      %swap3A_655 = arith.index_cast %swap3A_654 : i32 to index
      %swap3A_656 = arith.index_cast %scan3A_462 : i32 to index
      %swap3A_657 = arith.constant 144 : index
      %swap3A_658 = tpu.vector_load %arg10[%swap3A_655, %swap3A_656, %swap3A_657] {strides = array<i32>} : memref<2x64x256xf32, #tpu.memory_space<vmem>>, vector<1x1x16xf32>,
      %swap3A_659 = vector.shape_cast %swap3A_658 : vector<1x1x16xf32> to vector<16xf32>
      %swap3A_660 = vector.shape_cast %add3A_653 : vector<16xf32> to vector<1x1x16xf32>
      tpu.vector_store %arg10[%swap3A_655, %swap3A_656, %swap3A_657], %swap3A_660 {strides = array<i32>} : memref<2x64x256xf32, #tpu.memory_space<vmem>>, vector<1x1x16xf32>,
      %get3A_661 = arith.constant 1 : i32
      %get3A_662 = arith.index_cast %get3A_661 : i32 to index
      %get3A_663 = arith.index_cast %scan3A_462 : i32 to index
      %get3A_664 = arith.constant 160 : index
      %get3A_665 = tpu.vector_load %arg10[%get3A_662, %get3A_663, %get3A_664] {strides = array<i32>} : memref<2x64x256xf32, #tpu.memory_space<vmem>>, vector<1x1x16xf32>,
      %get3A_666 = vector.shape_cast %get3A_665 : vector<1x1x16xf32> to vector<16xf32>
      %get3A_667 = arith.constant 1 : i32
      %get3A_668 = arith.index_cast %get3A_667 : i32 to index
      %get3A_669 = arith.index_cast %scan3A_462 : i32 to index
      %get3A_670 = arith.constant 160 : index
      %get3A_671 = tpu.vector_load %arg11[%get3A_668, %get3A_669, %get3A_670] {strides = array<i32>} : memref<2x64x256xf32, #tpu.memory_space<vmem>>, vector<1x1x16xf32>,
      %get3A_672 = vector.shape_cast %get3A_671 : vector<1x1x16xf32> to vector<16xf32>
      %add3A_673 = arith.addf %get3A_666, %get3A_672 : vector<16xf32>
      %swap3A_674 = arith.constant 1 : i32
      %swap3A_675 = arith.index_cast %swap3A_674 : i32 to index
      %swap3A_676 = arith.index_cast %scan3A_462 : i32 to index
      %swap3A_677 = arith.constant 160 : index
      %swap3A_678 = tpu.vector_load %arg10[%swap3A_675, %swap3A_676, %swap3A_677] {strides = array<i32>} : memref<2x64x256xf32, #tpu.memory_space<vmem>>, vector<1x1x16xf32>,
      %swap3A_679 = vector.shape_cast %swap3A_678 : vector<1x1x16xf32> to vector<16xf32>
      %swap3A_680 = vector.shape_cast %add3A_673 : vector<16xf32> to vector<1x1x16xf32>
      tpu.vector_store %arg10[%swap3A_675, %swap3A_676, %swap3A_677], %swap3A_680 {strides = array<i32>} : memref<2x64x256xf32, #tpu.memory_space<vmem>>, vector<1x1x16xf32>,
      %get3A_681 = arith.constant 1 : i32
      %get3A_682 = arith.index_cast %get3A_681 : i32 to index
      %get3A_683 = arith.index_cast %scan3A_462 : i32 to index
      %get3A_684 = arith.constant 176 : index
      %get3A_685 = tpu.vector_load %arg10[%get3A_682, %get3A_683, %get3A_684] {strides = array<i32>} : memref<2x64x256xf32, #tpu.memory_space<vmem>>, vector<1x1x16xf32>,
      %get3A_686 = vector.shape_cast %get3A_685 : vector<1x1x16xf32> to vector<16xf32>
      %get3A_687 = arith.constant 1 : i32
      %get3A_688 = arith.index_cast %get3A_687 : i32 to index
      %get3A_689 = arith.index_cast %scan3A_462 : i32 to index
      %get3A_690 = arith.constant 176 : index
      %get3A_691 = tpu.vector_load %arg11[%get3A_688, %get3A_689, %get3A_690] {strides = array<i32>} : memref<2x64x256xf32, #tpu.memory_space<vmem>>, vector<1x1x16xf32>,
      %get3A_692 = vector.shape_cast %get3A_691 : vector<1x1x16xf32> to vector<16xf32>
      %add3A_693 = arith.addf %get3A_686, %get3A_692 : vector<16xf32>
      %swap3A_694 = arith.constant 1 : i32
      %swap3A_695 = arith.index_cast %swap3A_694 : i32 to index
      %swap3A_696 = arith.index_cast %scan3A_462 : i32 to index
      %swap3A_697 = arith.constant 176 : index
      %swap3A_698 = tpu.vector_load %arg10[%swap3A_695, %swap3A_696, %swap3A_697] {strides = array<i32>} : memref<2x64x256xf32, #tpu.memory_space<vmem>>, vector<1x1x16xf32>,
      %swap3A_699 = vector.shape_cast %swap3A_698 : vector<1x1x16xf32> to vector<16xf32>
      %swap3A_700 = vector.shape_cast %add3A_693 : vector<16xf32> to vector<1x1x16xf32>
      tpu.vector_store %arg10[%swap3A_695, %swap3A_696, %swap3A_697], %swap3A_700 {strides = array<i32>} : memref<2x64x256xf32, #tpu.memory_space<vmem>>, vector<1x1x16xf32>,
      %get3A_701 = arith.constant 1 : i32
      %get3A_702 = arith.index_cast %get3A_701 : i32 to index
      %get3A_703 = arith.index_cast %scan3A_462 : i32 to index
      %get3A_704 = arith.constant 192 : index
      %get3A_705 = tpu.vector_load %arg10[%get3A_702, %get3A_703, %get3A_704] {strides = array<i32>} : memref<2x64x256xf32, #tpu.memory_space<vmem>>, vector<1x1x16xf32>,
      %get3A_706 = vector.shape_cast %get3A_705 : vector<1x1x16xf32> to vector<16xf32>
      %get3A_707 = arith.constant 1 : i32
      %get3A_708 = arith.index_cast %get3A_707 : i32 to index
      %get3A_709 = arith.index_cast %scan3A_462 : i32 to index
      %get3A_710 = arith.constant 192 : index
      %get3A_711 = tpu.vector_load %arg11[%get3A_708, %get3A_709, %get3A_710] {strides = array<i32>} : memref<2x64x256xf32, #tpu.memory_space<vmem>>, vector<1x1x16xf32>,
      %get3A_712 = vector.shape_cast %get3A_711 : vector<1x1x16xf32> to vector<16xf32>
      %add3A_713 = arith.addf %get3A_706, %get3A_712 : vector<16xf32>
      %swap3A_714 = arith.constant 1 : i32
      %swap3A_715 = arith.index_cast %swap3A_714 : i32 to index
      %swap3A_716 = arith.index_cast %scan3A_462 : i32 to index
      %swap3A_717 = arith.constant 192 : index
      %swap3A_718 = tpu.vector_load %arg10[%swap3A_715, %swap3A_716, %swap3A_717] {strides = array<i32>} : memref<2x64x256xf32, #tpu.memory_space<vmem>>, vector<1x1x16xf32>,
      %swap3A_719 = vector.shape_cast %swap3A_718 : vector<1x1x16xf32> to vector<16xf32>
      %swap3A_720 = vector.shape_cast %add3A_713 : vector<16xf32> to vector<1x1x16xf32>
      tpu.vector_store %arg10[%swap3A_715, %swap3A_716, %swap3A_717], %swap3A_720 {strides = array<i32>} : memref<2x64x256xf32, #tpu.memory_space<vmem>>, vector<1x1x16xf32>,
      %get3A_721 = arith.constant 1 : i32
      %get3A_722 = arith.index_cast %get3A_721 : i32 to index
      %get3A_723 = arith.index_cast %scan3A_462 : i32 to index
      %get3A_724 = arith.constant 208 : index
      %get3A_725 = tpu.vector_load %arg10[%get3A_722, %get3A_723, %get3A_724] {strides = array<i32>} : memref<2x64x256xf32, #tpu.memory_space<vmem>>, vector<1x1x16xf32>,
      %get3A_726 = vector.shape_cast %get3A_725 : vector<1x1x16xf32> to vector<16xf32>
      %get3A_727 = arith.constant 1 : i32
      %get3A_728 = arith.index_cast %get3A_727 : i32 to index
      %get3A_729 = arith.index_cast %scan3A_462 : i32 to index
      %get3A_730 = arith.constant 208 : index
      %get3A_731 = tpu.vector_load %arg11[%get3A_728, %get3A_729, %get3A_730] {strides = array<i32>} : memref<2x64x256xf32, #tpu.memory_space<vmem>>, vector<1x1x16xf32>,
      %get3A_732 = vector.shape_cast %get3A_731 : vector<1x1x16xf32> to vector<16xf32>
      %add3A_733 = arith.addf %get3A_726, %get3A_732 : vector<16xf32>
      %swap3A_734 = arith.constant 1 : i32
      %swap3A_735 = arith.index_cast %swap3A_734 : i32 to index
      %swap3A_736 = arith.index_cast %scan3A_462 : i32 to index
      %swap3A_737 = arith.constant 208 : index
      %swap3A_738 = tpu.vector_load %arg10[%swap3A_735, %swap3A_736, %swap3A_737] {strides = array<i32>} : memref<2x64x256xf32, #tpu.memory_space<vmem>>, vector<1x1x16xf32>,
      %swap3A_739 = vector.shape_cast %swap3A_738 : vector<1x1x16xf32> to vector<16xf32>
      %swap3A_740 = vector.shape_cast %add3A_733 : vector<16xf32> to vector<1x1x16xf32>
      tpu.vector_store %arg10[%swap3A_735, %swap3A_736, %swap3A_737], %swap3A_740 {strides = array<i32>} : memref<2x64x256xf32, #tpu.memory_space<vmem>>, vector<1x1x16xf32>,
      %get3A_741 = arith.constant 1 : i32
      %get3A_742 = arith.index_cast %get3A_741 : i32 to index
      %get3A_743 = arith.index_cast %scan3A_462 : i32 to index
      %get3A_744 = arith.constant 224 : index
      %get3A_745 = tpu.vector_load %arg10[%get3A_742, %get3A_743, %get3A_744] {strides = array<i32>} : memref<2x64x256xf32, #tpu.memory_space<vmem>>, vector<1x1x16xf32>,
      %get3A_746 = vector.shape_cast %get3A_745 : vector<1x1x16xf32> to vector<16xf32>
      %get3A_747 = arith.constant 1 : i32
      %get3A_748 = arith.index_cast %get3A_747 : i32 to index
      %get3A_749 = arith.index_cast %scan3A_462 : i32 to index
      %get3A_750 = arith.constant 224 : index
      %get3A_751 = tpu.vector_load %arg11[%get3A_748, %get3A_749, %get3A_750] {strides = array<i32>} : memref<2x64x256xf32, #tpu.memory_space<vmem>>, vector<1x1x16xf32>,
      %get3A_752 = vector.shape_cast %get3A_751 : vector<1x1x16xf32> to vector<16xf32>
      %add3A_753 = arith.addf %get3A_746, %get3A_752 : vector<16xf32>
      %swap3A_754 = arith.constant 1 : i32
      %swap3A_755 = arith.index_cast %swap3A_754 : i32 to index
      %swap3A_756 = arith.index_cast %scan3A_462 : i32 to index
      %swap3A_757 = arith.constant 224 : index
      %swap3A_758 = tpu.vector_load %arg10[%swap3A_755, %swap3A_756, %swap3A_757] {strides = array<i32>} : memref<2x64x256xf32, #tpu.memory_space<vmem>>, vector<1x1x16xf32>,
      %swap3A_759 = vector.shape_cast %swap3A_758 : vector<1x1x16xf32> to vector<16xf32>
      %swap3A_760 = vector.shape_cast %add3A_753 : vector<16xf32> to vector<1x1x16xf32>
      tpu.vector_store %arg10[%swap3A_755, %swap3A_756, %swap3A_757], %swap3A_760 {strides = array<i32>} : memref<2x64x256xf32, #tpu.memory_space<vmem>>, vector<1x1x16xf32>,
      %get3A_761 = arith.constant 1 : i32
      %get3A_762 = arith.index_cast %get3A_761 : i32 to index
      %get3A_763 = arith.index_cast %scan3A_462 : i32 to index
      %get3A_764 = arith.constant 240 : index
      %get3A_765 = tpu.vector_load %arg10[%get3A_762, %get3A_763, %get3A_764] {strides = array<i32>} : memref<2x64x256xf32, #tpu.memory_space<vmem>>, vector<1x1x16xf32>,
      %get3A_766 = vector.shape_cast %get3A_765 : vector<1x1x16xf32> to vector<16xf32>
      %get3A_767 = arith.constant 1 : i32
      %get3A_768 = arith.index_cast %get3A_767 : i32 to index
      %get3A_769 = arith.index_cast %scan3A_462 : i32 to index
      %get3A_770 = arith.constant 240 : index
      %get3A_771 = tpu.vector_load %arg11[%get3A_768, %get3A_769, %get3A_770] {strides = array<i32>} : memref<2x64x256xf32, #tpu.memory_space<vmem>>, vector<1x1x16xf32>,
      %get3A_772 = vector.shape_cast %get3A_771 : vector<1x1x16xf32> to vector<16xf32>
      %add3A_773 = arith.addf %get3A_766, %get3A_772 : vector<16xf32>
      %swap3A_774 = arith.constant 1 : i32
      %swap3A_775 = arith.index_cast %swap3A_774 : i32 to index
      %swap3A_776 = arith.index_cast %scan3A_462 : i32 to index
      %swap3A_777 = arith.constant 240 : index
      %swap3A_778 = tpu.vector_load %arg10[%swap3A_775, %swap3A_776, %swap3A_777] {strides = array<i32>} : memref<2x64x256xf32, #tpu.memory_space<vmem>>, vector<1x1x16xf32>,
      %swap3A_779 = vector.shape_cast %swap3A_778 : vector<1x1x16xf32> to vector<16xf32>
      %swap3A_780 = vector.shape_cast %add3A_773 : vector<16xf32> to vector<1x1x16xf32>
      tpu.vector_store %arg10[%swap3A_775, %swap3A_776, %swap3A_777], %swap3A_780 {strides = array<i32>} : memref<2x64x256xf32, #tpu.memory_space<vmem>>, vector<1x1x16xf32>,
    }
    %scan3A_141 = arith.constant 64 : i32
    %add3A_142 = arith.constant 64 : i32
    %add3A_143 = arith.addi %mul3A_2, %add3A_142 : i32
    %run_scoped3A_144 = arith.constant 1 : i32
    "tpu.region"() ({
      %run_scoped3A_462 = tpu.sem_alloc : memref<!tpu.dma_semaphore, #tpu.memory_space<semaphore_mem>>
      %dma_start3A_463 = arith.constant 0 : i32
      %dma_start3A_464 = arith.constant 0 : i32
      %dma_start3A_465 = tpu.memref_slice %arg10[%run_scoped3A_144, %dma_start3A_463, %dma_start3A_464] : memref<2x64x256xf32, #tpu.memory_space<vmem>> -> memref<1x64x256xf32, #tpu.memory_space<vmem>>
      %dma_start3A_466 = tpu.memref_squeeze %dma_start3A_465 : memref<1x64x256xf32, #tpu.memory_space<vmem>> -> memref<64x256xf32, #tpu.memory_space<vmem>>
      %dma_start3A_467 = arith.constant 0 : i32
      %dma_start3A_468 = tpu.memref_slice %arg6[%add3A_143, %dma_start3A_467] : memref<16384x256xf32, #tpu.memory_space<hbm>> -> memref<64x256xf32, #tpu.memory_space<hbm>>
      %dma_start3A_469 = arith.constant 0 : i32
      %dma_start3A_470 = tpu.memref_slice %arg6[%add3A_143, %dma_start3A_469] : memref<16384x256xf32, #tpu.memory_space<hbm>> -> memref<64x256xf32, #tpu.memory_space<hbm>>
      %dma_start3A_471 = arith.constant 0 : i32
      %dma_start3A_472 = arith.constant 0 : i32
      %dma_start3A_473 = tpu.memref_slice %arg10[%run_scoped3A_144, %dma_start3A_471, %dma_start3A_472] : memref<2x64x256xf32, #tpu.memory_space<vmem>> -> memref<1x64x256xf32, #tpu.memory_space<vmem>>
      %dma_start3A_474 = tpu.memref_squeeze %dma_start3A_473 : memref<1x64x256xf32, #tpu.memory_space<vmem>> -> memref<64x256xf32, #tpu.memory_space<vmem>>
      tpu.enqueue_dma source(%dma_start3A_474 : memref<64x256xf32, #tpu.memory_space<vmem>>) target(%dma_start3A_470 : memref<64x256xf32, #tpu.memory_space<hbm>>) target_semaphore(%run_scoped3A_462 : memref<!tpu.dma_semaphore, #tpu.memory_space<semaphore_mem>>)
      %dma_wait3A_475 = arith.constant 0 : i32
      %dma_wait3A_476 = arith.constant 0 : i32
      %dma_wait3A_477 = tpu.memref_slice %arg10[%run_scoped3A_144, %dma_wait3A_475, %dma_wait3A_476] : memref<2x64x256xf32, #tpu.memory_space<vmem>> -> memref<1x64x256xf32, #tpu.memory_space<vmem>>
      %dma_wait3A_478 = tpu.memref_squeeze %dma_wait3A_477 : memref<1x64x256xf32, #tpu.memory_space<vmem>> -> memref<64x256xf32, #tpu.memory_space<vmem>>
      %dma_wait3A_479 = arith.constant 0 : i32
      %dma_wait3A_480 = tpu.memref_slice %arg6[%add3A_143, %dma_wait3A_479] : memref<16384x256xf32, #tpu.memory_space<hbm>> -> memref<64x256xf32, #tpu.memory_space<hbm>>
      %dma_wait3A_481 = arith.constant 0 : i32
      %dma_wait3A_482 = tpu.memref_slice %arg6[%add3A_143, %dma_wait3A_481] : memref<16384x256xf32, #tpu.memory_space<hbm>> -> memref<64x256xf32, #tpu.memory_space<hbm>>
      %dma_wait3A_483 = arith.constant 0 : i32
      %dma_wait3A_484 = arith.constant 0 : i32
      %dma_wait3A_485 = tpu.memref_slice %arg10[%run_scoped3A_144, %dma_wait3A_483, %dma_wait3A_484] : memref<2x64x256xf32, #tpu.memory_space<vmem>> -> memref<1x64x256xf32, #tpu.memory_space<vmem>>
      %dma_wait3A_486 = tpu.memref_squeeze %dma_wait3A_485 : memref<1x64x256xf32, #tpu.memory_space<vmem>> -> memref<64x256xf32, #tpu.memory_space<vmem>>
      tpu.wait_dma2 semaphore(%run_scoped3A_462 : memref<!tpu.dma_semaphore, #tpu.memory_space<semaphore_mem>>) src(%dma_wait3A_486 : memref<64x256xf32, #tpu.memory_space<vmem>>) dst(%dma_wait3A_482 : memref<64x256xf32, #tpu.memory_space<hbm>>)
      tpu.yield
    }) : () -> ()
    %dma_wait3A_145 = arith.constant 0 : i32
    %dma_wait3A_146 = arith.constant 0 : i32
    %dma_wait3A_147 = arith.constant 0 : i32
    %dma_wait3A_148 = tpu.memref_slice %arg10[%dma_wait3A_145, %dma_wait3A_146, %dma_wait3A_147] : memref<2x64x256xf32, #tpu.memory_space<vmem>> -> memref<1x64x256xf32, #tpu.memory_space<vmem>>
    %dma_wait3A_149 = tpu.memref_squeeze %dma_wait3A_148 : memref<1x64x256xf32, #tpu.memory_space<vmem>> -> memref<64x256xf32, #tpu.memory_space<vmem>>
    %dma_wait3A_150 = arith.constant 128 : i32
    %dma_wait3A_151 = tpu.memref_slice %arg9[%dma_wait3A_150] : memref<512xi32, #tpu.memory_space<vmem>> -> memref<64xi32, #tpu.memory_space<vmem>>
    %dma_wait3A_152 = arith.constant 0 : i32
    %dma_wait3A_153 = arith.constant 0 : i32
    %dma_wait3A_154 = tpu.memref_slice %arg2[%dma_wait3A_152, %dma_wait3A_153] : memref<65536x256xf32, #tpu.memory_space<hbm>> -> memref<65536x256xf32, #tpu.memory_space<hbm>>
    tpu.wait_indirect_dma semaphore(%arg12 : memref<!tpu.dma_semaphore, #tpu.memory_space<semaphore_mem>>) src(%dma_wait3A_154 : memref<65536x256xf32, #tpu.memory_space<hbm>>) dst(%dma_wait3A_149 : memref<64x256xf32, #tpu.memory_space<vmem>>)
    %dma_wait3A_155 = arith.constant 0 : i32
    %dma_wait3A_156 = arith.constant 0 : i32
    %dma_wait3A_157 = arith.constant 0 : i32
    %dma_wait3A_158 = tpu.memref_slice %arg11[%dma_wait3A_155, %dma_wait3A_156, %dma_wait3A_157] : memref<2x64x256xf32, #tpu.memory_space<vmem>> -> memref<1x64x256xf32, #tpu.memory_space<vmem>>
    %dma_wait3A_159 = tpu.memref_squeeze %dma_wait3A_158 : memref<1x64x256xf32, #tpu.memory_space<vmem>> -> memref<64x256xf32, #tpu.memory_space<vmem>>
    %dma_wait3A_160 = arith.constant 0 : i32
    %dma_wait3A_161 = tpu.memref_slice %arg3[%add3A_122, %dma_wait3A_160] : memref<16384x256xf32, #tpu.memory_space<hbm>> -> memref<64x256xf32, #tpu.memory_space<hbm>>
    %dma_wait3A_162 = arith.constant 0 : i32
    %dma_wait3A_163 = arith.constant 0 : i32
    %dma_wait3A_164 = tpu.memref_slice %arg11[%dma_wait3A_155, %dma_wait3A_162, %dma_wait3A_163] : memref<2x64x256xf32, #tpu.memory_space<vmem>> -> memref<1x64x256xf32, #tpu.memory_space<vmem>>
    %dma_wait3A_165 = tpu.memref_squeeze %dma_wait3A_164 : memref<1x64x256xf32, #tpu.memory_space<vmem>> -> memref<64x256xf32, #tpu.memory_space<vmem>>
    %dma_wait3A_166 = arith.constant 0 : i32
    %dma_wait3A_167 = tpu.memref_slice %arg3[%add3A_122, %dma_wait3A_166] : memref<16384x256xf32, #tpu.memory_space<hbm>> -> memref<64x256xf32, #tpu.memory_space<hbm>>
    tpu.wait_dma2 semaphore(%arg14 : memref<!tpu.dma_semaphore, #tpu.memory_space<semaphore_mem>>) src(%dma_wait3A_167 : memref<64x256xf32, #tpu.memory_space<hbm>>) dst(%dma_wait3A_165 : memref<64x256xf32, #tpu.memory_space<vmem>>)
    %dma_start3A_168 = arith.constant 1 : i32
    %dma_start3A_169 = arith.constant 0 : i32
    %dma_start3A_170 = arith.constant 0 : i32
    %dma_start3A_171 = tpu.memref_slice %arg10[%dma_start3A_168, %dma_start3A_169, %dma_start3A_170] : memref<2x64x256xf32, #tpu.memory_space<vmem>> -> memref<1x64x256xf32, #tpu.memory_space<vmem>>
    %dma_start3A_172 = tpu.memref_squeeze %dma_start3A_171 : memref<1x64x256xf32, #tpu.memory_space<vmem>> -> memref<64x256xf32, #tpu.memory_space<vmem>>
    %dma_start3A_173 = arith.constant 192 : i32
    %dma_start3A_174 = tpu.memref_slice %arg9[%dma_start3A_173] : memref<512xi32, #tpu.memory_space<vmem>> -> memref<64xi32, #tpu.memory_space<vmem>>
    %dma_start3A_175 = arith.constant 0 : i32
    %dma_start3A_176 = arith.constant 0 : i32
    %dma_start3A_177 = tpu.memref_slice %arg2[%dma_start3A_175, %dma_start3A_176] : memref<65536x256xf32, #tpu.memory_space<hbm>> -> memref<65536x256xf32, #tpu.memory_space<hbm>>
    tpu.enqueue_indirect_dma source(%dma_start3A_177 : memref<65536x256xf32, #tpu.memory_space<hbm>>) target(%dma_start3A_172 : memref<64x256xf32, #tpu.memory_space<vmem>>) offsets(%dma_start3A_174 : memref<64xi32, #tpu.memory_space<vmem>>) semaphore(%arg13 : memref<!tpu.dma_semaphore, #tpu.memory_space<semaphore_mem>>)
    %add3A_178 = arith.constant 192 : i32
    %add3A_179 = arith.addi %mul3A_2, %add3A_178 : i32
    %dma_start3A_180 = arith.constant 1 : i32
    %dma_start3A_181 = arith.constant 0 : i32
    %dma_start3A_182 = arith.constant 0 : i32
    %dma_start3A_183 = tpu.memref_slice %arg11[%dma_start3A_180, %dma_start3A_181, %dma_start3A_182] : memref<2x64x256xf32, #tpu.memory_space<vmem>> -> memref<1x64x256xf32, #tpu.memory_space<vmem>>
    %dma_start3A_184 = tpu.memref_squeeze %dma_start3A_183 : memref<1x64x256xf32, #tpu.memory_space<vmem>> -> memref<64x256xf32, #tpu.memory_space<vmem>>
    %dma_start3A_185 = arith.constant 0 : i32
    %dma_start3A_186 = tpu.memref_slice %arg3[%add3A_179, %dma_start3A_185] : memref<16384x256xf32, #tpu.memory_space<hbm>> -> memref<64x256xf32, #tpu.memory_space<hbm>>
    %dma_start3A_187 = arith.constant 0 : i32
    %dma_start3A_188 = arith.constant 0 : i32
    %dma_start3A_189 = tpu.memref_slice %arg11[%dma_start3A_180, %dma_start3A_187, %dma_start3A_188] : memref<2x64x256xf32, #tpu.memory_space<vmem>> -> memref<1x64x256xf32, #tpu.memory_space<vmem>>
    %dma_start3A_190 = tpu.memref_squeeze %dma_start3A_189 : memref<1x64x256xf32, #tpu.memory_space<vmem>> -> memref<64x256xf32, #tpu.memory_space<vmem>>
    %dma_start3A_191 = arith.constant 0 : i32
    %dma_start3A_192 = tpu.memref_slice %arg3[%add3A_179, %dma_start3A_191] : memref<16384x256xf32, #tpu.memory_space<hbm>> -> memref<64x256xf32, #tpu.memory_space<hbm>>
    tpu.enqueue_dma source(%dma_start3A_192 : memref<64x256xf32, #tpu.memory_space<hbm>>) target(%dma_start3A_190 : memref<64x256xf32, #tpu.memory_space<vmem>>) target_semaphore(%arg15 : memref<!tpu.dma_semaphore, #tpu.memory_space<semaphore_mem>>)
    %scan3A_193 = arith.constant 0 : i32
    %scan3A_194 = arith.constant 0 : i32
    %scan3A_195 = arith.constant 64 : i32
    %scan3A_196 = arith.addi %scan3A_194, %scan3A_195 : i32
    %scan3A_197 = arith.constant 1 : i32
    scf.for %scan3A_462 = %scan3A_194 to %scan3A_196 step %scan3A_197  : i32 {
      %get3A = arith.constant 0 : i32
      %get3A_463 = arith.index_cast %get3A : i32 to index
      %get3A_464 = arith.index_cast %scan3A_462 : i32 to index
      %get3A_465 = arith.constant 0 : index
      %get3A_466 = tpu.vector_load %arg10[%get3A_463, %get3A_464, %get3A_465] {strides = array<i32>} : memref<2x64x256xf32, #tpu.memory_space<vmem>>, vector<1x1x16xf32>,
      %get3A_467 = vector.shape_cast %get3A_466 : vector<1x1x16xf32> to vector<16xf32>
      %get3A_468 = arith.constant 0 : i32
      %get3A_469 = arith.index_cast %get3A_468 : i32 to index
      %get3A_470 = arith.index_cast %scan3A_462 : i32 to index
      %get3A_471 = arith.constant 0 : index
      %get3A_472 = tpu.vector_load %arg11[%get3A_469, %get3A_470, %get3A_471] {strides = array<i32>} : memref<2x64x256xf32, #tpu.memory_space<vmem>>, vector<1x1x16xf32>,
      %get3A_473 = vector.shape_cast %get3A_472 : vector<1x1x16xf32> to vector<16xf32>
      %add3A_474 = arith.addf %get3A_467, %get3A_473 : vector<16xf32>
      %swap3A = arith.constant 0 : i32
      %swap3A_475 = arith.index_cast %swap3A : i32 to index
      %swap3A_476 = arith.index_cast %scan3A_462 : i32 to index
      %swap3A_477 = arith.constant 0 : index
      %swap3A_478 = tpu.vector_load %arg10[%swap3A_475, %swap3A_476, %swap3A_477] {strides = array<i32>} : memref<2x64x256xf32, #tpu.memory_space<vmem>>, vector<1x1x16xf32>,
      %swap3A_479 = vector.shape_cast %swap3A_478 : vector<1x1x16xf32> to vector<16xf32>
      %swap3A_480 = vector.shape_cast %add3A_474 : vector<16xf32> to vector<1x1x16xf32>
      tpu.vector_store %arg10[%swap3A_475, %swap3A_476, %swap3A_477], %swap3A_480 {strides = array<i32>} : memref<2x64x256xf32, #tpu.memory_space<vmem>>, vector<1x1x16xf32>,
      %get3A_481 = arith.constant 0 : i32
      %get3A_482 = arith.index_cast %get3A_481 : i32 to index
      %get3A_483 = arith.index_cast %scan3A_462 : i32 to index
      %get3A_484 = arith.constant 16 : index
      %get3A_485 = tpu.vector_load %arg10[%get3A_482, %get3A_483, %get3A_484] {strides = array<i32>} : memref<2x64x256xf32, #tpu.memory_space<vmem>>, vector<1x1x16xf32>,
      %get3A_486 = vector.shape_cast %get3A_485 : vector<1x1x16xf32> to vector<16xf32>
      %get3A_487 = arith.constant 0 : i32
      %get3A_488 = arith.index_cast %get3A_487 : i32 to index
      %get3A_489 = arith.index_cast %scan3A_462 : i32 to index
      %get3A_490 = arith.constant 16 : index
      %get3A_491 = tpu.vector_load %arg11[%get3A_488, %get3A_489, %get3A_490] {strides = array<i32>} : memref<2x64x256xf32, #tpu.memory_space<vmem>>, vector<1x1x16xf32>,
      %get3A_492 = vector.shape_cast %get3A_491 : vector<1x1x16xf32> to vector<16xf32>
      %add3A_493 = arith.addf %get3A_486, %get3A_492 : vector<16xf32>
      %swap3A_494 = arith.constant 0 : i32
      %swap3A_495 = arith.index_cast %swap3A_494 : i32 to index
      %swap3A_496 = arith.index_cast %scan3A_462 : i32 to index
      %swap3A_497 = arith.constant 16 : index
      %swap3A_498 = tpu.vector_load %arg10[%swap3A_495, %swap3A_496, %swap3A_497] {strides = array<i32>} : memref<2x64x256xf32, #tpu.memory_space<vmem>>, vector<1x1x16xf32>,
      %swap3A_499 = vector.shape_cast %swap3A_498 : vector<1x1x16xf32> to vector<16xf32>
      %swap3A_500 = vector.shape_cast %add3A_493 : vector<16xf32> to vector<1x1x16xf32>
      tpu.vector_store %arg10[%swap3A_495, %swap3A_496, %swap3A_497], %swap3A_500 {strides = array<i32>} : memref<2x64x256xf32, #tpu.memory_space<vmem>>, vector<1x1x16xf32>,
      %get3A_501 = arith.constant 0 : i32
      %get3A_502 = arith.index_cast %get3A_501 : i32 to index
      %get3A_503 = arith.index_cast %scan3A_462 : i32 to index
      %get3A_504 = arith.constant 32 : index
      %get3A_505 = tpu.vector_load %arg10[%get3A_502, %get3A_503, %get3A_504] {strides = array<i32>} : memref<2x64x256xf32, #tpu.memory_space<vmem>>, vector<1x1x16xf32>,
      %get3A_506 = vector.shape_cast %get3A_505 : vector<1x1x16xf32> to vector<16xf32>
      %get3A_507 = arith.constant 0 : i32
      %get3A_508 = arith.index_cast %get3A_507 : i32 to index
      %get3A_509 = arith.index_cast %scan3A_462 : i32 to index
      %get3A_510 = arith.constant 32 : index
      %get3A_511 = tpu.vector_load %arg11[%get3A_508, %get3A_509, %get3A_510] {strides = array<i32>} : memref<2x64x256xf32, #tpu.memory_space<vmem>>, vector<1x1x16xf32>,
      %get3A_512 = vector.shape_cast %get3A_511 : vector<1x1x16xf32> to vector<16xf32>
      %add3A_513 = arith.addf %get3A_506, %get3A_512 : vector<16xf32>
      %swap3A_514 = arith.constant 0 : i32
      %swap3A_515 = arith.index_cast %swap3A_514 : i32 to index
      %swap3A_516 = arith.index_cast %scan3A_462 : i32 to index
      %swap3A_517 = arith.constant 32 : index
      %swap3A_518 = tpu.vector_load %arg10[%swap3A_515, %swap3A_516, %swap3A_517] {strides = array<i32>} : memref<2x64x256xf32, #tpu.memory_space<vmem>>, vector<1x1x16xf32>,
      %swap3A_519 = vector.shape_cast %swap3A_518 : vector<1x1x16xf32> to vector<16xf32>
      %swap3A_520 = vector.shape_cast %add3A_513 : vector<16xf32> to vector<1x1x16xf32>
      tpu.vector_store %arg10[%swap3A_515, %swap3A_516, %swap3A_517], %swap3A_520 {strides = array<i32>} : memref<2x64x256xf32, #tpu.memory_space<vmem>>, vector<1x1x16xf32>,
      %get3A_521 = arith.constant 0 : i32
      %get3A_522 = arith.index_cast %get3A_521 : i32 to index
      %get3A_523 = arith.index_cast %scan3A_462 : i32 to index
      %get3A_524 = arith.constant 48 : index
      %get3A_525 = tpu.vector_load %arg10[%get3A_522, %get3A_523, %get3A_524] {strides = array<i32>} : memref<2x64x256xf32, #tpu.memory_space<vmem>>, vector<1x1x16xf32>,
      %get3A_526 = vector.shape_cast %get3A_525 : vector<1x1x16xf32> to vector<16xf32>
      %get3A_527 = arith.constant 0 : i32
      %get3A_528 = arith.index_cast %get3A_527 : i32 to index
      %get3A_529 = arith.index_cast %scan3A_462 : i32 to index
      %get3A_530 = arith.constant 48 : index
      %get3A_531 = tpu.vector_load %arg11[%get3A_528, %get3A_529, %get3A_530] {strides = array<i32>} : memref<2x64x256xf32, #tpu.memory_space<vmem>>, vector<1x1x16xf32>,
      %get3A_532 = vector.shape_cast %get3A_531 : vector<1x1x16xf32> to vector<16xf32>
      %add3A_533 = arith.addf %get3A_526, %get3A_532 : vector<16xf32>
      %swap3A_534 = arith.constant 0 : i32
      %swap3A_535 = arith.index_cast %swap3A_534 : i32 to index
      %swap3A_536 = arith.index_cast %scan3A_462 : i32 to index
      %swap3A_537 = arith.constant 48 : index
      %swap3A_538 = tpu.vector_load %arg10[%swap3A_535, %swap3A_536, %swap3A_537] {strides = array<i32>} : memref<2x64x256xf32, #tpu.memory_space<vmem>>, vector<1x1x16xf32>,
      %swap3A_539 = vector.shape_cast %swap3A_538 : vector<1x1x16xf32> to vector<16xf32>
      %swap3A_540 = vector.shape_cast %add3A_533 : vector<16xf32> to vector<1x1x16xf32>
      tpu.vector_store %arg10[%swap3A_535, %swap3A_536, %swap3A_537], %swap3A_540 {strides = array<i32>} : memref<2x64x256xf32, #tpu.memory_space<vmem>>, vector<1x1x16xf32>,
      %get3A_541 = arith.constant 0 : i32
      %get3A_542 = arith.index_cast %get3A_541 : i32 to index
      %get3A_543 = arith.index_cast %scan3A_462 : i32 to index
      %get3A_544 = arith.constant 64 : index
      %get3A_545 = tpu.vector_load %arg10[%get3A_542, %get3A_543, %get3A_544] {strides = array<i32>} : memref<2x64x256xf32, #tpu.memory_space<vmem>>, vector<1x1x16xf32>,
      %get3A_546 = vector.shape_cast %get3A_545 : vector<1x1x16xf32> to vector<16xf32>
      %get3A_547 = arith.constant 0 : i32
      %get3A_548 = arith.index_cast %get3A_547 : i32 to index
      %get3A_549 = arith.index_cast %scan3A_462 : i32 to index
      %get3A_550 = arith.constant 64 : index
      %get3A_551 = tpu.vector_load %arg11[%get3A_548, %get3A_549, %get3A_550] {strides = array<i32>} : memref<2x64x256xf32, #tpu.memory_space<vmem>>, vector<1x1x16xf32>,
      %get3A_552 = vector.shape_cast %get3A_551 : vector<1x1x16xf32> to vector<16xf32>
      %add3A_553 = arith.addf %get3A_546, %get3A_552 : vector<16xf32>
      %swap3A_554 = arith.constant 0 : i32
      %swap3A_555 = arith.index_cast %swap3A_554 : i32 to index
      %swap3A_556 = arith.index_cast %scan3A_462 : i32 to index
      %swap3A_557 = arith.constant 64 : index
      %swap3A_558 = tpu.vector_load %arg10[%swap3A_555, %swap3A_556, %swap3A_557] {strides = array<i32>} : memref<2x64x256xf32, #tpu.memory_space<vmem>>, vector<1x1x16xf32>,
      %swap3A_559 = vector.shape_cast %swap3A_558 : vector<1x1x16xf32> to vector<16xf32>
      %swap3A_560 = vector.shape_cast %add3A_553 : vector<16xf32> to vector<1x1x16xf32>
      tpu.vector_store %arg10[%swap3A_555, %swap3A_556, %swap3A_557], %swap3A_560 {strides = array<i32>} : memref<2x64x256xf32, #tpu.memory_space<vmem>>, vector<1x1x16xf32>,
      %get3A_561 = arith.constant 0 : i32
      %get3A_562 = arith.index_cast %get3A_561 : i32 to index
      %get3A_563 = arith.index_cast %scan3A_462 : i32 to index
      %get3A_564 = arith.constant 80 : index
      %get3A_565 = tpu.vector_load %arg10[%get3A_562, %get3A_563, %get3A_564] {strides = array<i32>} : memref<2x64x256xf32, #tpu.memory_space<vmem>>, vector<1x1x16xf32>,
      %get3A_566 = vector.shape_cast %get3A_565 : vector<1x1x16xf32> to vector<16xf32>
      %get3A_567 = arith.constant 0 : i32
      %get3A_568 = arith.index_cast %get3A_567 : i32 to index
      %get3A_569 = arith.index_cast %scan3A_462 : i32 to index
      %get3A_570 = arith.constant 80 : index
      %get3A_571 = tpu.vector_load %arg11[%get3A_568, %get3A_569, %get3A_570] {strides = array<i32>} : memref<2x64x256xf32, #tpu.memory_space<vmem>>, vector<1x1x16xf32>,
      %get3A_572 = vector.shape_cast %get3A_571 : vector<1x1x16xf32> to vector<16xf32>
      %add3A_573 = arith.addf %get3A_566, %get3A_572 : vector<16xf32>
      %swap3A_574 = arith.constant 0 : i32
      %swap3A_575 = arith.index_cast %swap3A_574 : i32 to index
      %swap3A_576 = arith.index_cast %scan3A_462 : i32 to index
      %swap3A_577 = arith.constant 80 : index
      %swap3A_578 = tpu.vector_load %arg10[%swap3A_575, %swap3A_576, %swap3A_577] {strides = array<i32>} : memref<2x64x256xf32, #tpu.memory_space<vmem>>, vector<1x1x16xf32>,
      %swap3A_579 = vector.shape_cast %swap3A_578 : vector<1x1x16xf32> to vector<16xf32>
      %swap3A_580 = vector.shape_cast %add3A_573 : vector<16xf32> to vector<1x1x16xf32>
      tpu.vector_store %arg10[%swap3A_575, %swap3A_576, %swap3A_577], %swap3A_580 {strides = array<i32>} : memref<2x64x256xf32, #tpu.memory_space<vmem>>, vector<1x1x16xf32>,
      %get3A_581 = arith.constant 0 : i32
      %get3A_582 = arith.index_cast %get3A_581 : i32 to index
      %get3A_583 = arith.index_cast %scan3A_462 : i32 to index
      %get3A_584 = arith.constant 96 : index
      %get3A_585 = tpu.vector_load %arg10[%get3A_582, %get3A_583, %get3A_584] {strides = array<i32>} : memref<2x64x256xf32, #tpu.memory_space<vmem>>, vector<1x1x16xf32>,
      %get3A_586 = vector.shape_cast %get3A_585 : vector<1x1x16xf32> to vector<16xf32>
      %get3A_587 = arith.constant 0 : i32
      %get3A_588 = arith.index_cast %get3A_587 : i32 to index
      %get3A_589 = arith.index_cast %scan3A_462 : i32 to index
      %get3A_590 = arith.constant 96 : index
      %get3A_591 = tpu.vector_load %arg11[%get3A_588, %get3A_589, %get3A_590] {strides = array<i32>} : memref<2x64x256xf32, #tpu.memory_space<vmem>>, vector<1x1x16xf32>,
      %get3A_592 = vector.shape_cast %get3A_591 : vector<1x1x16xf32> to vector<16xf32>
      %add3A_593 = arith.addf %get3A_586, %get3A_592 : vector<16xf32>
      %swap3A_594 = arith.constant 0 : i32
      %swap3A_595 = arith.index_cast %swap3A_594 : i32 to index
      %swap3A_596 = arith.index_cast %scan3A_462 : i32 to index
      %swap3A_597 = arith.constant 96 : index
      %swap3A_598 = tpu.vector_load %arg10[%swap3A_595, %swap3A_596, %swap3A_597] {strides = array<i32>} : memref<2x64x256xf32, #tpu.memory_space<vmem>>, vector<1x1x16xf32>,
      %swap3A_599 = vector.shape_cast %swap3A_598 : vector<1x1x16xf32> to vector<16xf32>
      %swap3A_600 = vector.shape_cast %add3A_593 : vector<16xf32> to vector<1x1x16xf32>
      tpu.vector_store %arg10[%swap3A_595, %swap3A_596, %swap3A_597], %swap3A_600 {strides = array<i32>} : memref<2x64x256xf32, #tpu.memory_space<vmem>>, vector<1x1x16xf32>,
      %get3A_601 = arith.constant 0 : i32
      %get3A_602 = arith.index_cast %get3A_601 : i32 to index
      %get3A_603 = arith.index_cast %scan3A_462 : i32 to index
      %get3A_604 = arith.constant 112 : index
      %get3A_605 = tpu.vector_load %arg10[%get3A_602, %get3A_603, %get3A_604] {strides = array<i32>} : memref<2x64x256xf32, #tpu.memory_space<vmem>>, vector<1x1x16xf32>,
      %get3A_606 = vector.shape_cast %get3A_605 : vector<1x1x16xf32> to vector<16xf32>
      %get3A_607 = arith.constant 0 : i32
      %get3A_608 = arith.index_cast %get3A_607 : i32 to index
      %get3A_609 = arith.index_cast %scan3A_462 : i32 to index
      %get3A_610 = arith.constant 112 : index
      %get3A_611 = tpu.vector_load %arg11[%get3A_608, %get3A_609, %get3A_610] {strides = array<i32>} : memref<2x64x256xf32, #tpu.memory_space<vmem>>, vector<1x1x16xf32>,
      %get3A_612 = vector.shape_cast %get3A_611 : vector<1x1x16xf32> to vector<16xf32>
      %add3A_613 = arith.addf %get3A_606, %get3A_612 : vector<16xf32>
      %swap3A_614 = arith.constant 0 : i32
      %swap3A_615 = arith.index_cast %swap3A_614 : i32 to index
      %swap3A_616 = arith.index_cast %scan3A_462 : i32 to index
      %swap3A_617 = arith.constant 112 : index
      %swap3A_618 = tpu.vector_load %arg10[%swap3A_615, %swap3A_616, %swap3A_617] {strides = array<i32>} : memref<2x64x256xf32, #tpu.memory_space<vmem>>, vector<1x1x16xf32>,
      %swap3A_619 = vector.shape_cast %swap3A_618 : vector<1x1x16xf32> to vector<16xf32>
      %swap3A_620 = vector.shape_cast %add3A_613 : vector<16xf32> to vector<1x1x16xf32>
      tpu.vector_store %arg10[%swap3A_615, %swap3A_616, %swap3A_617], %swap3A_620 {strides = array<i32>} : memref<2x64x256xf32, #tpu.memory_space<vmem>>, vector<1x1x16xf32>,
      %get3A_621 = arith.constant 0 : i32
      %get3A_622 = arith.index_cast %get3A_621 : i32 to index
      %get3A_623 = arith.index_cast %scan3A_462 : i32 to index
      %get3A_624 = arith.constant 128 : index
      %get3A_625 = tpu.vector_load %arg10[%get3A_622, %get3A_623, %get3A_624] {strides = array<i32>} : memref<2x64x256xf32, #tpu.memory_space<vmem>>, vector<1x1x16xf32>,
      %get3A_626 = vector.shape_cast %get3A_625 : vector<1x1x16xf32> to vector<16xf32>
      %get3A_627 = arith.constant 0 : i32
      %get3A_628 = arith.index_cast %get3A_627 : i32 to index
      %get3A_629 = arith.index_cast %scan3A_462 : i32 to index
      %get3A_630 = arith.constant 128 : index
      %get3A_631 = tpu.vector_load %arg11[%get3A_628, %get3A_629, %get3A_630] {strides = array<i32>} : memref<2x64x256xf32, #tpu.memory_space<vmem>>, vector<1x1x16xf32>,
      %get3A_632 = vector.shape_cast %get3A_631 : vector<1x1x16xf32> to vector<16xf32>
      %add3A_633 = arith.addf %get3A_626, %get3A_632 : vector<16xf32>
      %swap3A_634 = arith.constant 0 : i32
      %swap3A_635 = arith.index_cast %swap3A_634 : i32 to index
      %swap3A_636 = arith.index_cast %scan3A_462 : i32 to index
      %swap3A_637 = arith.constant 128 : index
      %swap3A_638 = tpu.vector_load %arg10[%swap3A_635, %swap3A_636, %swap3A_637] {strides = array<i32>} : memref<2x64x256xf32, #tpu.memory_space<vmem>>, vector<1x1x16xf32>,
      %swap3A_639 = vector.shape_cast %swap3A_638 : vector<1x1x16xf32> to vector<16xf32>
      %swap3A_640 = vector.shape_cast %add3A_633 : vector<16xf32> to vector<1x1x16xf32>
      tpu.vector_store %arg10[%swap3A_635, %swap3A_636, %swap3A_637], %swap3A_640 {strides = array<i32>} : memref<2x64x256xf32, #tpu.memory_space<vmem>>, vector<1x1x16xf32>,
      %get3A_641 = arith.constant 0 : i32
      %get3A_642 = arith.index_cast %get3A_641 : i32 to index
      %get3A_643 = arith.index_cast %scan3A_462 : i32 to index
      %get3A_644 = arith.constant 144 : index
      %get3A_645 = tpu.vector_load %arg10[%get3A_642, %get3A_643, %get3A_644] {strides = array<i32>} : memref<2x64x256xf32, #tpu.memory_space<vmem>>, vector<1x1x16xf32>,
      %get3A_646 = vector.shape_cast %get3A_645 : vector<1x1x16xf32> to vector<16xf32>
      %get3A_647 = arith.constant 0 : i32
      %get3A_648 = arith.index_cast %get3A_647 : i32 to index
      %get3A_649 = arith.index_cast %scan3A_462 : i32 to index
      %get3A_650 = arith.constant 144 : index
      %get3A_651 = tpu.vector_load %arg11[%get3A_648, %get3A_649, %get3A_650] {strides = array<i32>} : memref<2x64x256xf32, #tpu.memory_space<vmem>>, vector<1x1x16xf32>,
      %get3A_652 = vector.shape_cast %get3A_651 : vector<1x1x16xf32> to vector<16xf32>
      %add3A_653 = arith.addf %get3A_646, %get3A_652 : vector<16xf32>
      %swap3A_654 = arith.constant 0 : i32
      %swap3A_655 = arith.index_cast %swap3A_654 : i32 to index
      %swap3A_656 = arith.index_cast %scan3A_462 : i32 to index
      %swap3A_657 = arith.constant 144 : index
      %swap3A_658 = tpu.vector_load %arg10[%swap3A_655, %swap3A_656, %swap3A_657] {strides = array<i32>} : memref<2x64x256xf32, #tpu.memory_space<vmem>>, vector<1x1x16xf32>,
      %swap3A_659 = vector.shape_cast %swap3A_658 : vector<1x1x16xf32> to vector<16xf32>
      %swap3A_660 = vector.shape_cast %add3A_653 : vector<16xf32> to vector<1x1x16xf32>
      tpu.vector_store %arg10[%swap3A_655, %swap3A_656, %swap3A_657], %swap3A_660 {strides = array<i32>} : memref<2x64x256xf32, #tpu.memory_space<vmem>>, vector<1x1x16xf32>,
      %get3A_661 = arith.constant 0 : i32
      %get3A_662 = arith.index_cast %get3A_661 : i32 to index
      %get3A_663 = arith.index_cast %scan3A_462 : i32 to index
      %get3A_664 = arith.constant 160 : index
      %get3A_665 = tpu.vector_load %arg10[%get3A_662, %get3A_663, %get3A_664] {strides = array<i32>} : memref<2x64x256xf32, #tpu.memory_space<vmem>>, vector<1x1x16xf32>,
      %get3A_666 = vector.shape_cast %get3A_665 : vector<1x1x16xf32> to vector<16xf32>
      %get3A_667 = arith.constant 0 : i32
      %get3A_668 = arith.index_cast %get3A_667 : i32 to index
      %get3A_669 = arith.index_cast %scan3A_462 : i32 to index
      %get3A_670 = arith.constant 160 : index
      %get3A_671 = tpu.vector_load %arg11[%get3A_668, %get3A_669, %get3A_670] {strides = array<i32>} : memref<2x64x256xf32, #tpu.memory_space<vmem>>, vector<1x1x16xf32>,
      %get3A_672 = vector.shape_cast %get3A_671 : vector<1x1x16xf32> to vector<16xf32>
      %add3A_673 = arith.addf %get3A_666, %get3A_672 : vector<16xf32>
      %swap3A_674 = arith.constant 0 : i32
      %swap3A_675 = arith.index_cast %swap3A_674 : i32 to index
      %swap3A_676 = arith.index_cast %scan3A_462 : i32 to index
      %swap3A_677 = arith.constant 160 : index
      %swap3A_678 = tpu.vector_load %arg10[%swap3A_675, %swap3A_676, %swap3A_677] {strides = array<i32>} : memref<2x64x256xf32, #tpu.memory_space<vmem>>, vector<1x1x16xf32>,
      %swap3A_679 = vector.shape_cast %swap3A_678 : vector<1x1x16xf32> to vector<16xf32>
      %swap3A_680 = vector.shape_cast %add3A_673 : vector<16xf32> to vector<1x1x16xf32>
      tpu.vector_store %arg10[%swap3A_675, %swap3A_676, %swap3A_677], %swap3A_680 {strides = array<i32>} : memref<2x64x256xf32, #tpu.memory_space<vmem>>, vector<1x1x16xf32>,
      %get3A_681 = arith.constant 0 : i32
      %get3A_682 = arith.index_cast %get3A_681 : i32 to index
      %get3A_683 = arith.index_cast %scan3A_462 : i32 to index
      %get3A_684 = arith.constant 176 : index
      %get3A_685 = tpu.vector_load %arg10[%get3A_682, %get3A_683, %get3A_684] {strides = array<i32>} : memref<2x64x256xf32, #tpu.memory_space<vmem>>, vector<1x1x16xf32>,
      %get3A_686 = vector.shape_cast %get3A_685 : vector<1x1x16xf32> to vector<16xf32>
      %get3A_687 = arith.constant 0 : i32
      %get3A_688 = arith.index_cast %get3A_687 : i32 to index
      %get3A_689 = arith.index_cast %scan3A_462 : i32 to index
      %get3A_690 = arith.constant 176 : index
      %get3A_691 = tpu.vector_load %arg11[%get3A_688, %get3A_689, %get3A_690] {strides = array<i32>} : memref<2x64x256xf32, #tpu.memory_space<vmem>>, vector<1x1x16xf32>,
      %get3A_692 = vector.shape_cast %get3A_691 : vector<1x1x16xf32> to vector<16xf32>
      %add3A_693 = arith.addf %get3A_686, %get3A_692 : vector<16xf32>
      %swap3A_694 = arith.constant 0 : i32
      %swap3A_695 = arith.index_cast %swap3A_694 : i32 to index
      %swap3A_696 = arith.index_cast %scan3A_462 : i32 to index
      %swap3A_697 = arith.constant 176 : index
      %swap3A_698 = tpu.vector_load %arg10[%swap3A_695, %swap3A_696, %swap3A_697] {strides = array<i32>} : memref<2x64x256xf32, #tpu.memory_space<vmem>>, vector<1x1x16xf32>,
      %swap3A_699 = vector.shape_cast %swap3A_698 : vector<1x1x16xf32> to vector<16xf32>
      %swap3A_700 = vector.shape_cast %add3A_693 : vector<16xf32> to vector<1x1x16xf32>
      tpu.vector_store %arg10[%swap3A_695, %swap3A_696, %swap3A_697], %swap3A_700 {strides = array<i32>} : memref<2x64x256xf32, #tpu.memory_space<vmem>>, vector<1x1x16xf32>,
      %get3A_701 = arith.constant 0 : i32
      %get3A_702 = arith.index_cast %get3A_701 : i32 to index
      %get3A_703 = arith.index_cast %scan3A_462 : i32 to index
      %get3A_704 = arith.constant 192 : index
      %get3A_705 = tpu.vector_load %arg10[%get3A_702, %get3A_703, %get3A_704] {strides = array<i32>} : memref<2x64x256xf32, #tpu.memory_space<vmem>>, vector<1x1x16xf32>,
      %get3A_706 = vector.shape_cast %get3A_705 : vector<1x1x16xf32> to vector<16xf32>
      %get3A_707 = arith.constant 0 : i32
      %get3A_708 = arith.index_cast %get3A_707 : i32 to index
      %get3A_709 = arith.index_cast %scan3A_462 : i32 to index
      %get3A_710 = arith.constant 192 : index
      %get3A_711 = tpu.vector_load %arg11[%get3A_708, %get3A_709, %get3A_710] {strides = array<i32>} : memref<2x64x256xf32, #tpu.memory_space<vmem>>, vector<1x1x16xf32>,
      %get3A_712 = vector.shape_cast %get3A_711 : vector<1x1x16xf32> to vector<16xf32>
      %add3A_713 = arith.addf %get3A_706, %get3A_712 : vector<16xf32>
      %swap3A_714 = arith.constant 0 : i32
      %swap3A_715 = arith.index_cast %swap3A_714 : i32 to index
      %swap3A_716 = arith.index_cast %scan3A_462 : i32 to index
      %swap3A_717 = arith.constant 192 : index
      %swap3A_718 = tpu.vector_load %arg10[%swap3A_715, %swap3A_716, %swap3A_717] {strides = array<i32>} : memref<2x64x256xf32, #tpu.memory_space<vmem>>, vector<1x1x16xf32>,
      %swap3A_719 = vector.shape_cast %swap3A_718 : vector<1x1x16xf32> to vector<16xf32>
      %swap3A_720 = vector.shape_cast %add3A_713 : vector<16xf32> to vector<1x1x16xf32>
      tpu.vector_store %arg10[%swap3A_715, %swap3A_716, %swap3A_717], %swap3A_720 {strides = array<i32>} : memref<2x64x256xf32, #tpu.memory_space<vmem>>, vector<1x1x16xf32>,
      %get3A_721 = arith.constant 0 : i32
      %get3A_722 = arith.index_cast %get3A_721 : i32 to index
      %get3A_723 = arith.index_cast %scan3A_462 : i32 to index
      %get3A_724 = arith.constant 208 : index
      %get3A_725 = tpu.vector_load %arg10[%get3A_722, %get3A_723, %get3A_724] {strides = array<i32>} : memref<2x64x256xf32, #tpu.memory_space<vmem>>, vector<1x1x16xf32>,
      %get3A_726 = vector.shape_cast %get3A_725 : vector<1x1x16xf32> to vector<16xf32>
      %get3A_727 = arith.constant 0 : i32
      %get3A_728 = arith.index_cast %get3A_727 : i32 to index
      %get3A_729 = arith.index_cast %scan3A_462 : i32 to index
      %get3A_730 = arith.constant 208 : index
      %get3A_731 = tpu.vector_load %arg11[%get3A_728, %get3A_729, %get3A_730] {strides = array<i32>} : memref<2x64x256xf32, #tpu.memory_space<vmem>>, vector<1x1x16xf32>,
      %get3A_732 = vector.shape_cast %get3A_731 : vector<1x1x16xf32> to vector<16xf32>
      %add3A_733 = arith.addf %get3A_726, %get3A_732 : vector<16xf32>
      %swap3A_734 = arith.constant 0 : i32
      %swap3A_735 = arith.index_cast %swap3A_734 : i32 to index
      %swap3A_736 = arith.index_cast %scan3A_462 : i32 to index
      %swap3A_737 = arith.constant 208 : index
      %swap3A_738 = tpu.vector_load %arg10[%swap3A_735, %swap3A_736, %swap3A_737] {strides = array<i32>} : memref<2x64x256xf32, #tpu.memory_space<vmem>>, vector<1x1x16xf32>,
      %swap3A_739 = vector.shape_cast %swap3A_738 : vector<1x1x16xf32> to vector<16xf32>
      %swap3A_740 = vector.shape_cast %add3A_733 : vector<16xf32> to vector<1x1x16xf32>
      tpu.vector_store %arg10[%swap3A_735, %swap3A_736, %swap3A_737], %swap3A_740 {strides = array<i32>} : memref<2x64x256xf32, #tpu.memory_space<vmem>>, vector<1x1x16xf32>,
      %get3A_741 = arith.constant 0 : i32
      %get3A_742 = arith.index_cast %get3A_741 : i32 to index
      %get3A_743 = arith.index_cast %scan3A_462 : i32 to index
      %get3A_744 = arith.constant 224 : index
      %get3A_745 = tpu.vector_load %arg10[%get3A_742, %get3A_743, %get3A_744] {strides = array<i32>} : memref<2x64x256xf32, #tpu.memory_space<vmem>>, vector<1x1x16xf32>,
      %get3A_746 = vector.shape_cast %get3A_745 : vector<1x1x16xf32> to vector<16xf32>
      %get3A_747 = arith.constant 0 : i32
      %get3A_748 = arith.index_cast %get3A_747 : i32 to index
      %get3A_749 = arith.index_cast %scan3A_462 : i32 to index
      %get3A_750 = arith.constant 224 : index
      %get3A_751 = tpu.vector_load %arg11[%get3A_748, %get3A_749, %get3A_750] {strides = array<i32>} : memref<2x64x256xf32, #tpu.memory_space<vmem>>, vector<1x1x16xf32>,
      %get3A_752 = vector.shape_cast %get3A_751 : vector<1x1x16xf32> to vector<16xf32>
      %add3A_753 = arith.addf %get3A_746, %get3A_752 : vector<16xf32>
      %swap3A_754 = arith.constant 0 : i32
      %swap3A_755 = arith.index_cast %swap3A_754 : i32 to index
      %swap3A_756 = arith.index_cast %scan3A_462 : i32 to index
      %swap3A_757 = arith.constant 224 : index
      %swap3A_758 = tpu.vector_load %arg10[%swap3A_755, %swap3A_756, %swap3A_757] {strides = array<i32>} : memref<2x64x256xf32, #tpu.memory_space<vmem>>, vector<1x1x16xf32>,
      %swap3A_759 = vector.shape_cast %swap3A_758 : vector<1x1x16xf32> to vector<16xf32>
      %swap3A_760 = vector.shape_cast %add3A_753 : vector<16xf32> to vector<1x1x16xf32>
      tpu.vector_store %arg10[%swap3A_755, %swap3A_756, %swap3A_757], %swap3A_760 {strides = array<i32>} : memref<2x64x256xf32, #tpu.memory_space<vmem>>, vector<1x1x16xf32>,
      %get3A_761 = arith.constant 0 : i32
      %get3A_762 = arith.index_cast %get3A_761 : i32 to index
      %get3A_763 = arith.index_cast %scan3A_462 : i32 to index
      %get3A_764 = arith.constant 240 : index
      %get3A_765 = tpu.vector_load %arg10[%get3A_762, %get3A_763, %get3A_764] {strides = array<i32>} : memref<2x64x256xf32, #tpu.memory_space<vmem>>, vector<1x1x16xf32>,
      %get3A_766 = vector.shape_cast %get3A_765 : vector<1x1x16xf32> to vector<16xf32>
      %get3A_767 = arith.constant 0 : i32
      %get3A_768 = arith.index_cast %get3A_767 : i32 to index
      %get3A_769 = arith.index_cast %scan3A_462 : i32 to index
      %get3A_770 = arith.constant 240 : index
      %get3A_771 = tpu.vector_load %arg11[%get3A_768, %get3A_769, %get3A_770] {strides = array<i32>} : memref<2x64x256xf32, #tpu.memory_space<vmem>>, vector<1x1x16xf32>,
      %get3A_772 = vector.shape_cast %get3A_771 : vector<1x1x16xf32> to vector<16xf32>
      %add3A_773 = arith.addf %get3A_766, %get3A_772 : vector<16xf32>
      %swap3A_774 = arith.constant 0 : i32
      %swap3A_775 = arith.index_cast %swap3A_774 : i32 to index
      %swap3A_776 = arith.index_cast %scan3A_462 : i32 to index
      %swap3A_777 = arith.constant 240 : index
      %swap3A_778 = tpu.vector_load %arg10[%swap3A_775, %swap3A_776, %swap3A_777] {strides = array<i32>} : memref<2x64x256xf32, #tpu.memory_space<vmem>>, vector<1x1x16xf32>,
      %swap3A_779 = vector.shape_cast %swap3A_778 : vector<1x1x16xf32> to vector<16xf32>
      %swap3A_780 = vector.shape_cast %add3A_773 : vector<16xf32> to vector<1x1x16xf32>
      tpu.vector_store %arg10[%swap3A_775, %swap3A_776, %swap3A_777], %swap3A_780 {strides = array<i32>} : memref<2x64x256xf32, #tpu.memory_space<vmem>>, vector<1x1x16xf32>,
    }
    %scan3A_198 = arith.constant 64 : i32
    %add3A_199 = arith.constant 128 : i32
    %add3A_200 = arith.addi %mul3A_2, %add3A_199 : i32
    %run_scoped3A_201 = arith.constant 0 : i32
    "tpu.region"() ({
      %run_scoped3A_462 = tpu.sem_alloc : memref<!tpu.dma_semaphore, #tpu.memory_space<semaphore_mem>>
      %dma_start3A_463 = arith.constant 0 : i32
      %dma_start3A_464 = arith.constant 0 : i32
      %dma_start3A_465 = tpu.memref_slice %arg10[%run_scoped3A_201, %dma_start3A_463, %dma_start3A_464] : memref<2x64x256xf32, #tpu.memory_space<vmem>> -> memref<1x64x256xf32, #tpu.memory_space<vmem>>
      %dma_start3A_466 = tpu.memref_squeeze %dma_start3A_465 : memref<1x64x256xf32, #tpu.memory_space<vmem>> -> memref<64x256xf32, #tpu.memory_space<vmem>>
      %dma_start3A_467 = arith.constant 0 : i32
      %dma_start3A_468 = tpu.memref_slice %arg6[%add3A_200, %dma_start3A_467] : memref<16384x256xf32, #tpu.memory_space<hbm>> -> memref<64x256xf32, #tpu.memory_space<hbm>>
      %dma_start3A_469 = arith.constant 0 : i32
      %dma_start3A_470 = tpu.memref_slice %arg6[%add3A_200, %dma_start3A_469] : memref<16384x256xf32, #tpu.memory_space<hbm>> -> memref<64x256xf32, #tpu.memory_space<hbm>>
      %dma_start3A_471 = arith.constant 0 : i32
      %dma_start3A_472 = arith.constant 0 : i32
      %dma_start3A_473 = tpu.memref_slice %arg10[%run_scoped3A_201, %dma_start3A_471, %dma_start3A_472] : memref<2x64x256xf32, #tpu.memory_space<vmem>> -> memref<1x64x256xf32, #tpu.memory_space<vmem>>
      %dma_start3A_474 = tpu.memref_squeeze %dma_start3A_473 : memref<1x64x256xf32, #tpu.memory_space<vmem>> -> memref<64x256xf32, #tpu.memory_space<vmem>>
      tpu.enqueue_dma source(%dma_start3A_474 : memref<64x256xf32, #tpu.memory_space<vmem>>) target(%dma_start3A_470 : memref<64x256xf32, #tpu.memory_space<hbm>>) target_semaphore(%run_scoped3A_462 : memref<!tpu.dma_semaphore, #tpu.memory_space<semaphore_mem>>)
      %dma_wait3A_475 = arith.constant 0 : i32
      %dma_wait3A_476 = arith.constant 0 : i32
      %dma_wait3A_477 = tpu.memref_slice %arg10[%run_scoped3A_201, %dma_wait3A_475, %dma_wait3A_476] : memref<2x64x256xf32, #tpu.memory_space<vmem>> -> memref<1x64x256xf32, #tpu.memory_space<vmem>>
      %dma_wait3A_478 = tpu.memref_squeeze %dma_wait3A_477 : memref<1x64x256xf32, #tpu.memory_space<vmem>> -> memref<64x256xf32, #tpu.memory_space<vmem>>
      %dma_wait3A_479 = arith.constant 0 : i32
      %dma_wait3A_480 = tpu.memref_slice %arg6[%add3A_200, %dma_wait3A_479] : memref<16384x256xf32, #tpu.memory_space<hbm>> -> memref<64x256xf32, #tpu.memory_space<hbm>>
      %dma_wait3A_481 = arith.constant 0 : i32
      %dma_wait3A_482 = tpu.memref_slice %arg6[%add3A_200, %dma_wait3A_481] : memref<16384x256xf32, #tpu.memory_space<hbm>> -> memref<64x256xf32, #tpu.memory_space<hbm>>
      %dma_wait3A_483 = arith.constant 0 : i32
      %dma_wait3A_484 = arith.constant 0 : i32
      %dma_wait3A_485 = tpu.memref_slice %arg10[%run_scoped3A_201, %dma_wait3A_483, %dma_wait3A_484] : memref<2x64x256xf32, #tpu.memory_space<vmem>> -> memref<1x64x256xf32, #tpu.memory_space<vmem>>
      %dma_wait3A_486 = tpu.memref_squeeze %dma_wait3A_485 : memref<1x64x256xf32, #tpu.memory_space<vmem>> -> memref<64x256xf32, #tpu.memory_space<vmem>>
      tpu.wait_dma2 semaphore(%run_scoped3A_462 : memref<!tpu.dma_semaphore, #tpu.memory_space<semaphore_mem>>) src(%dma_wait3A_486 : memref<64x256xf32, #tpu.memory_space<vmem>>) dst(%dma_wait3A_482 : memref<64x256xf32, #tpu.memory_space<hbm>>)
      tpu.yield
    }) : () -> ()
    %dma_wait3A_202 = arith.constant 1 : i32
    %dma_wait3A_203 = arith.constant 0 : i32
    %dma_wait3A_204 = arith.constant 0 : i32
    %dma_wait3A_205 = tpu.memref_slice %arg10[%dma_wait3A_202, %dma_wait3A_203, %dma_wait3A_204] : memref<2x64x256xf32, #tpu.memory_space<vmem>> -> memref<1x64x256xf32, #tpu.memory_space<vmem>>
    %dma_wait3A_206 = tpu.memref_squeeze %dma_wait3A_205 : memref<1x64x256xf32, #tpu.memory_space<vmem>> -> memref<64x256xf32, #tpu.memory_space<vmem>>
    %dma_wait3A_207 = arith.constant 192 : i32
    %dma_wait3A_208 = tpu.memref_slice %arg9[%dma_wait3A_207] : memref<512xi32, #tpu.memory_space<vmem>> -> memref<64xi32, #tpu.memory_space<vmem>>
    %dma_wait3A_209 = arith.constant 0 : i32
    %dma_wait3A_210 = arith.constant 0 : i32
    %dma_wait3A_211 = tpu.memref_slice %arg2[%dma_wait3A_209, %dma_wait3A_210] : memref<65536x256xf32, #tpu.memory_space<hbm>> -> memref<65536x256xf32, #tpu.memory_space<hbm>>
    tpu.wait_indirect_dma semaphore(%arg13 : memref<!tpu.dma_semaphore, #tpu.memory_space<semaphore_mem>>) src(%dma_wait3A_211 : memref<65536x256xf32, #tpu.memory_space<hbm>>) dst(%dma_wait3A_206 : memref<64x256xf32, #tpu.memory_space<vmem>>)
    %dma_wait3A_212 = arith.constant 1 : i32
    %dma_wait3A_213 = arith.constant 0 : i32
    %dma_wait3A_214 = arith.constant 0 : i32
    %dma_wait3A_215 = tpu.memref_slice %arg11[%dma_wait3A_212, %dma_wait3A_213, %dma_wait3A_214] : memref<2x64x256xf32, #tpu.memory_space<vmem>> -> memref<1x64x256xf32, #tpu.memory_space<vmem>>
    %dma_wait3A_216 = tpu.memref_squeeze %dma_wait3A_215 : memref<1x64x256xf32, #tpu.memory_space<vmem>> -> memref<64x256xf32, #tpu.memory_space<vmem>>
    %dma_wait3A_217 = arith.constant 0 : i32
    %dma_wait3A_218 = tpu.memref_slice %arg3[%add3A_179, %dma_wait3A_217] : memref<16384x256xf32, #tpu.memory_space<hbm>> -> memref<64x256xf32, #tpu.memory_space<hbm>>
    %dma_wait3A_219 = arith.constant 0 : i32
    %dma_wait3A_220 = arith.constant 0 : i32
    %dma_wait3A_221 = tpu.memref_slice %arg11[%dma_wait3A_212, %dma_wait3A_219, %dma_wait3A_220] : memref<2x64x256xf32, #tpu.memory_space<vmem>> -> memref<1x64x256xf32, #tpu.memory_space<vmem>>
    %dma_wait3A_222 = tpu.memref_squeeze %dma_wait3A_221 : memref<1x64x256xf32, #tpu.memory_space<vmem>> -> memref<64x256xf32, #tpu.memory_space<vmem>>
    %dma_wait3A_223 = arith.constant 0 : i32
    %dma_wait3A_224 = tpu.memref_slice %arg3[%add3A_179, %dma_wait3A_223] : memref<16384x256xf32, #tpu.memory_space<hbm>> -> memref<64x256xf32, #tpu.memory_space<hbm>>
    tpu.wait_dma2 semaphore(%arg15 : memref<!tpu.dma_semaphore, #tpu.memory_space<semaphore_mem>>) src(%dma_wait3A_224 : memref<64x256xf32, #tpu.memory_space<hbm>>) dst(%dma_wait3A_222 : memref<64x256xf32, #tpu.memory_space<vmem>>)
    %dma_start3A_225 = arith.constant 0 : i32
    %dma_start3A_226 = arith.constant 0 : i32
    %dma_start3A_227 = arith.constant 0 : i32
    %dma_start3A_228 = tpu.memref_slice %arg10[%dma_start3A_225, %dma_start3A_226, %dma_start3A_227] : memref<2x64x256xf32, #tpu.memory_space<vmem>> -> memref<1x64x256xf32, #tpu.memory_space<vmem>>
    %dma_start3A_229 = tpu.memref_squeeze %dma_start3A_228 : memref<1x64x256xf32, #tpu.memory_space<vmem>> -> memref<64x256xf32, #tpu.memory_space<vmem>>
    %dma_start3A_230 = arith.constant 256 : i32
    %dma_start3A_231 = tpu.memref_slice %arg9[%dma_start3A_230] : memref<512xi32, #tpu.memory_space<vmem>> -> memref<64xi32, #tpu.memory_space<vmem>>
    %dma_start3A_232 = arith.constant 0 : i32
    %dma_start3A_233 = arith.constant 0 : i32
    %dma_start3A_234 = tpu.memref_slice %arg2[%dma_start3A_232, %dma_start3A_233] : memref<65536x256xf32, #tpu.memory_space<hbm>> -> memref<65536x256xf32, #tpu.memory_space<hbm>>
    tpu.enqueue_indirect_dma source(%dma_start3A_234 : memref<65536x256xf32, #tpu.memory_space<hbm>>) target(%dma_start3A_229 : memref<64x256xf32, #tpu.memory_space<vmem>>) offsets(%dma_start3A_231 : memref<64xi32, #tpu.memory_space<vmem>>) semaphore(%arg12 : memref<!tpu.dma_semaphore, #tpu.memory_space<semaphore_mem>>)
    %add3A_235 = arith.constant 256 : i32
    %add3A_236 = arith.addi %mul3A_2, %add3A_235 : i32
    %dma_start3A_237 = arith.constant 0 : i32
    %dma_start3A_238 = arith.constant 0 : i32
    %dma_start3A_239 = arith.constant 0 : i32
    %dma_start3A_240 = tpu.memref_slice %arg11[%dma_start3A_237, %dma_start3A_238, %dma_start3A_239] : memref<2x64x256xf32, #tpu.memory_space<vmem>> -> memref<1x64x256xf32, #tpu.memory_space<vmem>>
    %dma_start3A_241 = tpu.memref_squeeze %dma_start3A_240 : memref<1x64x256xf32, #tpu.memory_space<vmem>> -> memref<64x256xf32, #tpu.memory_space<vmem>>
    %dma_start3A_242 = arith.constant 0 : i32
    %dma_start3A_243 = tpu.memref_slice %arg3[%add3A_236, %dma_start3A_242] : memref<16384x256xf32, #tpu.memory_space<hbm>> -> memref<64x256xf32, #tpu.memory_space<hbm>>
    %dma_start3A_244 = arith.constant 0 : i32
    %dma_start3A_245 = arith.constant 0 : i32
    %dma_start3A_246 = tpu.memref_slice %arg11[%dma_start3A_237, %dma_start3A_244, %dma_start3A_245] : memref<2x64x256xf32, #tpu.memory_space<vmem>> -> memref<1x64x256xf32, #tpu.memory_space<vmem>>
    %dma_start3A_247 = tpu.memref_squeeze %dma_start3A_246 : memref<1x64x256xf32, #tpu.memory_space<vmem>> -> memref<64x256xf32, #tpu.memory_space<vmem>>
    %dma_start3A_248 = arith.constant 0 : i32
    %dma_start3A_249 = tpu.memref_slice %arg3[%add3A_236, %dma_start3A_248] : memref<16384x256xf32, #tpu.memory_space<hbm>> -> memref<64x256xf32, #tpu.memory_space<hbm>>
    tpu.enqueue_dma source(%dma_start3A_249 : memref<64x256xf32, #tpu.memory_space<hbm>>) target(%dma_start3A_247 : memref<64x256xf32, #tpu.memory_space<vmem>>) target_semaphore(%arg14 : memref<!tpu.dma_semaphore, #tpu.memory_space<semaphore_mem>>)
    %scan3A_250 = arith.constant 0 : i32
    %scan3A_251 = arith.constant 0 : i32
    %scan3A_252 = arith.constant 64 : i32
    %scan3A_253 = arith.addi %scan3A_251, %scan3A_252 : i32
    %scan3A_254 = arith.constant 1 : i32
    scf.for %scan3A_462 = %scan3A_251 to %scan3A_253 step %scan3A_254  : i32 {
      %get3A = arith.constant 1 : i32
      %get3A_463 = arith.index_cast %get3A : i32 to index
      %get3A_464 = arith.index_cast %scan3A_462 : i32 to index
      %get3A_465 = arith.constant 0 : index
      %get3A_466 = tpu.vector_load %arg10[%get3A_463, %get3A_464, %get3A_465] {strides = array<i32>} : memref<2x64x256xf32, #tpu.memory_space<vmem>>, vector<1x1x16xf32>,
      %get3A_467 = vector.shape_cast %get3A_466 : vector<1x1x16xf32> to vector<16xf32>
      %get3A_468 = arith.constant 1 : i32
      %get3A_469 = arith.index_cast %get3A_468 : i32 to index
      %get3A_470 = arith.index_cast %scan3A_462 : i32 to index
      %get3A_471 = arith.constant 0 : index
      %get3A_472 = tpu.vector_load %arg11[%get3A_469, %get3A_470, %get3A_471] {strides = array<i32>} : memref<2x64x256xf32, #tpu.memory_space<vmem>>, vector<1x1x16xf32>,
      %get3A_473 = vector.shape_cast %get3A_472 : vector<1x1x16xf32> to vector<16xf32>
      %add3A_474 = arith.addf %get3A_467, %get3A_473 : vector<16xf32>
      %swap3A = arith.constant 1 : i32
      %swap3A_475 = arith.index_cast %swap3A : i32 to index
      %swap3A_476 = arith.index_cast %scan3A_462 : i32 to index
      %swap3A_477 = arith.constant 0 : index
      %swap3A_478 = tpu.vector_load %arg10[%swap3A_475, %swap3A_476, %swap3A_477] {strides = array<i32>} : memref<2x64x256xf32, #tpu.memory_space<vmem>>, vector<1x1x16xf32>,
      %swap3A_479 = vector.shape_cast %swap3A_478 : vector<1x1x16xf32> to vector<16xf32>
      %swap3A_480 = vector.shape_cast %add3A_474 : vector<16xf32> to vector<1x1x16xf32>
      tpu.vector_store %arg10[%swap3A_475, %swap3A_476, %swap3A_477], %swap3A_480 {strides = array<i32>} : memref<2x64x256xf32, #tpu.memory_space<vmem>>, vector<1x1x16xf32>,
      %get3A_481 = arith.constant 1 : i32
      %get3A_482 = arith.index_cast %get3A_481 : i32 to index
      %get3A_483 = arith.index_cast %scan3A_462 : i32 to index
      %get3A_484 = arith.constant 16 : index
      %get3A_485 = tpu.vector_load %arg10[%get3A_482, %get3A_483, %get3A_484] {strides = array<i32>} : memref<2x64x256xf32, #tpu.memory_space<vmem>>, vector<1x1x16xf32>,
      %get3A_486 = vector.shape_cast %get3A_485 : vector<1x1x16xf32> to vector<16xf32>
      %get3A_487 = arith.constant 1 : i32
      %get3A_488 = arith.index_cast %get3A_487 : i32 to index
      %get3A_489 = arith.index_cast %scan3A_462 : i32 to index
      %get3A_490 = arith.constant 16 : index
      %get3A_491 = tpu.vector_load %arg11[%get3A_488, %get3A_489, %get3A_490] {strides = array<i32>} : memref<2x64x256xf32, #tpu.memory_space<vmem>>, vector<1x1x16xf32>,
      %get3A_492 = vector.shape_cast %get3A_491 : vector<1x1x16xf32> to vector<16xf32>
      %add3A_493 = arith.addf %get3A_486, %get3A_492 : vector<16xf32>
      %swap3A_494 = arith.constant 1 : i32
      %swap3A_495 = arith.index_cast %swap3A_494 : i32 to index
      %swap3A_496 = arith.index_cast %scan3A_462 : i32 to index
      %swap3A_497 = arith.constant 16 : index
      %swap3A_498 = tpu.vector_load %arg10[%swap3A_495, %swap3A_496, %swap3A_497] {strides = array<i32>} : memref<2x64x256xf32, #tpu.memory_space<vmem>>, vector<1x1x16xf32>,
      %swap3A_499 = vector.shape_cast %swap3A_498 : vector<1x1x16xf32> to vector<16xf32>
      %swap3A_500 = vector.shape_cast %add3A_493 : vector<16xf32> to vector<1x1x16xf32>
      tpu.vector_store %arg10[%swap3A_495, %swap3A_496, %swap3A_497], %swap3A_500 {strides = array<i32>} : memref<2x64x256xf32, #tpu.memory_space<vmem>>, vector<1x1x16xf32>,
      %get3A_501 = arith.constant 1 : i32
      %get3A_502 = arith.index_cast %get3A_501 : i32 to index
      %get3A_503 = arith.index_cast %scan3A_462 : i32 to index
      %get3A_504 = arith.constant 32 : index
      %get3A_505 = tpu.vector_load %arg10[%get3A_502, %get3A_503, %get3A_504] {strides = array<i32>} : memref<2x64x256xf32, #tpu.memory_space<vmem>>, vector<1x1x16xf32>,
      %get3A_506 = vector.shape_cast %get3A_505 : vector<1x1x16xf32> to vector<16xf32>
      %get3A_507 = arith.constant 1 : i32
      %get3A_508 = arith.index_cast %get3A_507 : i32 to index
      %get3A_509 = arith.index_cast %scan3A_462 : i32 to index
      %get3A_510 = arith.constant 32 : index
      %get3A_511 = tpu.vector_load %arg11[%get3A_508, %get3A_509, %get3A_510] {strides = array<i32>} : memref<2x64x256xf32, #tpu.memory_space<vmem>>, vector<1x1x16xf32>,
      %get3A_512 = vector.shape_cast %get3A_511 : vector<1x1x16xf32> to vector<16xf32>
      %add3A_513 = arith.addf %get3A_506, %get3A_512 : vector<16xf32>
      %swap3A_514 = arith.constant 1 : i32
      %swap3A_515 = arith.index_cast %swap3A_514 : i32 to index
      %swap3A_516 = arith.index_cast %scan3A_462 : i32 to index
      %swap3A_517 = arith.constant 32 : index
      %swap3A_518 = tpu.vector_load %arg10[%swap3A_515, %swap3A_516, %swap3A_517] {strides = array<i32>} : memref<2x64x256xf32, #tpu.memory_space<vmem>>, vector<1x1x16xf32>,
      %swap3A_519 = vector.shape_cast %swap3A_518 : vector<1x1x16xf32> to vector<16xf32>
      %swap3A_520 = vector.shape_cast %add3A_513 : vector<16xf32> to vector<1x1x16xf32>
      tpu.vector_store %arg10[%swap3A_515, %swap3A_516, %swap3A_517], %swap3A_520 {strides = array<i32>} : memref<2x64x256xf32, #tpu.memory_space<vmem>>, vector<1x1x16xf32>,
      %get3A_521 = arith.constant 1 : i32
      %get3A_522 = arith.index_cast %get3A_521 : i32 to index
      %get3A_523 = arith.index_cast %scan3A_462 : i32 to index
      %get3A_524 = arith.constant 48 : index
      %get3A_525 = tpu.vector_load %arg10[%get3A_522, %get3A_523, %get3A_524] {strides = array<i32>} : memref<2x64x256xf32, #tpu.memory_space<vmem>>, vector<1x1x16xf32>,
      %get3A_526 = vector.shape_cast %get3A_525 : vector<1x1x16xf32> to vector<16xf32>
      %get3A_527 = arith.constant 1 : i32
      %get3A_528 = arith.index_cast %get3A_527 : i32 to index
      %get3A_529 = arith.index_cast %scan3A_462 : i32 to index
      %get3A_530 = arith.constant 48 : index
      %get3A_531 = tpu.vector_load %arg11[%get3A_528, %get3A_529, %get3A_530] {strides = array<i32>} : memref<2x64x256xf32, #tpu.memory_space<vmem>>, vector<1x1x16xf32>,
      %get3A_532 = vector.shape_cast %get3A_531 : vector<1x1x16xf32> to vector<16xf32>
      %add3A_533 = arith.addf %get3A_526, %get3A_532 : vector<16xf32>
      %swap3A_534 = arith.constant 1 : i32
      %swap3A_535 = arith.index_cast %swap3A_534 : i32 to index
      %swap3A_536 = arith.index_cast %scan3A_462 : i32 to index
      %swap3A_537 = arith.constant 48 : index
      %swap3A_538 = tpu.vector_load %arg10[%swap3A_535, %swap3A_536, %swap3A_537] {strides = array<i32>} : memref<2x64x256xf32, #tpu.memory_space<vmem>>, vector<1x1x16xf32>,
      %swap3A_539 = vector.shape_cast %swap3A_538 : vector<1x1x16xf32> to vector<16xf32>
      %swap3A_540 = vector.shape_cast %add3A_533 : vector<16xf32> to vector<1x1x16xf32>
      tpu.vector_store %arg10[%swap3A_535, %swap3A_536, %swap3A_537], %swap3A_540 {strides = array<i32>} : memref<2x64x256xf32, #tpu.memory_space<vmem>>, vector<1x1x16xf32>,
      %get3A_541 = arith.constant 1 : i32
      %get3A_542 = arith.index_cast %get3A_541 : i32 to index
      %get3A_543 = arith.index_cast %scan3A_462 : i32 to index
      %get3A_544 = arith.constant 64 : index
      %get3A_545 = tpu.vector_load %arg10[%get3A_542, %get3A_543, %get3A_544] {strides = array<i32>} : memref<2x64x256xf32, #tpu.memory_space<vmem>>, vector<1x1x16xf32>,
      %get3A_546 = vector.shape_cast %get3A_545 : vector<1x1x16xf32> to vector<16xf32>
      %get3A_547 = arith.constant 1 : i32
      %get3A_548 = arith.index_cast %get3A_547 : i32 to index
      %get3A_549 = arith.index_cast %scan3A_462 : i32 to index
      %get3A_550 = arith.constant 64 : index
      %get3A_551 = tpu.vector_load %arg11[%get3A_548, %get3A_549, %get3A_550] {strides = array<i32>} : memref<2x64x256xf32, #tpu.memory_space<vmem>>, vector<1x1x16xf32>,
      %get3A_552 = vector.shape_cast %get3A_551 : vector<1x1x16xf32> to vector<16xf32>
      %add3A_553 = arith.addf %get3A_546, %get3A_552 : vector<16xf32>
      %swap3A_554 = arith.constant 1 : i32
      %swap3A_555 = arith.index_cast %swap3A_554 : i32 to index
      %swap3A_556 = arith.index_cast %scan3A_462 : i32 to index
      %swap3A_557 = arith.constant 64 : index
      %swap3A_558 = tpu.vector_load %arg10[%swap3A_555, %swap3A_556, %swap3A_557] {strides = array<i32>} : memref<2x64x256xf32, #tpu.memory_space<vmem>>, vector<1x1x16xf32>,
      %swap3A_559 = vector.shape_cast %swap3A_558 : vector<1x1x16xf32> to vector<16xf32>
      %swap3A_560 = vector.shape_cast %add3A_553 : vector<16xf32> to vector<1x1x16xf32>
      tpu.vector_store %arg10[%swap3A_555, %swap3A_556, %swap3A_557], %swap3A_560 {strides = array<i32>} : memref<2x64x256xf32, #tpu.memory_space<vmem>>, vector<1x1x16xf32>,
      %get3A_561 = arith.constant 1 : i32
      %get3A_562 = arith.index_cast %get3A_561 : i32 to index
      %get3A_563 = arith.index_cast %scan3A_462 : i32 to index
      %get3A_564 = arith.constant 80 : index
      %get3A_565 = tpu.vector_load %arg10[%get3A_562, %get3A_563, %get3A_564] {strides = array<i32>} : memref<2x64x256xf32, #tpu.memory_space<vmem>>, vector<1x1x16xf32>,
      %get3A_566 = vector.shape_cast %get3A_565 : vector<1x1x16xf32> to vector<16xf32>
      %get3A_567 = arith.constant 1 : i32
      %get3A_568 = arith.index_cast %get3A_567 : i32 to index
      %get3A_569 = arith.index_cast %scan3A_462 : i32 to index
      %get3A_570 = arith.constant 80 : index
      %get3A_571 = tpu.vector_load %arg11[%get3A_568, %get3A_569, %get3A_570] {strides = array<i32>} : memref<2x64x256xf32, #tpu.memory_space<vmem>>, vector<1x1x16xf32>,
      %get3A_572 = vector.shape_cast %get3A_571 : vector<1x1x16xf32> to vector<16xf32>
      %add3A_573 = arith.addf %get3A_566, %get3A_572 : vector<16xf32>
      %swap3A_574 = arith.constant 1 : i32
      %swap3A_575 = arith.index_cast %swap3A_574 : i32 to index
      %swap3A_576 = arith.index_cast %scan3A_462 : i32 to index
      %swap3A_577 = arith.constant 80 : index
      %swap3A_578 = tpu.vector_load %arg10[%swap3A_575, %swap3A_576, %swap3A_577] {strides = array<i32>} : memref<2x64x256xf32, #tpu.memory_space<vmem>>, vector<1x1x16xf32>,
      %swap3A_579 = vector.shape_cast %swap3A_578 : vector<1x1x16xf32> to vector<16xf32>
      %swap3A_580 = vector.shape_cast %add3A_573 : vector<16xf32> to vector<1x1x16xf32>
      tpu.vector_store %arg10[%swap3A_575, %swap3A_576, %swap3A_577], %swap3A_580 {strides = array<i32>} : memref<2x64x256xf32, #tpu.memory_space<vmem>>, vector<1x1x16xf32>,
      %get3A_581 = arith.constant 1 : i32
      %get3A_582 = arith.index_cast %get3A_581 : i32 to index
      %get3A_583 = arith.index_cast %scan3A_462 : i32 to index
      %get3A_584 = arith.constant 96 : index
      %get3A_585 = tpu.vector_load %arg10[%get3A_582, %get3A_583, %get3A_584] {strides = array<i32>} : memref<2x64x256xf32, #tpu.memory_space<vmem>>, vector<1x1x16xf32>,
      %get3A_586 = vector.shape_cast %get3A_585 : vector<1x1x16xf32> to vector<16xf32>
      %get3A_587 = arith.constant 1 : i32
      %get3A_588 = arith.index_cast %get3A_587 : i32 to index
      %get3A_589 = arith.index_cast %scan3A_462 : i32 to index
      %get3A_590 = arith.constant 96 : index
      %get3A_591 = tpu.vector_load %arg11[%get3A_588, %get3A_589, %get3A_590] {strides = array<i32>} : memref<2x64x256xf32, #tpu.memory_space<vmem>>, vector<1x1x16xf32>,
      %get3A_592 = vector.shape_cast %get3A_591 : vector<1x1x16xf32> to vector<16xf32>
      %add3A_593 = arith.addf %get3A_586, %get3A_592 : vector<16xf32>
      %swap3A_594 = arith.constant 1 : i32
      %swap3A_595 = arith.index_cast %swap3A_594 : i32 to index
      %swap3A_596 = arith.index_cast %scan3A_462 : i32 to index
      %swap3A_597 = arith.constant 96 : index
      %swap3A_598 = tpu.vector_load %arg10[%swap3A_595, %swap3A_596, %swap3A_597] {strides = array<i32>} : memref<2x64x256xf32, #tpu.memory_space<vmem>>, vector<1x1x16xf32>,
      %swap3A_599 = vector.shape_cast %swap3A_598 : vector<1x1x16xf32> to vector<16xf32>
      %swap3A_600 = vector.shape_cast %add3A_593 : vector<16xf32> to vector<1x1x16xf32>
      tpu.vector_store %arg10[%swap3A_595, %swap3A_596, %swap3A_597], %swap3A_600 {strides = array<i32>} : memref<2x64x256xf32, #tpu.memory_space<vmem>>, vector<1x1x16xf32>,
      %get3A_601 = arith.constant 1 : i32
      %get3A_602 = arith.index_cast %get3A_601 : i32 to index
      %get3A_603 = arith.index_cast %scan3A_462 : i32 to index
      %get3A_604 = arith.constant 112 : index
      %get3A_605 = tpu.vector_load %arg10[%get3A_602, %get3A_603, %get3A_604] {strides = array<i32>} : memref<2x64x256xf32, #tpu.memory_space<vmem>>, vector<1x1x16xf32>,
      %get3A_606 = vector.shape_cast %get3A_605 : vector<1x1x16xf32> to vector<16xf32>
      %get3A_607 = arith.constant 1 : i32
      %get3A_608 = arith.index_cast %get3A_607 : i32 to index
      %get3A_609 = arith.index_cast %scan3A_462 : i32 to index
      %get3A_610 = arith.constant 112 : index
      %get3A_611 = tpu.vector_load %arg11[%get3A_608, %get3A_609, %get3A_610] {strides = array<i32>} : memref<2x64x256xf32, #tpu.memory_space<vmem>>, vector<1x1x16xf32>,
      %get3A_612 = vector.shape_cast %get3A_611 : vector<1x1x16xf32> to vector<16xf32>
      %add3A_613 = arith.addf %get3A_606, %get3A_612 : vector<16xf32>
      %swap3A_614 = arith.constant 1 : i32
      %swap3A_615 = arith.index_cast %swap3A_614 : i32 to index
      %swap3A_616 = arith.index_cast %scan3A_462 : i32 to index
      %swap3A_617 = arith.constant 112 : index
      %swap3A_618 = tpu.vector_load %arg10[%swap3A_615, %swap3A_616, %swap3A_617] {strides = array<i32>} : memref<2x64x256xf32, #tpu.memory_space<vmem>>, vector<1x1x16xf32>,
      %swap3A_619 = vector.shape_cast %swap3A_618 : vector<1x1x16xf32> to vector<16xf32>
      %swap3A_620 = vector.shape_cast %add3A_613 : vector<16xf32> to vector<1x1x16xf32>
      tpu.vector_store %arg10[%swap3A_615, %swap3A_616, %swap3A_617], %swap3A_620 {strides = array<i32>} : memref<2x64x256xf32, #tpu.memory_space<vmem>>, vector<1x1x16xf32>,
      %get3A_621 = arith.constant 1 : i32
      %get3A_622 = arith.index_cast %get3A_621 : i32 to index
      %get3A_623 = arith.index_cast %scan3A_462 : i32 to index
      %get3A_624 = arith.constant 128 : index
      %get3A_625 = tpu.vector_load %arg10[%get3A_622, %get3A_623, %get3A_624] {strides = array<i32>} : memref<2x64x256xf32, #tpu.memory_space<vmem>>, vector<1x1x16xf32>,
      %get3A_626 = vector.shape_cast %get3A_625 : vector<1x1x16xf32> to vector<16xf32>
      %get3A_627 = arith.constant 1 : i32
      %get3A_628 = arith.index_cast %get3A_627 : i32 to index
      %get3A_629 = arith.index_cast %scan3A_462 : i32 to index
      %get3A_630 = arith.constant 128 : index
      %get3A_631 = tpu.vector_load %arg11[%get3A_628, %get3A_629, %get3A_630] {strides = array<i32>} : memref<2x64x256xf32, #tpu.memory_space<vmem>>, vector<1x1x16xf32>,
      %get3A_632 = vector.shape_cast %get3A_631 : vector<1x1x16xf32> to vector<16xf32>
      %add3A_633 = arith.addf %get3A_626, %get3A_632 : vector<16xf32>
      %swap3A_634 = arith.constant 1 : i32
      %swap3A_635 = arith.index_cast %swap3A_634 : i32 to index
      %swap3A_636 = arith.index_cast %scan3A_462 : i32 to index
      %swap3A_637 = arith.constant 128 : index
      %swap3A_638 = tpu.vector_load %arg10[%swap3A_635, %swap3A_636, %swap3A_637] {strides = array<i32>} : memref<2x64x256xf32, #tpu.memory_space<vmem>>, vector<1x1x16xf32>,
      %swap3A_639 = vector.shape_cast %swap3A_638 : vector<1x1x16xf32> to vector<16xf32>
      %swap3A_640 = vector.shape_cast %add3A_633 : vector<16xf32> to vector<1x1x16xf32>
      tpu.vector_store %arg10[%swap3A_635, %swap3A_636, %swap3A_637], %swap3A_640 {strides = array<i32>} : memref<2x64x256xf32, #tpu.memory_space<vmem>>, vector<1x1x16xf32>,
      %get3A_641 = arith.constant 1 : i32
      %get3A_642 = arith.index_cast %get3A_641 : i32 to index
      %get3A_643 = arith.index_cast %scan3A_462 : i32 to index
      %get3A_644 = arith.constant 144 : index
      %get3A_645 = tpu.vector_load %arg10[%get3A_642, %get3A_643, %get3A_644] {strides = array<i32>} : memref<2x64x256xf32, #tpu.memory_space<vmem>>, vector<1x1x16xf32>,
      %get3A_646 = vector.shape_cast %get3A_645 : vector<1x1x16xf32> to vector<16xf32>
      %get3A_647 = arith.constant 1 : i32
      %get3A_648 = arith.index_cast %get3A_647 : i32 to index
      %get3A_649 = arith.index_cast %scan3A_462 : i32 to index
      %get3A_650 = arith.constant 144 : index
      %get3A_651 = tpu.vector_load %arg11[%get3A_648, %get3A_649, %get3A_650] {strides = array<i32>} : memref<2x64x256xf32, #tpu.memory_space<vmem>>, vector<1x1x16xf32>,
      %get3A_652 = vector.shape_cast %get3A_651 : vector<1x1x16xf32> to vector<16xf32>
      %add3A_653 = arith.addf %get3A_646, %get3A_652 : vector<16xf32>
      %swap3A_654 = arith.constant 1 : i32
      %swap3A_655 = arith.index_cast %swap3A_654 : i32 to index
      %swap3A_656 = arith.index_cast %scan3A_462 : i32 to index
      %swap3A_657 = arith.constant 144 : index
      %swap3A_658 = tpu.vector_load %arg10[%swap3A_655, %swap3A_656, %swap3A_657] {strides = array<i32>} : memref<2x64x256xf32, #tpu.memory_space<vmem>>, vector<1x1x16xf32>,
      %swap3A_659 = vector.shape_cast %swap3A_658 : vector<1x1x16xf32> to vector<16xf32>
      %swap3A_660 = vector.shape_cast %add3A_653 : vector<16xf32> to vector<1x1x16xf32>
      tpu.vector_store %arg10[%swap3A_655, %swap3A_656, %swap3A_657], %swap3A_660 {strides = array<i32>} : memref<2x64x256xf32, #tpu.memory_space<vmem>>, vector<1x1x16xf32>,
      %get3A_661 = arith.constant 1 : i32
      %get3A_662 = arith.index_cast %get3A_661 : i32 to index
      %get3A_663 = arith.index_cast %scan3A_462 : i32 to index
      %get3A_664 = arith.constant 160 : index
      %get3A_665 = tpu.vector_load %arg10[%get3A_662, %get3A_663, %get3A_664] {strides = array<i32>} : memref<2x64x256xf32, #tpu.memory_space<vmem>>, vector<1x1x16xf32>,
      %get3A_666 = vector.shape_cast %get3A_665 : vector<1x1x16xf32> to vector<16xf32>
      %get3A_667 = arith.constant 1 : i32
      %get3A_668 = arith.index_cast %get3A_667 : i32 to index
      %get3A_669 = arith.index_cast %scan3A_462 : i32 to index
      %get3A_670 = arith.constant 160 : index
      %get3A_671 = tpu.vector_load %arg11[%get3A_668, %get3A_669, %get3A_670] {strides = array<i32>} : memref<2x64x256xf32, #tpu.memory_space<vmem>>, vector<1x1x16xf32>,
      %get3A_672 = vector.shape_cast %get3A_671 : vector<1x1x16xf32> to vector<16xf32>
      %add3A_673 = arith.addf %get3A_666, %get3A_672 : vector<16xf32>
      %swap3A_674 = arith.constant 1 : i32
      %swap3A_675 = arith.index_cast %swap3A_674 : i32 to index
      %swap3A_676 = arith.index_cast %scan3A_462 : i32 to index
      %swap3A_677 = arith.constant 160 : index
      %swap3A_678 = tpu.vector_load %arg10[%swap3A_675, %swap3A_676, %swap3A_677] {strides = array<i32>} : memref<2x64x256xf32, #tpu.memory_space<vmem>>, vector<1x1x16xf32>,
      %swap3A_679 = vector.shape_cast %swap3A_678 : vector<1x1x16xf32> to vector<16xf32>
      %swap3A_680 = vector.shape_cast %add3A_673 : vector<16xf32> to vector<1x1x16xf32>
      tpu.vector_store %arg10[%swap3A_675, %swap3A_676, %swap3A_677], %swap3A_680 {strides = array<i32>} : memref<2x64x256xf32, #tpu.memory_space<vmem>>, vector<1x1x16xf32>,
      %get3A_681 = arith.constant 1 : i32
      %get3A_682 = arith.index_cast %get3A_681 : i32 to index
      %get3A_683 = arith.index_cast %scan3A_462 : i32 to index
      %get3A_684 = arith.constant 176 : index
      %get3A_685 = tpu.vector_load %arg10[%get3A_682, %get3A_683, %get3A_684] {strides = array<i32>} : memref<2x64x256xf32, #tpu.memory_space<vmem>>, vector<1x1x16xf32>,
      %get3A_686 = vector.shape_cast %get3A_685 : vector<1x1x16xf32> to vector<16xf32>
      %get3A_687 = arith.constant 1 : i32
      %get3A_688 = arith.index_cast %get3A_687 : i32 to index
      %get3A_689 = arith.index_cast %scan3A_462 : i32 to index
      %get3A_690 = arith.constant 176 : index
      %get3A_691 = tpu.vector_load %arg11[%get3A_688, %get3A_689, %get3A_690] {strides = array<i32>} : memref<2x64x256xf32, #tpu.memory_space<vmem>>, vector<1x1x16xf32>,
      %get3A_692 = vector.shape_cast %get3A_691 : vector<1x1x16xf32> to vector<16xf32>
      %add3A_693 = arith.addf %get3A_686, %get3A_692 : vector<16xf32>
      %swap3A_694 = arith.constant 1 : i32
      %swap3A_695 = arith.index_cast %swap3A_694 : i32 to index
      %swap3A_696 = arith.index_cast %scan3A_462 : i32 to index
      %swap3A_697 = arith.constant 176 : index
      %swap3A_698 = tpu.vector_load %arg10[%swap3A_695, %swap3A_696, %swap3A_697] {strides = array<i32>} : memref<2x64x256xf32, #tpu.memory_space<vmem>>, vector<1x1x16xf32>,
      %swap3A_699 = vector.shape_cast %swap3A_698 : vector<1x1x16xf32> to vector<16xf32>
      %swap3A_700 = vector.shape_cast %add3A_693 : vector<16xf32> to vector<1x1x16xf32>
      tpu.vector_store %arg10[%swap3A_695, %swap3A_696, %swap3A_697], %swap3A_700 {strides = array<i32>} : memref<2x64x256xf32, #tpu.memory_space<vmem>>, vector<1x1x16xf32>,
      %get3A_701 = arith.constant 1 : i32
      %get3A_702 = arith.index_cast %get3A_701 : i32 to index
      %get3A_703 = arith.index_cast %scan3A_462 : i32 to index
      %get3A_704 = arith.constant 192 : index
      %get3A_705 = tpu.vector_load %arg10[%get3A_702, %get3A_703, %get3A_704] {strides = array<i32>} : memref<2x64x256xf32, #tpu.memory_space<vmem>>, vector<1x1x16xf32>,
      %get3A_706 = vector.shape_cast %get3A_705 : vector<1x1x16xf32> to vector<16xf32>
      %get3A_707 = arith.constant 1 : i32
      %get3A_708 = arith.index_cast %get3A_707 : i32 to index
      %get3A_709 = arith.index_cast %scan3A_462 : i32 to index
      %get3A_710 = arith.constant 192 : index
      %get3A_711 = tpu.vector_load %arg11[%get3A_708, %get3A_709, %get3A_710] {strides = array<i32>} : memref<2x64x256xf32, #tpu.memory_space<vmem>>, vector<1x1x16xf32>,
      %get3A_712 = vector.shape_cast %get3A_711 : vector<1x1x16xf32> to vector<16xf32>
      %add3A_713 = arith.addf %get3A_706, %get3A_712 : vector<16xf32>
      %swap3A_714 = arith.constant 1 : i32
      %swap3A_715 = arith.index_cast %swap3A_714 : i32 to index
      %swap3A_716 = arith.index_cast %scan3A_462 : i32 to index
      %swap3A_717 = arith.constant 192 : index
      %swap3A_718 = tpu.vector_load %arg10[%swap3A_715, %swap3A_716, %swap3A_717] {strides = array<i32>} : memref<2x64x256xf32, #tpu.memory_space<vmem>>, vector<1x1x16xf32>,
      %swap3A_719 = vector.shape_cast %swap3A_718 : vector<1x1x16xf32> to vector<16xf32>
      %swap3A_720 = vector.shape_cast %add3A_713 : vector<16xf32> to vector<1x1x16xf32>
      tpu.vector_store %arg10[%swap3A_715, %swap3A_716, %swap3A_717], %swap3A_720 {strides = array<i32>} : memref<2x64x256xf32, #tpu.memory_space<vmem>>, vector<1x1x16xf32>,
      %get3A_721 = arith.constant 1 : i32
      %get3A_722 = arith.index_cast %get3A_721 : i32 to index
      %get3A_723 = arith.index_cast %scan3A_462 : i32 to index
      %get3A_724 = arith.constant 208 : index
      %get3A_725 = tpu.vector_load %arg10[%get3A_722, %get3A_723, %get3A_724] {strides = array<i32>} : memref<2x64x256xf32, #tpu.memory_space<vmem>>, vector<1x1x16xf32>,
      %get3A_726 = vector.shape_cast %get3A_725 : vector<1x1x16xf32> to vector<16xf32>
      %get3A_727 = arith.constant 1 : i32
      %get3A_728 = arith.index_cast %get3A_727 : i32 to index
      %get3A_729 = arith.index_cast %scan3A_462 : i32 to index
      %get3A_730 = arith.constant 208 : index
      %get3A_731 = tpu.vector_load %arg11[%get3A_728, %get3A_729, %get3A_730] {strides = array<i32>} : memref<2x64x256xf32, #tpu.memory_space<vmem>>, vector<1x1x16xf32>,
      %get3A_732 = vector.shape_cast %get3A_731 : vector<1x1x16xf32> to vector<16xf32>
      %add3A_733 = arith.addf %get3A_726, %get3A_732 : vector<16xf32>
      %swap3A_734 = arith.constant 1 : i32
      %swap3A_735 = arith.index_cast %swap3A_734 : i32 to index
      %swap3A_736 = arith.index_cast %scan3A_462 : i32 to index
      %swap3A_737 = arith.constant 208 : index
      %swap3A_738 = tpu.vector_load %arg10[%swap3A_735, %swap3A_736, %swap3A_737] {strides = array<i32>} : memref<2x64x256xf32, #tpu.memory_space<vmem>>, vector<1x1x16xf32>,
      %swap3A_739 = vector.shape_cast %swap3A_738 : vector<1x1x16xf32> to vector<16xf32>
      %swap3A_740 = vector.shape_cast %add3A_733 : vector<16xf32> to vector<1x1x16xf32>
      tpu.vector_store %arg10[%swap3A_735, %swap3A_736, %swap3A_737], %swap3A_740 {strides = array<i32>} : memref<2x64x256xf32, #tpu.memory_space<vmem>>, vector<1x1x16xf32>,
      %get3A_741 = arith.constant 1 : i32
      %get3A_742 = arith.index_cast %get3A_741 : i32 to index
      %get3A_743 = arith.index_cast %scan3A_462 : i32 to index
      %get3A_744 = arith.constant 224 : index
      %get3A_745 = tpu.vector_load %arg10[%get3A_742, %get3A_743, %get3A_744] {strides = array<i32>} : memref<2x64x256xf32, #tpu.memory_space<vmem>>, vector<1x1x16xf32>,
      %get3A_746 = vector.shape_cast %get3A_745 : vector<1x1x16xf32> to vector<16xf32>
      %get3A_747 = arith.constant 1 : i32
      %get3A_748 = arith.index_cast %get3A_747 : i32 to index
      %get3A_749 = arith.index_cast %scan3A_462 : i32 to index
      %get3A_750 = arith.constant 224 : index
      %get3A_751 = tpu.vector_load %arg11[%get3A_748, %get3A_749, %get3A_750] {strides = array<i32>} : memref<2x64x256xf32, #tpu.memory_space<vmem>>, vector<1x1x16xf32>,
      %get3A_752 = vector.shape_cast %get3A_751 : vector<1x1x16xf32> to vector<16xf32>
      %add3A_753 = arith.addf %get3A_746, %get3A_752 : vector<16xf32>
      %swap3A_754 = arith.constant 1 : i32
      %swap3A_755 = arith.index_cast %swap3A_754 : i32 to index
      %swap3A_756 = arith.index_cast %scan3A_462 : i32 to index
      %swap3A_757 = arith.constant 224 : index
      %swap3A_758 = tpu.vector_load %arg10[%swap3A_755, %swap3A_756, %swap3A_757] {strides = array<i32>} : memref<2x64x256xf32, #tpu.memory_space<vmem>>, vector<1x1x16xf32>,
      %swap3A_759 = vector.shape_cast %swap3A_758 : vector<1x1x16xf32> to vector<16xf32>
      %swap3A_760 = vector.shape_cast %add3A_753 : vector<16xf32> to vector<1x1x16xf32>
      tpu.vector_store %arg10[%swap3A_755, %swap3A_756, %swap3A_757], %swap3A_760 {strides = array<i32>} : memref<2x64x256xf32, #tpu.memory_space<vmem>>, vector<1x1x16xf32>,
      %get3A_761 = arith.constant 1 : i32
      %get3A_762 = arith.index_cast %get3A_761 : i32 to index
      %get3A_763 = arith.index_cast %scan3A_462 : i32 to index
      %get3A_764 = arith.constant 240 : index
      %get3A_765 = tpu.vector_load %arg10[%get3A_762, %get3A_763, %get3A_764] {strides = array<i32>} : memref<2x64x256xf32, #tpu.memory_space<vmem>>, vector<1x1x16xf32>,
      %get3A_766 = vector.shape_cast %get3A_765 : vector<1x1x16xf32> to vector<16xf32>
      %get3A_767 = arith.constant 1 : i32
      %get3A_768 = arith.index_cast %get3A_767 : i32 to index
      %get3A_769 = arith.index_cast %scan3A_462 : i32 to index
      %get3A_770 = arith.constant 240 : index
      %get3A_771 = tpu.vector_load %arg11[%get3A_768, %get3A_769, %get3A_770] {strides = array<i32>} : memref<2x64x256xf32, #tpu.memory_space<vmem>>, vector<1x1x16xf32>,
      %get3A_772 = vector.shape_cast %get3A_771 : vector<1x1x16xf32> to vector<16xf32>
      %add3A_773 = arith.addf %get3A_766, %get3A_772 : vector<16xf32>
      %swap3A_774 = arith.constant 1 : i32
      %swap3A_775 = arith.index_cast %swap3A_774 : i32 to index
      %swap3A_776 = arith.index_cast %scan3A_462 : i32 to index
      %swap3A_777 = arith.constant 240 : index
      %swap3A_778 = tpu.vector_load %arg10[%swap3A_775, %swap3A_776, %swap3A_777] {strides = array<i32>} : memref<2x64x256xf32, #tpu.memory_space<vmem>>, vector<1x1x16xf32>,
      %swap3A_779 = vector.shape_cast %swap3A_778 : vector<1x1x16xf32> to vector<16xf32>
      %swap3A_780 = vector.shape_cast %add3A_773 : vector<16xf32> to vector<1x1x16xf32>
      tpu.vector_store %arg10[%swap3A_775, %swap3A_776, %swap3A_777], %swap3A_780 {strides = array<i32>} : memref<2x64x256xf32, #tpu.memory_space<vmem>>, vector<1x1x16xf32>,
    }
    %scan3A_255 = arith.constant 64 : i32
    %add3A_256 = arith.constant 192 : i32
    %add3A_257 = arith.addi %mul3A_2, %add3A_256 : i32
    %run_scoped3A_258 = arith.constant 1 : i32
    "tpu.region"() ({
      %run_scoped3A_462 = tpu.sem_alloc : memref<!tpu.dma_semaphore, #tpu.memory_space<semaphore_mem>>
      %dma_start3A_463 = arith.constant 0 : i32
      %dma_start3A_464 = arith.constant 0 : i32
      %dma_start3A_465 = tpu.memref_slice %arg10[%run_scoped3A_258, %dma_start3A_463, %dma_start3A_464] : memref<2x64x256xf32, #tpu.memory_space<vmem>> -> memref<1x64x256xf32, #tpu.memory_space<vmem>>
      %dma_start3A_466 = tpu.memref_squeeze %dma_start3A_465 : memref<1x64x256xf32, #tpu.memory_space<vmem>> -> memref<64x256xf32, #tpu.memory_space<vmem>>
      %dma_start3A_467 = arith.constant 0 : i32
      %dma_start3A_468 = tpu.memref_slice %arg6[%add3A_257, %dma_start3A_467] : memref<16384x256xf32, #tpu.memory_space<hbm>> -> memref<64x256xf32, #tpu.memory_space<hbm>>
      %dma_start3A_469 = arith.constant 0 : i32
      %dma_start3A_470 = tpu.memref_slice %arg6[%add3A_257, %dma_start3A_469] : memref<16384x256xf32, #tpu.memory_space<hbm>> -> memref<64x256xf32, #tpu.memory_space<hbm>>
      %dma_start3A_471 = arith.constant 0 : i32
      %dma_start3A_472 = arith.constant 0 : i32
      %dma_start3A_473 = tpu.memref_slice %arg10[%run_scoped3A_258, %dma_start3A_471, %dma_start3A_472] : memref<2x64x256xf32, #tpu.memory_space<vmem>> -> memref<1x64x256xf32, #tpu.memory_space<vmem>>
      %dma_start3A_474 = tpu.memref_squeeze %dma_start3A_473 : memref<1x64x256xf32, #tpu.memory_space<vmem>> -> memref<64x256xf32, #tpu.memory_space<vmem>>
      tpu.enqueue_dma source(%dma_start3A_474 : memref<64x256xf32, #tpu.memory_space<vmem>>) target(%dma_start3A_470 : memref<64x256xf32, #tpu.memory_space<hbm>>) target_semaphore(%run_scoped3A_462 : memref<!tpu.dma_semaphore, #tpu.memory_space<semaphore_mem>>)
      %dma_wait3A_475 = arith.constant 0 : i32
      %dma_wait3A_476 = arith.constant 0 : i32
      %dma_wait3A_477 = tpu.memref_slice %arg10[%run_scoped3A_258, %dma_wait3A_475, %dma_wait3A_476] : memref<2x64x256xf32, #tpu.memory_space<vmem>> -> memref<1x64x256xf32, #tpu.memory_space<vmem>>
      %dma_wait3A_478 = tpu.memref_squeeze %dma_wait3A_477 : memref<1x64x256xf32, #tpu.memory_space<vmem>> -> memref<64x256xf32, #tpu.memory_space<vmem>>
      %dma_wait3A_479 = arith.constant 0 : i32
      %dma_wait3A_480 = tpu.memref_slice %arg6[%add3A_257, %dma_wait3A_479] : memref<16384x256xf32, #tpu.memory_space<hbm>> -> memref<64x256xf32, #tpu.memory_space<hbm>>
      %dma_wait3A_481 = arith.constant 0 : i32
      %dma_wait3A_482 = tpu.memref_slice %arg6[%add3A_257, %dma_wait3A_481] : memref<16384x256xf32, #tpu.memory_space<hbm>> -> memref<64x256xf32, #tpu.memory_space<hbm>>
      %dma_wait3A_483 = arith.constant 0 : i32
      %dma_wait3A_484 = arith.constant 0 : i32
      %dma_wait3A_485 = tpu.memref_slice %arg10[%run_scoped3A_258, %dma_wait3A_483, %dma_wait3A_484] : memref<2x64x256xf32, #tpu.memory_space<vmem>> -> memref<1x64x256xf32, #tpu.memory_space<vmem>>
      %dma_wait3A_486 = tpu.memref_squeeze %dma_wait3A_485 : memref<1x64x256xf32, #tpu.memory_space<vmem>> -> memref<64x256xf32, #tpu.memory_space<vmem>>
      tpu.wait_dma2 semaphore(%run_scoped3A_462 : memref<!tpu.dma_semaphore, #tpu.memory_space<semaphore_mem>>) src(%dma_wait3A_486 : memref<64x256xf32, #tpu.memory_space<vmem>>) dst(%dma_wait3A_482 : memref<64x256xf32, #tpu.memory_space<hbm>>)
      tpu.yield
    }) : () -> ()
    %dma_wait3A_259 = arith.constant 0 : i32
    %dma_wait3A_260 = arith.constant 0 : i32
    %dma_wait3A_261 = arith.constant 0 : i32
    %dma_wait3A_262 = tpu.memref_slice %arg10[%dma_wait3A_259, %dma_wait3A_260, %dma_wait3A_261] : memref<2x64x256xf32, #tpu.memory_space<vmem>> -> memref<1x64x256xf32, #tpu.memory_space<vmem>>
    %dma_wait3A_263 = tpu.memref_squeeze %dma_wait3A_262 : memref<1x64x256xf32, #tpu.memory_space<vmem>> -> memref<64x256xf32, #tpu.memory_space<vmem>>
    %dma_wait3A_264 = arith.constant 256 : i32
    %dma_wait3A_265 = tpu.memref_slice %arg9[%dma_wait3A_264] : memref<512xi32, #tpu.memory_space<vmem>> -> memref<64xi32, #tpu.memory_space<vmem>>
    %dma_wait3A_266 = arith.constant 0 : i32
    %dma_wait3A_267 = arith.constant 0 : i32
    %dma_wait3A_268 = tpu.memref_slice %arg2[%dma_wait3A_266, %dma_wait3A_267] : memref<65536x256xf32, #tpu.memory_space<hbm>> -> memref<65536x256xf32, #tpu.memory_space<hbm>>
    tpu.wait_indirect_dma semaphore(%arg12 : memref<!tpu.dma_semaphore, #tpu.memory_space<semaphore_mem>>) src(%dma_wait3A_268 : memref<65536x256xf32, #tpu.memory_space<hbm>>) dst(%dma_wait3A_263 : memref<64x256xf32, #tpu.memory_space<vmem>>)
    %dma_wait3A_269 = arith.constant 0 : i32
    %dma_wait3A_270 = arith.constant 0 : i32
    %dma_wait3A_271 = arith.constant 0 : i32
    %dma_wait3A_272 = tpu.memref_slice %arg11[%dma_wait3A_269, %dma_wait3A_270, %dma_wait3A_271] : memref<2x64x256xf32, #tpu.memory_space<vmem>> -> memref<1x64x256xf32, #tpu.memory_space<vmem>>
    %dma_wait3A_273 = tpu.memref_squeeze %dma_wait3A_272 : memref<1x64x256xf32, #tpu.memory_space<vmem>> -> memref<64x256xf32, #tpu.memory_space<vmem>>
    %dma_wait3A_274 = arith.constant 0 : i32
    %dma_wait3A_275 = tpu.memref_slice %arg3[%add3A_236, %dma_wait3A_274] : memref<16384x256xf32, #tpu.memory_space<hbm>> -> memref<64x256xf32, #tpu.memory_space<hbm>>
    %dma_wait3A_276 = arith.constant 0 : i32
    %dma_wait3A_277 = arith.constant 0 : i32
    %dma_wait3A_278 = tpu.memref_slice %arg11[%dma_wait3A_269, %dma_wait3A_276, %dma_wait3A_277] : memref<2x64x256xf32, #tpu.memory_space<vmem>> -> memref<1x64x256xf32, #tpu.memory_space<vmem>>
    %dma_wait3A_279 = tpu.memref_squeeze %dma_wait3A_278 : memref<1x64x256xf32, #tpu.memory_space<vmem>> -> memref<64x256xf32, #tpu.memory_space<vmem>>
    %dma_wait3A_280 = arith.constant 0 : i32
    %dma_wait3A_281 = tpu.memref_slice %arg3[%add3A_236, %dma_wait3A_280] : memref<16384x256xf32, #tpu.memory_space<hbm>> -> memref<64x256xf32, #tpu.memory_space<hbm>>
    tpu.wait_dma2 semaphore(%arg14 : memref<!tpu.dma_semaphore, #tpu.memory_space<semaphore_mem>>) src(%dma_wait3A_281 : memref<64x256xf32, #tpu.memory_space<hbm>>) dst(%dma_wait3A_279 : memref<64x256xf32, #tpu.memory_space<vmem>>)
    %dma_start3A_282 = arith.constant 1 : i32
    %dma_start3A_283 = arith.constant 0 : i32
    %dma_start3A_284 = arith.constant 0 : i32
    %dma_start3A_285 = tpu.memref_slice %arg10[%dma_start3A_282, %dma_start3A_283, %dma_start3A_284] : memref<2x64x256xf32, #tpu.memory_space<vmem>> -> memref<1x64x256xf32, #tpu.memory_space<vmem>>
    %dma_start3A_286 = tpu.memref_squeeze %dma_start3A_285 : memref<1x64x256xf32, #tpu.memory_space<vmem>> -> memref<64x256xf32, #tpu.memory_space<vmem>>
    %dma_start3A_287 = arith.constant 320 : i32
    %dma_start3A_288 = tpu.memref_slice %arg9[%dma_start3A_287] : memref<512xi32, #tpu.memory_space<vmem>> -> memref<64xi32, #tpu.memory_space<vmem>>
    %dma_start3A_289 = arith.constant 0 : i32
    %dma_start3A_290 = arith.constant 0 : i32
    %dma_start3A_291 = tpu.memref_slice %arg2[%dma_start3A_289, %dma_start3A_290] : memref<65536x256xf32, #tpu.memory_space<hbm>> -> memref<65536x256xf32, #tpu.memory_space<hbm>>
    tpu.enqueue_indirect_dma source(%dma_start3A_291 : memref<65536x256xf32, #tpu.memory_space<hbm>>) target(%dma_start3A_286 : memref<64x256xf32, #tpu.memory_space<vmem>>) offsets(%dma_start3A_288 : memref<64xi32, #tpu.memory_space<vmem>>) semaphore(%arg13 : memref<!tpu.dma_semaphore, #tpu.memory_space<semaphore_mem>>)
    %add3A_292 = arith.constant 320 : i32
    %add3A_293 = arith.addi %mul3A_2, %add3A_292 : i32
    %dma_start3A_294 = arith.constant 1 : i32
    %dma_start3A_295 = arith.constant 0 : i32
    %dma_start3A_296 = arith.constant 0 : i32
    %dma_start3A_297 = tpu.memref_slice %arg11[%dma_start3A_294, %dma_start3A_295, %dma_start3A_296] : memref<2x64x256xf32, #tpu.memory_space<vmem>> -> memref<1x64x256xf32, #tpu.memory_space<vmem>>
    %dma_start3A_298 = tpu.memref_squeeze %dma_start3A_297 : memref<1x64x256xf32, #tpu.memory_space<vmem>> -> memref<64x256xf32, #tpu.memory_space<vmem>>
    %dma_start3A_299 = arith.constant 0 : i32
    %dma_start3A_300 = tpu.memref_slice %arg3[%add3A_293, %dma_start3A_299] : memref<16384x256xf32, #tpu.memory_space<hbm>> -> memref<64x256xf32, #tpu.memory_space<hbm>>
    %dma_start3A_301 = arith.constant 0 : i32
    %dma_start3A_302 = arith.constant 0 : i32
    %dma_start3A_303 = tpu.memref_slice %arg11[%dma_start3A_294, %dma_start3A_301, %dma_start3A_302] : memref<2x64x256xf32, #tpu.memory_space<vmem>> -> memref<1x64x256xf32, #tpu.memory_space<vmem>>
    %dma_start3A_304 = tpu.memref_squeeze %dma_start3A_303 : memref<1x64x256xf32, #tpu.memory_space<vmem>> -> memref<64x256xf32, #tpu.memory_space<vmem>>
    %dma_start3A_305 = arith.constant 0 : i32
    %dma_start3A_306 = tpu.memref_slice %arg3[%add3A_293, %dma_start3A_305] : memref<16384x256xf32, #tpu.memory_space<hbm>> -> memref<64x256xf32, #tpu.memory_space<hbm>>
    tpu.enqueue_dma source(%dma_start3A_306 : memref<64x256xf32, #tpu.memory_space<hbm>>) target(%dma_start3A_304 : memref<64x256xf32, #tpu.memory_space<vmem>>) target_semaphore(%arg15 : memref<!tpu.dma_semaphore, #tpu.memory_space<semaphore_mem>>)
    %scan3A_307 = arith.constant 0 : i32
    %scan3A_308 = arith.constant 0 : i32
    %scan3A_309 = arith.constant 64 : i32
    %scan3A_310 = arith.addi %scan3A_308, %scan3A_309 : i32
    %scan3A_311 = arith.constant 1 : i32
    scf.for %scan3A_462 = %scan3A_308 to %scan3A_310 step %scan3A_311  : i32 {
      %get3A = arith.constant 0 : i32
      %get3A_463 = arith.index_cast %get3A : i32 to index
      %get3A_464 = arith.index_cast %scan3A_462 : i32 to index
      %get3A_465 = arith.constant 0 : index
      %get3A_466 = tpu.vector_load %arg10[%get3A_463, %get3A_464, %get3A_465] {strides = array<i32>} : memref<2x64x256xf32, #tpu.memory_space<vmem>>, vector<1x1x16xf32>,
      %get3A_467 = vector.shape_cast %get3A_466 : vector<1x1x16xf32> to vector<16xf32>
      %get3A_468 = arith.constant 0 : i32
      %get3A_469 = arith.index_cast %get3A_468 : i32 to index
      %get3A_470 = arith.index_cast %scan3A_462 : i32 to index
      %get3A_471 = arith.constant 0 : index
      %get3A_472 = tpu.vector_load %arg11[%get3A_469, %get3A_470, %get3A_471] {strides = array<i32>} : memref<2x64x256xf32, #tpu.memory_space<vmem>>, vector<1x1x16xf32>,
      %get3A_473 = vector.shape_cast %get3A_472 : vector<1x1x16xf32> to vector<16xf32>
      %add3A_474 = arith.addf %get3A_467, %get3A_473 : vector<16xf32>
      %swap3A = arith.constant 0 : i32
      %swap3A_475 = arith.index_cast %swap3A : i32 to index
      %swap3A_476 = arith.index_cast %scan3A_462 : i32 to index
      %swap3A_477 = arith.constant 0 : index
      %swap3A_478 = tpu.vector_load %arg10[%swap3A_475, %swap3A_476, %swap3A_477] {strides = array<i32>} : memref<2x64x256xf32, #tpu.memory_space<vmem>>, vector<1x1x16xf32>,
      %swap3A_479 = vector.shape_cast %swap3A_478 : vector<1x1x16xf32> to vector<16xf32>
      %swap3A_480 = vector.shape_cast %add3A_474 : vector<16xf32> to vector<1x1x16xf32>
      tpu.vector_store %arg10[%swap3A_475, %swap3A_476, %swap3A_477], %swap3A_480 {strides = array<i32>} : memref<2x64x256xf32, #tpu.memory_space<vmem>>, vector<1x1x16xf32>,
      %get3A_481 = arith.constant 0 : i32
      %get3A_482 = arith.index_cast %get3A_481 : i32 to index
      %get3A_483 = arith.index_cast %scan3A_462 : i32 to index
      %get3A_484 = arith.constant 16 : index
      %get3A_485 = tpu.vector_load %arg10[%get3A_482, %get3A_483, %get3A_484] {strides = array<i32>} : memref<2x64x256xf32, #tpu.memory_space<vmem>>, vector<1x1x16xf32>,
      %get3A_486 = vector.shape_cast %get3A_485 : vector<1x1x16xf32> to vector<16xf32>
      %get3A_487 = arith.constant 0 : i32
      %get3A_488 = arith.index_cast %get3A_487 : i32 to index
      %get3A_489 = arith.index_cast %scan3A_462 : i32 to index
      %get3A_490 = arith.constant 16 : index
      %get3A_491 = tpu.vector_load %arg11[%get3A_488, %get3A_489, %get3A_490] {strides = array<i32>} : memref<2x64x256xf32, #tpu.memory_space<vmem>>, vector<1x1x16xf32>,
      %get3A_492 = vector.shape_cast %get3A_491 : vector<1x1x16xf32> to vector<16xf32>
      %add3A_493 = arith.addf %get3A_486, %get3A_492 : vector<16xf32>
      %swap3A_494 = arith.constant 0 : i32
      %swap3A_495 = arith.index_cast %swap3A_494 : i32 to index
      %swap3A_496 = arith.index_cast %scan3A_462 : i32 to index
      %swap3A_497 = arith.constant 16 : index
      %swap3A_498 = tpu.vector_load %arg10[%swap3A_495, %swap3A_496, %swap3A_497] {strides = array<i32>} : memref<2x64x256xf32, #tpu.memory_space<vmem>>, vector<1x1x16xf32>,
      %swap3A_499 = vector.shape_cast %swap3A_498 : vector<1x1x16xf32> to vector<16xf32>
      %swap3A_500 = vector.shape_cast %add3A_493 : vector<16xf32> to vector<1x1x16xf32>
      tpu.vector_store %arg10[%swap3A_495, %swap3A_496, %swap3A_497], %swap3A_500 {strides = array<i32>} : memref<2x64x256xf32, #tpu.memory_space<vmem>>, vector<1x1x16xf32>,
      %get3A_501 = arith.constant 0 : i32
      %get3A_502 = arith.index_cast %get3A_501 : i32 to index
      %get3A_503 = arith.index_cast %scan3A_462 : i32 to index
      %get3A_504 = arith.constant 32 : index
      %get3A_505 = tpu.vector_load %arg10[%get3A_502, %get3A_503, %get3A_504] {strides = array<i32>} : memref<2x64x256xf32, #tpu.memory_space<vmem>>, vector<1x1x16xf32>,
      %get3A_506 = vector.shape_cast %get3A_505 : vector<1x1x16xf32> to vector<16xf32>
      %get3A_507 = arith.constant 0 : i32
      %get3A_508 = arith.index_cast %get3A_507 : i32 to index
      %get3A_509 = arith.index_cast %scan3A_462 : i32 to index
      %get3A_510 = arith.constant 32 : index
      %get3A_511 = tpu.vector_load %arg11[%get3A_508, %get3A_509, %get3A_510] {strides = array<i32>} : memref<2x64x256xf32, #tpu.memory_space<vmem>>, vector<1x1x16xf32>,
      %get3A_512 = vector.shape_cast %get3A_511 : vector<1x1x16xf32> to vector<16xf32>
      %add3A_513 = arith.addf %get3A_506, %get3A_512 : vector<16xf32>
      %swap3A_514 = arith.constant 0 : i32
      %swap3A_515 = arith.index_cast %swap3A_514 : i32 to index
      %swap3A_516 = arith.index_cast %scan3A_462 : i32 to index
      %swap3A_517 = arith.constant 32 : index
      %swap3A_518 = tpu.vector_load %arg10[%swap3A_515, %swap3A_516, %swap3A_517] {strides = array<i32>} : memref<2x64x256xf32, #tpu.memory_space<vmem>>, vector<1x1x16xf32>,
      %swap3A_519 = vector.shape_cast %swap3A_518 : vector<1x1x16xf32> to vector<16xf32>
      %swap3A_520 = vector.shape_cast %add3A_513 : vector<16xf32> to vector<1x1x16xf32>
      tpu.vector_store %arg10[%swap3A_515, %swap3A_516, %swap3A_517], %swap3A_520 {strides = array<i32>} : memref<2x64x256xf32, #tpu.memory_space<vmem>>, vector<1x1x16xf32>,
      %get3A_521 = arith.constant 0 : i32
      %get3A_522 = arith.index_cast %get3A_521 : i32 to index
      %get3A_523 = arith.index_cast %scan3A_462 : i32 to index
      %get3A_524 = arith.constant 48 : index
      %get3A_525 = tpu.vector_load %arg10[%get3A_522, %get3A_523, %get3A_524] {strides = array<i32>} : memref<2x64x256xf32, #tpu.memory_space<vmem>>, vector<1x1x16xf32>,
      %get3A_526 = vector.shape_cast %get3A_525 : vector<1x1x16xf32> to vector<16xf32>
      %get3A_527 = arith.constant 0 : i32
      %get3A_528 = arith.index_cast %get3A_527 : i32 to index
      %get3A_529 = arith.index_cast %scan3A_462 : i32 to index
      %get3A_530 = arith.constant 48 : index
      %get3A_531 = tpu.vector_load %arg11[%get3A_528, %get3A_529, %get3A_530] {strides = array<i32>} : memref<2x64x256xf32, #tpu.memory_space<vmem>>, vector<1x1x16xf32>,
      %get3A_532 = vector.shape_cast %get3A_531 : vector<1x1x16xf32> to vector<16xf32>
      %add3A_533 = arith.addf %get3A_526, %get3A_532 : vector<16xf32>
      %swap3A_534 = arith.constant 0 : i32
      %swap3A_535 = arith.index_cast %swap3A_534 : i32 to index
      %swap3A_536 = arith.index_cast %scan3A_462 : i32 to index
      %swap3A_537 = arith.constant 48 : index
      %swap3A_538 = tpu.vector_load %arg10[%swap3A_535, %swap3A_536, %swap3A_537] {strides = array<i32>} : memref<2x64x256xf32, #tpu.memory_space<vmem>>, vector<1x1x16xf32>,
      %swap3A_539 = vector.shape_cast %swap3A_538 : vector<1x1x16xf32> to vector<16xf32>
      %swap3A_540 = vector.shape_cast %add3A_533 : vector<16xf32> to vector<1x1x16xf32>
      tpu.vector_store %arg10[%swap3A_535, %swap3A_536, %swap3A_537], %swap3A_540 {strides = array<i32>} : memref<2x64x256xf32, #tpu.memory_space<vmem>>, vector<1x1x16xf32>,
      %get3A_541 = arith.constant 0 : i32
      %get3A_542 = arith.index_cast %get3A_541 : i32 to index
      %get3A_543 = arith.index_cast %scan3A_462 : i32 to index
      %get3A_544 = arith.constant 64 : index
      %get3A_545 = tpu.vector_load %arg10[%get3A_542, %get3A_543, %get3A_544] {strides = array<i32>} : memref<2x64x256xf32, #tpu.memory_space<vmem>>, vector<1x1x16xf32>,
      %get3A_546 = vector.shape_cast %get3A_545 : vector<1x1x16xf32> to vector<16xf32>
      %get3A_547 = arith.constant 0 : i32
      %get3A_548 = arith.index_cast %get3A_547 : i32 to index
      %get3A_549 = arith.index_cast %scan3A_462 : i32 to index
      %get3A_550 = arith.constant 64 : index
      %get3A_551 = tpu.vector_load %arg11[%get3A_548, %get3A_549, %get3A_550] {strides = array<i32>} : memref<2x64x256xf32, #tpu.memory_space<vmem>>, vector<1x1x16xf32>,
      %get3A_552 = vector.shape_cast %get3A_551 : vector<1x1x16xf32> to vector<16xf32>
      %add3A_553 = arith.addf %get3A_546, %get3A_552 : vector<16xf32>
      %swap3A_554 = arith.constant 0 : i32
      %swap3A_555 = arith.index_cast %swap3A_554 : i32 to index
      %swap3A_556 = arith.index_cast %scan3A_462 : i32 to index
      %swap3A_557 = arith.constant 64 : index
      %swap3A_558 = tpu.vector_load %arg10[%swap3A_555, %swap3A_556, %swap3A_557] {strides = array<i32>} : memref<2x64x256xf32, #tpu.memory_space<vmem>>, vector<1x1x16xf32>,
      %swap3A_559 = vector.shape_cast %swap3A_558 : vector<1x1x16xf32> to vector<16xf32>
      %swap3A_560 = vector.shape_cast %add3A_553 : vector<16xf32> to vector<1x1x16xf32>
      tpu.vector_store %arg10[%swap3A_555, %swap3A_556, %swap3A_557], %swap3A_560 {strides = array<i32>} : memref<2x64x256xf32, #tpu.memory_space<vmem>>, vector<1x1x16xf32>,
      %get3A_561 = arith.constant 0 : i32
      %get3A_562 = arith.index_cast %get3A_561 : i32 to index
      %get3A_563 = arith.index_cast %scan3A_462 : i32 to index
      %get3A_564 = arith.constant 80 : index
      %get3A_565 = tpu.vector_load %arg10[%get3A_562, %get3A_563, %get3A_564] {strides = array<i32>} : memref<2x64x256xf32, #tpu.memory_space<vmem>>, vector<1x1x16xf32>,
      %get3A_566 = vector.shape_cast %get3A_565 : vector<1x1x16xf32> to vector<16xf32>
      %get3A_567 = arith.constant 0 : i32
      %get3A_568 = arith.index_cast %get3A_567 : i32 to index
      %get3A_569 = arith.index_cast %scan3A_462 : i32 to index
      %get3A_570 = arith.constant 80 : index
      %get3A_571 = tpu.vector_load %arg11[%get3A_568, %get3A_569, %get3A_570] {strides = array<i32>} : memref<2x64x256xf32, #tpu.memory_space<vmem>>, vector<1x1x16xf32>,
      %get3A_572 = vector.shape_cast %get3A_571 : vector<1x1x16xf32> to vector<16xf32>
      %add3A_573 = arith.addf %get3A_566, %get3A_572 : vector<16xf32>
      %swap3A_574 = arith.constant 0 : i32
      %swap3A_575 = arith.index_cast %swap3A_574 : i32 to index
      %swap3A_576 = arith.index_cast %scan3A_462 : i32 to index
      %swap3A_577 = arith.constant 80 : index
      %swap3A_578 = tpu.vector_load %arg10[%swap3A_575, %swap3A_576, %swap3A_577] {strides = array<i32>} : memref<2x64x256xf32, #tpu.memory_space<vmem>>, vector<1x1x16xf32>,
      %swap3A_579 = vector.shape_cast %swap3A_578 : vector<1x1x16xf32> to vector<16xf32>
      %swap3A_580 = vector.shape_cast %add3A_573 : vector<16xf32> to vector<1x1x16xf32>
      tpu.vector_store %arg10[%swap3A_575, %swap3A_576, %swap3A_577], %swap3A_580 {strides = array<i32>} : memref<2x64x256xf32, #tpu.memory_space<vmem>>, vector<1x1x16xf32>,
      %get3A_581 = arith.constant 0 : i32
      %get3A_582 = arith.index_cast %get3A_581 : i32 to index
      %get3A_583 = arith.index_cast %scan3A_462 : i32 to index
      %get3A_584 = arith.constant 96 : index
      %get3A_585 = tpu.vector_load %arg10[%get3A_582, %get3A_583, %get3A_584] {strides = array<i32>} : memref<2x64x256xf32, #tpu.memory_space<vmem>>, vector<1x1x16xf32>,
      %get3A_586 = vector.shape_cast %get3A_585 : vector<1x1x16xf32> to vector<16xf32>
      %get3A_587 = arith.constant 0 : i32
      %get3A_588 = arith.index_cast %get3A_587 : i32 to index
      %get3A_589 = arith.index_cast %scan3A_462 : i32 to index
      %get3A_590 = arith.constant 96 : index
      %get3A_591 = tpu.vector_load %arg11[%get3A_588, %get3A_589, %get3A_590] {strides = array<i32>} : memref<2x64x256xf32, #tpu.memory_space<vmem>>, vector<1x1x16xf32>,
      %get3A_592 = vector.shape_cast %get3A_591 : vector<1x1x16xf32> to vector<16xf32>
      %add3A_593 = arith.addf %get3A_586, %get3A_592 : vector<16xf32>
      %swap3A_594 = arith.constant 0 : i32
      %swap3A_595 = arith.index_cast %swap3A_594 : i32 to index
      %swap3A_596 = arith.index_cast %scan3A_462 : i32 to index
      %swap3A_597 = arith.constant 96 : index
      %swap3A_598 = tpu.vector_load %arg10[%swap3A_595, %swap3A_596, %swap3A_597] {strides = array<i32>} : memref<2x64x256xf32, #tpu.memory_space<vmem>>, vector<1x1x16xf32>,
      %swap3A_599 = vector.shape_cast %swap3A_598 : vector<1x1x16xf32> to vector<16xf32>
      %swap3A_600 = vector.shape_cast %add3A_593 : vector<16xf32> to vector<1x1x16xf32>
      tpu.vector_store %arg10[%swap3A_595, %swap3A_596, %swap3A_597], %swap3A_600 {strides = array<i32>} : memref<2x64x256xf32, #tpu.memory_space<vmem>>, vector<1x1x16xf32>,
      %get3A_601 = arith.constant 0 : i32
      %get3A_602 = arith.index_cast %get3A_601 : i32 to index
      %get3A_603 = arith.index_cast %scan3A_462 : i32 to index
      %get3A_604 = arith.constant 112 : index
      %get3A_605 = tpu.vector_load %arg10[%get3A_602, %get3A_603, %get3A_604] {strides = array<i32>} : memref<2x64x256xf32, #tpu.memory_space<vmem>>, vector<1x1x16xf32>,
      %get3A_606 = vector.shape_cast %get3A_605 : vector<1x1x16xf32> to vector<16xf32>
      %get3A_607 = arith.constant 0 : i32
      %get3A_608 = arith.index_cast %get3A_607 : i32 to index
      %get3A_609 = arith.index_cast %scan3A_462 : i32 to index
      %get3A_610 = arith.constant 112 : index
      %get3A_611 = tpu.vector_load %arg11[%get3A_608, %get3A_609, %get3A_610] {strides = array<i32>} : memref<2x64x256xf32, #tpu.memory_space<vmem>>, vector<1x1x16xf32>,
      %get3A_612 = vector.shape_cast %get3A_611 : vector<1x1x16xf32> to vector<16xf32>
      %add3A_613 = arith.addf %get3A_606, %get3A_612 : vector<16xf32>
      %swap3A_614 = arith.constant 0 : i32
      %swap3A_615 = arith.index_cast %swap3A_614 : i32 to index
      %swap3A_616 = arith.index_cast %scan3A_462 : i32 to index
      %swap3A_617 = arith.constant 112 : index
      %swap3A_618 = tpu.vector_load %arg10[%swap3A_615, %swap3A_616, %swap3A_617] {strides = array<i32>} : memref<2x64x256xf32, #tpu.memory_space<vmem>>, vector<1x1x16xf32>,
      %swap3A_619 = vector.shape_cast %swap3A_618 : vector<1x1x16xf32> to vector<16xf32>
      %swap3A_620 = vector.shape_cast %add3A_613 : vector<16xf32> to vector<1x1x16xf32>
      tpu.vector_store %arg10[%swap3A_615, %swap3A_616, %swap3A_617], %swap3A_620 {strides = array<i32>} : memref<2x64x256xf32, #tpu.memory_space<vmem>>, vector<1x1x16xf32>,
      %get3A_621 = arith.constant 0 : i32
      %get3A_622 = arith.index_cast %get3A_621 : i32 to index
      %get3A_623 = arith.index_cast %scan3A_462 : i32 to index
      %get3A_624 = arith.constant 128 : index
      %get3A_625 = tpu.vector_load %arg10[%get3A_622, %get3A_623, %get3A_624] {strides = array<i32>} : memref<2x64x256xf32, #tpu.memory_space<vmem>>, vector<1x1x16xf32>,
      %get3A_626 = vector.shape_cast %get3A_625 : vector<1x1x16xf32> to vector<16xf32>
      %get3A_627 = arith.constant 0 : i32
      %get3A_628 = arith.index_cast %get3A_627 : i32 to index
      %get3A_629 = arith.index_cast %scan3A_462 : i32 to index
      %get3A_630 = arith.constant 128 : index
      %get3A_631 = tpu.vector_load %arg11[%get3A_628, %get3A_629, %get3A_630] {strides = array<i32>} : memref<2x64x256xf32, #tpu.memory_space<vmem>>, vector<1x1x16xf32>,
      %get3A_632 = vector.shape_cast %get3A_631 : vector<1x1x16xf32> to vector<16xf32>
      %add3A_633 = arith.addf %get3A_626, %get3A_632 : vector<16xf32>
      %swap3A_634 = arith.constant 0 : i32
      %swap3A_635 = arith.index_cast %swap3A_634 : i32 to index
      %swap3A_636 = arith.index_cast %scan3A_462 : i32 to index
      %swap3A_637 = arith.constant 128 : index
      %swap3A_638 = tpu.vector_load %arg10[%swap3A_635, %swap3A_636, %swap3A_637] {strides = array<i32>} : memref<2x64x256xf32, #tpu.memory_space<vmem>>, vector<1x1x16xf32>,
      %swap3A_639 = vector.shape_cast %swap3A_638 : vector<1x1x16xf32> to vector<16xf32>
      %swap3A_640 = vector.shape_cast %add3A_633 : vector<16xf32> to vector<1x1x16xf32>
      tpu.vector_store %arg10[%swap3A_635, %swap3A_636, %swap3A_637], %swap3A_640 {strides = array<i32>} : memref<2x64x256xf32, #tpu.memory_space<vmem>>, vector<1x1x16xf32>,
      %get3A_641 = arith.constant 0 : i32
      %get3A_642 = arith.index_cast %get3A_641 : i32 to index
      %get3A_643 = arith.index_cast %scan3A_462 : i32 to index
      %get3A_644 = arith.constant 144 : index
      %get3A_645 = tpu.vector_load %arg10[%get3A_642, %get3A_643, %get3A_644] {strides = array<i32>} : memref<2x64x256xf32, #tpu.memory_space<vmem>>, vector<1x1x16xf32>,
      %get3A_646 = vector.shape_cast %get3A_645 : vector<1x1x16xf32> to vector<16xf32>
      %get3A_647 = arith.constant 0 : i32
      %get3A_648 = arith.index_cast %get3A_647 : i32 to index
      %get3A_649 = arith.index_cast %scan3A_462 : i32 to index
      %get3A_650 = arith.constant 144 : index
      %get3A_651 = tpu.vector_load %arg11[%get3A_648, %get3A_649, %get3A_650] {strides = array<i32>} : memref<2x64x256xf32, #tpu.memory_space<vmem>>, vector<1x1x16xf32>,
      %get3A_652 = vector.shape_cast %get3A_651 : vector<1x1x16xf32> to vector<16xf32>
      %add3A_653 = arith.addf %get3A_646, %get3A_652 : vector<16xf32>
      %swap3A_654 = arith.constant 0 : i32
      %swap3A_655 = arith.index_cast %swap3A_654 : i32 to index
      %swap3A_656 = arith.index_cast %scan3A_462 : i32 to index
      %swap3A_657 = arith.constant 144 : index
      %swap3A_658 = tpu.vector_load %arg10[%swap3A_655, %swap3A_656, %swap3A_657] {strides = array<i32>} : memref<2x64x256xf32, #tpu.memory_space<vmem>>, vector<1x1x16xf32>,
      %swap3A_659 = vector.shape_cast %swap3A_658 : vector<1x1x16xf32> to vector<16xf32>
      %swap3A_660 = vector.shape_cast %add3A_653 : vector<16xf32> to vector<1x1x16xf32>
      tpu.vector_store %arg10[%swap3A_655, %swap3A_656, %swap3A_657], %swap3A_660 {strides = array<i32>} : memref<2x64x256xf32, #tpu.memory_space<vmem>>, vector<1x1x16xf32>,
      %get3A_661 = arith.constant 0 : i32
      %get3A_662 = arith.index_cast %get3A_661 : i32 to index
      %get3A_663 = arith.index_cast %scan3A_462 : i32 to index
      %get3A_664 = arith.constant 160 : index
      %get3A_665 = tpu.vector_load %arg10[%get3A_662, %get3A_663, %get3A_664] {strides = array<i32>} : memref<2x64x256xf32, #tpu.memory_space<vmem>>, vector<1x1x16xf32>,
      %get3A_666 = vector.shape_cast %get3A_665 : vector<1x1x16xf32> to vector<16xf32>
      %get3A_667 = arith.constant 0 : i32
      %get3A_668 = arith.index_cast %get3A_667 : i32 to index
      %get3A_669 = arith.index_cast %scan3A_462 : i32 to index
      %get3A_670 = arith.constant 160 : index
      %get3A_671 = tpu.vector_load %arg11[%get3A_668, %get3A_669, %get3A_670] {strides = array<i32>} : memref<2x64x256xf32, #tpu.memory_space<vmem>>, vector<1x1x16xf32>,
      %get3A_672 = vector.shape_cast %get3A_671 : vector<1x1x16xf32> to vector<16xf32>
      %add3A_673 = arith.addf %get3A_666, %get3A_672 : vector<16xf32>
      %swap3A_674 = arith.constant 0 : i32
      %swap3A_675 = arith.index_cast %swap3A_674 : i32 to index
      %swap3A_676 = arith.index_cast %scan3A_462 : i32 to index
      %swap3A_677 = arith.constant 160 : index
      %swap3A_678 = tpu.vector_load %arg10[%swap3A_675, %swap3A_676, %swap3A_677] {strides = array<i32>} : memref<2x64x256xf32, #tpu.memory_space<vmem>>, vector<1x1x16xf32>,
      %swap3A_679 = vector.shape_cast %swap3A_678 : vector<1x1x16xf32> to vector<16xf32>
      %swap3A_680 = vector.shape_cast %add3A_673 : vector<16xf32> to vector<1x1x16xf32>
      tpu.vector_store %arg10[%swap3A_675, %swap3A_676, %swap3A_677], %swap3A_680 {strides = array<i32>} : memref<2x64x256xf32, #tpu.memory_space<vmem>>, vector<1x1x16xf32>,
      %get3A_681 = arith.constant 0 : i32
      %get3A_682 = arith.index_cast %get3A_681 : i32 to index
      %get3A_683 = arith.index_cast %scan3A_462 : i32 to index
      %get3A_684 = arith.constant 176 : index
      %get3A_685 = tpu.vector_load %arg10[%get3A_682, %get3A_683, %get3A_684] {strides = array<i32>} : memref<2x64x256xf32, #tpu.memory_space<vmem>>, vector<1x1x16xf32>,
      %get3A_686 = vector.shape_cast %get3A_685 : vector<1x1x16xf32> to vector<16xf32>
      %get3A_687 = arith.constant 0 : i32
      %get3A_688 = arith.index_cast %get3A_687 : i32 to index
      %get3A_689 = arith.index_cast %scan3A_462 : i32 to index
      %get3A_690 = arith.constant 176 : index
      %get3A_691 = tpu.vector_load %arg11[%get3A_688, %get3A_689, %get3A_690] {strides = array<i32>} : memref<2x64x256xf32, #tpu.memory_space<vmem>>, vector<1x1x16xf32>,
      %get3A_692 = vector.shape_cast %get3A_691 : vector<1x1x16xf32> to vector<16xf32>
      %add3A_693 = arith.addf %get3A_686, %get3A_692 : vector<16xf32>
      %swap3A_694 = arith.constant 0 : i32
      %swap3A_695 = arith.index_cast %swap3A_694 : i32 to index
      %swap3A_696 = arith.index_cast %scan3A_462 : i32 to index
      %swap3A_697 = arith.constant 176 : index
      %swap3A_698 = tpu.vector_load %arg10[%swap3A_695, %swap3A_696, %swap3A_697] {strides = array<i32>} : memref<2x64x256xf32, #tpu.memory_space<vmem>>, vector<1x1x16xf32>,
      %swap3A_699 = vector.shape_cast %swap3A_698 : vector<1x1x16xf32> to vector<16xf32>
      %swap3A_700 = vector.shape_cast %add3A_693 : vector<16xf32> to vector<1x1x16xf32>
      tpu.vector_store %arg10[%swap3A_695, %swap3A_696, %swap3A_697], %swap3A_700 {strides = array<i32>} : memref<2x64x256xf32, #tpu.memory_space<vmem>>, vector<1x1x16xf32>,
      %get3A_701 = arith.constant 0 : i32
      %get3A_702 = arith.index_cast %get3A_701 : i32 to index
      %get3A_703 = arith.index_cast %scan3A_462 : i32 to index
      %get3A_704 = arith.constant 192 : index
      %get3A_705 = tpu.vector_load %arg10[%get3A_702, %get3A_703, %get3A_704] {strides = array<i32>} : memref<2x64x256xf32, #tpu.memory_space<vmem>>, vector<1x1x16xf32>,
      %get3A_706 = vector.shape_cast %get3A_705 : vector<1x1x16xf32> to vector<16xf32>
      %get3A_707 = arith.constant 0 : i32
      %get3A_708 = arith.index_cast %get3A_707 : i32 to index
      %get3A_709 = arith.index_cast %scan3A_462 : i32 to index
      %get3A_710 = arith.constant 192 : index
      %get3A_711 = tpu.vector_load %arg11[%get3A_708, %get3A_709, %get3A_710] {strides = array<i32>} : memref<2x64x256xf32, #tpu.memory_space<vmem>>, vector<1x1x16xf32>,
      %get3A_712 = vector.shape_cast %get3A_711 : vector<1x1x16xf32> to vector<16xf32>
      %add3A_713 = arith.addf %get3A_706, %get3A_712 : vector<16xf32>
      %swap3A_714 = arith.constant 0 : i32
      %swap3A_715 = arith.index_cast %swap3A_714 : i32 to index
      %swap3A_716 = arith.index_cast %scan3A_462 : i32 to index
      %swap3A_717 = arith.constant 192 : index
      %swap3A_718 = tpu.vector_load %arg10[%swap3A_715, %swap3A_716, %swap3A_717] {strides = array<i32>} : memref<2x64x256xf32, #tpu.memory_space<vmem>>, vector<1x1x16xf32>,
      %swap3A_719 = vector.shape_cast %swap3A_718 : vector<1x1x16xf32> to vector<16xf32>
      %swap3A_720 = vector.shape_cast %add3A_713 : vector<16xf32> to vector<1x1x16xf32>
      tpu.vector_store %arg10[%swap3A_715, %swap3A_716, %swap3A_717], %swap3A_720 {strides = array<i32>} : memref<2x64x256xf32, #tpu.memory_space<vmem>>, vector<1x1x16xf32>,
      %get3A_721 = arith.constant 0 : i32
      %get3A_722 = arith.index_cast %get3A_721 : i32 to index
      %get3A_723 = arith.index_cast %scan3A_462 : i32 to index
      %get3A_724 = arith.constant 208 : index
      %get3A_725 = tpu.vector_load %arg10[%get3A_722, %get3A_723, %get3A_724] {strides = array<i32>} : memref<2x64x256xf32, #tpu.memory_space<vmem>>, vector<1x1x16xf32>,
      %get3A_726 = vector.shape_cast %get3A_725 : vector<1x1x16xf32> to vector<16xf32>
      %get3A_727 = arith.constant 0 : i32
      %get3A_728 = arith.index_cast %get3A_727 : i32 to index
      %get3A_729 = arith.index_cast %scan3A_462 : i32 to index
      %get3A_730 = arith.constant 208 : index
      %get3A_731 = tpu.vector_load %arg11[%get3A_728, %get3A_729, %get3A_730] {strides = array<i32>} : memref<2x64x256xf32, #tpu.memory_space<vmem>>, vector<1x1x16xf32>,
      %get3A_732 = vector.shape_cast %get3A_731 : vector<1x1x16xf32> to vector<16xf32>
      %add3A_733 = arith.addf %get3A_726, %get3A_732 : vector<16xf32>
      %swap3A_734 = arith.constant 0 : i32
      %swap3A_735 = arith.index_cast %swap3A_734 : i32 to index
      %swap3A_736 = arith.index_cast %scan3A_462 : i32 to index
      %swap3A_737 = arith.constant 208 : index
      %swap3A_738 = tpu.vector_load %arg10[%swap3A_735, %swap3A_736, %swap3A_737] {strides = array<i32>} : memref<2x64x256xf32, #tpu.memory_space<vmem>>, vector<1x1x16xf32>,
      %swap3A_739 = vector.shape_cast %swap3A_738 : vector<1x1x16xf32> to vector<16xf32>
      %swap3A_740 = vector.shape_cast %add3A_733 : vector<16xf32> to vector<1x1x16xf32>
      tpu.vector_store %arg10[%swap3A_735, %swap3A_736, %swap3A_737], %swap3A_740 {strides = array<i32>} : memref<2x64x256xf32, #tpu.memory_space<vmem>>, vector<1x1x16xf32>,
      %get3A_741 = arith.constant 0 : i32
      %get3A_742 = arith.index_cast %get3A_741 : i32 to index
      %get3A_743 = arith.index_cast %scan3A_462 : i32 to index
      %get3A_744 = arith.constant 224 : index
      %get3A_745 = tpu.vector_load %arg10[%get3A_742, %get3A_743, %get3A_744] {strides = array<i32>} : memref<2x64x256xf32, #tpu.memory_space<vmem>>, vector<1x1x16xf32>,
      %get3A_746 = vector.shape_cast %get3A_745 : vector<1x1x16xf32> to vector<16xf32>
      %get3A_747 = arith.constant 0 : i32
      %get3A_748 = arith.index_cast %get3A_747 : i32 to index
      %get3A_749 = arith.index_cast %scan3A_462 : i32 to index
      %get3A_750 = arith.constant 224 : index
      %get3A_751 = tpu.vector_load %arg11[%get3A_748, %get3A_749, %get3A_750] {strides = array<i32>} : memref<2x64x256xf32, #tpu.memory_space<vmem>>, vector<1x1x16xf32>,
      %get3A_752 = vector.shape_cast %get3A_751 : vector<1x1x16xf32> to vector<16xf32>
      %add3A_753 = arith.addf %get3A_746, %get3A_752 : vector<16xf32>
      %swap3A_754 = arith.constant 0 : i32
      %swap3A_755 = arith.index_cast %swap3A_754 : i32 to index
      %swap3A_756 = arith.index_cast %scan3A_462 : i32 to index
      %swap3A_757 = arith.constant 224 : index
      %swap3A_758 = tpu.vector_load %arg10[%swap3A_755, %swap3A_756, %swap3A_757] {strides = array<i32>} : memref<2x64x256xf32, #tpu.memory_space<vmem>>, vector<1x1x16xf32>,
      %swap3A_759 = vector.shape_cast %swap3A_758 : vector<1x1x16xf32> to vector<16xf32>
      %swap3A_760 = vector.shape_cast %add3A_753 : vector<16xf32> to vector<1x1x16xf32>
      tpu.vector_store %arg10[%swap3A_755, %swap3A_756, %swap3A_757], %swap3A_760 {strides = array<i32>} : memref<2x64x256xf32, #tpu.memory_space<vmem>>, vector<1x1x16xf32>,
      %get3A_761 = arith.constant 0 : i32
      %get3A_762 = arith.index_cast %get3A_761 : i32 to index
      %get3A_763 = arith.index_cast %scan3A_462 : i32 to index
      %get3A_764 = arith.constant 240 : index
      %get3A_765 = tpu.vector_load %arg10[%get3A_762, %get3A_763, %get3A_764] {strides = array<i32>} : memref<2x64x256xf32, #tpu.memory_space<vmem>>, vector<1x1x16xf32>,
      %get3A_766 = vector.shape_cast %get3A_765 : vector<1x1x16xf32> to vector<16xf32>
      %get3A_767 = arith.constant 0 : i32
      %get3A_768 = arith.index_cast %get3A_767 : i32 to index
      %get3A_769 = arith.index_cast %scan3A_462 : i32 to index
      %get3A_770 = arith.constant 240 : index
      %get3A_771 = tpu.vector_load %arg11[%get3A_768, %get3A_769, %get3A_770] {strides = array<i32>} : memref<2x64x256xf32, #tpu.memory_space<vmem>>, vector<1x1x16xf32>,
      %get3A_772 = vector.shape_cast %get3A_771 : vector<1x1x16xf32> to vector<16xf32>
      %add3A_773 = arith.addf %get3A_766, %get3A_772 : vector<16xf32>
      %swap3A_774 = arith.constant 0 : i32
      %swap3A_775 = arith.index_cast %swap3A_774 : i32 to index
      %swap3A_776 = arith.index_cast %scan3A_462 : i32 to index
      %swap3A_777 = arith.constant 240 : index
      %swap3A_778 = tpu.vector_load %arg10[%swap3A_775, %swap3A_776, %swap3A_777] {strides = array<i32>} : memref<2x64x256xf32, #tpu.memory_space<vmem>>, vector<1x1x16xf32>,
      %swap3A_779 = vector.shape_cast %swap3A_778 : vector<1x1x16xf32> to vector<16xf32>
      %swap3A_780 = vector.shape_cast %add3A_773 : vector<16xf32> to vector<1x1x16xf32>
      tpu.vector_store %arg10[%swap3A_775, %swap3A_776, %swap3A_777], %swap3A_780 {strides = array<i32>} : memref<2x64x256xf32, #tpu.memory_space<vmem>>, vector<1x1x16xf32>,
    }
    %scan3A_312 = arith.constant 64 : i32
    %add3A_313 = arith.constant 256 : i32
    %add3A_314 = arith.addi %mul3A_2, %add3A_313 : i32
    %run_scoped3A_315 = arith.constant 0 : i32
    "tpu.region"() ({
      %run_scoped3A_462 = tpu.sem_alloc : memref<!tpu.dma_semaphore, #tpu.memory_space<semaphore_mem>>
      %dma_start3A_463 = arith.constant 0 : i32
      %dma_start3A_464 = arith.constant 0 : i32
      %dma_start3A_465 = tpu.memref_slice %arg10[%run_scoped3A_315, %dma_start3A_463, %dma_start3A_464] : memref<2x64x256xf32, #tpu.memory_space<vmem>> -> memref<1x64x256xf32, #tpu.memory_space<vmem>>
      %dma_start3A_466 = tpu.memref_squeeze %dma_start3A_465 : memref<1x64x256xf32, #tpu.memory_space<vmem>> -> memref<64x256xf32, #tpu.memory_space<vmem>>
      %dma_start3A_467 = arith.constant 0 : i32
      %dma_start3A_468 = tpu.memref_slice %arg6[%add3A_314, %dma_start3A_467] : memref<16384x256xf32, #tpu.memory_space<hbm>> -> memref<64x256xf32, #tpu.memory_space<hbm>>
      %dma_start3A_469 = arith.constant 0 : i32
      %dma_start3A_470 = tpu.memref_slice %arg6[%add3A_314, %dma_start3A_469] : memref<16384x256xf32, #tpu.memory_space<hbm>> -> memref<64x256xf32, #tpu.memory_space<hbm>>
      %dma_start3A_471 = arith.constant 0 : i32
      %dma_start3A_472 = arith.constant 0 : i32
      %dma_start3A_473 = tpu.memref_slice %arg10[%run_scoped3A_315, %dma_start3A_471, %dma_start3A_472] : memref<2x64x256xf32, #tpu.memory_space<vmem>> -> memref<1x64x256xf32, #tpu.memory_space<vmem>>
      %dma_start3A_474 = tpu.memref_squeeze %dma_start3A_473 : memref<1x64x256xf32, #tpu.memory_space<vmem>> -> memref<64x256xf32, #tpu.memory_space<vmem>>
      tpu.enqueue_dma source(%dma_start3A_474 : memref<64x256xf32, #tpu.memory_space<vmem>>) target(%dma_start3A_470 : memref<64x256xf32, #tpu.memory_space<hbm>>) target_semaphore(%run_scoped3A_462 : memref<!tpu.dma_semaphore, #tpu.memory_space<semaphore_mem>>)
      %dma_wait3A_475 = arith.constant 0 : i32
      %dma_wait3A_476 = arith.constant 0 : i32
      %dma_wait3A_477 = tpu.memref_slice %arg10[%run_scoped3A_315, %dma_wait3A_475, %dma_wait3A_476] : memref<2x64x256xf32, #tpu.memory_space<vmem>> -> memref<1x64x256xf32, #tpu.memory_space<vmem>>
      %dma_wait3A_478 = tpu.memref_squeeze %dma_wait3A_477 : memref<1x64x256xf32, #tpu.memory_space<vmem>> -> memref<64x256xf32, #tpu.memory_space<vmem>>
      %dma_wait3A_479 = arith.constant 0 : i32
      %dma_wait3A_480 = tpu.memref_slice %arg6[%add3A_314, %dma_wait3A_479] : memref<16384x256xf32, #tpu.memory_space<hbm>> -> memref<64x256xf32, #tpu.memory_space<hbm>>
      %dma_wait3A_481 = arith.constant 0 : i32
      %dma_wait3A_482 = tpu.memref_slice %arg6[%add3A_314, %dma_wait3A_481] : memref<16384x256xf32, #tpu.memory_space<hbm>> -> memref<64x256xf32, #tpu.memory_space<hbm>>
      %dma_wait3A_483 = arith.constant 0 : i32
      %dma_wait3A_484 = arith.constant 0 : i32
      %dma_wait3A_485 = tpu.memref_slice %arg10[%run_scoped3A_315, %dma_wait3A_483, %dma_wait3A_484] : memref<2x64x256xf32, #tpu.memory_space<vmem>> -> memref<1x64x256xf32, #tpu.memory_space<vmem>>
      %dma_wait3A_486 = tpu.memref_squeeze %dma_wait3A_485 : memref<1x64x256xf32, #tpu.memory_space<vmem>> -> memref<64x256xf32, #tpu.memory_space<vmem>>
      tpu.wait_dma2 semaphore(%run_scoped3A_462 : memref<!tpu.dma_semaphore, #tpu.memory_space<semaphore_mem>>) src(%dma_wait3A_486 : memref<64x256xf32, #tpu.memory_space<vmem>>) dst(%dma_wait3A_482 : memref<64x256xf32, #tpu.memory_space<hbm>>)
      tpu.yield
    }) : () -> ()
    %dma_wait3A_316 = arith.constant 1 : i32
    %dma_wait3A_317 = arith.constant 0 : i32
    %dma_wait3A_318 = arith.constant 0 : i32
    %dma_wait3A_319 = tpu.memref_slice %arg10[%dma_wait3A_316, %dma_wait3A_317, %dma_wait3A_318] : memref<2x64x256xf32, #tpu.memory_space<vmem>> -> memref<1x64x256xf32, #tpu.memory_space<vmem>>
    %dma_wait3A_320 = tpu.memref_squeeze %dma_wait3A_319 : memref<1x64x256xf32, #tpu.memory_space<vmem>> -> memref<64x256xf32, #tpu.memory_space<vmem>>
    %dma_wait3A_321 = arith.constant 320 : i32
    %dma_wait3A_322 = tpu.memref_slice %arg9[%dma_wait3A_321] : memref<512xi32, #tpu.memory_space<vmem>> -> memref<64xi32, #tpu.memory_space<vmem>>
    %dma_wait3A_323 = arith.constant 0 : i32
    %dma_wait3A_324 = arith.constant 0 : i32
    %dma_wait3A_325 = tpu.memref_slice %arg2[%dma_wait3A_323, %dma_wait3A_324] : memref<65536x256xf32, #tpu.memory_space<hbm>> -> memref<65536x256xf32, #tpu.memory_space<hbm>>
    tpu.wait_indirect_dma semaphore(%arg13 : memref<!tpu.dma_semaphore, #tpu.memory_space<semaphore_mem>>) src(%dma_wait3A_325 : memref<65536x256xf32, #tpu.memory_space<hbm>>) dst(%dma_wait3A_320 : memref<64x256xf32, #tpu.memory_space<vmem>>)
    %dma_wait3A_326 = arith.constant 1 : i32
    %dma_wait3A_327 = arith.constant 0 : i32
    %dma_wait3A_328 = arith.constant 0 : i32
    %dma_wait3A_329 = tpu.memref_slice %arg11[%dma_wait3A_326, %dma_wait3A_327, %dma_wait3A_328] : memref<2x64x256xf32, #tpu.memory_space<vmem>> -> memref<1x64x256xf32, #tpu.memory_space<vmem>>
    %dma_wait3A_330 = tpu.memref_squeeze %dma_wait3A_329 : memref<1x64x256xf32, #tpu.memory_space<vmem>> -> memref<64x256xf32, #tpu.memory_space<vmem>>
    %dma_wait3A_331 = arith.constant 0 : i32
    %dma_wait3A_332 = tpu.memref_slice %arg3[%add3A_293, %dma_wait3A_331] : memref<16384x256xf32, #tpu.memory_space<hbm>> -> memref<64x256xf32, #tpu.memory_space<hbm>>
    %dma_wait3A_333 = arith.constant 0 : i32
    %dma_wait3A_334 = arith.constant 0 : i32
    %dma_wait3A_335 = tpu.memref_slice %arg11[%dma_wait3A_326, %dma_wait3A_333, %dma_wait3A_334] : memref<2x64x256xf32, #tpu.memory_space<vmem>> -> memref<1x64x256xf32, #tpu.memory_space<vmem>>
    %dma_wait3A_336 = tpu.memref_squeeze %dma_wait3A_335 : memref<1x64x256xf32, #tpu.memory_space<vmem>> -> memref<64x256xf32, #tpu.memory_space<vmem>>
    %dma_wait3A_337 = arith.constant 0 : i32
    %dma_wait3A_338 = tpu.memref_slice %arg3[%add3A_293, %dma_wait3A_337] : memref<16384x256xf32, #tpu.memory_space<hbm>> -> memref<64x256xf32, #tpu.memory_space<hbm>>
    tpu.wait_dma2 semaphore(%arg15 : memref<!tpu.dma_semaphore, #tpu.memory_space<semaphore_mem>>) src(%dma_wait3A_338 : memref<64x256xf32, #tpu.memory_space<hbm>>) dst(%dma_wait3A_336 : memref<64x256xf32, #tpu.memory_space<vmem>>)
    %dma_start3A_339 = arith.constant 0 : i32
    %dma_start3A_340 = arith.constant 0 : i32
    %dma_start3A_341 = arith.constant 0 : i32
    %dma_start3A_342 = tpu.memref_slice %arg10[%dma_start3A_339, %dma_start3A_340, %dma_start3A_341] : memref<2x64x256xf32, #tpu.memory_space<vmem>> -> memref<1x64x256xf32, #tpu.memory_space<vmem>>
    %dma_start3A_343 = tpu.memref_squeeze %dma_start3A_342 : memref<1x64x256xf32, #tpu.memory_space<vmem>> -> memref<64x256xf32, #tpu.memory_space<vmem>>
    %dma_start3A_344 = arith.constant 384 : i32
    %dma_start3A_345 = tpu.memref_slice %arg9[%dma_start3A_344] : memref<512xi32, #tpu.memory_space<vmem>> -> memref<64xi32, #tpu.memory_space<vmem>>
    %dma_start3A_346 = arith.constant 0 : i32
    %dma_start3A_347 = arith.constant 0 : i32
    %dma_start3A_348 = tpu.memref_slice %arg2[%dma_start3A_346, %dma_start3A_347] : memref<65536x256xf32, #tpu.memory_space<hbm>> -> memref<65536x256xf32, #tpu.memory_space<hbm>>
    tpu.enqueue_indirect_dma source(%dma_start3A_348 : memref<65536x256xf32, #tpu.memory_space<hbm>>) target(%dma_start3A_343 : memref<64x256xf32, #tpu.memory_space<vmem>>) offsets(%dma_start3A_345 : memref<64xi32, #tpu.memory_space<vmem>>) semaphore(%arg12 : memref<!tpu.dma_semaphore, #tpu.memory_space<semaphore_mem>>)
    %add3A_349 = arith.constant 384 : i32
    %add3A_350 = arith.addi %mul3A_2, %add3A_349 : i32
    %dma_start3A_351 = arith.constant 0 : i32
    %dma_start3A_352 = arith.constant 0 : i32
    %dma_start3A_353 = arith.constant 0 : i32
    %dma_start3A_354 = tpu.memref_slice %arg11[%dma_start3A_351, %dma_start3A_352, %dma_start3A_353] : memref<2x64x256xf32, #tpu.memory_space<vmem>> -> memref<1x64x256xf32, #tpu.memory_space<vmem>>
    %dma_start3A_355 = tpu.memref_squeeze %dma_start3A_354 : memref<1x64x256xf32, #tpu.memory_space<vmem>> -> memref<64x256xf32, #tpu.memory_space<vmem>>
    %dma_start3A_356 = arith.constant 0 : i32
    %dma_start3A_357 = tpu.memref_slice %arg3[%add3A_350, %dma_start3A_356] : memref<16384x256xf32, #tpu.memory_space<hbm>> -> memref<64x256xf32, #tpu.memory_space<hbm>>
    %dma_start3A_358 = arith.constant 0 : i32
    %dma_start3A_359 = arith.constant 0 : i32
    %dma_start3A_360 = tpu.memref_slice %arg11[%dma_start3A_351, %dma_start3A_358, %dma_start3A_359] : memref<2x64x256xf32, #tpu.memory_space<vmem>> -> memref<1x64x256xf32, #tpu.memory_space<vmem>>
    %dma_start3A_361 = tpu.memref_squeeze %dma_start3A_360 : memref<1x64x256xf32, #tpu.memory_space<vmem>> -> memref<64x256xf32, #tpu.memory_space<vmem>>
    %dma_start3A_362 = arith.constant 0 : i32
    %dma_start3A_363 = tpu.memref_slice %arg3[%add3A_350, %dma_start3A_362] : memref<16384x256xf32, #tpu.memory_space<hbm>> -> memref<64x256xf32, #tpu.memory_space<hbm>>
    tpu.enqueue_dma source(%dma_start3A_363 : memref<64x256xf32, #tpu.memory_space<hbm>>) target(%dma_start3A_361 : memref<64x256xf32, #tpu.memory_space<vmem>>) target_semaphore(%arg14 : memref<!tpu.dma_semaphore, #tpu.memory_space<semaphore_mem>>)
    %scan3A_364 = arith.constant 0 : i32
    %scan3A_365 = arith.constant 0 : i32
    %scan3A_366 = arith.constant 64 : i32
    %scan3A_367 = arith.addi %scan3A_365, %scan3A_366 : i32
    %scan3A_368 = arith.constant 1 : i32
    scf.for %scan3A_462 = %scan3A_365 to %scan3A_367 step %scan3A_368  : i32 {
      %get3A = arith.constant 1 : i32
      %get3A_463 = arith.index_cast %get3A : i32 to index
      %get3A_464 = arith.index_cast %scan3A_462 : i32 to index
      %get3A_465 = arith.constant 0 : index
      %get3A_466 = tpu.vector_load %arg10[%get3A_463, %get3A_464, %get3A_465] {strides = array<i32>} : memref<2x64x256xf32, #tpu.memory_space<vmem>>, vector<1x1x16xf32>,
      %get3A_467 = vector.shape_cast %get3A_466 : vector<1x1x16xf32> to vector<16xf32>
      %get3A_468 = arith.constant 1 : i32
      %get3A_469 = arith.index_cast %get3A_468 : i32 to index
      %get3A_470 = arith.index_cast %scan3A_462 : i32 to index
      %get3A_471 = arith.constant 0 : index
      %get3A_472 = tpu.vector_load %arg11[%get3A_469, %get3A_470, %get3A_471] {strides = array<i32>} : memref<2x64x256xf32, #tpu.memory_space<vmem>>, vector<1x1x16xf32>,
      %get3A_473 = vector.shape_cast %get3A_472 : vector<1x1x16xf32> to vector<16xf32>
      %add3A_474 = arith.addf %get3A_467, %get3A_473 : vector<16xf32>
      %swap3A = arith.constant 1 : i32
      %swap3A_475 = arith.index_cast %swap3A : i32 to index
      %swap3A_476 = arith.index_cast %scan3A_462 : i32 to index
      %swap3A_477 = arith.constant 0 : index
      %swap3A_478 = tpu.vector_load %arg10[%swap3A_475, %swap3A_476, %swap3A_477] {strides = array<i32>} : memref<2x64x256xf32, #tpu.memory_space<vmem>>, vector<1x1x16xf32>,
      %swap3A_479 = vector.shape_cast %swap3A_478 : vector<1x1x16xf32> to vector<16xf32>
      %swap3A_480 = vector.shape_cast %add3A_474 : vector<16xf32> to vector<1x1x16xf32>
      tpu.vector_store %arg10[%swap3A_475, %swap3A_476, %swap3A_477], %swap3A_480 {strides = array<i32>} : memref<2x64x256xf32, #tpu.memory_space<vmem>>, vector<1x1x16xf32>,
      %get3A_481 = arith.constant 1 : i32
      %get3A_482 = arith.index_cast %get3A_481 : i32 to index
      %get3A_483 = arith.index_cast %scan3A_462 : i32 to index
      %get3A_484 = arith.constant 16 : index
      %get3A_485 = tpu.vector_load %arg10[%get3A_482, %get3A_483, %get3A_484] {strides = array<i32>} : memref<2x64x256xf32, #tpu.memory_space<vmem>>, vector<1x1x16xf32>,
      %get3A_486 = vector.shape_cast %get3A_485 : vector<1x1x16xf32> to vector<16xf32>
      %get3A_487 = arith.constant 1 : i32
      %get3A_488 = arith.index_cast %get3A_487 : i32 to index
      %get3A_489 = arith.index_cast %scan3A_462 : i32 to index
      %get3A_490 = arith.constant 16 : index
      %get3A_491 = tpu.vector_load %arg11[%get3A_488, %get3A_489, %get3A_490] {strides = array<i32>} : memref<2x64x256xf32, #tpu.memory_space<vmem>>, vector<1x1x16xf32>,
      %get3A_492 = vector.shape_cast %get3A_491 : vector<1x1x16xf32> to vector<16xf32>
      %add3A_493 = arith.addf %get3A_486, %get3A_492 : vector<16xf32>
      %swap3A_494 = arith.constant 1 : i32
      %swap3A_495 = arith.index_cast %swap3A_494 : i32 to index
      %swap3A_496 = arith.index_cast %scan3A_462 : i32 to index
      %swap3A_497 = arith.constant 16 : index
      %swap3A_498 = tpu.vector_load %arg10[%swap3A_495, %swap3A_496, %swap3A_497] {strides = array<i32>} : memref<2x64x256xf32, #tpu.memory_space<vmem>>, vector<1x1x16xf32>,
      %swap3A_499 = vector.shape_cast %swap3A_498 : vector<1x1x16xf32> to vector<16xf32>
      %swap3A_500 = vector.shape_cast %add3A_493 : vector<16xf32> to vector<1x1x16xf32>
      tpu.vector_store %arg10[%swap3A_495, %swap3A_496, %swap3A_497], %swap3A_500 {strides = array<i32>} : memref<2x64x256xf32, #tpu.memory_space<vmem>>, vector<1x1x16xf32>,
      %get3A_501 = arith.constant 1 : i32
      %get3A_502 = arith.index_cast %get3A_501 : i32 to index
      %get3A_503 = arith.index_cast %scan3A_462 : i32 to index
      %get3A_504 = arith.constant 32 : index
      %get3A_505 = tpu.vector_load %arg10[%get3A_502, %get3A_503, %get3A_504] {strides = array<i32>} : memref<2x64x256xf32, #tpu.memory_space<vmem>>, vector<1x1x16xf32>,
      %get3A_506 = vector.shape_cast %get3A_505 : vector<1x1x16xf32> to vector<16xf32>
      %get3A_507 = arith.constant 1 : i32
      %get3A_508 = arith.index_cast %get3A_507 : i32 to index
      %get3A_509 = arith.index_cast %scan3A_462 : i32 to index
      %get3A_510 = arith.constant 32 : index
      %get3A_511 = tpu.vector_load %arg11[%get3A_508, %get3A_509, %get3A_510] {strides = array<i32>} : memref<2x64x256xf32, #tpu.memory_space<vmem>>, vector<1x1x16xf32>,
      %get3A_512 = vector.shape_cast %get3A_511 : vector<1x1x16xf32> to vector<16xf32>
      %add3A_513 = arith.addf %get3A_506, %get3A_512 : vector<16xf32>
      %swap3A_514 = arith.constant 1 : i32
      %swap3A_515 = arith.index_cast %swap3A_514 : i32 to index
      %swap3A_516 = arith.index_cast %scan3A_462 : i32 to index
      %swap3A_517 = arith.constant 32 : index
      %swap3A_518 = tpu.vector_load %arg10[%swap3A_515, %swap3A_516, %swap3A_517] {strides = array<i32>} : memref<2x64x256xf32, #tpu.memory_space<vmem>>, vector<1x1x16xf32>,
      %swap3A_519 = vector.shape_cast %swap3A_518 : vector<1x1x16xf32> to vector<16xf32>
      %swap3A_520 = vector.shape_cast %add3A_513 : vector<16xf32> to vector<1x1x16xf32>
      tpu.vector_store %arg10[%swap3A_515, %swap3A_516, %swap3A_517], %swap3A_520 {strides = array<i32>} : memref<2x64x256xf32, #tpu.memory_space<vmem>>, vector<1x1x16xf32>,
      %get3A_521 = arith.constant 1 : i32
      %get3A_522 = arith.index_cast %get3A_521 : i32 to index
      %get3A_523 = arith.index_cast %scan3A_462 : i32 to index
      %get3A_524 = arith.constant 48 : index
      %get3A_525 = tpu.vector_load %arg10[%get3A_522, %get3A_523, %get3A_524] {strides = array<i32>} : memref<2x64x256xf32, #tpu.memory_space<vmem>>, vector<1x1x16xf32>,
      %get3A_526 = vector.shape_cast %get3A_525 : vector<1x1x16xf32> to vector<16xf32>
      %get3A_527 = arith.constant 1 : i32
      %get3A_528 = arith.index_cast %get3A_527 : i32 to index
      %get3A_529 = arith.index_cast %scan3A_462 : i32 to index
      %get3A_530 = arith.constant 48 : index
      %get3A_531 = tpu.vector_load %arg11[%get3A_528, %get3A_529, %get3A_530] {strides = array<i32>} : memref<2x64x256xf32, #tpu.memory_space<vmem>>, vector<1x1x16xf32>,
      %get3A_532 = vector.shape_cast %get3A_531 : vector<1x1x16xf32> to vector<16xf32>
      %add3A_533 = arith.addf %get3A_526, %get3A_532 : vector<16xf32>
      %swap3A_534 = arith.constant 1 : i32
      %swap3A_535 = arith.index_cast %swap3A_534 : i32 to index
      %swap3A_536 = arith.index_cast %scan3A_462 : i32 to index
      %swap3A_537 = arith.constant 48 : index
      %swap3A_538 = tpu.vector_load %arg10[%swap3A_535, %swap3A_536, %swap3A_537] {strides = array<i32>} : memref<2x64x256xf32, #tpu.memory_space<vmem>>, vector<1x1x16xf32>,
      %swap3A_539 = vector.shape_cast %swap3A_538 : vector<1x1x16xf32> to vector<16xf32>
      %swap3A_540 = vector.shape_cast %add3A_533 : vector<16xf32> to vector<1x1x16xf32>
      tpu.vector_store %arg10[%swap3A_535, %swap3A_536, %swap3A_537], %swap3A_540 {strides = array<i32>} : memref<2x64x256xf32, #tpu.memory_space<vmem>>, vector<1x1x16xf32>,
      %get3A_541 = arith.constant 1 : i32
      %get3A_542 = arith.index_cast %get3A_541 : i32 to index
      %get3A_543 = arith.index_cast %scan3A_462 : i32 to index
      %get3A_544 = arith.constant 64 : index
      %get3A_545 = tpu.vector_load %arg10[%get3A_542, %get3A_543, %get3A_544] {strides = array<i32>} : memref<2x64x256xf32, #tpu.memory_space<vmem>>, vector<1x1x16xf32>,
      %get3A_546 = vector.shape_cast %get3A_545 : vector<1x1x16xf32> to vector<16xf32>
      %get3A_547 = arith.constant 1 : i32
      %get3A_548 = arith.index_cast %get3A_547 : i32 to index
      %get3A_549 = arith.index_cast %scan3A_462 : i32 to index
      %get3A_550 = arith.constant 64 : index
      %get3A_551 = tpu.vector_load %arg11[%get3A_548, %get3A_549, %get3A_550] {strides = array<i32>} : memref<2x64x256xf32, #tpu.memory_space<vmem>>, vector<1x1x16xf32>,
      %get3A_552 = vector.shape_cast %get3A_551 : vector<1x1x16xf32> to vector<16xf32>
      %add3A_553 = arith.addf %get3A_546, %get3A_552 : vector<16xf32>
      %swap3A_554 = arith.constant 1 : i32
      %swap3A_555 = arith.index_cast %swap3A_554 : i32 to index
      %swap3A_556 = arith.index_cast %scan3A_462 : i32 to index
      %swap3A_557 = arith.constant 64 : index
      %swap3A_558 = tpu.vector_load %arg10[%swap3A_555, %swap3A_556, %swap3A_557] {strides = array<i32>} : memref<2x64x256xf32, #tpu.memory_space<vmem>>, vector<1x1x16xf32>,
      %swap3A_559 = vector.shape_cast %swap3A_558 : vector<1x1x16xf32> to vector<16xf32>
      %swap3A_560 = vector.shape_cast %add3A_553 : vector<16xf32> to vector<1x1x16xf32>
      tpu.vector_store %arg10[%swap3A_555, %swap3A_556, %swap3A_557], %swap3A_560 {strides = array<i32>} : memref<2x64x256xf32, #tpu.memory_space<vmem>>, vector<1x1x16xf32>,
      %get3A_561 = arith.constant 1 : i32
      %get3A_562 = arith.index_cast %get3A_561 : i32 to index
      %get3A_563 = arith.index_cast %scan3A_462 : i32 to index
      %get3A_564 = arith.constant 80 : index
      %get3A_565 = tpu.vector_load %arg10[%get3A_562, %get3A_563, %get3A_564] {strides = array<i32>} : memref<2x64x256xf32, #tpu.memory_space<vmem>>, vector<1x1x16xf32>,
      %get3A_566 = vector.shape_cast %get3A_565 : vector<1x1x16xf32> to vector<16xf32>
      %get3A_567 = arith.constant 1 : i32
      %get3A_568 = arith.index_cast %get3A_567 : i32 to index
      %get3A_569 = arith.index_cast %scan3A_462 : i32 to index
      %get3A_570 = arith.constant 80 : index
      %get3A_571 = tpu.vector_load %arg11[%get3A_568, %get3A_569, %get3A_570] {strides = array<i32>} : memref<2x64x256xf32, #tpu.memory_space<vmem>>, vector<1x1x16xf32>,
      %get3A_572 = vector.shape_cast %get3A_571 : vector<1x1x16xf32> to vector<16xf32>
      %add3A_573 = arith.addf %get3A_566, %get3A_572 : vector<16xf32>
      %swap3A_574 = arith.constant 1 : i32
      %swap3A_575 = arith.index_cast %swap3A_574 : i32 to index
      %swap3A_576 = arith.index_cast %scan3A_462 : i32 to index
      %swap3A_577 = arith.constant 80 : index
      %swap3A_578 = tpu.vector_load %arg10[%swap3A_575, %swap3A_576, %swap3A_577] {strides = array<i32>} : memref<2x64x256xf32, #tpu.memory_space<vmem>>, vector<1x1x16xf32>,
      %swap3A_579 = vector.shape_cast %swap3A_578 : vector<1x1x16xf32> to vector<16xf32>
      %swap3A_580 = vector.shape_cast %add3A_573 : vector<16xf32> to vector<1x1x16xf32>
      tpu.vector_store %arg10[%swap3A_575, %swap3A_576, %swap3A_577], %swap3A_580 {strides = array<i32>} : memref<2x64x256xf32, #tpu.memory_space<vmem>>, vector<1x1x16xf32>,
      %get3A_581 = arith.constant 1 : i32
      %get3A_582 = arith.index_cast %get3A_581 : i32 to index
      %get3A_583 = arith.index_cast %scan3A_462 : i32 to index
      %get3A_584 = arith.constant 96 : index
      %get3A_585 = tpu.vector_load %arg10[%get3A_582, %get3A_583, %get3A_584] {strides = array<i32>} : memref<2x64x256xf32, #tpu.memory_space<vmem>>, vector<1x1x16xf32>,
      %get3A_586 = vector.shape_cast %get3A_585 : vector<1x1x16xf32> to vector<16xf32>
      %get3A_587 = arith.constant 1 : i32
      %get3A_588 = arith.index_cast %get3A_587 : i32 to index
      %get3A_589 = arith.index_cast %scan3A_462 : i32 to index
      %get3A_590 = arith.constant 96 : index
      %get3A_591 = tpu.vector_load %arg11[%get3A_588, %get3A_589, %get3A_590] {strides = array<i32>} : memref<2x64x256xf32, #tpu.memory_space<vmem>>, vector<1x1x16xf32>,
      %get3A_592 = vector.shape_cast %get3A_591 : vector<1x1x16xf32> to vector<16xf32>
      %add3A_593 = arith.addf %get3A_586, %get3A_592 : vector<16xf32>
      %swap3A_594 = arith.constant 1 : i32
      %swap3A_595 = arith.index_cast %swap3A_594 : i32 to index
      %swap3A_596 = arith.index_cast %scan3A_462 : i32 to index
      %swap3A_597 = arith.constant 96 : index
      %swap3A_598 = tpu.vector_load %arg10[%swap3A_595, %swap3A_596, %swap3A_597] {strides = array<i32>} : memref<2x64x256xf32, #tpu.memory_space<vmem>>, vector<1x1x16xf32>,
      %swap3A_599 = vector.shape_cast %swap3A_598 : vector<1x1x16xf32> to vector<16xf32>
      %swap3A_600 = vector.shape_cast %add3A_593 : vector<16xf32> to vector<1x1x16xf32>
      tpu.vector_store %arg10[%swap3A_595, %swap3A_596, %swap3A_597], %swap3A_600 {strides = array<i32>} : memref<2x64x256xf32, #tpu.memory_space<vmem>>, vector<1x1x16xf32>,
      %get3A_601 = arith.constant 1 : i32
      %get3A_602 = arith.index_cast %get3A_601 : i32 to index
      %get3A_603 = arith.index_cast %scan3A_462 : i32 to index
      %get3A_604 = arith.constant 112 : index
      %get3A_605 = tpu.vector_load %arg10[%get3A_602, %get3A_603, %get3A_604] {strides = array<i32>} : memref<2x64x256xf32, #tpu.memory_space<vmem>>, vector<1x1x16xf32>,
      %get3A_606 = vector.shape_cast %get3A_605 : vector<1x1x16xf32> to vector<16xf32>
      %get3A_607 = arith.constant 1 : i32
      %get3A_608 = arith.index_cast %get3A_607 : i32 to index
      %get3A_609 = arith.index_cast %scan3A_462 : i32 to index
      %get3A_610 = arith.constant 112 : index
      %get3A_611 = tpu.vector_load %arg11[%get3A_608, %get3A_609, %get3A_610] {strides = array<i32>} : memref<2x64x256xf32, #tpu.memory_space<vmem>>, vector<1x1x16xf32>,
      %get3A_612 = vector.shape_cast %get3A_611 : vector<1x1x16xf32> to vector<16xf32>
      %add3A_613 = arith.addf %get3A_606, %get3A_612 : vector<16xf32>
      %swap3A_614 = arith.constant 1 : i32
      %swap3A_615 = arith.index_cast %swap3A_614 : i32 to index
      %swap3A_616 = arith.index_cast %scan3A_462 : i32 to index
      %swap3A_617 = arith.constant 112 : index
      %swap3A_618 = tpu.vector_load %arg10[%swap3A_615, %swap3A_616, %swap3A_617] {strides = array<i32>} : memref<2x64x256xf32, #tpu.memory_space<vmem>>, vector<1x1x16xf32>,
      %swap3A_619 = vector.shape_cast %swap3A_618 : vector<1x1x16xf32> to vector<16xf32>
      %swap3A_620 = vector.shape_cast %add3A_613 : vector<16xf32> to vector<1x1x16xf32>
      tpu.vector_store %arg10[%swap3A_615, %swap3A_616, %swap3A_617], %swap3A_620 {strides = array<i32>} : memref<2x64x256xf32, #tpu.memory_space<vmem>>, vector<1x1x16xf32>,
      %get3A_621 = arith.constant 1 : i32
      %get3A_622 = arith.index_cast %get3A_621 : i32 to index
      %get3A_623 = arith.index_cast %scan3A_462 : i32 to index
      %get3A_624 = arith.constant 128 : index
      %get3A_625 = tpu.vector_load %arg10[%get3A_622, %get3A_623, %get3A_624] {strides = array<i32>} : memref<2x64x256xf32, #tpu.memory_space<vmem>>, vector<1x1x16xf32>,
      %get3A_626 = vector.shape_cast %get3A_625 : vector<1x1x16xf32> to vector<16xf32>
      %get3A_627 = arith.constant 1 : i32
      %get3A_628 = arith.index_cast %get3A_627 : i32 to index
      %get3A_629 = arith.index_cast %scan3A_462 : i32 to index
      %get3A_630 = arith.constant 128 : index
      %get3A_631 = tpu.vector_load %arg11[%get3A_628, %get3A_629, %get3A_630] {strides = array<i32>} : memref<2x64x256xf32, #tpu.memory_space<vmem>>, vector<1x1x16xf32>,
      %get3A_632 = vector.shape_cast %get3A_631 : vector<1x1x16xf32> to vector<16xf32>
      %add3A_633 = arith.addf %get3A_626, %get3A_632 : vector<16xf32>
      %swap3A_634 = arith.constant 1 : i32
      %swap3A_635 = arith.index_cast %swap3A_634 : i32 to index
      %swap3A_636 = arith.index_cast %scan3A_462 : i32 to index
      %swap3A_637 = arith.constant 128 : index
      %swap3A_638 = tpu.vector_load %arg10[%swap3A_635, %swap3A_636, %swap3A_637] {strides = array<i32>} : memref<2x64x256xf32, #tpu.memory_space<vmem>>, vector<1x1x16xf32>,
      %swap3A_639 = vector.shape_cast %swap3A_638 : vector<1x1x16xf32> to vector<16xf32>
      %swap3A_640 = vector.shape_cast %add3A_633 : vector<16xf32> to vector<1x1x16xf32>
      tpu.vector_store %arg10[%swap3A_635, %swap3A_636, %swap3A_637], %swap3A_640 {strides = array<i32>} : memref<2x64x256xf32, #tpu.memory_space<vmem>>, vector<1x1x16xf32>,
      %get3A_641 = arith.constant 1 : i32
      %get3A_642 = arith.index_cast %get3A_641 : i32 to index
      %get3A_643 = arith.index_cast %scan3A_462 : i32 to index
      %get3A_644 = arith.constant 144 : index
      %get3A_645 = tpu.vector_load %arg10[%get3A_642, %get3A_643, %get3A_644] {strides = array<i32>} : memref<2x64x256xf32, #tpu.memory_space<vmem>>, vector<1x1x16xf32>,
      %get3A_646 = vector.shape_cast %get3A_645 : vector<1x1x16xf32> to vector<16xf32>
      %get3A_647 = arith.constant 1 : i32
      %get3A_648 = arith.index_cast %get3A_647 : i32 to index
      %get3A_649 = arith.index_cast %scan3A_462 : i32 to index
      %get3A_650 = arith.constant 144 : index
      %get3A_651 = tpu.vector_load %arg11[%get3A_648, %get3A_649, %get3A_650] {strides = array<i32>} : memref<2x64x256xf32, #tpu.memory_space<vmem>>, vector<1x1x16xf32>,
      %get3A_652 = vector.shape_cast %get3A_651 : vector<1x1x16xf32> to vector<16xf32>
      %add3A_653 = arith.addf %get3A_646, %get3A_652 : vector<16xf32>
      %swap3A_654 = arith.constant 1 : i32
      %swap3A_655 = arith.index_cast %swap3A_654 : i32 to index
      %swap3A_656 = arith.index_cast %scan3A_462 : i32 to index
      %swap3A_657 = arith.constant 144 : index
      %swap3A_658 = tpu.vector_load %arg10[%swap3A_655, %swap3A_656, %swap3A_657] {strides = array<i32>} : memref<2x64x256xf32, #tpu.memory_space<vmem>>, vector<1x1x16xf32>,
      %swap3A_659 = vector.shape_cast %swap3A_658 : vector<1x1x16xf32> to vector<16xf32>
      %swap3A_660 = vector.shape_cast %add3A_653 : vector<16xf32> to vector<1x1x16xf32>
      tpu.vector_store %arg10[%swap3A_655, %swap3A_656, %swap3A_657], %swap3A_660 {strides = array<i32>} : memref<2x64x256xf32, #tpu.memory_space<vmem>>, vector<1x1x16xf32>,
      %get3A_661 = arith.constant 1 : i32
      %get3A_662 = arith.index_cast %get3A_661 : i32 to index
      %get3A_663 = arith.index_cast %scan3A_462 : i32 to index
      %get3A_664 = arith.constant 160 : index
      %get3A_665 = tpu.vector_load %arg10[%get3A_662, %get3A_663, %get3A_664] {strides = array<i32>} : memref<2x64x256xf32, #tpu.memory_space<vmem>>, vector<1x1x16xf32>,
      %get3A_666 = vector.shape_cast %get3A_665 : vector<1x1x16xf32> to vector<16xf32>
      %get3A_667 = arith.constant 1 : i32
      %get3A_668 = arith.index_cast %get3A_667 : i32 to index
      %get3A_669 = arith.index_cast %scan3A_462 : i32 to index
      %get3A_670 = arith.constant 160 : index
      %get3A_671 = tpu.vector_load %arg11[%get3A_668, %get3A_669, %get3A_670] {strides = array<i32>} : memref<2x64x256xf32, #tpu.memory_space<vmem>>, vector<1x1x16xf32>,
      %get3A_672 = vector.shape_cast %get3A_671 : vector<1x1x16xf32> to vector<16xf32>
      %add3A_673 = arith.addf %get3A_666, %get3A_672 : vector<16xf32>
      %swap3A_674 = arith.constant 1 : i32
      %swap3A_675 = arith.index_cast %swap3A_674 : i32 to index
      %swap3A_676 = arith.index_cast %scan3A_462 : i32 to index
      %swap3A_677 = arith.constant 160 : index
      %swap3A_678 = tpu.vector_load %arg10[%swap3A_675, %swap3A_676, %swap3A_677] {strides = array<i32>} : memref<2x64x256xf32, #tpu.memory_space<vmem>>, vector<1x1x16xf32>,
      %swap3A_679 = vector.shape_cast %swap3A_678 : vector<1x1x16xf32> to vector<16xf32>
      %swap3A_680 = vector.shape_cast %add3A_673 : vector<16xf32> to vector<1x1x16xf32>
      tpu.vector_store %arg10[%swap3A_675, %swap3A_676, %swap3A_677], %swap3A_680 {strides = array<i32>} : memref<2x64x256xf32, #tpu.memory_space<vmem>>, vector<1x1x16xf32>,
      %get3A_681 = arith.constant 1 : i32
      %get3A_682 = arith.index_cast %get3A_681 : i32 to index
      %get3A_683 = arith.index_cast %scan3A_462 : i32 to index
      %get3A_684 = arith.constant 176 : index
      %get3A_685 = tpu.vector_load %arg10[%get3A_682, %get3A_683, %get3A_684] {strides = array<i32>} : memref<2x64x256xf32, #tpu.memory_space<vmem>>, vector<1x1x16xf32>,
      %get3A_686 = vector.shape_cast %get3A_685 : vector<1x1x16xf32> to vector<16xf32>
      %get3A_687 = arith.constant 1 : i32
      %get3A_688 = arith.index_cast %get3A_687 : i32 to index
      %get3A_689 = arith.index_cast %scan3A_462 : i32 to index
      %get3A_690 = arith.constant 176 : index
      %get3A_691 = tpu.vector_load %arg11[%get3A_688, %get3A_689, %get3A_690] {strides = array<i32>} : memref<2x64x256xf32, #tpu.memory_space<vmem>>, vector<1x1x16xf32>,
      %get3A_692 = vector.shape_cast %get3A_691 : vector<1x1x16xf32> to vector<16xf32>
      %add3A_693 = arith.addf %get3A_686, %get3A_692 : vector<16xf32>
      %swap3A_694 = arith.constant 1 : i32
      %swap3A_695 = arith.index_cast %swap3A_694 : i32 to index
      %swap3A_696 = arith.index_cast %scan3A_462 : i32 to index
      %swap3A_697 = arith.constant 176 : index
      %swap3A_698 = tpu.vector_load %arg10[%swap3A_695, %swap3A_696, %swap3A_697] {strides = array<i32>} : memref<2x64x256xf32, #tpu.memory_space<vmem>>, vector<1x1x16xf32>,
      %swap3A_699 = vector.shape_cast %swap3A_698 : vector<1x1x16xf32> to vector<16xf32>
      %swap3A_700 = vector.shape_cast %add3A_693 : vector<16xf32> to vector<1x1x16xf32>
      tpu.vector_store %arg10[%swap3A_695, %swap3A_696, %swap3A_697], %swap3A_700 {strides = array<i32>} : memref<2x64x256xf32, #tpu.memory_space<vmem>>, vector<1x1x16xf32>,
      %get3A_701 = arith.constant 1 : i32
      %get3A_702 = arith.index_cast %get3A_701 : i32 to index
      %get3A_703 = arith.index_cast %scan3A_462 : i32 to index
      %get3A_704 = arith.constant 192 : index
      %get3A_705 = tpu.vector_load %arg10[%get3A_702, %get3A_703, %get3A_704] {strides = array<i32>} : memref<2x64x256xf32, #tpu.memory_space<vmem>>, vector<1x1x16xf32>,
      %get3A_706 = vector.shape_cast %get3A_705 : vector<1x1x16xf32> to vector<16xf32>
      %get3A_707 = arith.constant 1 : i32
      %get3A_708 = arith.index_cast %get3A_707 : i32 to index
      %get3A_709 = arith.index_cast %scan3A_462 : i32 to index
      %get3A_710 = arith.constant 192 : index
      %get3A_711 = tpu.vector_load %arg11[%get3A_708, %get3A_709, %get3A_710] {strides = array<i32>} : memref<2x64x256xf32, #tpu.memory_space<vmem>>, vector<1x1x16xf32>,
      %get3A_712 = vector.shape_cast %get3A_711 : vector<1x1x16xf32> to vector<16xf32>
      %add3A_713 = arith.addf %get3A_706, %get3A_712 : vector<16xf32>
      %swap3A_714 = arith.constant 1 : i32
      %swap3A_715 = arith.index_cast %swap3A_714 : i32 to index
      %swap3A_716 = arith.index_cast %scan3A_462 : i32 to index
      %swap3A_717 = arith.constant 192 : index
      %swap3A_718 = tpu.vector_load %arg10[%swap3A_715, %swap3A_716, %swap3A_717] {strides = array<i32>} : memref<2x64x256xf32, #tpu.memory_space<vmem>>, vector<1x1x16xf32>,
      %swap3A_719 = vector.shape_cast %swap3A_718 : vector<1x1x16xf32> to vector<16xf32>
      %swap3A_720 = vector.shape_cast %add3A_713 : vector<16xf32> to vector<1x1x16xf32>
      tpu.vector_store %arg10[%swap3A_715, %swap3A_716, %swap3A_717], %swap3A_720 {strides = array<i32>} : memref<2x64x256xf32, #tpu.memory_space<vmem>>, vector<1x1x16xf32>,
      %get3A_721 = arith.constant 1 : i32
      %get3A_722 = arith.index_cast %get3A_721 : i32 to index
      %get3A_723 = arith.index_cast %scan3A_462 : i32 to index
      %get3A_724 = arith.constant 208 : index
      %get3A_725 = tpu.vector_load %arg10[%get3A_722, %get3A_723, %get3A_724] {strides = array<i32>} : memref<2x64x256xf32, #tpu.memory_space<vmem>>, vector<1x1x16xf32>,
      %get3A_726 = vector.shape_cast %get3A_725 : vector<1x1x16xf32> to vector<16xf32>
      %get3A_727 = arith.constant 1 : i32
      %get3A_728 = arith.index_cast %get3A_727 : i32 to index
      %get3A_729 = arith.index_cast %scan3A_462 : i32 to index
      %get3A_730 = arith.constant 208 : index
      %get3A_731 = tpu.vector_load %arg11[%get3A_728, %get3A_729, %get3A_730] {strides = array<i32>} : memref<2x64x256xf32, #tpu.memory_space<vmem>>, vector<1x1x16xf32>,
      %get3A_732 = vector.shape_cast %get3A_731 : vector<1x1x16xf32> to vector<16xf32>
      %add3A_733 = arith.addf %get3A_726, %get3A_732 : vector<16xf32>
      %swap3A_734 = arith.constant 1 : i32
      %swap3A_735 = arith.index_cast %swap3A_734 : i32 to index
      %swap3A_736 = arith.index_cast %scan3A_462 : i32 to index
      %swap3A_737 = arith.constant 208 : index
      %swap3A_738 = tpu.vector_load %arg10[%swap3A_735, %swap3A_736, %swap3A_737] {strides = array<i32>} : memref<2x64x256xf32, #tpu.memory_space<vmem>>, vector<1x1x16xf32>,
      %swap3A_739 = vector.shape_cast %swap3A_738 : vector<1x1x16xf32> to vector<16xf32>
      %swap3A_740 = vector.shape_cast %add3A_733 : vector<16xf32> to vector<1x1x16xf32>
      tpu.vector_store %arg10[%swap3A_735, %swap3A_736, %swap3A_737], %swap3A_740 {strides = array<i32>} : memref<2x64x256xf32, #tpu.memory_space<vmem>>, vector<1x1x16xf32>,
      %get3A_741 = arith.constant 1 : i32
      %get3A_742 = arith.index_cast %get3A_741 : i32 to index
      %get3A_743 = arith.index_cast %scan3A_462 : i32 to index
      %get3A_744 = arith.constant 224 : index
      %get3A_745 = tpu.vector_load %arg10[%get3A_742, %get3A_743, %get3A_744] {strides = array<i32>} : memref<2x64x256xf32, #tpu.memory_space<vmem>>, vector<1x1x16xf32>,
      %get3A_746 = vector.shape_cast %get3A_745 : vector<1x1x16xf32> to vector<16xf32>
      %get3A_747 = arith.constant 1 : i32
      %get3A_748 = arith.index_cast %get3A_747 : i32 to index
      %get3A_749 = arith.index_cast %scan3A_462 : i32 to index
      %get3A_750 = arith.constant 224 : index
      %get3A_751 = tpu.vector_load %arg11[%get3A_748, %get3A_749, %get3A_750] {strides = array<i32>} : memref<2x64x256xf32, #tpu.memory_space<vmem>>, vector<1x1x16xf32>,
      %get3A_752 = vector.shape_cast %get3A_751 : vector<1x1x16xf32> to vector<16xf32>
      %add3A_753 = arith.addf %get3A_746, %get3A_752 : vector<16xf32>
      %swap3A_754 = arith.constant 1 : i32
      %swap3A_755 = arith.index_cast %swap3A_754 : i32 to index
      %swap3A_756 = arith.index_cast %scan3A_462 : i32 to index
      %swap3A_757 = arith.constant 224 : index
      %swap3A_758 = tpu.vector_load %arg10[%swap3A_755, %swap3A_756, %swap3A_757] {strides = array<i32>} : memref<2x64x256xf32, #tpu.memory_space<vmem>>, vector<1x1x16xf32>,
      %swap3A_759 = vector.shape_cast %swap3A_758 : vector<1x1x16xf32> to vector<16xf32>
      %swap3A_760 = vector.shape_cast %add3A_753 : vector<16xf32> to vector<1x1x16xf32>
      tpu.vector_store %arg10[%swap3A_755, %swap3A_756, %swap3A_757], %swap3A_760 {strides = array<i32>} : memref<2x64x256xf32, #tpu.memory_space<vmem>>, vector<1x1x16xf32>,
      %get3A_761 = arith.constant 1 : i32
      %get3A_762 = arith.index_cast %get3A_761 : i32 to index
      %get3A_763 = arith.index_cast %scan3A_462 : i32 to index
      %get3A_764 = arith.constant 240 : index
      %get3A_765 = tpu.vector_load %arg10[%get3A_762, %get3A_763, %get3A_764] {strides = array<i32>} : memref<2x64x256xf32, #tpu.memory_space<vmem>>, vector<1x1x16xf32>,
      %get3A_766 = vector.shape_cast %get3A_765 : vector<1x1x16xf32> to vector<16xf32>
      %get3A_767 = arith.constant 1 : i32
      %get3A_768 = arith.index_cast %get3A_767 : i32 to index
      %get3A_769 = arith.index_cast %scan3A_462 : i32 to index
      %get3A_770 = arith.constant 240 : index
      %get3A_771 = tpu.vector_load %arg11[%get3A_768, %get3A_769, %get3A_770] {strides = array<i32>} : memref<2x64x256xf32, #tpu.memory_space<vmem>>, vector<1x1x16xf32>,
      %get3A_772 = vector.shape_cast %get3A_771 : vector<1x1x16xf32> to vector<16xf32>
      %add3A_773 = arith.addf %get3A_766, %get3A_772 : vector<16xf32>
      %swap3A_774 = arith.constant 1 : i32
      %swap3A_775 = arith.index_cast %swap3A_774 : i32 to index
      %swap3A_776 = arith.index_cast %scan3A_462 : i32 to index
      %swap3A_777 = arith.constant 240 : index
      %swap3A_778 = tpu.vector_load %arg10[%swap3A_775, %swap3A_776, %swap3A_777] {strides = array<i32>} : memref<2x64x256xf32, #tpu.memory_space<vmem>>, vector<1x1x16xf32>,
      %swap3A_779 = vector.shape_cast %swap3A_778 : vector<1x1x16xf32> to vector<16xf32>
      %swap3A_780 = vector.shape_cast %add3A_773 : vector<16xf32> to vector<1x1x16xf32>
      tpu.vector_store %arg10[%swap3A_775, %swap3A_776, %swap3A_777], %swap3A_780 {strides = array<i32>} : memref<2x64x256xf32, #tpu.memory_space<vmem>>, vector<1x1x16xf32>,
    }
    %scan3A_369 = arith.constant 64 : i32
    %add3A_370 = arith.constant 320 : i32
    %add3A_371 = arith.addi %mul3A_2, %add3A_370 : i32
    %run_scoped3A_372 = arith.constant 1 : i32
    "tpu.region"() ({
      %run_scoped3A_462 = tpu.sem_alloc : memref<!tpu.dma_semaphore, #tpu.memory_space<semaphore_mem>>
      %dma_start3A_463 = arith.constant 0 : i32
      %dma_start3A_464 = arith.constant 0 : i32
      %dma_start3A_465 = tpu.memref_slice %arg10[%run_scoped3A_372, %dma_start3A_463, %dma_start3A_464] : memref<2x64x256xf32, #tpu.memory_space<vmem>> -> memref<1x64x256xf32, #tpu.memory_space<vmem>>
      %dma_start3A_466 = tpu.memref_squeeze %dma_start3A_465 : memref<1x64x256xf32, #tpu.memory_space<vmem>> -> memref<64x256xf32, #tpu.memory_space<vmem>>
      %dma_start3A_467 = arith.constant 0 : i32
      %dma_start3A_468 = tpu.memref_slice %arg6[%add3A_371, %dma_start3A_467] : memref<16384x256xf32, #tpu.memory_space<hbm>> -> memref<64x256xf32, #tpu.memory_space<hbm>>
      %dma_start3A_469 = arith.constant 0 : i32
      %dma_start3A_470 = tpu.memref_slice %arg6[%add3A_371, %dma_start3A_469] : memref<16384x256xf32, #tpu.memory_space<hbm>> -> memref<64x256xf32, #tpu.memory_space<hbm>>
      %dma_start3A_471 = arith.constant 0 : i32
      %dma_start3A_472 = arith.constant 0 : i32
      %dma_start3A_473 = tpu.memref_slice %arg10[%run_scoped3A_372, %dma_start3A_471, %dma_start3A_472] : memref<2x64x256xf32, #tpu.memory_space<vmem>> -> memref<1x64x256xf32, #tpu.memory_space<vmem>>
      %dma_start3A_474 = tpu.memref_squeeze %dma_start3A_473 : memref<1x64x256xf32, #tpu.memory_space<vmem>> -> memref<64x256xf32, #tpu.memory_space<vmem>>
      tpu.enqueue_dma source(%dma_start3A_474 : memref<64x256xf32, #tpu.memory_space<vmem>>) target(%dma_start3A_470 : memref<64x256xf32, #tpu.memory_space<hbm>>) target_semaphore(%run_scoped3A_462 : memref<!tpu.dma_semaphore, #tpu.memory_space<semaphore_mem>>)
      %dma_wait3A_475 = arith.constant 0 : i32
      %dma_wait3A_476 = arith.constant 0 : i32
      %dma_wait3A_477 = tpu.memref_slice %arg10[%run_scoped3A_372, %dma_wait3A_475, %dma_wait3A_476] : memref<2x64x256xf32, #tpu.memory_space<vmem>> -> memref<1x64x256xf32, #tpu.memory_space<vmem>>
      %dma_wait3A_478 = tpu.memref_squeeze %dma_wait3A_477 : memref<1x64x256xf32, #tpu.memory_space<vmem>> -> memref<64x256xf32, #tpu.memory_space<vmem>>
      %dma_wait3A_479 = arith.constant 0 : i32
      %dma_wait3A_480 = tpu.memref_slice %arg6[%add3A_371, %dma_wait3A_479] : memref<16384x256xf32, #tpu.memory_space<hbm>> -> memref<64x256xf32, #tpu.memory_space<hbm>>
      %dma_wait3A_481 = arith.constant 0 : i32
      %dma_wait3A_482 = tpu.memref_slice %arg6[%add3A_371, %dma_wait3A_481] : memref<16384x256xf32, #tpu.memory_space<hbm>> -> memref<64x256xf32, #tpu.memory_space<hbm>>
      %dma_wait3A_483 = arith.constant 0 : i32
      %dma_wait3A_484 = arith.constant 0 : i32
      %dma_wait3A_485 = tpu.memref_slice %arg10[%run_scoped3A_372, %dma_wait3A_483, %dma_wait3A_484] : memref<2x64x256xf32, #tpu.memory_space<vmem>> -> memref<1x64x256xf32, #tpu.memory_space<vmem>>
      %dma_wait3A_486 = tpu.memref_squeeze %dma_wait3A_485 : memref<1x64x256xf32, #tpu.memory_space<vmem>> -> memref<64x256xf32, #tpu.memory_space<vmem>>
      tpu.wait_dma2 semaphore(%run_scoped3A_462 : memref<!tpu.dma_semaphore, #tpu.memory_space<semaphore_mem>>) src(%dma_wait3A_486 : memref<64x256xf32, #tpu.memory_space<vmem>>) dst(%dma_wait3A_482 : memref<64x256xf32, #tpu.memory_space<hbm>>)
      tpu.yield
    }) : () -> ()
    %dma_wait3A_373 = arith.constant 0 : i32
    %dma_wait3A_374 = arith.constant 0 : i32
    %dma_wait3A_375 = arith.constant 0 : i32
    %dma_wait3A_376 = tpu.memref_slice %arg10[%dma_wait3A_373, %dma_wait3A_374, %dma_wait3A_375] : memref<2x64x256xf32, #tpu.memory_space<vmem>> -> memref<1x64x256xf32, #tpu.memory_space<vmem>>
    %dma_wait3A_377 = tpu.memref_squeeze %dma_wait3A_376 : memref<1x64x256xf32, #tpu.memory_space<vmem>> -> memref<64x256xf32, #tpu.memory_space<vmem>>
    %dma_wait3A_378 = arith.constant 384 : i32
    %dma_wait3A_379 = tpu.memref_slice %arg9[%dma_wait3A_378] : memref<512xi32, #tpu.memory_space<vmem>> -> memref<64xi32, #tpu.memory_space<vmem>>
    %dma_wait3A_380 = arith.constant 0 : i32
    %dma_wait3A_381 = arith.constant 0 : i32
    %dma_wait3A_382 = tpu.memref_slice %arg2[%dma_wait3A_380, %dma_wait3A_381] : memref<65536x256xf32, #tpu.memory_space<hbm>> -> memref<65536x256xf32, #tpu.memory_space<hbm>>
    tpu.wait_indirect_dma semaphore(%arg12 : memref<!tpu.dma_semaphore, #tpu.memory_space<semaphore_mem>>) src(%dma_wait3A_382 : memref<65536x256xf32, #tpu.memory_space<hbm>>) dst(%dma_wait3A_377 : memref<64x256xf32, #tpu.memory_space<vmem>>)
    %dma_wait3A_383 = arith.constant 0 : i32
    %dma_wait3A_384 = arith.constant 0 : i32
    %dma_wait3A_385 = arith.constant 0 : i32
    %dma_wait3A_386 = tpu.memref_slice %arg11[%dma_wait3A_383, %dma_wait3A_384, %dma_wait3A_385] : memref<2x64x256xf32, #tpu.memory_space<vmem>> -> memref<1x64x256xf32, #tpu.memory_space<vmem>>
    %dma_wait3A_387 = tpu.memref_squeeze %dma_wait3A_386 : memref<1x64x256xf32, #tpu.memory_space<vmem>> -> memref<64x256xf32, #tpu.memory_space<vmem>>
    %dma_wait3A_388 = arith.constant 0 : i32
    %dma_wait3A_389 = tpu.memref_slice %arg3[%add3A_350, %dma_wait3A_388] : memref<16384x256xf32, #tpu.memory_space<hbm>> -> memref<64x256xf32, #tpu.memory_space<hbm>>
    %dma_wait3A_390 = arith.constant 0 : i32
    %dma_wait3A_391 = arith.constant 0 : i32
    %dma_wait3A_392 = tpu.memref_slice %arg11[%dma_wait3A_383, %dma_wait3A_390, %dma_wait3A_391] : memref<2x64x256xf32, #tpu.memory_space<vmem>> -> memref<1x64x256xf32, #tpu.memory_space<vmem>>
    %dma_wait3A_393 = tpu.memref_squeeze %dma_wait3A_392 : memref<1x64x256xf32, #tpu.memory_space<vmem>> -> memref<64x256xf32, #tpu.memory_space<vmem>>
    %dma_wait3A_394 = arith.constant 0 : i32
    %dma_wait3A_395 = tpu.memref_slice %arg3[%add3A_350, %dma_wait3A_394] : memref<16384x256xf32, #tpu.memory_space<hbm>> -> memref<64x256xf32, #tpu.memory_space<hbm>>
    tpu.wait_dma2 semaphore(%arg14 : memref<!tpu.dma_semaphore, #tpu.memory_space<semaphore_mem>>) src(%dma_wait3A_395 : memref<64x256xf32, #tpu.memory_space<hbm>>) dst(%dma_wait3A_393 : memref<64x256xf32, #tpu.memory_space<vmem>>)
    %dma_start3A_396 = arith.constant 1 : i32
    %dma_start3A_397 = arith.constant 0 : i32
    %dma_start3A_398 = arith.constant 0 : i32
    %dma_start3A_399 = tpu.memref_slice %arg10[%dma_start3A_396, %dma_start3A_397, %dma_start3A_398] : memref<2x64x256xf32, #tpu.memory_space<vmem>> -> memref<1x64x256xf32, #tpu.memory_space<vmem>>
    %dma_start3A_400 = tpu.memref_squeeze %dma_start3A_399 : memref<1x64x256xf32, #tpu.memory_space<vmem>> -> memref<64x256xf32, #tpu.memory_space<vmem>>
    %dma_start3A_401 = arith.constant 448 : i32
    %dma_start3A_402 = tpu.memref_slice %arg9[%dma_start3A_401] : memref<512xi32, #tpu.memory_space<vmem>> -> memref<64xi32, #tpu.memory_space<vmem>>
    %dma_start3A_403 = arith.constant 0 : i32
    %dma_start3A_404 = arith.constant 0 : i32
    %dma_start3A_405 = tpu.memref_slice %arg2[%dma_start3A_403, %dma_start3A_404] : memref<65536x256xf32, #tpu.memory_space<hbm>> -> memref<65536x256xf32, #tpu.memory_space<hbm>>
    tpu.enqueue_indirect_dma source(%dma_start3A_405 : memref<65536x256xf32, #tpu.memory_space<hbm>>) target(%dma_start3A_400 : memref<64x256xf32, #tpu.memory_space<vmem>>) offsets(%dma_start3A_402 : memref<64xi32, #tpu.memory_space<vmem>>) semaphore(%arg13 : memref<!tpu.dma_semaphore, #tpu.memory_space<semaphore_mem>>)
    %add3A_406 = arith.constant 448 : i32
    %add3A_407 = arith.addi %mul3A_2, %add3A_406 : i32
    %dma_start3A_408 = arith.constant 1 : i32
    %dma_start3A_409 = arith.constant 0 : i32
    %dma_start3A_410 = arith.constant 0 : i32
    %dma_start3A_411 = tpu.memref_slice %arg11[%dma_start3A_408, %dma_start3A_409, %dma_start3A_410] : memref<2x64x256xf32, #tpu.memory_space<vmem>> -> memref<1x64x256xf32, #tpu.memory_space<vmem>>
    %dma_start3A_412 = tpu.memref_squeeze %dma_start3A_411 : memref<1x64x256xf32, #tpu.memory_space<vmem>> -> memref<64x256xf32, #tpu.memory_space<vmem>>
    %dma_start3A_413 = arith.constant 0 : i32
    %dma_start3A_414 = tpu.memref_slice %arg3[%add3A_407, %dma_start3A_413] : memref<16384x256xf32, #tpu.memory_space<hbm>> -> memref<64x256xf32, #tpu.memory_space<hbm>>
    %dma_start3A_415 = arith.constant 0 : i32
    %dma_start3A_416 = arith.constant 0 : i32
    %dma_start3A_417 = tpu.memref_slice %arg11[%dma_start3A_408, %dma_start3A_415, %dma_start3A_416] : memref<2x64x256xf32, #tpu.memory_space<vmem>> -> memref<1x64x256xf32, #tpu.memory_space<vmem>>
    %dma_start3A_418 = tpu.memref_squeeze %dma_start3A_417 : memref<1x64x256xf32, #tpu.memory_space<vmem>> -> memref<64x256xf32, #tpu.memory_space<vmem>>
    %dma_start3A_419 = arith.constant 0 : i32
    %dma_start3A_420 = tpu.memref_slice %arg3[%add3A_407, %dma_start3A_419] : memref<16384x256xf32, #tpu.memory_space<hbm>> -> memref<64x256xf32, #tpu.memory_space<hbm>>
    tpu.enqueue_dma source(%dma_start3A_420 : memref<64x256xf32, #tpu.memory_space<hbm>>) target(%dma_start3A_418 : memref<64x256xf32, #tpu.memory_space<vmem>>) target_semaphore(%arg15 : memref<!tpu.dma_semaphore, #tpu.memory_space<semaphore_mem>>)
    %scan3A_421 = arith.constant 0 : i32
    %scan3A_422 = arith.constant 0 : i32
    %scan3A_423 = arith.constant 64 : i32
    %scan3A_424 = arith.addi %scan3A_422, %scan3A_423 : i32
    %scan3A_425 = arith.constant 1 : i32
    scf.for %scan3A_462 = %scan3A_422 to %scan3A_424 step %scan3A_425  : i32 {
      %get3A = arith.constant 0 : i32
      %get3A_463 = arith.index_cast %get3A : i32 to index
      %get3A_464 = arith.index_cast %scan3A_462 : i32 to index
      %get3A_465 = arith.constant 0 : index
      %get3A_466 = tpu.vector_load %arg10[%get3A_463, %get3A_464, %get3A_465] {strides = array<i32>} : memref<2x64x256xf32, #tpu.memory_space<vmem>>, vector<1x1x16xf32>,
      %get3A_467 = vector.shape_cast %get3A_466 : vector<1x1x16xf32> to vector<16xf32>
      %get3A_468 = arith.constant 0 : i32
      %get3A_469 = arith.index_cast %get3A_468 : i32 to index
      %get3A_470 = arith.index_cast %scan3A_462 : i32 to index
      %get3A_471 = arith.constant 0 : index
      %get3A_472 = tpu.vector_load %arg11[%get3A_469, %get3A_470, %get3A_471] {strides = array<i32>} : memref<2x64x256xf32, #tpu.memory_space<vmem>>, vector<1x1x16xf32>,
      %get3A_473 = vector.shape_cast %get3A_472 : vector<1x1x16xf32> to vector<16xf32>
      %add3A_474 = arith.addf %get3A_467, %get3A_473 : vector<16xf32>
      %swap3A = arith.constant 0 : i32
      %swap3A_475 = arith.index_cast %swap3A : i32 to index
      %swap3A_476 = arith.index_cast %scan3A_462 : i32 to index
      %swap3A_477 = arith.constant 0 : index
      %swap3A_478 = tpu.vector_load %arg10[%swap3A_475, %swap3A_476, %swap3A_477] {strides = array<i32>} : memref<2x64x256xf32, #tpu.memory_space<vmem>>, vector<1x1x16xf32>,
      %swap3A_479 = vector.shape_cast %swap3A_478 : vector<1x1x16xf32> to vector<16xf32>
      %swap3A_480 = vector.shape_cast %add3A_474 : vector<16xf32> to vector<1x1x16xf32>
      tpu.vector_store %arg10[%swap3A_475, %swap3A_476, %swap3A_477], %swap3A_480 {strides = array<i32>} : memref<2x64x256xf32, #tpu.memory_space<vmem>>, vector<1x1x16xf32>,
      %get3A_481 = arith.constant 0 : i32
      %get3A_482 = arith.index_cast %get3A_481 : i32 to index
      %get3A_483 = arith.index_cast %scan3A_462 : i32 to index
      %get3A_484 = arith.constant 16 : index
      %get3A_485 = tpu.vector_load %arg10[%get3A_482, %get3A_483, %get3A_484] {strides = array<i32>} : memref<2x64x256xf32, #tpu.memory_space<vmem>>, vector<1x1x16xf32>,
      %get3A_486 = vector.shape_cast %get3A_485 : vector<1x1x16xf32> to vector<16xf32>
      %get3A_487 = arith.constant 0 : i32
      %get3A_488 = arith.index_cast %get3A_487 : i32 to index
      %get3A_489 = arith.index_cast %scan3A_462 : i32 to index
      %get3A_490 = arith.constant 16 : index
      %get3A_491 = tpu.vector_load %arg11[%get3A_488, %get3A_489, %get3A_490] {strides = array<i32>} : memref<2x64x256xf32, #tpu.memory_space<vmem>>, vector<1x1x16xf32>,
      %get3A_492 = vector.shape_cast %get3A_491 : vector<1x1x16xf32> to vector<16xf32>
      %add3A_493 = arith.addf %get3A_486, %get3A_492 : vector<16xf32>
      %swap3A_494 = arith.constant 0 : i32
      %swap3A_495 = arith.index_cast %swap3A_494 : i32 to index
      %swap3A_496 = arith.index_cast %scan3A_462 : i32 to index
      %swap3A_497 = arith.constant 16 : index
      %swap3A_498 = tpu.vector_load %arg10[%swap3A_495, %swap3A_496, %swap3A_497] {strides = array<i32>} : memref<2x64x256xf32, #tpu.memory_space<vmem>>, vector<1x1x16xf32>,
      %swap3A_499 = vector.shape_cast %swap3A_498 : vector<1x1x16xf32> to vector<16xf32>
      %swap3A_500 = vector.shape_cast %add3A_493 : vector<16xf32> to vector<1x1x16xf32>
      tpu.vector_store %arg10[%swap3A_495, %swap3A_496, %swap3A_497], %swap3A_500 {strides = array<i32>} : memref<2x64x256xf32, #tpu.memory_space<vmem>>, vector<1x1x16xf32>,
      %get3A_501 = arith.constant 0 : i32
      %get3A_502 = arith.index_cast %get3A_501 : i32 to index
      %get3A_503 = arith.index_cast %scan3A_462 : i32 to index
      %get3A_504 = arith.constant 32 : index
      %get3A_505 = tpu.vector_load %arg10[%get3A_502, %get3A_503, %get3A_504] {strides = array<i32>} : memref<2x64x256xf32, #tpu.memory_space<vmem>>, vector<1x1x16xf32>,
      %get3A_506 = vector.shape_cast %get3A_505 : vector<1x1x16xf32> to vector<16xf32>
      %get3A_507 = arith.constant 0 : i32
      %get3A_508 = arith.index_cast %get3A_507 : i32 to index
      %get3A_509 = arith.index_cast %scan3A_462 : i32 to index
      %get3A_510 = arith.constant 32 : index
      %get3A_511 = tpu.vector_load %arg11[%get3A_508, %get3A_509, %get3A_510] {strides = array<i32>} : memref<2x64x256xf32, #tpu.memory_space<vmem>>, vector<1x1x16xf32>,
      %get3A_512 = vector.shape_cast %get3A_511 : vector<1x1x16xf32> to vector<16xf32>
      %add3A_513 = arith.addf %get3A_506, %get3A_512 : vector<16xf32>
      %swap3A_514 = arith.constant 0 : i32
      %swap3A_515 = arith.index_cast %swap3A_514 : i32 to index
      %swap3A_516 = arith.index_cast %scan3A_462 : i32 to index
      %swap3A_517 = arith.constant 32 : index
      %swap3A_518 = tpu.vector_load %arg10[%swap3A_515, %swap3A_516, %swap3A_517] {strides = array<i32>} : memref<2x64x256xf32, #tpu.memory_space<vmem>>, vector<1x1x16xf32>,
      %swap3A_519 = vector.shape_cast %swap3A_518 : vector<1x1x16xf32> to vector<16xf32>
      %swap3A_520 = vector.shape_cast %add3A_513 : vector<16xf32> to vector<1x1x16xf32>
      tpu.vector_store %arg10[%swap3A_515, %swap3A_516, %swap3A_517], %swap3A_520 {strides = array<i32>} : memref<2x64x256xf32, #tpu.memory_space<vmem>>, vector<1x1x16xf32>,
      %get3A_521 = arith.constant 0 : i32
      %get3A_522 = arith.index_cast %get3A_521 : i32 to index
      %get3A_523 = arith.index_cast %scan3A_462 : i32 to index
      %get3A_524 = arith.constant 48 : index
      %get3A_525 = tpu.vector_load %arg10[%get3A_522, %get3A_523, %get3A_524] {strides = array<i32>} : memref<2x64x256xf32, #tpu.memory_space<vmem>>, vector<1x1x16xf32>,
      %get3A_526 = vector.shape_cast %get3A_525 : vector<1x1x16xf32> to vector<16xf32>
      %get3A_527 = arith.constant 0 : i32
      %get3A_528 = arith.index_cast %get3A_527 : i32 to index
      %get3A_529 = arith.index_cast %scan3A_462 : i32 to index
      %get3A_530 = arith.constant 48 : index
      %get3A_531 = tpu.vector_load %arg11[%get3A_528, %get3A_529, %get3A_530] {strides = array<i32>} : memref<2x64x256xf32, #tpu.memory_space<vmem>>, vector<1x1x16xf32>,
      %get3A_532 = vector.shape_cast %get3A_531 : vector<1x1x16xf32> to vector<16xf32>
      %add3A_533 = arith.addf %get3A_526, %get3A_532 : vector<16xf32>
      %swap3A_534 = arith.constant 0 : i32
      %swap3A_535 = arith.index_cast %swap3A_534 : i32 to index
      %swap3A_536 = arith.index_cast %scan3A_462 : i32 to index
      %swap3A_537 = arith.constant 48 : index
      %swap3A_538 = tpu.vector_load %arg10[%swap3A_535, %swap3A_536, %swap3A_537] {strides = array<i32>} : memref<2x64x256xf32, #tpu.memory_space<vmem>>, vector<1x1x16xf32>,
      %swap3A_539 = vector.shape_cast %swap3A_538 : vector<1x1x16xf32> to vector<16xf32>
      %swap3A_540 = vector.shape_cast %add3A_533 : vector<16xf32> to vector<1x1x16xf32>
      tpu.vector_store %arg10[%swap3A_535, %swap3A_536, %swap3A_537], %swap3A_540 {strides = array<i32>} : memref<2x64x256xf32, #tpu.memory_space<vmem>>, vector<1x1x16xf32>,
      %get3A_541 = arith.constant 0 : i32
      %get3A_542 = arith.index_cast %get3A_541 : i32 to index
      %get3A_543 = arith.index_cast %scan3A_462 : i32 to index
      %get3A_544 = arith.constant 64 : index
      %get3A_545 = tpu.vector_load %arg10[%get3A_542, %get3A_543, %get3A_544] {strides = array<i32>} : memref<2x64x256xf32, #tpu.memory_space<vmem>>, vector<1x1x16xf32>,
      %get3A_546 = vector.shape_cast %get3A_545 : vector<1x1x16xf32> to vector<16xf32>
      %get3A_547 = arith.constant 0 : i32
      %get3A_548 = arith.index_cast %get3A_547 : i32 to index
      %get3A_549 = arith.index_cast %scan3A_462 : i32 to index
      %get3A_550 = arith.constant 64 : index
      %get3A_551 = tpu.vector_load %arg11[%get3A_548, %get3A_549, %get3A_550] {strides = array<i32>} : memref<2x64x256xf32, #tpu.memory_space<vmem>>, vector<1x1x16xf32>,
      %get3A_552 = vector.shape_cast %get3A_551 : vector<1x1x16xf32> to vector<16xf32>
      %add3A_553 = arith.addf %get3A_546, %get3A_552 : vector<16xf32>
      %swap3A_554 = arith.constant 0 : i32
      %swap3A_555 = arith.index_cast %swap3A_554 : i32 to index
      %swap3A_556 = arith.index_cast %scan3A_462 : i32 to index
      %swap3A_557 = arith.constant 64 : index
      %swap3A_558 = tpu.vector_load %arg10[%swap3A_555, %swap3A_556, %swap3A_557] {strides = array<i32>} : memref<2x64x256xf32, #tpu.memory_space<vmem>>, vector<1x1x16xf32>,
      %swap3A_559 = vector.shape_cast %swap3A_558 : vector<1x1x16xf32> to vector<16xf32>
      %swap3A_560 = vector.shape_cast %add3A_553 : vector<16xf32> to vector<1x1x16xf32>
      tpu.vector_store %arg10[%swap3A_555, %swap3A_556, %swap3A_557], %swap3A_560 {strides = array<i32>} : memref<2x64x256xf32, #tpu.memory_space<vmem>>, vector<1x1x16xf32>,
      %get3A_561 = arith.constant 0 : i32
      %get3A_562 = arith.index_cast %get3A_561 : i32 to index
      %get3A_563 = arith.index_cast %scan3A_462 : i32 to index
      %get3A_564 = arith.constant 80 : index
      %get3A_565 = tpu.vector_load %arg10[%get3A_562, %get3A_563, %get3A_564] {strides = array<i32>} : memref<2x64x256xf32, #tpu.memory_space<vmem>>, vector<1x1x16xf32>,
      %get3A_566 = vector.shape_cast %get3A_565 : vector<1x1x16xf32> to vector<16xf32>
      %get3A_567 = arith.constant 0 : i32
      %get3A_568 = arith.index_cast %get3A_567 : i32 to index
      %get3A_569 = arith.index_cast %scan3A_462 : i32 to index
      %get3A_570 = arith.constant 80 : index
      %get3A_571 = tpu.vector_load %arg11[%get3A_568, %get3A_569, %get3A_570] {strides = array<i32>} : memref<2x64x256xf32, #tpu.memory_space<vmem>>, vector<1x1x16xf32>,
      %get3A_572 = vector.shape_cast %get3A_571 : vector<1x1x16xf32> to vector<16xf32>
      %add3A_573 = arith.addf %get3A_566, %get3A_572 : vector<16xf32>
      %swap3A_574 = arith.constant 0 : i32
      %swap3A_575 = arith.index_cast %swap3A_574 : i32 to index
      %swap3A_576 = arith.index_cast %scan3A_462 : i32 to index
      %swap3A_577 = arith.constant 80 : index
      %swap3A_578 = tpu.vector_load %arg10[%swap3A_575, %swap3A_576, %swap3A_577] {strides = array<i32>} : memref<2x64x256xf32, #tpu.memory_space<vmem>>, vector<1x1x16xf32>,
      %swap3A_579 = vector.shape_cast %swap3A_578 : vector<1x1x16xf32> to vector<16xf32>
      %swap3A_580 = vector.shape_cast %add3A_573 : vector<16xf32> to vector<1x1x16xf32>
      tpu.vector_store %arg10[%swap3A_575, %swap3A_576, %swap3A_577], %swap3A_580 {strides = array<i32>} : memref<2x64x256xf32, #tpu.memory_space<vmem>>, vector<1x1x16xf32>,
      %get3A_581 = arith.constant 0 : i32
      %get3A_582 = arith.index_cast %get3A_581 : i32 to index
      %get3A_583 = arith.index_cast %scan3A_462 : i32 to index
      %get3A_584 = arith.constant 96 : index
      %get3A_585 = tpu.vector_load %arg10[%get3A_582, %get3A_583, %get3A_584] {strides = array<i32>} : memref<2x64x256xf32, #tpu.memory_space<vmem>>, vector<1x1x16xf32>,
      %get3A_586 = vector.shape_cast %get3A_585 : vector<1x1x16xf32> to vector<16xf32>
      %get3A_587 = arith.constant 0 : i32
      %get3A_588 = arith.index_cast %get3A_587 : i32 to index
      %get3A_589 = arith.index_cast %scan3A_462 : i32 to index
      %get3A_590 = arith.constant 96 : index
      %get3A_591 = tpu.vector_load %arg11[%get3A_588, %get3A_589, %get3A_590] {strides = array<i32>} : memref<2x64x256xf32, #tpu.memory_space<vmem>>, vector<1x1x16xf32>,
      %get3A_592 = vector.shape_cast %get3A_591 : vector<1x1x16xf32> to vector<16xf32>
      %add3A_593 = arith.addf %get3A_586, %get3A_592 : vector<16xf32>
      %swap3A_594 = arith.constant 0 : i32
      %swap3A_595 = arith.index_cast %swap3A_594 : i32 to index
      %swap3A_596 = arith.index_cast %scan3A_462 : i32 to index
      %swap3A_597 = arith.constant 96 : index
      %swap3A_598 = tpu.vector_load %arg10[%swap3A_595, %swap3A_596, %swap3A_597] {strides = array<i32>} : memref<2x64x256xf32, #tpu.memory_space<vmem>>, vector<1x1x16xf32>,
      %swap3A_599 = vector.shape_cast %swap3A_598 : vector<1x1x16xf32> to vector<16xf32>
      %swap3A_600 = vector.shape_cast %add3A_593 : vector<16xf32> to vector<1x1x16xf32>
      tpu.vector_store %arg10[%swap3A_595, %swap3A_596, %swap3A_597], %swap3A_600 {strides = array<i32>} : memref<2x64x256xf32, #tpu.memory_space<vmem>>, vector<1x1x16xf32>,
      %get3A_601 = arith.constant 0 : i32
      %get3A_602 = arith.index_cast %get3A_601 : i32 to index
      %get3A_603 = arith.index_cast %scan3A_462 : i32 to index
      %get3A_604 = arith.constant 112 : index
      %get3A_605 = tpu.vector_load %arg10[%get3A_602, %get3A_603, %get3A_604] {strides = array<i32>} : memref<2x64x256xf32, #tpu.memory_space<vmem>>, vector<1x1x16xf32>,
      %get3A_606 = vector.shape_cast %get3A_605 : vector<1x1x16xf32> to vector<16xf32>
      %get3A_607 = arith.constant 0 : i32
      %get3A_608 = arith.index_cast %get3A_607 : i32 to index
      %get3A_609 = arith.index_cast %scan3A_462 : i32 to index
      %get3A_610 = arith.constant 112 : index
      %get3A_611 = tpu.vector_load %arg11[%get3A_608, %get3A_609, %get3A_610] {strides = array<i32>} : memref<2x64x256xf32, #tpu.memory_space<vmem>>, vector<1x1x16xf32>,
      %get3A_612 = vector.shape_cast %get3A_611 : vector<1x1x16xf32> to vector<16xf32>
      %add3A_613 = arith.addf %get3A_606, %get3A_612 : vector<16xf32>
      %swap3A_614 = arith.constant 0 : i32
      %swap3A_615 = arith.index_cast %swap3A_614 : i32 to index
      %swap3A_616 = arith.index_cast %scan3A_462 : i32 to index
      %swap3A_617 = arith.constant 112 : index
      %swap3A_618 = tpu.vector_load %arg10[%swap3A_615, %swap3A_616, %swap3A_617] {strides = array<i32>} : memref<2x64x256xf32, #tpu.memory_space<vmem>>, vector<1x1x16xf32>,
      %swap3A_619 = vector.shape_cast %swap3A_618 : vector<1x1x16xf32> to vector<16xf32>
      %swap3A_620 = vector.shape_cast %add3A_613 : vector<16xf32> to vector<1x1x16xf32>
      tpu.vector_store %arg10[%swap3A_615, %swap3A_616, %swap3A_617], %swap3A_620 {strides = array<i32>} : memref<2x64x256xf32, #tpu.memory_space<vmem>>, vector<1x1x16xf32>,
      %get3A_621 = arith.constant 0 : i32
      %get3A_622 = arith.index_cast %get3A_621 : i32 to index
      %get3A_623 = arith.index_cast %scan3A_462 : i32 to index
      %get3A_624 = arith.constant 128 : index
      %get3A_625 = tpu.vector_load %arg10[%get3A_622, %get3A_623, %get3A_624] {strides = array<i32>} : memref<2x64x256xf32, #tpu.memory_space<vmem>>, vector<1x1x16xf32>,
      %get3A_626 = vector.shape_cast %get3A_625 : vector<1x1x16xf32> to vector<16xf32>
      %get3A_627 = arith.constant 0 : i32
      %get3A_628 = arith.index_cast %get3A_627 : i32 to index
      %get3A_629 = arith.index_cast %scan3A_462 : i32 to index
      %get3A_630 = arith.constant 128 : index
      %get3A_631 = tpu.vector_load %arg11[%get3A_628, %get3A_629, %get3A_630] {strides = array<i32>} : memref<2x64x256xf32, #tpu.memory_space<vmem>>, vector<1x1x16xf32>,
      %get3A_632 = vector.shape_cast %get3A_631 : vector<1x1x16xf32> to vector<16xf32>
      %add3A_633 = arith.addf %get3A_626, %get3A_632 : vector<16xf32>
      %swap3A_634 = arith.constant 0 : i32
      %swap3A_635 = arith.index_cast %swap3A_634 : i32 to index
      %swap3A_636 = arith.index_cast %scan3A_462 : i32 to index
      %swap3A_637 = arith.constant 128 : index
      %swap3A_638 = tpu.vector_load %arg10[%swap3A_635, %swap3A_636, %swap3A_637] {strides = array<i32>} : memref<2x64x256xf32, #tpu.memory_space<vmem>>, vector<1x1x16xf32>,
      %swap3A_639 = vector.shape_cast %swap3A_638 : vector<1x1x16xf32> to vector<16xf32>
      %swap3A_640 = vector.shape_cast %add3A_633 : vector<16xf32> to vector<1x1x16xf32>
      tpu.vector_store %arg10[%swap3A_635, %swap3A_636, %swap3A_637], %swap3A_640 {strides = array<i32>} : memref<2x64x256xf32, #tpu.memory_space<vmem>>, vector<1x1x16xf32>,
      %get3A_641 = arith.constant 0 : i32
      %get3A_642 = arith.index_cast %get3A_641 : i32 to index
      %get3A_643 = arith.index_cast %scan3A_462 : i32 to index
      %get3A_644 = arith.constant 144 : index
      %get3A_645 = tpu.vector_load %arg10[%get3A_642, %get3A_643, %get3A_644] {strides = array<i32>} : memref<2x64x256xf32, #tpu.memory_space<vmem>>, vector<1x1x16xf32>,
      %get3A_646 = vector.shape_cast %get3A_645 : vector<1x1x16xf32> to vector<16xf32>
      %get3A_647 = arith.constant 0 : i32
      %get3A_648 = arith.index_cast %get3A_647 : i32 to index
      %get3A_649 = arith.index_cast %scan3A_462 : i32 to index
      %get3A_650 = arith.constant 144 : index
      %get3A_651 = tpu.vector_load %arg11[%get3A_648, %get3A_649, %get3A_650] {strides = array<i32>} : memref<2x64x256xf32, #tpu.memory_space<vmem>>, vector<1x1x16xf32>,
      %get3A_652 = vector.shape_cast %get3A_651 : vector<1x1x16xf32> to vector<16xf32>
      %add3A_653 = arith.addf %get3A_646, %get3A_652 : vector<16xf32>
      %swap3A_654 = arith.constant 0 : i32
      %swap3A_655 = arith.index_cast %swap3A_654 : i32 to index
      %swap3A_656 = arith.index_cast %scan3A_462 : i32 to index
      %swap3A_657 = arith.constant 144 : index
      %swap3A_658 = tpu.vector_load %arg10[%swap3A_655, %swap3A_656, %swap3A_657] {strides = array<i32>} : memref<2x64x256xf32, #tpu.memory_space<vmem>>, vector<1x1x16xf32>,
      %swap3A_659 = vector.shape_cast %swap3A_658 : vector<1x1x16xf32> to vector<16xf32>
      %swap3A_660 = vector.shape_cast %add3A_653 : vector<16xf32> to vector<1x1x16xf32>
      tpu.vector_store %arg10[%swap3A_655, %swap3A_656, %swap3A_657], %swap3A_660 {strides = array<i32>} : memref<2x64x256xf32, #tpu.memory_space<vmem>>, vector<1x1x16xf32>,
      %get3A_661 = arith.constant 0 : i32
      %get3A_662 = arith.index_cast %get3A_661 : i32 to index
      %get3A_663 = arith.index_cast %scan3A_462 : i32 to index
      %get3A_664 = arith.constant 160 : index
      %get3A_665 = tpu.vector_load %arg10[%get3A_662, %get3A_663, %get3A_664] {strides = array<i32>} : memref<2x64x256xf32, #tpu.memory_space<vmem>>, vector<1x1x16xf32>,
      %get3A_666 = vector.shape_cast %get3A_665 : vector<1x1x16xf32> to vector<16xf32>
      %get3A_667 = arith.constant 0 : i32
      %get3A_668 = arith.index_cast %get3A_667 : i32 to index
      %get3A_669 = arith.index_cast %scan3A_462 : i32 to index
      %get3A_670 = arith.constant 160 : index
      %get3A_671 = tpu.vector_load %arg11[%get3A_668, %get3A_669, %get3A_670] {strides = array<i32>} : memref<2x64x256xf32, #tpu.memory_space<vmem>>, vector<1x1x16xf32>,
      %get3A_672 = vector.shape_cast %get3A_671 : vector<1x1x16xf32> to vector<16xf32>
      %add3A_673 = arith.addf %get3A_666, %get3A_672 : vector<16xf32>
      %swap3A_674 = arith.constant 0 : i32
      %swap3A_675 = arith.index_cast %swap3A_674 : i32 to index
      %swap3A_676 = arith.index_cast %scan3A_462 : i32 to index
      %swap3A_677 = arith.constant 160 : index
      %swap3A_678 = tpu.vector_load %arg10[%swap3A_675, %swap3A_676, %swap3A_677] {strides = array<i32>} : memref<2x64x256xf32, #tpu.memory_space<vmem>>, vector<1x1x16xf32>,
      %swap3A_679 = vector.shape_cast %swap3A_678 : vector<1x1x16xf32> to vector<16xf32>
      %swap3A_680 = vector.shape_cast %add3A_673 : vector<16xf32> to vector<1x1x16xf32>
      tpu.vector_store %arg10[%swap3A_675, %swap3A_676, %swap3A_677], %swap3A_680 {strides = array<i32>} : memref<2x64x256xf32, #tpu.memory_space<vmem>>, vector<1x1x16xf32>,
      %get3A_681 = arith.constant 0 : i32
      %get3A_682 = arith.index_cast %get3A_681 : i32 to index
      %get3A_683 = arith.index_cast %scan3A_462 : i32 to index
      %get3A_684 = arith.constant 176 : index
      %get3A_685 = tpu.vector_load %arg10[%get3A_682, %get3A_683, %get3A_684] {strides = array<i32>} : memref<2x64x256xf32, #tpu.memory_space<vmem>>, vector<1x1x16xf32>,
      %get3A_686 = vector.shape_cast %get3A_685 : vector<1x1x16xf32> to vector<16xf32>
      %get3A_687 = arith.constant 0 : i32
      %get3A_688 = arith.index_cast %get3A_687 : i32 to index
      %get3A_689 = arith.index_cast %scan3A_462 : i32 to index
      %get3A_690 = arith.constant 176 : index
      %get3A_691 = tpu.vector_load %arg11[%get3A_688, %get3A_689, %get3A_690] {strides = array<i32>} : memref<2x64x256xf32, #tpu.memory_space<vmem>>, vector<1x1x16xf32>,
      %get3A_692 = vector.shape_cast %get3A_691 : vector<1x1x16xf32> to vector<16xf32>
      %add3A_693 = arith.addf %get3A_686, %get3A_692 : vector<16xf32>
      %swap3A_694 = arith.constant 0 : i32
      %swap3A_695 = arith.index_cast %swap3A_694 : i32 to index
      %swap3A_696 = arith.index_cast %scan3A_462 : i32 to index
      %swap3A_697 = arith.constant 176 : index
      %swap3A_698 = tpu.vector_load %arg10[%swap3A_695, %swap3A_696, %swap3A_697] {strides = array<i32>} : memref<2x64x256xf32, #tpu.memory_space<vmem>>, vector<1x1x16xf32>,
      %swap3A_699 = vector.shape_cast %swap3A_698 : vector<1x1x16xf32> to vector<16xf32>
      %swap3A_700 = vector.shape_cast %add3A_693 : vector<16xf32> to vector<1x1x16xf32>
      tpu.vector_store %arg10[%swap3A_695, %swap3A_696, %swap3A_697], %swap3A_700 {strides = array<i32>} : memref<2x64x256xf32, #tpu.memory_space<vmem>>, vector<1x1x16xf32>,
      %get3A_701 = arith.constant 0 : i32
      %get3A_702 = arith.index_cast %get3A_701 : i32 to index
      %get3A_703 = arith.index_cast %scan3A_462 : i32 to index
      %get3A_704 = arith.constant 192 : index
      %get3A_705 = tpu.vector_load %arg10[%get3A_702, %get3A_703, %get3A_704] {strides = array<i32>} : memref<2x64x256xf32, #tpu.memory_space<vmem>>, vector<1x1x16xf32>,
      %get3A_706 = vector.shape_cast %get3A_705 : vector<1x1x16xf32> to vector<16xf32>
      %get3A_707 = arith.constant 0 : i32
      %get3A_708 = arith.index_cast %get3A_707 : i32 to index
      %get3A_709 = arith.index_cast %scan3A_462 : i32 to index
      %get3A_710 = arith.constant 192 : index
      %get3A_711 = tpu.vector_load %arg11[%get3A_708, %get3A_709, %get3A_710] {strides = array<i32>} : memref<2x64x256xf32, #tpu.memory_space<vmem>>, vector<1x1x16xf32>,
      %get3A_712 = vector.shape_cast %get3A_711 : vector<1x1x16xf32> to vector<16xf32>
      %add3A_713 = arith.addf %get3A_706, %get3A_712 : vector<16xf32>
      %swap3A_714 = arith.constant 0 : i32
      %swap3A_715 = arith.index_cast %swap3A_714 : i32 to index
      %swap3A_716 = arith.index_cast %scan3A_462 : i32 to index
      %swap3A_717 = arith.constant 192 : index
      %swap3A_718 = tpu.vector_load %arg10[%swap3A_715, %swap3A_716, %swap3A_717] {strides = array<i32>} : memref<2x64x256xf32, #tpu.memory_space<vmem>>, vector<1x1x16xf32>,
      %swap3A_719 = vector.shape_cast %swap3A_718 : vector<1x1x16xf32> to vector<16xf32>
      %swap3A_720 = vector.shape_cast %add3A_713 : vector<16xf32> to vector<1x1x16xf32>
      tpu.vector_store %arg10[%swap3A_715, %swap3A_716, %swap3A_717], %swap3A_720 {strides = array<i32>} : memref<2x64x256xf32, #tpu.memory_space<vmem>>, vector<1x1x16xf32>,
      %get3A_721 = arith.constant 0 : i32
      %get3A_722 = arith.index_cast %get3A_721 : i32 to index
      %get3A_723 = arith.index_cast %scan3A_462 : i32 to index
      %get3A_724 = arith.constant 208 : index
      %get3A_725 = tpu.vector_load %arg10[%get3A_722, %get3A_723, %get3A_724] {strides = array<i32>} : memref<2x64x256xf32, #tpu.memory_space<vmem>>, vector<1x1x16xf32>,
      %get3A_726 = vector.shape_cast %get3A_725 : vector<1x1x16xf32> to vector<16xf32>
      %get3A_727 = arith.constant 0 : i32
      %get3A_728 = arith.index_cast %get3A_727 : i32 to index
      %get3A_729 = arith.index_cast %scan3A_462 : i32 to index
      %get3A_730 = arith.constant 208 : index
      %get3A_731 = tpu.vector_load %arg11[%get3A_728, %get3A_729, %get3A_730] {strides = array<i32>} : memref<2x64x256xf32, #tpu.memory_space<vmem>>, vector<1x1x16xf32>,
      %get3A_732 = vector.shape_cast %get3A_731 : vector<1x1x16xf32> to vector<16xf32>
      %add3A_733 = arith.addf %get3A_726, %get3A_732 : vector<16xf32>
      %swap3A_734 = arith.constant 0 : i32
      %swap3A_735 = arith.index_cast %swap3A_734 : i32 to index
      %swap3A_736 = arith.index_cast %scan3A_462 : i32 to index
      %swap3A_737 = arith.constant 208 : index
      %swap3A_738 = tpu.vector_load %arg10[%swap3A_735, %swap3A_736, %swap3A_737] {strides = array<i32>} : memref<2x64x256xf32, #tpu.memory_space<vmem>>, vector<1x1x16xf32>,
      %swap3A_739 = vector.shape_cast %swap3A_738 : vector<1x1x16xf32> to vector<16xf32>
      %swap3A_740 = vector.shape_cast %add3A_733 : vector<16xf32> to vector<1x1x16xf32>
      tpu.vector_store %arg10[%swap3A_735, %swap3A_736, %swap3A_737], %swap3A_740 {strides = array<i32>} : memref<2x64x256xf32, #tpu.memory_space<vmem>>, vector<1x1x16xf32>,
      %get3A_741 = arith.constant 0 : i32
      %get3A_742 = arith.index_cast %get3A_741 : i32 to index
      %get3A_743 = arith.index_cast %scan3A_462 : i32 to index
      %get3A_744 = arith.constant 224 : index
      %get3A_745 = tpu.vector_load %arg10[%get3A_742, %get3A_743, %get3A_744] {strides = array<i32>} : memref<2x64x256xf32, #tpu.memory_space<vmem>>, vector<1x1x16xf32>,
      %get3A_746 = vector.shape_cast %get3A_745 : vector<1x1x16xf32> to vector<16xf32>
      %get3A_747 = arith.constant 0 : i32
      %get3A_748 = arith.index_cast %get3A_747 : i32 to index
      %get3A_749 = arith.index_cast %scan3A_462 : i32 to index
      %get3A_750 = arith.constant 224 : index
      %get3A_751 = tpu.vector_load %arg11[%get3A_748, %get3A_749, %get3A_750] {strides = array<i32>} : memref<2x64x256xf32, #tpu.memory_space<vmem>>, vector<1x1x16xf32>,
      %get3A_752 = vector.shape_cast %get3A_751 : vector<1x1x16xf32> to vector<16xf32>
      %add3A_753 = arith.addf %get3A_746, %get3A_752 : vector<16xf32>
      %swap3A_754 = arith.constant 0 : i32
      %swap3A_755 = arith.index_cast %swap3A_754 : i32 to index
      %swap3A_756 = arith.index_cast %scan3A_462 : i32 to index
      %swap3A_757 = arith.constant 224 : index
      %swap3A_758 = tpu.vector_load %arg10[%swap3A_755, %swap3A_756, %swap3A_757] {strides = array<i32>} : memref<2x64x256xf32, #tpu.memory_space<vmem>>, vector<1x1x16xf32>,
      %swap3A_759 = vector.shape_cast %swap3A_758 : vector<1x1x16xf32> to vector<16xf32>
      %swap3A_760 = vector.shape_cast %add3A_753 : vector<16xf32> to vector<1x1x16xf32>
      tpu.vector_store %arg10[%swap3A_755, %swap3A_756, %swap3A_757], %swap3A_760 {strides = array<i32>} : memref<2x64x256xf32, #tpu.memory_space<vmem>>, vector<1x1x16xf32>,
      %get3A_761 = arith.constant 0 : i32
      %get3A_762 = arith.index_cast %get3A_761 : i32 to index
      %get3A_763 = arith.index_cast %scan3A_462 : i32 to index
      %get3A_764 = arith.constant 240 : index
      %get3A_765 = tpu.vector_load %arg10[%get3A_762, %get3A_763, %get3A_764] {strides = array<i32>} : memref<2x64x256xf32, #tpu.memory_space<vmem>>, vector<1x1x16xf32>,
      %get3A_766 = vector.shape_cast %get3A_765 : vector<1x1x16xf32> to vector<16xf32>
      %get3A_767 = arith.constant 0 : i32
      %get3A_768 = arith.index_cast %get3A_767 : i32 to index
      %get3A_769 = arith.index_cast %scan3A_462 : i32 to index
      %get3A_770 = arith.constant 240 : index
      %get3A_771 = tpu.vector_load %arg11[%get3A_768, %get3A_769, %get3A_770] {strides = array<i32>} : memref<2x64x256xf32, #tpu.memory_space<vmem>>, vector<1x1x16xf32>,
      %get3A_772 = vector.shape_cast %get3A_771 : vector<1x1x16xf32> to vector<16xf32>
      %add3A_773 = arith.addf %get3A_766, %get3A_772 : vector<16xf32>
      %swap3A_774 = arith.constant 0 : i32
      %swap3A_775 = arith.index_cast %swap3A_774 : i32 to index
      %swap3A_776 = arith.index_cast %scan3A_462 : i32 to index
      %swap3A_777 = arith.constant 240 : index
      %swap3A_778 = tpu.vector_load %arg10[%swap3A_775, %swap3A_776, %swap3A_777] {strides = array<i32>} : memref<2x64x256xf32, #tpu.memory_space<vmem>>, vector<1x1x16xf32>,
      %swap3A_779 = vector.shape_cast %swap3A_778 : vector<1x1x16xf32> to vector<16xf32>
      %swap3A_780 = vector.shape_cast %add3A_773 : vector<16xf32> to vector<1x1x16xf32>
      tpu.vector_store %arg10[%swap3A_775, %swap3A_776, %swap3A_777], %swap3A_780 {strides = array<i32>} : memref<2x64x256xf32, #tpu.memory_space<vmem>>, vector<1x1x16xf32>,
    }
    %scan3A_426 = arith.constant 64 : i32
    %add3A_427 = arith.constant 384 : i32
    %add3A_428 = arith.addi %mul3A_2, %add3A_427 : i32
    %run_scoped3A_429 = arith.constant 0 : i32
    "tpu.region"() ({
      %run_scoped3A_462 = tpu.sem_alloc : memref<!tpu.dma_semaphore, #tpu.memory_space<semaphore_mem>>
      %dma_start3A_463 = arith.constant 0 : i32
      %dma_start3A_464 = arith.constant 0 : i32
      %dma_start3A_465 = tpu.memref_slice %arg10[%run_scoped3A_429, %dma_start3A_463, %dma_start3A_464] : memref<2x64x256xf32, #tpu.memory_space<vmem>> -> memref<1x64x256xf32, #tpu.memory_space<vmem>>
      %dma_start3A_466 = tpu.memref_squeeze %dma_start3A_465 : memref<1x64x256xf32, #tpu.memory_space<vmem>> -> memref<64x256xf32, #tpu.memory_space<vmem>>
      %dma_start3A_467 = arith.constant 0 : i32
      %dma_start3A_468 = tpu.memref_slice %arg6[%add3A_428, %dma_start3A_467] : memref<16384x256xf32, #tpu.memory_space<hbm>> -> memref<64x256xf32, #tpu.memory_space<hbm>>
      %dma_start3A_469 = arith.constant 0 : i32
      %dma_start3A_470 = tpu.memref_slice %arg6[%add3A_428, %dma_start3A_469] : memref<16384x256xf32, #tpu.memory_space<hbm>> -> memref<64x256xf32, #tpu.memory_space<hbm>>
      %dma_start3A_471 = arith.constant 0 : i32
      %dma_start3A_472 = arith.constant 0 : i32
      %dma_start3A_473 = tpu.memref_slice %arg10[%run_scoped3A_429, %dma_start3A_471, %dma_start3A_472] : memref<2x64x256xf32, #tpu.memory_space<vmem>> -> memref<1x64x256xf32, #tpu.memory_space<vmem>>
      %dma_start3A_474 = tpu.memref_squeeze %dma_start3A_473 : memref<1x64x256xf32, #tpu.memory_space<vmem>> -> memref<64x256xf32, #tpu.memory_space<vmem>>
      tpu.enqueue_dma source(%dma_start3A_474 : memref<64x256xf32, #tpu.memory_space<vmem>>) target(%dma_start3A_470 : memref<64x256xf32, #tpu.memory_space<hbm>>) target_semaphore(%run_scoped3A_462 : memref<!tpu.dma_semaphore, #tpu.memory_space<semaphore_mem>>)
      %dma_wait3A_475 = arith.constant 0 : i32
      %dma_wait3A_476 = arith.constant 0 : i32
      %dma_wait3A_477 = tpu.memref_slice %arg10[%run_scoped3A_429, %dma_wait3A_475, %dma_wait3A_476] : memref<2x64x256xf32, #tpu.memory_space<vmem>> -> memref<1x64x256xf32, #tpu.memory_space<vmem>>
      %dma_wait3A_478 = tpu.memref_squeeze %dma_wait3A_477 : memref<1x64x256xf32, #tpu.memory_space<vmem>> -> memref<64x256xf32, #tpu.memory_space<vmem>>
      %dma_wait3A_479 = arith.constant 0 : i32
      %dma_wait3A_480 = tpu.memref_slice %arg6[%add3A_428, %dma_wait3A_479] : memref<16384x256xf32, #tpu.memory_space<hbm>> -> memref<64x256xf32, #tpu.memory_space<hbm>>
      %dma_wait3A_481 = arith.constant 0 : i32
      %dma_wait3A_482 = tpu.memref_slice %arg6[%add3A_428, %dma_wait3A_481] : memref<16384x256xf32, #tpu.memory_space<hbm>> -> memref<64x256xf32, #tpu.memory_space<hbm>>
      %dma_wait3A_483 = arith.constant 0 : i32
      %dma_wait3A_484 = arith.constant 0 : i32
      %dma_wait3A_485 = tpu.memref_slice %arg10[%run_scoped3A_429, %dma_wait3A_483, %dma_wait3A_484] : memref<2x64x256xf32, #tpu.memory_space<vmem>> -> memref<1x64x256xf32, #tpu.memory_space<vmem>>
      %dma_wait3A_486 = tpu.memref_squeeze %dma_wait3A_485 : memref<1x64x256xf32, #tpu.memory_space<vmem>> -> memref<64x256xf32, #tpu.memory_space<vmem>>
      tpu.wait_dma2 semaphore(%run_scoped3A_462 : memref<!tpu.dma_semaphore, #tpu.memory_space<semaphore_mem>>) src(%dma_wait3A_486 : memref<64x256xf32, #tpu.memory_space<vmem>>) dst(%dma_wait3A_482 : memref<64x256xf32, #tpu.memory_space<hbm>>)
      tpu.yield
    }) : () -> ()
    %dma_wait3A_430 = arith.constant 1 : i32
    %dma_wait3A_431 = arith.constant 0 : i32
    %dma_wait3A_432 = arith.constant 0 : i32
    %dma_wait3A_433 = tpu.memref_slice %arg10[%dma_wait3A_430, %dma_wait3A_431, %dma_wait3A_432] : memref<2x64x256xf32, #tpu.memory_space<vmem>> -> memref<1x64x256xf32, #tpu.memory_space<vmem>>
    %dma_wait3A_434 = tpu.memref_squeeze %dma_wait3A_433 : memref<1x64x256xf32, #tpu.memory_space<vmem>> -> memref<64x256xf32, #tpu.memory_space<vmem>>
    %dma_wait3A_435 = arith.constant 448 : i32
    %dma_wait3A_436 = tpu.memref_slice %arg9[%dma_wait3A_435] : memref<512xi32, #tpu.memory_space<vmem>> -> memref<64xi32, #tpu.memory_space<vmem>>
    %dma_wait3A_437 = arith.constant 0 : i32
    %dma_wait3A_438 = arith.constant 0 : i32
    %dma_wait3A_439 = tpu.memref_slice %arg2[%dma_wait3A_437, %dma_wait3A_438] : memref<65536x256xf32, #tpu.memory_space<hbm>> -> memref<65536x256xf32, #tpu.memory_space<hbm>>
    tpu.wait_indirect_dma semaphore(%arg13 : memref<!tpu.dma_semaphore, #tpu.memory_space<semaphore_mem>>) src(%dma_wait3A_439 : memref<65536x256xf32, #tpu.memory_space<hbm>>) dst(%dma_wait3A_434 : memref<64x256xf32, #tpu.memory_space<vmem>>)
    %dma_wait3A_440 = arith.constant 1 : i32
    %dma_wait3A_441 = arith.constant 0 : i32
    %dma_wait3A_442 = arith.constant 0 : i32
    %dma_wait3A_443 = tpu.memref_slice %arg11[%dma_wait3A_440, %dma_wait3A_441, %dma_wait3A_442] : memref<2x64x256xf32, #tpu.memory_space<vmem>> -> memref<1x64x256xf32, #tpu.memory_space<vmem>>
    %dma_wait3A_444 = tpu.memref_squeeze %dma_wait3A_443 : memref<1x64x256xf32, #tpu.memory_space<vmem>> -> memref<64x256xf32, #tpu.memory_space<vmem>>
    %dma_wait3A_445 = arith.constant 0 : i32
    %dma_wait3A_446 = tpu.memref_slice %arg3[%add3A_407, %dma_wait3A_445] : memref<16384x256xf32, #tpu.memory_space<hbm>> -> memref<64x256xf32, #tpu.memory_space<hbm>>
    %dma_wait3A_447 = arith.constant 0 : i32
    %dma_wait3A_448 = arith.constant 0 : i32
    %dma_wait3A_449 = tpu.memref_slice %arg11[%dma_wait3A_440, %dma_wait3A_447, %dma_wait3A_448] : memref<2x64x256xf32, #tpu.memory_space<vmem>> -> memref<1x64x256xf32, #tpu.memory_space<vmem>>
    %dma_wait3A_450 = tpu.memref_squeeze %dma_wait3A_449 : memref<1x64x256xf32, #tpu.memory_space<vmem>> -> memref<64x256xf32, #tpu.memory_space<vmem>>
    %dma_wait3A_451 = arith.constant 0 : i32
    %dma_wait3A_452 = tpu.memref_slice %arg3[%add3A_407, %dma_wait3A_451] : memref<16384x256xf32, #tpu.memory_space<hbm>> -> memref<64x256xf32, #tpu.memory_space<hbm>>
    tpu.wait_dma2 semaphore(%arg15 : memref<!tpu.dma_semaphore, #tpu.memory_space<semaphore_mem>>) src(%dma_wait3A_452 : memref<64x256xf32, #tpu.memory_space<hbm>>) dst(%dma_wait3A_450 : memref<64x256xf32, #tpu.memory_space<vmem>>)
    %scan3A_453 = arith.constant 0 : i32
    %scan3A_454 = arith.constant 0 : i32
    %scan3A_455 = arith.constant 64 : i32
    %scan3A_456 = arith.addi %scan3A_454, %scan3A_455 : i32
    %scan3A_457 = arith.constant 1 : i32
    scf.for %scan3A_462 = %scan3A_454 to %scan3A_456 step %scan3A_457  : i32 {
      %get3A = arith.constant 1 : i32
      %get3A_463 = arith.index_cast %get3A : i32 to index
      %get3A_464 = arith.index_cast %scan3A_462 : i32 to index
      %get3A_465 = arith.constant 0 : index
      %get3A_466 = tpu.vector_load %arg10[%get3A_463, %get3A_464, %get3A_465] {strides = array<i32>} : memref<2x64x256xf32, #tpu.memory_space<vmem>>, vector<1x1x16xf32>,
      %get3A_467 = vector.shape_cast %get3A_466 : vector<1x1x16xf32> to vector<16xf32>
      %get3A_468 = arith.constant 1 : i32
      %get3A_469 = arith.index_cast %get3A_468 : i32 to index
      %get3A_470 = arith.index_cast %scan3A_462 : i32 to index
      %get3A_471 = arith.constant 0 : index
      %get3A_472 = tpu.vector_load %arg11[%get3A_469, %get3A_470, %get3A_471] {strides = array<i32>} : memref<2x64x256xf32, #tpu.memory_space<vmem>>, vector<1x1x16xf32>,
      %get3A_473 = vector.shape_cast %get3A_472 : vector<1x1x16xf32> to vector<16xf32>
      %add3A_474 = arith.addf %get3A_467, %get3A_473 : vector<16xf32>
      %swap3A = arith.constant 1 : i32
      %swap3A_475 = arith.index_cast %swap3A : i32 to index
      %swap3A_476 = arith.index_cast %scan3A_462 : i32 to index
      %swap3A_477 = arith.constant 0 : index
      %swap3A_478 = tpu.vector_load %arg10[%swap3A_475, %swap3A_476, %swap3A_477] {strides = array<i32>} : memref<2x64x256xf32, #tpu.memory_space<vmem>>, vector<1x1x16xf32>,
      %swap3A_479 = vector.shape_cast %swap3A_478 : vector<1x1x16xf32> to vector<16xf32>
      %swap3A_480 = vector.shape_cast %add3A_474 : vector<16xf32> to vector<1x1x16xf32>
      tpu.vector_store %arg10[%swap3A_475, %swap3A_476, %swap3A_477], %swap3A_480 {strides = array<i32>} : memref<2x64x256xf32, #tpu.memory_space<vmem>>, vector<1x1x16xf32>,
      %get3A_481 = arith.constant 1 : i32
      %get3A_482 = arith.index_cast %get3A_481 : i32 to index
      %get3A_483 = arith.index_cast %scan3A_462 : i32 to index
      %get3A_484 = arith.constant 16 : index
      %get3A_485 = tpu.vector_load %arg10[%get3A_482, %get3A_483, %get3A_484] {strides = array<i32>} : memref<2x64x256xf32, #tpu.memory_space<vmem>>, vector<1x1x16xf32>,
      %get3A_486 = vector.shape_cast %get3A_485 : vector<1x1x16xf32> to vector<16xf32>
      %get3A_487 = arith.constant 1 : i32
      %get3A_488 = arith.index_cast %get3A_487 : i32 to index
      %get3A_489 = arith.index_cast %scan3A_462 : i32 to index
      %get3A_490 = arith.constant 16 : index
      %get3A_491 = tpu.vector_load %arg11[%get3A_488, %get3A_489, %get3A_490] {strides = array<i32>} : memref<2x64x256xf32, #tpu.memory_space<vmem>>, vector<1x1x16xf32>,
      %get3A_492 = vector.shape_cast %get3A_491 : vector<1x1x16xf32> to vector<16xf32>
      %add3A_493 = arith.addf %get3A_486, %get3A_492 : vector<16xf32>
      %swap3A_494 = arith.constant 1 : i32
      %swap3A_495 = arith.index_cast %swap3A_494 : i32 to index
      %swap3A_496 = arith.index_cast %scan3A_462 : i32 to index
      %swap3A_497 = arith.constant 16 : index
      %swap3A_498 = tpu.vector_load %arg10[%swap3A_495, %swap3A_496, %swap3A_497] {strides = array<i32>} : memref<2x64x256xf32, #tpu.memory_space<vmem>>, vector<1x1x16xf32>,
      %swap3A_499 = vector.shape_cast %swap3A_498 : vector<1x1x16xf32> to vector<16xf32>
      %swap3A_500 = vector.shape_cast %add3A_493 : vector<16xf32> to vector<1x1x16xf32>
      tpu.vector_store %arg10[%swap3A_495, %swap3A_496, %swap3A_497], %swap3A_500 {strides = array<i32>} : memref<2x64x256xf32, #tpu.memory_space<vmem>>, vector<1x1x16xf32>,
      %get3A_501 = arith.constant 1 : i32
      %get3A_502 = arith.index_cast %get3A_501 : i32 to index
      %get3A_503 = arith.index_cast %scan3A_462 : i32 to index
      %get3A_504 = arith.constant 32 : index
      %get3A_505 = tpu.vector_load %arg10[%get3A_502, %get3A_503, %get3A_504] {strides = array<i32>} : memref<2x64x256xf32, #tpu.memory_space<vmem>>, vector<1x1x16xf32>,
      %get3A_506 = vector.shape_cast %get3A_505 : vector<1x1x16xf32> to vector<16xf32>
      %get3A_507 = arith.constant 1 : i32
      %get3A_508 = arith.index_cast %get3A_507 : i32 to index
      %get3A_509 = arith.index_cast %scan3A_462 : i32 to index
      %get3A_510 = arith.constant 32 : index
      %get3A_511 = tpu.vector_load %arg11[%get3A_508, %get3A_509, %get3A_510] {strides = array<i32>} : memref<2x64x256xf32, #tpu.memory_space<vmem>>, vector<1x1x16xf32>,
      %get3A_512 = vector.shape_cast %get3A_511 : vector<1x1x16xf32> to vector<16xf32>
      %add3A_513 = arith.addf %get3A_506, %get3A_512 : vector<16xf32>
      %swap3A_514 = arith.constant 1 : i32
      %swap3A_515 = arith.index_cast %swap3A_514 : i32 to index
      %swap3A_516 = arith.index_cast %scan3A_462 : i32 to index
      %swap3A_517 = arith.constant 32 : index
      %swap3A_518 = tpu.vector_load %arg10[%swap3A_515, %swap3A_516, %swap3A_517] {strides = array<i32>} : memref<2x64x256xf32, #tpu.memory_space<vmem>>, vector<1x1x16xf32>,
      %swap3A_519 = vector.shape_cast %swap3A_518 : vector<1x1x16xf32> to vector<16xf32>
      %swap3A_520 = vector.shape_cast %add3A_513 : vector<16xf32> to vector<1x1x16xf32>
      tpu.vector_store %arg10[%swap3A_515, %swap3A_516, %swap3A_517], %swap3A_520 {strides = array<i32>} : memref<2x64x256xf32, #tpu.memory_space<vmem>>, vector<1x1x16xf32>,
      %get3A_521 = arith.constant 1 : i32
      %get3A_522 = arith.index_cast %get3A_521 : i32 to index
      %get3A_523 = arith.index_cast %scan3A_462 : i32 to index
      %get3A_524 = arith.constant 48 : index
      %get3A_525 = tpu.vector_load %arg10[%get3A_522, %get3A_523, %get3A_524] {strides = array<i32>} : memref<2x64x256xf32, #tpu.memory_space<vmem>>, vector<1x1x16xf32>,
      %get3A_526 = vector.shape_cast %get3A_525 : vector<1x1x16xf32> to vector<16xf32>
      %get3A_527 = arith.constant 1 : i32
      %get3A_528 = arith.index_cast %get3A_527 : i32 to index
      %get3A_529 = arith.index_cast %scan3A_462 : i32 to index
      %get3A_530 = arith.constant 48 : index
      %get3A_531 = tpu.vector_load %arg11[%get3A_528, %get3A_529, %get3A_530] {strides = array<i32>} : memref<2x64x256xf32, #tpu.memory_space<vmem>>, vector<1x1x16xf32>,
      %get3A_532 = vector.shape_cast %get3A_531 : vector<1x1x16xf32> to vector<16xf32>
      %add3A_533 = arith.addf %get3A_526, %get3A_532 : vector<16xf32>
      %swap3A_534 = arith.constant 1 : i32
      %swap3A_535 = arith.index_cast %swap3A_534 : i32 to index
      %swap3A_536 = arith.index_cast %scan3A_462 : i32 to index
      %swap3A_537 = arith.constant 48 : index
      %swap3A_538 = tpu.vector_load %arg10[%swap3A_535, %swap3A_536, %swap3A_537] {strides = array<i32>} : memref<2x64x256xf32, #tpu.memory_space<vmem>>, vector<1x1x16xf32>,
      %swap3A_539 = vector.shape_cast %swap3A_538 : vector<1x1x16xf32> to vector<16xf32>
      %swap3A_540 = vector.shape_cast %add3A_533 : vector<16xf32> to vector<1x1x16xf32>
      tpu.vector_store %arg10[%swap3A_535, %swap3A_536, %swap3A_537], %swap3A_540 {strides = array<i32>} : memref<2x64x256xf32, #tpu.memory_space<vmem>>, vector<1x1x16xf32>,
      %get3A_541 = arith.constant 1 : i32
      %get3A_542 = arith.index_cast %get3A_541 : i32 to index
      %get3A_543 = arith.index_cast %scan3A_462 : i32 to index
      %get3A_544 = arith.constant 64 : index
      %get3A_545 = tpu.vector_load %arg10[%get3A_542, %get3A_543, %get3A_544] {strides = array<i32>} : memref<2x64x256xf32, #tpu.memory_space<vmem>>, vector<1x1x16xf32>,
      %get3A_546 = vector.shape_cast %get3A_545 : vector<1x1x16xf32> to vector<16xf32>
      %get3A_547 = arith.constant 1 : i32
      %get3A_548 = arith.index_cast %get3A_547 : i32 to index
      %get3A_549 = arith.index_cast %scan3A_462 : i32 to index
      %get3A_550 = arith.constant 64 : index
      %get3A_551 = tpu.vector_load %arg11[%get3A_548, %get3A_549, %get3A_550] {strides = array<i32>} : memref<2x64x256xf32, #tpu.memory_space<vmem>>, vector<1x1x16xf32>,
      %get3A_552 = vector.shape_cast %get3A_551 : vector<1x1x16xf32> to vector<16xf32>
      %add3A_553 = arith.addf %get3A_546, %get3A_552 : vector<16xf32>
      %swap3A_554 = arith.constant 1 : i32
      %swap3A_555 = arith.index_cast %swap3A_554 : i32 to index
      %swap3A_556 = arith.index_cast %scan3A_462 : i32 to index
      %swap3A_557 = arith.constant 64 : index
      %swap3A_558 = tpu.vector_load %arg10[%swap3A_555, %swap3A_556, %swap3A_557] {strides = array<i32>} : memref<2x64x256xf32, #tpu.memory_space<vmem>>, vector<1x1x16xf32>,
      %swap3A_559 = vector.shape_cast %swap3A_558 : vector<1x1x16xf32> to vector<16xf32>
      %swap3A_560 = vector.shape_cast %add3A_553 : vector<16xf32> to vector<1x1x16xf32>
      tpu.vector_store %arg10[%swap3A_555, %swap3A_556, %swap3A_557], %swap3A_560 {strides = array<i32>} : memref<2x64x256xf32, #tpu.memory_space<vmem>>, vector<1x1x16xf32>,
      %get3A_561 = arith.constant 1 : i32
      %get3A_562 = arith.index_cast %get3A_561 : i32 to index
      %get3A_563 = arith.index_cast %scan3A_462 : i32 to index
      %get3A_564 = arith.constant 80 : index
      %get3A_565 = tpu.vector_load %arg10[%get3A_562, %get3A_563, %get3A_564] {strides = array<i32>} : memref<2x64x256xf32, #tpu.memory_space<vmem>>, vector<1x1x16xf32>,
      %get3A_566 = vector.shape_cast %get3A_565 : vector<1x1x16xf32> to vector<16xf32>
      %get3A_567 = arith.constant 1 : i32
      %get3A_568 = arith.index_cast %get3A_567 : i32 to index
      %get3A_569 = arith.index_cast %scan3A_462 : i32 to index
      %get3A_570 = arith.constant 80 : index
      %get3A_571 = tpu.vector_load %arg11[%get3A_568, %get3A_569, %get3A_570] {strides = array<i32>} : memref<2x64x256xf32, #tpu.memory_space<vmem>>, vector<1x1x16xf32>,
      %get3A_572 = vector.shape_cast %get3A_571 : vector<1x1x16xf32> to vector<16xf32>
      %add3A_573 = arith.addf %get3A_566, %get3A_572 : vector<16xf32>
      %swap3A_574 = arith.constant 1 : i32
      %swap3A_575 = arith.index_cast %swap3A_574 : i32 to index
      %swap3A_576 = arith.index_cast %scan3A_462 : i32 to index
      %swap3A_577 = arith.constant 80 : index
      %swap3A_578 = tpu.vector_load %arg10[%swap3A_575, %swap3A_576, %swap3A_577] {strides = array<i32>} : memref<2x64x256xf32, #tpu.memory_space<vmem>>, vector<1x1x16xf32>,
      %swap3A_579 = vector.shape_cast %swap3A_578 : vector<1x1x16xf32> to vector<16xf32>
      %swap3A_580 = vector.shape_cast %add3A_573 : vector<16xf32> to vector<1x1x16xf32>
      tpu.vector_store %arg10[%swap3A_575, %swap3A_576, %swap3A_577], %swap3A_580 {strides = array<i32>} : memref<2x64x256xf32, #tpu.memory_space<vmem>>, vector<1x1x16xf32>,
      %get3A_581 = arith.constant 1 : i32
      %get3A_582 = arith.index_cast %get3A_581 : i32 to index
      %get3A_583 = arith.index_cast %scan3A_462 : i32 to index
      %get3A_584 = arith.constant 96 : index
      %get3A_585 = tpu.vector_load %arg10[%get3A_582, %get3A_583, %get3A_584] {strides = array<i32>} : memref<2x64x256xf32, #tpu.memory_space<vmem>>, vector<1x1x16xf32>,
      %get3A_586 = vector.shape_cast %get3A_585 : vector<1x1x16xf32> to vector<16xf32>
      %get3A_587 = arith.constant 1 : i32
      %get3A_588 = arith.index_cast %get3A_587 : i32 to index
      %get3A_589 = arith.index_cast %scan3A_462 : i32 to index
      %get3A_590 = arith.constant 96 : index
      %get3A_591 = tpu.vector_load %arg11[%get3A_588, %get3A_589, %get3A_590] {strides = array<i32>} : memref<2x64x256xf32, #tpu.memory_space<vmem>>, vector<1x1x16xf32>,
      %get3A_592 = vector.shape_cast %get3A_591 : vector<1x1x16xf32> to vector<16xf32>
      %add3A_593 = arith.addf %get3A_586, %get3A_592 : vector<16xf32>
      %swap3A_594 = arith.constant 1 : i32
      %swap3A_595 = arith.index_cast %swap3A_594 : i32 to index
      %swap3A_596 = arith.index_cast %scan3A_462 : i32 to index
      %swap3A_597 = arith.constant 96 : index
      %swap3A_598 = tpu.vector_load %arg10[%swap3A_595, %swap3A_596, %swap3A_597] {strides = array<i32>} : memref<2x64x256xf32, #tpu.memory_space<vmem>>, vector<1x1x16xf32>,
      %swap3A_599 = vector.shape_cast %swap3A_598 : vector<1x1x16xf32> to vector<16xf32>
      %swap3A_600 = vector.shape_cast %add3A_593 : vector<16xf32> to vector<1x1x16xf32>
      tpu.vector_store %arg10[%swap3A_595, %swap3A_596, %swap3A_597], %swap3A_600 {strides = array<i32>} : memref<2x64x256xf32, #tpu.memory_space<vmem>>, vector<1x1x16xf32>,
      %get3A_601 = arith.constant 1 : i32
      %get3A_602 = arith.index_cast %get3A_601 : i32 to index
      %get3A_603 = arith.index_cast %scan3A_462 : i32 to index
      %get3A_604 = arith.constant 112 : index
      %get3A_605 = tpu.vector_load %arg10[%get3A_602, %get3A_603, %get3A_604] {strides = array<i32>} : memref<2x64x256xf32, #tpu.memory_space<vmem>>, vector<1x1x16xf32>,
      %get3A_606 = vector.shape_cast %get3A_605 : vector<1x1x16xf32> to vector<16xf32>
      %get3A_607 = arith.constant 1 : i32
      %get3A_608 = arith.index_cast %get3A_607 : i32 to index
      %get3A_609 = arith.index_cast %scan3A_462 : i32 to index
      %get3A_610 = arith.constant 112 : index
      %get3A_611 = tpu.vector_load %arg11[%get3A_608, %get3A_609, %get3A_610] {strides = array<i32>} : memref<2x64x256xf32, #tpu.memory_space<vmem>>, vector<1x1x16xf32>,
      %get3A_612 = vector.shape_cast %get3A_611 : vector<1x1x16xf32> to vector<16xf32>
      %add3A_613 = arith.addf %get3A_606, %get3A_612 : vector<16xf32>
      %swap3A_614 = arith.constant 1 : i32
      %swap3A_615 = arith.index_cast %swap3A_614 : i32 to index
      %swap3A_616 = arith.index_cast %scan3A_462 : i32 to index
      %swap3A_617 = arith.constant 112 : index
      %swap3A_618 = tpu.vector_load %arg10[%swap3A_615, %swap3A_616, %swap3A_617] {strides = array<i32>} : memref<2x64x256xf32, #tpu.memory_space<vmem>>, vector<1x1x16xf32>,
      %swap3A_619 = vector.shape_cast %swap3A_618 : vector<1x1x16xf32> to vector<16xf32>
      %swap3A_620 = vector.shape_cast %add3A_613 : vector<16xf32> to vector<1x1x16xf32>
      tpu.vector_store %arg10[%swap3A_615, %swap3A_616, %swap3A_617], %swap3A_620 {strides = array<i32>} : memref<2x64x256xf32, #tpu.memory_space<vmem>>, vector<1x1x16xf32>,
      %get3A_621 = arith.constant 1 : i32
      %get3A_622 = arith.index_cast %get3A_621 : i32 to index
      %get3A_623 = arith.index_cast %scan3A_462 : i32 to index
      %get3A_624 = arith.constant 128 : index
      %get3A_625 = tpu.vector_load %arg10[%get3A_622, %get3A_623, %get3A_624] {strides = array<i32>} : memref<2x64x256xf32, #tpu.memory_space<vmem>>, vector<1x1x16xf32>,
      %get3A_626 = vector.shape_cast %get3A_625 : vector<1x1x16xf32> to vector<16xf32>
      %get3A_627 = arith.constant 1 : i32
      %get3A_628 = arith.index_cast %get3A_627 : i32 to index
      %get3A_629 = arith.index_cast %scan3A_462 : i32 to index
      %get3A_630 = arith.constant 128 : index
      %get3A_631 = tpu.vector_load %arg11[%get3A_628, %get3A_629, %get3A_630] {strides = array<i32>} : memref<2x64x256xf32, #tpu.memory_space<vmem>>, vector<1x1x16xf32>,
      %get3A_632 = vector.shape_cast %get3A_631 : vector<1x1x16xf32> to vector<16xf32>
      %add3A_633 = arith.addf %get3A_626, %get3A_632 : vector<16xf32>
      %swap3A_634 = arith.constant 1 : i32
      %swap3A_635 = arith.index_cast %swap3A_634 : i32 to index
      %swap3A_636 = arith.index_cast %scan3A_462 : i32 to index
      %swap3A_637 = arith.constant 128 : index
      %swap3A_638 = tpu.vector_load %arg10[%swap3A_635, %swap3A_636, %swap3A_637] {strides = array<i32>} : memref<2x64x256xf32, #tpu.memory_space<vmem>>, vector<1x1x16xf32>,
      %swap3A_639 = vector.shape_cast %swap3A_638 : vector<1x1x16xf32> to vector<16xf32>
      %swap3A_640 = vector.shape_cast %add3A_633 : vector<16xf32> to vector<1x1x16xf32>
      tpu.vector_store %arg10[%swap3A_635, %swap3A_636, %swap3A_637], %swap3A_640 {strides = array<i32>} : memref<2x64x256xf32, #tpu.memory_space<vmem>>, vector<1x1x16xf32>,
      %get3A_641 = arith.constant 1 : i32
      %get3A_642 = arith.index_cast %get3A_641 : i32 to index
      %get3A_643 = arith.index_cast %scan3A_462 : i32 to index
      %get3A_644 = arith.constant 144 : index
      %get3A_645 = tpu.vector_load %arg10[%get3A_642, %get3A_643, %get3A_644] {strides = array<i32>} : memref<2x64x256xf32, #tpu.memory_space<vmem>>, vector<1x1x16xf32>,
      %get3A_646 = vector.shape_cast %get3A_645 : vector<1x1x16xf32> to vector<16xf32>
      %get3A_647 = arith.constant 1 : i32
      %get3A_648 = arith.index_cast %get3A_647 : i32 to index
      %get3A_649 = arith.index_cast %scan3A_462 : i32 to index
      %get3A_650 = arith.constant 144 : index
      %get3A_651 = tpu.vector_load %arg11[%get3A_648, %get3A_649, %get3A_650] {strides = array<i32>} : memref<2x64x256xf32, #tpu.memory_space<vmem>>, vector<1x1x16xf32>,
      %get3A_652 = vector.shape_cast %get3A_651 : vector<1x1x16xf32> to vector<16xf32>
      %add3A_653 = arith.addf %get3A_646, %get3A_652 : vector<16xf32>
      %swap3A_654 = arith.constant 1 : i32
      %swap3A_655 = arith.index_cast %swap3A_654 : i32 to index
      %swap3A_656 = arith.index_cast %scan3A_462 : i32 to index
      %swap3A_657 = arith.constant 144 : index
      %swap3A_658 = tpu.vector_load %arg10[%swap3A_655, %swap3A_656, %swap3A_657] {strides = array<i32>} : memref<2x64x256xf32, #tpu.memory_space<vmem>>, vector<1x1x16xf32>,
      %swap3A_659 = vector.shape_cast %swap3A_658 : vector<1x1x16xf32> to vector<16xf32>
      %swap3A_660 = vector.shape_cast %add3A_653 : vector<16xf32> to vector<1x1x16xf32>
      tpu.vector_store %arg10[%swap3A_655, %swap3A_656, %swap3A_657], %swap3A_660 {strides = array<i32>} : memref<2x64x256xf32, #tpu.memory_space<vmem>>, vector<1x1x16xf32>,
      %get3A_661 = arith.constant 1 : i32
      %get3A_662 = arith.index_cast %get3A_661 : i32 to index
      %get3A_663 = arith.index_cast %scan3A_462 : i32 to index
      %get3A_664 = arith.constant 160 : index
      %get3A_665 = tpu.vector_load %arg10[%get3A_662, %get3A_663, %get3A_664] {strides = array<i32>} : memref<2x64x256xf32, #tpu.memory_space<vmem>>, vector<1x1x16xf32>,
      %get3A_666 = vector.shape_cast %get3A_665 : vector<1x1x16xf32> to vector<16xf32>
      %get3A_667 = arith.constant 1 : i32
      %get3A_668 = arith.index_cast %get3A_667 : i32 to index
      %get3A_669 = arith.index_cast %scan3A_462 : i32 to index
      %get3A_670 = arith.constant 160 : index
      %get3A_671 = tpu.vector_load %arg11[%get3A_668, %get3A_669, %get3A_670] {strides = array<i32>} : memref<2x64x256xf32, #tpu.memory_space<vmem>>, vector<1x1x16xf32>,
      %get3A_672 = vector.shape_cast %get3A_671 : vector<1x1x16xf32> to vector<16xf32>
      %add3A_673 = arith.addf %get3A_666, %get3A_672 : vector<16xf32>
      %swap3A_674 = arith.constant 1 : i32
      %swap3A_675 = arith.index_cast %swap3A_674 : i32 to index
      %swap3A_676 = arith.index_cast %scan3A_462 : i32 to index
      %swap3A_677 = arith.constant 160 : index
      %swap3A_678 = tpu.vector_load %arg10[%swap3A_675, %swap3A_676, %swap3A_677] {strides = array<i32>} : memref<2x64x256xf32, #tpu.memory_space<vmem>>, vector<1x1x16xf32>,
      %swap3A_679 = vector.shape_cast %swap3A_678 : vector<1x1x16xf32> to vector<16xf32>
      %swap3A_680 = vector.shape_cast %add3A_673 : vector<16xf32> to vector<1x1x16xf32>
      tpu.vector_store %arg10[%swap3A_675, %swap3A_676, %swap3A_677], %swap3A_680 {strides = array<i32>} : memref<2x64x256xf32, #tpu.memory_space<vmem>>, vector<1x1x16xf32>,
      %get3A_681 = arith.constant 1 : i32
      %get3A_682 = arith.index_cast %get3A_681 : i32 to index
      %get3A_683 = arith.index_cast %scan3A_462 : i32 to index
      %get3A_684 = arith.constant 176 : index
      %get3A_685 = tpu.vector_load %arg10[%get3A_682, %get3A_683, %get3A_684] {strides = array<i32>} : memref<2x64x256xf32, #tpu.memory_space<vmem>>, vector<1x1x16xf32>,
      %get3A_686 = vector.shape_cast %get3A_685 : vector<1x1x16xf32> to vector<16xf32>
      %get3A_687 = arith.constant 1 : i32
      %get3A_688 = arith.index_cast %get3A_687 : i32 to index
      %get3A_689 = arith.index_cast %scan3A_462 : i32 to index
      %get3A_690 = arith.constant 176 : index
      %get3A_691 = tpu.vector_load %arg11[%get3A_688, %get3A_689, %get3A_690] {strides = array<i32>} : memref<2x64x256xf32, #tpu.memory_space<vmem>>, vector<1x1x16xf32>,
      %get3A_692 = vector.shape_cast %get3A_691 : vector<1x1x16xf32> to vector<16xf32>
      %add3A_693 = arith.addf %get3A_686, %get3A_692 : vector<16xf32>
      %swap3A_694 = arith.constant 1 : i32
      %swap3A_695 = arith.index_cast %swap3A_694 : i32 to index
      %swap3A_696 = arith.index_cast %scan3A_462 : i32 to index
      %swap3A_697 = arith.constant 176 : index
      %swap3A_698 = tpu.vector_load %arg10[%swap3A_695, %swap3A_696, %swap3A_697] {strides = array<i32>} : memref<2x64x256xf32, #tpu.memory_space<vmem>>, vector<1x1x16xf32>,
      %swap3A_699 = vector.shape_cast %swap3A_698 : vector<1x1x16xf32> to vector<16xf32>
      %swap3A_700 = vector.shape_cast %add3A_693 : vector<16xf32> to vector<1x1x16xf32>
      tpu.vector_store %arg10[%swap3A_695, %swap3A_696, %swap3A_697], %swap3A_700 {strides = array<i32>} : memref<2x64x256xf32, #tpu.memory_space<vmem>>, vector<1x1x16xf32>,
      %get3A_701 = arith.constant 1 : i32
      %get3A_702 = arith.index_cast %get3A_701 : i32 to index
      %get3A_703 = arith.index_cast %scan3A_462 : i32 to index
      %get3A_704 = arith.constant 192 : index
      %get3A_705 = tpu.vector_load %arg10[%get3A_702, %get3A_703, %get3A_704] {strides = array<i32>} : memref<2x64x256xf32, #tpu.memory_space<vmem>>, vector<1x1x16xf32>,
      %get3A_706 = vector.shape_cast %get3A_705 : vector<1x1x16xf32> to vector<16xf32>
      %get3A_707 = arith.constant 1 : i32
      %get3A_708 = arith.index_cast %get3A_707 : i32 to index
      %get3A_709 = arith.index_cast %scan3A_462 : i32 to index
      %get3A_710 = arith.constant 192 : index
      %get3A_711 = tpu.vector_load %arg11[%get3A_708, %get3A_709, %get3A_710] {strides = array<i32>} : memref<2x64x256xf32, #tpu.memory_space<vmem>>, vector<1x1x16xf32>,
      %get3A_712 = vector.shape_cast %get3A_711 : vector<1x1x16xf32> to vector<16xf32>
      %add3A_713 = arith.addf %get3A_706, %get3A_712 : vector<16xf32>
      %swap3A_714 = arith.constant 1 : i32
      %swap3A_715 = arith.index_cast %swap3A_714 : i32 to index
      %swap3A_716 = arith.index_cast %scan3A_462 : i32 to index
      %swap3A_717 = arith.constant 192 : index
      %swap3A_718 = tpu.vector_load %arg10[%swap3A_715, %swap3A_716, %swap3A_717] {strides = array<i32>} : memref<2x64x256xf32, #tpu.memory_space<vmem>>, vector<1x1x16xf32>,
      %swap3A_719 = vector.shape_cast %swap3A_718 : vector<1x1x16xf32> to vector<16xf32>
      %swap3A_720 = vector.shape_cast %add3A_713 : vector<16xf32> to vector<1x1x16xf32>
      tpu.vector_store %arg10[%swap3A_715, %swap3A_716, %swap3A_717], %swap3A_720 {strides = array<i32>} : memref<2x64x256xf32, #tpu.memory_space<vmem>>, vector<1x1x16xf32>,
      %get3A_721 = arith.constant 1 : i32
      %get3A_722 = arith.index_cast %get3A_721 : i32 to index
      %get3A_723 = arith.index_cast %scan3A_462 : i32 to index
      %get3A_724 = arith.constant 208 : index
      %get3A_725 = tpu.vector_load %arg10[%get3A_722, %get3A_723, %get3A_724] {strides = array<i32>} : memref<2x64x256xf32, #tpu.memory_space<vmem>>, vector<1x1x16xf32>,
      %get3A_726 = vector.shape_cast %get3A_725 : vector<1x1x16xf32> to vector<16xf32>
      %get3A_727 = arith.constant 1 : i32
      %get3A_728 = arith.index_cast %get3A_727 : i32 to index
      %get3A_729 = arith.index_cast %scan3A_462 : i32 to index
      %get3A_730 = arith.constant 208 : index
      %get3A_731 = tpu.vector_load %arg11[%get3A_728, %get3A_729, %get3A_730] {strides = array<i32>} : memref<2x64x256xf32, #tpu.memory_space<vmem>>, vector<1x1x16xf32>,
      %get3A_732 = vector.shape_cast %get3A_731 : vector<1x1x16xf32> to vector<16xf32>
      %add3A_733 = arith.addf %get3A_726, %get3A_732 : vector<16xf32>
      %swap3A_734 = arith.constant 1 : i32
      %swap3A_735 = arith.index_cast %swap3A_734 : i32 to index
      %swap3A_736 = arith.index_cast %scan3A_462 : i32 to index
      %swap3A_737 = arith.constant 208 : index
      %swap3A_738 = tpu.vector_load %arg10[%swap3A_735, %swap3A_736, %swap3A_737] {strides = array<i32>} : memref<2x64x256xf32, #tpu.memory_space<vmem>>, vector<1x1x16xf32>,
      %swap3A_739 = vector.shape_cast %swap3A_738 : vector<1x1x16xf32> to vector<16xf32>
      %swap3A_740 = vector.shape_cast %add3A_733 : vector<16xf32> to vector<1x1x16xf32>
      tpu.vector_store %arg10[%swap3A_735, %swap3A_736, %swap3A_737], %swap3A_740 {strides = array<i32>} : memref<2x64x256xf32, #tpu.memory_space<vmem>>, vector<1x1x16xf32>,
      %get3A_741 = arith.constant 1 : i32
      %get3A_742 = arith.index_cast %get3A_741 : i32 to index
      %get3A_743 = arith.index_cast %scan3A_462 : i32 to index
      %get3A_744 = arith.constant 224 : index
      %get3A_745 = tpu.vector_load %arg10[%get3A_742, %get3A_743, %get3A_744] {strides = array<i32>} : memref<2x64x256xf32, #tpu.memory_space<vmem>>, vector<1x1x16xf32>,
      %get3A_746 = vector.shape_cast %get3A_745 : vector<1x1x16xf32> to vector<16xf32>
      %get3A_747 = arith.constant 1 : i32
      %get3A_748 = arith.index_cast %get3A_747 : i32 to index
      %get3A_749 = arith.index_cast %scan3A_462 : i32 to index
      %get3A_750 = arith.constant 224 : index
      %get3A_751 = tpu.vector_load %arg11[%get3A_748, %get3A_749, %get3A_750] {strides = array<i32>} : memref<2x64x256xf32, #tpu.memory_space<vmem>>, vector<1x1x16xf32>,
      %get3A_752 = vector.shape_cast %get3A_751 : vector<1x1x16xf32> to vector<16xf32>
      %add3A_753 = arith.addf %get3A_746, %get3A_752 : vector<16xf32>
      %swap3A_754 = arith.constant 1 : i32
      %swap3A_755 = arith.index_cast %swap3A_754 : i32 to index
      %swap3A_756 = arith.index_cast %scan3A_462 : i32 to index
      %swap3A_757 = arith.constant 224 : index
      %swap3A_758 = tpu.vector_load %arg10[%swap3A_755, %swap3A_756, %swap3A_757] {strides = array<i32>} : memref<2x64x256xf32, #tpu.memory_space<vmem>>, vector<1x1x16xf32>,
      %swap3A_759 = vector.shape_cast %swap3A_758 : vector<1x1x16xf32> to vector<16xf32>
      %swap3A_760 = vector.shape_cast %add3A_753 : vector<16xf32> to vector<1x1x16xf32>
      tpu.vector_store %arg10[%swap3A_755, %swap3A_756, %swap3A_757], %swap3A_760 {strides = array<i32>} : memref<2x64x256xf32, #tpu.memory_space<vmem>>, vector<1x1x16xf32>,
      %get3A_761 = arith.constant 1 : i32
      %get3A_762 = arith.index_cast %get3A_761 : i32 to index
      %get3A_763 = arith.index_cast %scan3A_462 : i32 to index
      %get3A_764 = arith.constant 240 : index
      %get3A_765 = tpu.vector_load %arg10[%get3A_762, %get3A_763, %get3A_764] {strides = array<i32>} : memref<2x64x256xf32, #tpu.memory_space<vmem>>, vector<1x1x16xf32>,
      %get3A_766 = vector.shape_cast %get3A_765 : vector<1x1x16xf32> to vector<16xf32>
      %get3A_767 = arith.constant 1 : i32
      %get3A_768 = arith.index_cast %get3A_767 : i32 to index
      %get3A_769 = arith.index_cast %scan3A_462 : i32 to index
      %get3A_770 = arith.constant 240 : index
      %get3A_771 = tpu.vector_load %arg11[%get3A_768, %get3A_769, %get3A_770] {strides = array<i32>} : memref<2x64x256xf32, #tpu.memory_space<vmem>>, vector<1x1x16xf32>,
      %get3A_772 = vector.shape_cast %get3A_771 : vector<1x1x16xf32> to vector<16xf32>
      %add3A_773 = arith.addf %get3A_766, %get3A_772 : vector<16xf32>
      %swap3A_774 = arith.constant 1 : i32
      %swap3A_775 = arith.index_cast %swap3A_774 : i32 to index
      %swap3A_776 = arith.index_cast %scan3A_462 : i32 to index
      %swap3A_777 = arith.constant 240 : index
      %swap3A_778 = tpu.vector_load %arg10[%swap3A_775, %swap3A_776, %swap3A_777] {strides = array<i32>} : memref<2x64x256xf32, #tpu.memory_space<vmem>>, vector<1x1x16xf32>,
      %swap3A_779 = vector.shape_cast %swap3A_778 : vector<1x1x16xf32> to vector<16xf32>
      %swap3A_780 = vector.shape_cast %add3A_773 : vector<16xf32> to vector<1x1x16xf32>
      tpu.vector_store %arg10[%swap3A_775, %swap3A_776, %swap3A_777], %swap3A_780 {strides = array<i32>} : memref<2x64x256xf32, #tpu.memory_space<vmem>>, vector<1x1x16xf32>,
    }
    %scan3A_458 = arith.constant 64 : i32
    %add3A_459 = arith.constant 448 : i32
    %add3A_460 = arith.addi %mul3A_2, %add3A_459 : i32
    %run_scoped3A_461 = arith.constant 1 : i32
    "tpu.region"() ({
      %run_scoped3A_462 = tpu.sem_alloc : memref<!tpu.dma_semaphore, #tpu.memory_space<semaphore_mem>>
      %dma_start3A_463 = arith.constant 0 : i32
      %dma_start3A_464 = arith.constant 0 : i32
      %dma_start3A_465 = tpu.memref_slice %arg10[%run_scoped3A_461, %dma_start3A_463, %dma_start3A_464] : memref<2x64x256xf32, #tpu.memory_space<vmem>> -> memref<1x64x256xf32, #tpu.memory_space<vmem>>
      %dma_start3A_466 = tpu.memref_squeeze %dma_start3A_465 : memref<1x64x256xf32, #tpu.memory_space<vmem>> -> memref<64x256xf32, #tpu.memory_space<vmem>>
      %dma_start3A_467 = arith.constant 0 : i32
      %dma_start3A_468 = tpu.memref_slice %arg6[%add3A_460, %dma_start3A_467] : memref<16384x256xf32, #tpu.memory_space<hbm>> -> memref<64x256xf32, #tpu.memory_space<hbm>>
      %dma_start3A_469 = arith.constant 0 : i32
      %dma_start3A_470 = tpu.memref_slice %arg6[%add3A_460, %dma_start3A_469] : memref<16384x256xf32, #tpu.memory_space<hbm>> -> memref<64x256xf32, #tpu.memory_space<hbm>>
      %dma_start3A_471 = arith.constant 0 : i32
      %dma_start3A_472 = arith.constant 0 : i32
      %dma_start3A_473 = tpu.memref_slice %arg10[%run_scoped3A_461, %dma_start3A_471, %dma_start3A_472] : memref<2x64x256xf32, #tpu.memory_space<vmem>> -> memref<1x64x256xf32, #tpu.memory_space<vmem>>
      %dma_start3A_474 = tpu.memref_squeeze %dma_start3A_473 : memref<1x64x256xf32, #tpu.memory_space<vmem>> -> memref<64x256xf32, #tpu.memory_space<vmem>>
      tpu.enqueue_dma source(%dma_start3A_474 : memref<64x256xf32, #tpu.memory_space<vmem>>) target(%dma_start3A_470 : memref<64x256xf32, #tpu.memory_space<hbm>>) target_semaphore(%run_scoped3A_462 : memref<!tpu.dma_semaphore, #tpu.memory_space<semaphore_mem>>)
      %dma_wait3A_475 = arith.constant 0 : i32
      %dma_wait3A_476 = arith.constant 0 : i32
      %dma_wait3A_477 = tpu.memref_slice %arg10[%run_scoped3A_461, %dma_wait3A_475, %dma_wait3A_476] : memref<2x64x256xf32, #tpu.memory_space<vmem>> -> memref<1x64x256xf32, #tpu.memory_space<vmem>>
      %dma_wait3A_478 = tpu.memref_squeeze %dma_wait3A_477 : memref<1x64x256xf32, #tpu.memory_space<vmem>> -> memref<64x256xf32, #tpu.memory_space<vmem>>
      %dma_wait3A_479 = arith.constant 0 : i32
      %dma_wait3A_480 = tpu.memref_slice %arg6[%add3A_460, %dma_wait3A_479] : memref<16384x256xf32, #tpu.memory_space<hbm>> -> memref<64x256xf32, #tpu.memory_space<hbm>>
      %dma_wait3A_481 = arith.constant 0 : i32
      %dma_wait3A_482 = tpu.memref_slice %arg6[%add3A_460, %dma_wait3A_481] : memref<16384x256xf32, #tpu.memory_space<hbm>> -> memref<64x256xf32, #tpu.memory_space<hbm>>
      %dma_wait3A_483 = arith.constant 0 : i32
      %dma_wait3A_484 = arith.constant 0 : i32
      %dma_wait3A_485 = tpu.memref_slice %arg10[%run_scoped3A_461, %dma_wait3A_483, %dma_wait3A_484] : memref<2x64x256xf32, #tpu.memory_space<vmem>> -> memref<1x64x256xf32, #tpu.memory_space<vmem>>
      %dma_wait3A_486 = tpu.memref_squeeze %dma_wait3A_485 : memref<1x64x256xf32, #tpu.memory_space<vmem>> -> memref<64x256xf32, #tpu.memory_space<vmem>>
      tpu.wait_dma2 semaphore(%run_scoped3A_462 : memref<!tpu.dma_semaphore, #tpu.memory_space<semaphore_mem>>) src(%dma_wait3A_486 : memref<64x256xf32, #tpu.memory_space<vmem>>) dst(%dma_wait3A_482 : memref<64x256xf32, #tpu.memory_space<hbm>>)
      tpu.yield
    }) : () -> ()
    return
  }
}

module attributes {stable_mosaic.version = 14 : i64} {
  func.func @_w_body(%arg0: i32, %arg1: memref<256x256xf32, #tpu.memory_space<vmem>>, %arg2: memref<256x256xf32, #tpu.memory_space<vmem>>, %arg3: memref<256x256xf32, #tpu.memory_space<vmem>>, %arg4: memref<1x4096x256xf32, #tpu.memory_space<vmem>>, %arg5: memref<1x4096x256xf32, #tpu.memory_space<vmem>>, %arg6: memref<1x1x256xf32, #tpu.memory_space<vmem>>) attributes {dimension_semantics = [#tpu.dimension_semantics<arbitrary>], iteration_bounds = array<i64: 16>, scalar_prefetch = 0 : i64, scratch_operands = 0 : i64, tpu.core_type = #tpu.core_type<tc>, window_params = [{pipeline_mode = #tpu.pipeline_mode<synchronous>, transform_indices = @transform_0, window_bounds = array<i64: 256, 256>}, {pipeline_mode = #tpu.pipeline_mode<synchronous>, transform_indices = @transform_1, window_bounds = array<i64: 256, 256>}, {pipeline_mode = #tpu.pipeline_mode<synchronous>, transform_indices = @transform_2, window_bounds = array<i64: 256, 256>}, {transform_indices = @transform_3, window_bounds = array<i64: 1, 4096, 256>}, {transform_indices = @transform_4, window_bounds = array<i64: 1, 4096, 256>}, {transform_indices = @transform_5, window_bounds = array<i64: 1, 1, 256>}]} {
    %get3A = arith.constant 0 : index
    %get3A_0 = arith.constant 0 : index
    %get3A_1 = arith.constant 0 : index
    %get3A_2 = vector.load %arg4[%get3A, %get3A_0, %get3A_1] : memref<1x4096x256xf32, #tpu.memory_space<vmem>>, vector<1x4096x256xf32>
    %get3A_3 = vector.shape_cast %get3A_2 : vector<1x4096x256xf32> to vector<4096x256xf32>
    %reduce_sum3A = arith.constant dense<0.000000e+00> : vector<256xf32>
    %reduce_sum3A_4 = vector.multi_reduction <add>, %get3A_3, %reduce_sum3A [0] : vector<4096x256xf32> to vector<256xf32>
    %broadcast_in_dim3A = vector.shape_cast %reduce_sum3A_4 : vector<256xf32> to vector<1x256xf32>
    %get3A_5 = arith.constant 0 : index
    %get3A_6 = arith.constant 0 : index
    %get3A_7 = vector.load %arg1[%get3A_5, %get3A_6] : memref<256x256xf32, #tpu.memory_space<vmem>>, vector<256x256xf32>
    %get3A_8 = arith.constant 0 : index
    %get3A_9 = arith.constant 0 : index
    %get3A_10 = vector.load %arg2[%get3A_8, %get3A_9] : memref<256x256xf32, #tpu.memory_space<vmem>>, vector<256x256xf32>
    %get3A_11 = arith.constant 0 : index
    %get3A_12 = arith.constant 0 : index
    %get3A_13 = vector.load %arg3[%get3A_11, %get3A_12] : memref<256x256xf32, #tpu.memory_space<vmem>>, vector<256x256xf32>
    %slice3A = vector.extract_strided_slice %get3A_3 {offsets = [0, 0], sizes = [256, 256], strides = [1, 1]} : vector<4096x256xf32> to vector<256x256xf32>
    %slice3A_14 = vector.extract_strided_slice %get3A_3 {offsets = [3840, 0], sizes = [256, 256], strides = [1, 1]} : vector<4096x256xf32> to vector<256x256xf32>
    %slice3A_15 = vector.extract_strided_slice %get3A_3 {offsets = [256, 0], sizes = [256, 256], strides = [1, 1]} : vector<4096x256xf32> to vector<256x256xf32>
    %dot_general3A = arith.constant dense<0.000000e+00> : vector<256x256xf32>
    %dot_general3A_16 = tpu.matmul %get3A_7, %slice3A, %dot_general3A {dimension_numbers = #tpu.dot_dimension_numbers<[1], [0], [0], [1], [0, 0, 1, 1], [], []>, transpose_lhs_hint = false} : vector<256x256xf32>, vector<256x256xf32>, vector<256x256xf32> -> vector<256x256xf32>
    %dot_general3A_17 = arith.constant dense<0.000000e+00> : vector<256x256xf32>
    %dot_general3A_18 = tpu.matmul %get3A_10, %slice3A_14, %dot_general3A_17 {dimension_numbers = #tpu.dot_dimension_numbers<[1], [0], [0], [1], [0, 0, 1, 1], [], []>, transpose_lhs_hint = false} : vector<256x256xf32>, vector<256x256xf32>, vector<256x256xf32> -> vector<256x256xf32>
    %add3A = arith.addf %dot_general3A_16, %dot_general3A_18 : vector<256x256xf32>
    %dot_general3A_19 = arith.constant dense<0.000000e+00> : vector<256x256xf32>
    %dot_general3A_20 = tpu.matmul %get3A_13, %slice3A_15, %dot_general3A_19 {dimension_numbers = #tpu.dot_dimension_numbers<[1], [0], [0], [1], [0, 0, 1, 1], [], []>, transpose_lhs_hint = false} : vector<256x256xf32>, vector<256x256xf32>, vector<256x256xf32> -> vector<256x256xf32>
    %add3A_21 = arith.addf %add3A, %dot_general3A_20 : vector<256x256xf32>
    %slice3A_22 = vector.extract_strided_slice %get3A_3 {offsets = [256, 0], sizes = [256, 256], strides = [1, 1]} : vector<4096x256xf32> to vector<256x256xf32>
    %slice3A_23 = vector.extract_strided_slice %get3A_3 {offsets = [0, 0], sizes = [256, 256], strides = [1, 1]} : vector<4096x256xf32> to vector<256x256xf32>
    %slice3A_24 = vector.extract_strided_slice %get3A_3 {offsets = [512, 0], sizes = [256, 256], strides = [1, 1]} : vector<4096x256xf32> to vector<256x256xf32>
    %dot_general3A_25 = arith.constant dense<0.000000e+00> : vector<256x256xf32>
    %dot_general3A_26 = tpu.matmul %get3A_7, %slice3A_22, %dot_general3A_25 {dimension_numbers = #tpu.dot_dimension_numbers<[1], [0], [0], [1], [0, 0, 1, 1], [], []>, transpose_lhs_hint = false} : vector<256x256xf32>, vector<256x256xf32>, vector<256x256xf32> -> vector<256x256xf32>
    %dot_general3A_27 = arith.constant dense<0.000000e+00> : vector<256x256xf32>
    %dot_general3A_28 = tpu.matmul %get3A_10, %slice3A_23, %dot_general3A_27 {dimension_numbers = #tpu.dot_dimension_numbers<[1], [0], [0], [1], [0, 0, 1, 1], [], []>, transpose_lhs_hint = false} : vector<256x256xf32>, vector<256x256xf32>, vector<256x256xf32> -> vector<256x256xf32>
    %add3A_29 = arith.addf %dot_general3A_26, %dot_general3A_28 : vector<256x256xf32>
    %dot_general3A_30 = arith.constant dense<0.000000e+00> : vector<256x256xf32>
    %dot_general3A_31 = tpu.matmul %get3A_13, %slice3A_24, %dot_general3A_30 {dimension_numbers = #tpu.dot_dimension_numbers<[1], [0], [0], [1], [0, 0, 1, 1], [], []>, transpose_lhs_hint = false} : vector<256x256xf32>, vector<256x256xf32>, vector<256x256xf32> -> vector<256x256xf32>
    %add3A_32 = arith.addf %add3A_29, %dot_general3A_31 : vector<256x256xf32>
    %slice3A_33 = vector.extract_strided_slice %get3A_3 {offsets = [512, 0], sizes = [256, 256], strides = [1, 1]} : vector<4096x256xf32> to vector<256x256xf32>
    %slice3A_34 = vector.extract_strided_slice %get3A_3 {offsets = [256, 0], sizes = [256, 256], strides = [1, 1]} : vector<4096x256xf32> to vector<256x256xf32>
    %slice3A_35 = vector.extract_strided_slice %get3A_3 {offsets = [768, 0], sizes = [256, 256], strides = [1, 1]} : vector<4096x256xf32> to vector<256x256xf32>
    %dot_general3A_36 = arith.constant dense<0.000000e+00> : vector<256x256xf32>
    %dot_general3A_37 = tpu.matmul %get3A_7, %slice3A_33, %dot_general3A_36 {dimension_numbers = #tpu.dot_dimension_numbers<[1], [0], [0], [1], [0, 0, 1, 1], [], []>, transpose_lhs_hint = false} : vector<256x256xf32>, vector<256x256xf32>, vector<256x256xf32> -> vector<256x256xf32>
    %dot_general3A_38 = arith.constant dense<0.000000e+00> : vector<256x256xf32>
    %dot_general3A_39 = tpu.matmul %get3A_10, %slice3A_34, %dot_general3A_38 {dimension_numbers = #tpu.dot_dimension_numbers<[1], [0], [0], [1], [0, 0, 1, 1], [], []>, transpose_lhs_hint = false} : vector<256x256xf32>, vector<256x256xf32>, vector<256x256xf32> -> vector<256x256xf32>
    %add3A_40 = arith.addf %dot_general3A_37, %dot_general3A_39 : vector<256x256xf32>
    %dot_general3A_41 = arith.constant dense<0.000000e+00> : vector<256x256xf32>
    %dot_general3A_42 = tpu.matmul %get3A_13, %slice3A_35, %dot_general3A_41 {dimension_numbers = #tpu.dot_dimension_numbers<[1], [0], [0], [1], [0, 0, 1, 1], [], []>, transpose_lhs_hint = false} : vector<256x256xf32>, vector<256x256xf32>, vector<256x256xf32> -> vector<256x256xf32>
    %add3A_43 = arith.addf %add3A_40, %dot_general3A_42 : vector<256x256xf32>
    %slice3A_44 = vector.extract_strided_slice %get3A_3 {offsets = [768, 0], sizes = [256, 256], strides = [1, 1]} : vector<4096x256xf32> to vector<256x256xf32>
    %slice3A_45 = vector.extract_strided_slice %get3A_3 {offsets = [512, 0], sizes = [256, 256], strides = [1, 1]} : vector<4096x256xf32> to vector<256x256xf32>
    %slice3A_46 = vector.extract_strided_slice %get3A_3 {offsets = [1024, 0], sizes = [256, 256], strides = [1, 1]} : vector<4096x256xf32> to vector<256x256xf32>
    %dot_general3A_47 = arith.constant dense<0.000000e+00> : vector<256x256xf32>
    %dot_general3A_48 = tpu.matmul %get3A_7, %slice3A_44, %dot_general3A_47 {dimension_numbers = #tpu.dot_dimension_numbers<[1], [0], [0], [1], [0, 0, 1, 1], [], []>, transpose_lhs_hint = false} : vector<256x256xf32>, vector<256x256xf32>, vector<256x256xf32> -> vector<256x256xf32>
    %dot_general3A_49 = arith.constant dense<0.000000e+00> : vector<256x256xf32>
    %dot_general3A_50 = tpu.matmul %get3A_10, %slice3A_45, %dot_general3A_49 {dimension_numbers = #tpu.dot_dimension_numbers<[1], [0], [0], [1], [0, 0, 1, 1], [], []>, transpose_lhs_hint = false} : vector<256x256xf32>, vector<256x256xf32>, vector<256x256xf32> -> vector<256x256xf32>
    %add3A_51 = arith.addf %dot_general3A_48, %dot_general3A_50 : vector<256x256xf32>
    %dot_general3A_52 = arith.constant dense<0.000000e+00> : vector<256x256xf32>
    %dot_general3A_53 = tpu.matmul %get3A_13, %slice3A_46, %dot_general3A_52 {dimension_numbers = #tpu.dot_dimension_numbers<[1], [0], [0], [1], [0, 0, 1, 1], [], []>, transpose_lhs_hint = false} : vector<256x256xf32>, vector<256x256xf32>, vector<256x256xf32> -> vector<256x256xf32>
    %add3A_54 = arith.addf %add3A_51, %dot_general3A_53 : vector<256x256xf32>
    %slice3A_55 = vector.extract_strided_slice %get3A_3 {offsets = [1024, 0], sizes = [256, 256], strides = [1, 1]} : vector<4096x256xf32> to vector<256x256xf32>
    %slice3A_56 = vector.extract_strided_slice %get3A_3 {offsets = [768, 0], sizes = [256, 256], strides = [1, 1]} : vector<4096x256xf32> to vector<256x256xf32>
    %slice3A_57 = vector.extract_strided_slice %get3A_3 {offsets = [1280, 0], sizes = [256, 256], strides = [1, 1]} : vector<4096x256xf32> to vector<256x256xf32>
    %dot_general3A_58 = arith.constant dense<0.000000e+00> : vector<256x256xf32>
    %dot_general3A_59 = tpu.matmul %get3A_7, %slice3A_55, %dot_general3A_58 {dimension_numbers = #tpu.dot_dimension_numbers<[1], [0], [0], [1], [0, 0, 1, 1], [], []>, transpose_lhs_hint = false} : vector<256x256xf32>, vector<256x256xf32>, vector<256x256xf32> -> vector<256x256xf32>
    %dot_general3A_60 = arith.constant dense<0.000000e+00> : vector<256x256xf32>
    %dot_general3A_61 = tpu.matmul %get3A_10, %slice3A_56, %dot_general3A_60 {dimension_numbers = #tpu.dot_dimension_numbers<[1], [0], [0], [1], [0, 0, 1, 1], [], []>, transpose_lhs_hint = false} : vector<256x256xf32>, vector<256x256xf32>, vector<256x256xf32> -> vector<256x256xf32>
    %add3A_62 = arith.addf %dot_general3A_59, %dot_general3A_61 : vector<256x256xf32>
    %dot_general3A_63 = arith.constant dense<0.000000e+00> : vector<256x256xf32>
    %dot_general3A_64 = tpu.matmul %get3A_13, %slice3A_57, %dot_general3A_63 {dimension_numbers = #tpu.dot_dimension_numbers<[1], [0], [0], [1], [0, 0, 1, 1], [], []>, transpose_lhs_hint = false} : vector<256x256xf32>, vector<256x256xf32>, vector<256x256xf32> -> vector<256x256xf32>
    %add3A_65 = arith.addf %add3A_62, %dot_general3A_64 : vector<256x256xf32>
    %slice3A_66 = vector.extract_strided_slice %get3A_3 {offsets = [1280, 0], sizes = [256, 256], strides = [1, 1]} : vector<4096x256xf32> to vector<256x256xf32>
    %slice3A_67 = vector.extract_strided_slice %get3A_3 {offsets = [1024, 0], sizes = [256, 256], strides = [1, 1]} : vector<4096x256xf32> to vector<256x256xf32>
    %slice3A_68 = vector.extract_strided_slice %get3A_3 {offsets = [1536, 0], sizes = [256, 256], strides = [1, 1]} : vector<4096x256xf32> to vector<256x256xf32>
    %dot_general3A_69 = arith.constant dense<0.000000e+00> : vector<256x256xf32>
    %dot_general3A_70 = tpu.matmul %get3A_7, %slice3A_66, %dot_general3A_69 {dimension_numbers = #tpu.dot_dimension_numbers<[1], [0], [0], [1], [0, 0, 1, 1], [], []>, transpose_lhs_hint = false} : vector<256x256xf32>, vector<256x256xf32>, vector<256x256xf32> -> vector<256x256xf32>
    %dot_general3A_71 = arith.constant dense<0.000000e+00> : vector<256x256xf32>
    %dot_general3A_72 = tpu.matmul %get3A_10, %slice3A_67, %dot_general3A_71 {dimension_numbers = #tpu.dot_dimension_numbers<[1], [0], [0], [1], [0, 0, 1, 1], [], []>, transpose_lhs_hint = false} : vector<256x256xf32>, vector<256x256xf32>, vector<256x256xf32> -> vector<256x256xf32>
    %add3A_73 = arith.addf %dot_general3A_70, %dot_general3A_72 : vector<256x256xf32>
    %dot_general3A_74 = arith.constant dense<0.000000e+00> : vector<256x256xf32>
    %dot_general3A_75 = tpu.matmul %get3A_13, %slice3A_68, %dot_general3A_74 {dimension_numbers = #tpu.dot_dimension_numbers<[1], [0], [0], [1], [0, 0, 1, 1], [], []>, transpose_lhs_hint = false} : vector<256x256xf32>, vector<256x256xf32>, vector<256x256xf32> -> vector<256x256xf32>
    %add3A_76 = arith.addf %add3A_73, %dot_general3A_75 : vector<256x256xf32>
    %slice3A_77 = vector.extract_strided_slice %get3A_3 {offsets = [1536, 0], sizes = [256, 256], strides = [1, 1]} : vector<4096x256xf32> to vector<256x256xf32>
    %slice3A_78 = vector.extract_strided_slice %get3A_3 {offsets = [1280, 0], sizes = [256, 256], strides = [1, 1]} : vector<4096x256xf32> to vector<256x256xf32>
    %slice3A_79 = vector.extract_strided_slice %get3A_3 {offsets = [1792, 0], sizes = [256, 256], strides = [1, 1]} : vector<4096x256xf32> to vector<256x256xf32>
    %dot_general3A_80 = arith.constant dense<0.000000e+00> : vector<256x256xf32>
    %dot_general3A_81 = tpu.matmul %get3A_7, %slice3A_77, %dot_general3A_80 {dimension_numbers = #tpu.dot_dimension_numbers<[1], [0], [0], [1], [0, 0, 1, 1], [], []>, transpose_lhs_hint = false} : vector<256x256xf32>, vector<256x256xf32>, vector<256x256xf32> -> vector<256x256xf32>
    %dot_general3A_82 = arith.constant dense<0.000000e+00> : vector<256x256xf32>
    %dot_general3A_83 = tpu.matmul %get3A_10, %slice3A_78, %dot_general3A_82 {dimension_numbers = #tpu.dot_dimension_numbers<[1], [0], [0], [1], [0, 0, 1, 1], [], []>, transpose_lhs_hint = false} : vector<256x256xf32>, vector<256x256xf32>, vector<256x256xf32> -> vector<256x256xf32>
    %add3A_84 = arith.addf %dot_general3A_81, %dot_general3A_83 : vector<256x256xf32>
    %dot_general3A_85 = arith.constant dense<0.000000e+00> : vector<256x256xf32>
    %dot_general3A_86 = tpu.matmul %get3A_13, %slice3A_79, %dot_general3A_85 {dimension_numbers = #tpu.dot_dimension_numbers<[1], [0], [0], [1], [0, 0, 1, 1], [], []>, transpose_lhs_hint = false} : vector<256x256xf32>, vector<256x256xf32>, vector<256x256xf32> -> vector<256x256xf32>
    %add3A_87 = arith.addf %add3A_84, %dot_general3A_86 : vector<256x256xf32>
    %slice3A_88 = vector.extract_strided_slice %get3A_3 {offsets = [1792, 0], sizes = [256, 256], strides = [1, 1]} : vector<4096x256xf32> to vector<256x256xf32>
    %slice3A_89 = vector.extract_strided_slice %get3A_3 {offsets = [1536, 0], sizes = [256, 256], strides = [1, 1]} : vector<4096x256xf32> to vector<256x256xf32>
    %slice3A_90 = vector.extract_strided_slice %get3A_3 {offsets = [2048, 0], sizes = [256, 256], strides = [1, 1]} : vector<4096x256xf32> to vector<256x256xf32>
    %dot_general3A_91 = arith.constant dense<0.000000e+00> : vector<256x256xf32>
    %dot_general3A_92 = tpu.matmul %get3A_7, %slice3A_88, %dot_general3A_91 {dimension_numbers = #tpu.dot_dimension_numbers<[1], [0], [0], [1], [0, 0, 1, 1], [], []>, transpose_lhs_hint = false} : vector<256x256xf32>, vector<256x256xf32>, vector<256x256xf32> -> vector<256x256xf32>
    %dot_general3A_93 = arith.constant dense<0.000000e+00> : vector<256x256xf32>
    %dot_general3A_94 = tpu.matmul %get3A_10, %slice3A_89, %dot_general3A_93 {dimension_numbers = #tpu.dot_dimension_numbers<[1], [0], [0], [1], [0, 0, 1, 1], [], []>, transpose_lhs_hint = false} : vector<256x256xf32>, vector<256x256xf32>, vector<256x256xf32> -> vector<256x256xf32>
    %add3A_95 = arith.addf %dot_general3A_92, %dot_general3A_94 : vector<256x256xf32>
    %dot_general3A_96 = arith.constant dense<0.000000e+00> : vector<256x256xf32>
    %dot_general3A_97 = tpu.matmul %get3A_13, %slice3A_90, %dot_general3A_96 {dimension_numbers = #tpu.dot_dimension_numbers<[1], [0], [0], [1], [0, 0, 1, 1], [], []>, transpose_lhs_hint = false} : vector<256x256xf32>, vector<256x256xf32>, vector<256x256xf32> -> vector<256x256xf32>
    %add3A_98 = arith.addf %add3A_95, %dot_general3A_97 : vector<256x256xf32>
    %slice3A_99 = vector.extract_strided_slice %get3A_3 {offsets = [2048, 0], sizes = [256, 256], strides = [1, 1]} : vector<4096x256xf32> to vector<256x256xf32>
    %slice3A_100 = vector.extract_strided_slice %get3A_3 {offsets = [1792, 0], sizes = [256, 256], strides = [1, 1]} : vector<4096x256xf32> to vector<256x256xf32>
    %slice3A_101 = vector.extract_strided_slice %get3A_3 {offsets = [2304, 0], sizes = [256, 256], strides = [1, 1]} : vector<4096x256xf32> to vector<256x256xf32>
    %dot_general3A_102 = arith.constant dense<0.000000e+00> : vector<256x256xf32>
    %dot_general3A_103 = tpu.matmul %get3A_7, %slice3A_99, %dot_general3A_102 {dimension_numbers = #tpu.dot_dimension_numbers<[1], [0], [0], [1], [0, 0, 1, 1], [], []>, transpose_lhs_hint = false} : vector<256x256xf32>, vector<256x256xf32>, vector<256x256xf32> -> vector<256x256xf32>
    %dot_general3A_104 = arith.constant dense<0.000000e+00> : vector<256x256xf32>
    %dot_general3A_105 = tpu.matmul %get3A_10, %slice3A_100, %dot_general3A_104 {dimension_numbers = #tpu.dot_dimension_numbers<[1], [0], [0], [1], [0, 0, 1, 1], [], []>, transpose_lhs_hint = false} : vector<256x256xf32>, vector<256x256xf32>, vector<256x256xf32> -> vector<256x256xf32>
    %add3A_106 = arith.addf %dot_general3A_103, %dot_general3A_105 : vector<256x256xf32>
    %dot_general3A_107 = arith.constant dense<0.000000e+00> : vector<256x256xf32>
    %dot_general3A_108 = tpu.matmul %get3A_13, %slice3A_101, %dot_general3A_107 {dimension_numbers = #tpu.dot_dimension_numbers<[1], [0], [0], [1], [0, 0, 1, 1], [], []>, transpose_lhs_hint = false} : vector<256x256xf32>, vector<256x256xf32>, vector<256x256xf32> -> vector<256x256xf32>
    %add3A_109 = arith.addf %add3A_106, %dot_general3A_108 : vector<256x256xf32>
    %slice3A_110 = vector.extract_strided_slice %get3A_3 {offsets = [2304, 0], sizes = [256, 256], strides = [1, 1]} : vector<4096x256xf32> to vector<256x256xf32>
    %slice3A_111 = vector.extract_strided_slice %get3A_3 {offsets = [2048, 0], sizes = [256, 256], strides = [1, 1]} : vector<4096x256xf32> to vector<256x256xf32>
    %slice3A_112 = vector.extract_strided_slice %get3A_3 {offsets = [2560, 0], sizes = [256, 256], strides = [1, 1]} : vector<4096x256xf32> to vector<256x256xf32>
    %dot_general3A_113 = arith.constant dense<0.000000e+00> : vector<256x256xf32>
    %dot_general3A_114 = tpu.matmul %get3A_7, %slice3A_110, %dot_general3A_113 {dimension_numbers = #tpu.dot_dimension_numbers<[1], [0], [0], [1], [0, 0, 1, 1], [], []>, transpose_lhs_hint = false} : vector<256x256xf32>, vector<256x256xf32>, vector<256x256xf32> -> vector<256x256xf32>
    %dot_general3A_115 = arith.constant dense<0.000000e+00> : vector<256x256xf32>
    %dot_general3A_116 = tpu.matmul %get3A_10, %slice3A_111, %dot_general3A_115 {dimension_numbers = #tpu.dot_dimension_numbers<[1], [0], [0], [1], [0, 0, 1, 1], [], []>, transpose_lhs_hint = false} : vector<256x256xf32>, vector<256x256xf32>, vector<256x256xf32> -> vector<256x256xf32>
    %add3A_117 = arith.addf %dot_general3A_114, %dot_general3A_116 : vector<256x256xf32>
    %dot_general3A_118 = arith.constant dense<0.000000e+00> : vector<256x256xf32>
    %dot_general3A_119 = tpu.matmul %get3A_13, %slice3A_112, %dot_general3A_118 {dimension_numbers = #tpu.dot_dimension_numbers<[1], [0], [0], [1], [0, 0, 1, 1], [], []>, transpose_lhs_hint = false} : vector<256x256xf32>, vector<256x256xf32>, vector<256x256xf32> -> vector<256x256xf32>
    %add3A_120 = arith.addf %add3A_117, %dot_general3A_119 : vector<256x256xf32>
    %slice3A_121 = vector.extract_strided_slice %get3A_3 {offsets = [2560, 0], sizes = [256, 256], strides = [1, 1]} : vector<4096x256xf32> to vector<256x256xf32>
    %slice3A_122 = vector.extract_strided_slice %get3A_3 {offsets = [2304, 0], sizes = [256, 256], strides = [1, 1]} : vector<4096x256xf32> to vector<256x256xf32>
    %slice3A_123 = vector.extract_strided_slice %get3A_3 {offsets = [2816, 0], sizes = [256, 256], strides = [1, 1]} : vector<4096x256xf32> to vector<256x256xf32>
    %dot_general3A_124 = arith.constant dense<0.000000e+00> : vector<256x256xf32>
    %dot_general3A_125 = tpu.matmul %get3A_7, %slice3A_121, %dot_general3A_124 {dimension_numbers = #tpu.dot_dimension_numbers<[1], [0], [0], [1], [0, 0, 1, 1], [], []>, transpose_lhs_hint = false} : vector<256x256xf32>, vector<256x256xf32>, vector<256x256xf32> -> vector<256x256xf32>
    %dot_general3A_126 = arith.constant dense<0.000000e+00> : vector<256x256xf32>
    %dot_general3A_127 = tpu.matmul %get3A_10, %slice3A_122, %dot_general3A_126 {dimension_numbers = #tpu.dot_dimension_numbers<[1], [0], [0], [1], [0, 0, 1, 1], [], []>, transpose_lhs_hint = false} : vector<256x256xf32>, vector<256x256xf32>, vector<256x256xf32> -> vector<256x256xf32>
    %add3A_128 = arith.addf %dot_general3A_125, %dot_general3A_127 : vector<256x256xf32>
    %dot_general3A_129 = arith.constant dense<0.000000e+00> : vector<256x256xf32>
    %dot_general3A_130 = tpu.matmul %get3A_13, %slice3A_123, %dot_general3A_129 {dimension_numbers = #tpu.dot_dimension_numbers<[1], [0], [0], [1], [0, 0, 1, 1], [], []>, transpose_lhs_hint = false} : vector<256x256xf32>, vector<256x256xf32>, vector<256x256xf32> -> vector<256x256xf32>
    %add3A_131 = arith.addf %add3A_128, %dot_general3A_130 : vector<256x256xf32>
    %slice3A_132 = vector.extract_strided_slice %get3A_3 {offsets = [2816, 0], sizes = [256, 256], strides = [1, 1]} : vector<4096x256xf32> to vector<256x256xf32>
    %slice3A_133 = vector.extract_strided_slice %get3A_3 {offsets = [2560, 0], sizes = [256, 256], strides = [1, 1]} : vector<4096x256xf32> to vector<256x256xf32>
    %slice3A_134 = vector.extract_strided_slice %get3A_3 {offsets = [3072, 0], sizes = [256, 256], strides = [1, 1]} : vector<4096x256xf32> to vector<256x256xf32>
    %dot_general3A_135 = arith.constant dense<0.000000e+00> : vector<256x256xf32>
    %dot_general3A_136 = tpu.matmul %get3A_7, %slice3A_132, %dot_general3A_135 {dimension_numbers = #tpu.dot_dimension_numbers<[1], [0], [0], [1], [0, 0, 1, 1], [], []>, transpose_lhs_hint = false} : vector<256x256xf32>, vector<256x256xf32>, vector<256x256xf32> -> vector<256x256xf32>
    %dot_general3A_137 = arith.constant dense<0.000000e+00> : vector<256x256xf32>
    %dot_general3A_138 = tpu.matmul %get3A_10, %slice3A_133, %dot_general3A_137 {dimension_numbers = #tpu.dot_dimension_numbers<[1], [0], [0], [1], [0, 0, 1, 1], [], []>, transpose_lhs_hint = false} : vector<256x256xf32>, vector<256x256xf32>, vector<256x256xf32> -> vector<256x256xf32>
    %add3A_139 = arith.addf %dot_general3A_136, %dot_general3A_138 : vector<256x256xf32>
    %dot_general3A_140 = arith.constant dense<0.000000e+00> : vector<256x256xf32>
    %dot_general3A_141 = tpu.matmul %get3A_13, %slice3A_134, %dot_general3A_140 {dimension_numbers = #tpu.dot_dimension_numbers<[1], [0], [0], [1], [0, 0, 1, 1], [], []>, transpose_lhs_hint = false} : vector<256x256xf32>, vector<256x256xf32>, vector<256x256xf32> -> vector<256x256xf32>
    %add3A_142 = arith.addf %add3A_139, %dot_general3A_141 : vector<256x256xf32>
    %slice3A_143 = vector.extract_strided_slice %get3A_3 {offsets = [3072, 0], sizes = [256, 256], strides = [1, 1]} : vector<4096x256xf32> to vector<256x256xf32>
    %slice3A_144 = vector.extract_strided_slice %get3A_3 {offsets = [2816, 0], sizes = [256, 256], strides = [1, 1]} : vector<4096x256xf32> to vector<256x256xf32>
    %slice3A_145 = vector.extract_strided_slice %get3A_3 {offsets = [3328, 0], sizes = [256, 256], strides = [1, 1]} : vector<4096x256xf32> to vector<256x256xf32>
    %dot_general3A_146 = arith.constant dense<0.000000e+00> : vector<256x256xf32>
    %dot_general3A_147 = tpu.matmul %get3A_7, %slice3A_143, %dot_general3A_146 {dimension_numbers = #tpu.dot_dimension_numbers<[1], [0], [0], [1], [0, 0, 1, 1], [], []>, transpose_lhs_hint = false} : vector<256x256xf32>, vector<256x256xf32>, vector<256x256xf32> -> vector<256x256xf32>
    %dot_general3A_148 = arith.constant dense<0.000000e+00> : vector<256x256xf32>
    %dot_general3A_149 = tpu.matmul %get3A_10, %slice3A_144, %dot_general3A_148 {dimension_numbers = #tpu.dot_dimension_numbers<[1], [0], [0], [1], [0, 0, 1, 1], [], []>, transpose_lhs_hint = false} : vector<256x256xf32>, vector<256x256xf32>, vector<256x256xf32> -> vector<256x256xf32>
    %add3A_150 = arith.addf %dot_general3A_147, %dot_general3A_149 : vector<256x256xf32>
    %dot_general3A_151 = arith.constant dense<0.000000e+00> : vector<256x256xf32>
    %dot_general3A_152 = tpu.matmul %get3A_13, %slice3A_145, %dot_general3A_151 {dimension_numbers = #tpu.dot_dimension_numbers<[1], [0], [0], [1], [0, 0, 1, 1], [], []>, transpose_lhs_hint = false} : vector<256x256xf32>, vector<256x256xf32>, vector<256x256xf32> -> vector<256x256xf32>
    %add3A_153 = arith.addf %add3A_150, %dot_general3A_152 : vector<256x256xf32>
    %slice3A_154 = vector.extract_strided_slice %get3A_3 {offsets = [3328, 0], sizes = [256, 256], strides = [1, 1]} : vector<4096x256xf32> to vector<256x256xf32>
    %slice3A_155 = vector.extract_strided_slice %get3A_3 {offsets = [3072, 0], sizes = [256, 256], strides = [1, 1]} : vector<4096x256xf32> to vector<256x256xf32>
    %slice3A_156 = vector.extract_strided_slice %get3A_3 {offsets = [3584, 0], sizes = [256, 256], strides = [1, 1]} : vector<4096x256xf32> to vector<256x256xf32>
    %dot_general3A_157 = arith.constant dense<0.000000e+00> : vector<256x256xf32>
    %dot_general3A_158 = tpu.matmul %get3A_7, %slice3A_154, %dot_general3A_157 {dimension_numbers = #tpu.dot_dimension_numbers<[1], [0], [0], [1], [0, 0, 1, 1], [], []>, transpose_lhs_hint = false} : vector<256x256xf32>, vector<256x256xf32>, vector<256x256xf32> -> vector<256x256xf32>
    %dot_general3A_159 = arith.constant dense<0.000000e+00> : vector<256x256xf32>
    %dot_general3A_160 = tpu.matmul %get3A_10, %slice3A_155, %dot_general3A_159 {dimension_numbers = #tpu.dot_dimension_numbers<[1], [0], [0], [1], [0, 0, 1, 1], [], []>, transpose_lhs_hint = false} : vector<256x256xf32>, vector<256x256xf32>, vector<256x256xf32> -> vector<256x256xf32>
    %add3A_161 = arith.addf %dot_general3A_158, %dot_general3A_160 : vector<256x256xf32>
    %dot_general3A_162 = arith.constant dense<0.000000e+00> : vector<256x256xf32>
    %dot_general3A_163 = tpu.matmul %get3A_13, %slice3A_156, %dot_general3A_162 {dimension_numbers = #tpu.dot_dimension_numbers<[1], [0], [0], [1], [0, 0, 1, 1], [], []>, transpose_lhs_hint = false} : vector<256x256xf32>, vector<256x256xf32>, vector<256x256xf32> -> vector<256x256xf32>
    %add3A_164 = arith.addf %add3A_161, %dot_general3A_163 : vector<256x256xf32>
    %slice3A_165 = vector.extract_strided_slice %get3A_3 {offsets = [3584, 0], sizes = [256, 256], strides = [1, 1]} : vector<4096x256xf32> to vector<256x256xf32>
    %slice3A_166 = vector.extract_strided_slice %get3A_3 {offsets = [3328, 0], sizes = [256, 256], strides = [1, 1]} : vector<4096x256xf32> to vector<256x256xf32>
    %slice3A_167 = vector.extract_strided_slice %get3A_3 {offsets = [3840, 0], sizes = [256, 256], strides = [1, 1]} : vector<4096x256xf32> to vector<256x256xf32>
    %dot_general3A_168 = arith.constant dense<0.000000e+00> : vector<256x256xf32>
    %dot_general3A_169 = tpu.matmul %get3A_7, %slice3A_165, %dot_general3A_168 {dimension_numbers = #tpu.dot_dimension_numbers<[1], [0], [0], [1], [0, 0, 1, 1], [], []>, transpose_lhs_hint = false} : vector<256x256xf32>, vector<256x256xf32>, vector<256x256xf32> -> vector<256x256xf32>
    %dot_general3A_170 = arith.constant dense<0.000000e+00> : vector<256x256xf32>
    %dot_general3A_171 = tpu.matmul %get3A_10, %slice3A_166, %dot_general3A_170 {dimension_numbers = #tpu.dot_dimension_numbers<[1], [0], [0], [1], [0, 0, 1, 1], [], []>, transpose_lhs_hint = false} : vector<256x256xf32>, vector<256x256xf32>, vector<256x256xf32> -> vector<256x256xf32>
    %add3A_172 = arith.addf %dot_general3A_169, %dot_general3A_171 : vector<256x256xf32>
    %dot_general3A_173 = arith.constant dense<0.000000e+00> : vector<256x256xf32>
    %dot_general3A_174 = tpu.matmul %get3A_13, %slice3A_167, %dot_general3A_173 {dimension_numbers = #tpu.dot_dimension_numbers<[1], [0], [0], [1], [0, 0, 1, 1], [], []>, transpose_lhs_hint = false} : vector<256x256xf32>, vector<256x256xf32>, vector<256x256xf32> -> vector<256x256xf32>
    %add3A_175 = arith.addf %add3A_172, %dot_general3A_174 : vector<256x256xf32>
    %slice3A_176 = vector.extract_strided_slice %get3A_3 {offsets = [3840, 0], sizes = [256, 256], strides = [1, 1]} : vector<4096x256xf32> to vector<256x256xf32>
    %slice3A_177 = vector.extract_strided_slice %get3A_3 {offsets = [3584, 0], sizes = [256, 256], strides = [1, 1]} : vector<4096x256xf32> to vector<256x256xf32>
    %slice3A_178 = vector.extract_strided_slice %get3A_3 {offsets = [0, 0], sizes = [256, 256], strides = [1, 1]} : vector<4096x256xf32> to vector<256x256xf32>
    %dot_general3A_179 = arith.constant dense<0.000000e+00> : vector<256x256xf32>
    %dot_general3A_180 = tpu.matmul %get3A_7, %slice3A_176, %dot_general3A_179 {dimension_numbers = #tpu.dot_dimension_numbers<[1], [0], [0], [1], [0, 0, 1, 1], [], []>, transpose_lhs_hint = false} : vector<256x256xf32>, vector<256x256xf32>, vector<256x256xf32> -> vector<256x256xf32>
    %dot_general3A_181 = arith.constant dense<0.000000e+00> : vector<256x256xf32>
    %dot_general3A_182 = tpu.matmul %get3A_10, %slice3A_177, %dot_general3A_181 {dimension_numbers = #tpu.dot_dimension_numbers<[1], [0], [0], [1], [0, 0, 1, 1], [], []>, transpose_lhs_hint = false} : vector<256x256xf32>, vector<256x256xf32>, vector<256x256xf32> -> vector<256x256xf32>
    %add3A_183 = arith.addf %dot_general3A_180, %dot_general3A_182 : vector<256x256xf32>
    %dot_general3A_184 = arith.constant dense<0.000000e+00> : vector<256x256xf32>
    %dot_general3A_185 = tpu.matmul %get3A_13, %slice3A_178, %dot_general3A_184 {dimension_numbers = #tpu.dot_dimension_numbers<[1], [0], [0], [1], [0, 0, 1, 1], [], []>, transpose_lhs_hint = false} : vector<256x256xf32>, vector<256x256xf32>, vector<256x256xf32> -> vector<256x256xf32>
    %add3A_186 = arith.addf %add3A_183, %dot_general3A_185 : vector<256x256xf32>
    %concatenate3A = tpu.concatenate %add3A_21, %add3A_32, %add3A_43, %add3A_54, %add3A_65, %add3A_76, %add3A_87, %add3A_98, %add3A_109, %add3A_120, %add3A_131, %add3A_142, %add3A_153, %add3A_164, %add3A_175, %add3A_186 in 0 : vector<256x256xf32>, vector<256x256xf32>, vector<256x256xf32>, vector<256x256xf32>, vector<256x256xf32>, vector<256x256xf32>, vector<256x256xf32>, vector<256x256xf32>, vector<256x256xf32>, vector<256x256xf32>, vector<256x256xf32>, vector<256x256xf32>, vector<256x256xf32>, vector<256x256xf32>, vector<256x256xf32>, vector<256x256xf32> -> vector<4096x256xf32>
    %mul3A = arith.constant -2.45158124E-4 : f32
    %mul3A_187 = vector.broadcast %mul3A : f32 to vector<4096x256xf32>
    %mul3A_188 = arith.mulf %concatenate3A, %mul3A_187 : vector<4096x256xf32>
    %swap3A = arith.constant 0 : index
    %swap3A_189 = arith.constant 0 : index
    %swap3A_190 = arith.constant 0 : index
    %swap3A_191 = vector.load %arg5[%swap3A, %swap3A_189, %swap3A_190] : memref<1x4096x256xf32, #tpu.memory_space<vmem>>, vector<1x4096x256xf32>
    %swap3A_192 = vector.shape_cast %swap3A_191 : vector<1x4096x256xf32> to vector<4096x256xf32>
    %swap3A_193 = vector.shape_cast %mul3A_188 : vector<4096x256xf32> to vector<1x4096x256xf32>
    tpu.vector_store %arg5[%swap3A, %swap3A_189, %swap3A_190], %swap3A_193 {strides = array<i32>} : memref<1x4096x256xf32, #tpu.memory_space<vmem>>, vector<1x4096x256xf32>,
    %mul3A_194 = arith.constant 2.45158124E-4 : f32
    %mul3A_195 = vector.broadcast %mul3A_194 : f32 to vector<1x256xf32>
    %mul3A_196 = arith.mulf %broadcast_in_dim3A, %mul3A_195 : vector<1x256xf32>
    %swap3A_197 = arith.constant 0 : index
    %swap3A_198 = arith.constant 0 : index
    %swap3A_199 = arith.constant 0 : index
    %swap3A_200 = vector.load %arg6[%swap3A_197, %swap3A_198, %swap3A_199] : memref<1x1x256xf32, #tpu.memory_space<vmem>>, vector<1x1x256xf32>
    %swap3A_201 = vector.shape_cast %swap3A_200 : vector<1x1x256xf32> to vector<1x256xf32>
    %swap3A_202 = vector.shape_cast %mul3A_196 : vector<1x256xf32> to vector<1x1x256xf32>
    tpu.vector_store %arg6[%swap3A_197, %swap3A_198, %swap3A_199], %swap3A_202 {strides = array<i32>} : memref<1x1x256xf32, #tpu.memory_space<vmem>>, vector<1x1x256xf32>,
    return
  }
  func.func @transform_0(%arg0: i32) -> (i32, i32) {
    %c0_i32 = arith.constant 0 : i32
    %c0_i32_0 = arith.constant 0 : i32
    %c0_i32_1 = arith.constant 0 : i32
    return %c0_i32, %c0_i32_0 : i32, i32
  }
  func.func @transform_1(%arg0: i32) -> (i32, i32) {
    %c0_i32 = arith.constant 0 : i32
    %c0_i32_0 = arith.constant 0 : i32
    %c0_i32_1 = arith.constant 0 : i32
    return %c0_i32, %c0_i32_0 : i32, i32
  }
  func.func @transform_2(%arg0: i32) -> (i32, i32) {
    %c0_i32 = arith.constant 0 : i32
    %c0_i32_0 = arith.constant 0 : i32
    %c0_i32_1 = arith.constant 0 : i32
    return %c0_i32, %c0_i32_0 : i32, i32
  }
  func.func @transform_3(%arg0: i32) -> (i32, i32, i32) {
    %c0_i32 = arith.constant 0 : i32
    %c0_i32_0 = arith.constant 0 : i32
    %c0_i32_1 = arith.constant 0 : i32
    return %arg0, %c0_i32, %c0_i32_0 : i32, i32, i32
  }
  func.func @transform_4(%arg0: i32) -> (i32, i32, i32) {
    %c0_i32 = arith.constant 0 : i32
    %c0_i32_0 = arith.constant 0 : i32
    %c0_i32_1 = arith.constant 0 : i32
    return %arg0, %c0_i32, %c0_i32_0 : i32, i32, i32
  }
  func.func @transform_5(%arg0: i32) -> (i32, i32, i32) {
    %c0_i32 = arith.constant 0 : i32
    %c0_i32_0 = arith.constant 0 : i32
    %c0_i32_1 = arith.constant 0 : i32
    return %arg0, %c0_i32, %c0_i32_0 : i32, i32, i32
  }
}

module attributes {stable_mosaic.version = 14 : i64} {
  func.func @_expand_body(%arg0: i32, %arg1: memref<16x256xf32, #tpu.memory_space<vmem>>, %arg2: memref<1x1x512xi32, #tpu.memory_space<vmem>>, %arg3: memref<512x256xf32, #tpu.memory_space<vmem>>) attributes {dimension_semantics = [#tpu.dimension_semantics<arbitrary>], iteration_bounds = array<i64: 32>, scalar_prefetch = 0 : i64, scratch_operands = 0 : i64, tpu.core_type = #tpu.core_type<tc>, window_params = [{pipeline_mode = #tpu.pipeline_mode<synchronous>, transform_indices = @transform_0, window_bounds = array<i64: 16, 256>}, {transform_indices = @transform_1, window_bounds = array<i64: 1, 1, 512>}, {transform_indices = @transform_2, window_bounds = array<i64: 512, 256>}]} {
    %get3A = arith.constant 0 : index
    %get3A_0 = arith.constant 0 : index
    %get3A_1 = arith.constant 0 : index
    %get3A_2 = vector.load %arg2[%get3A, %get3A_0, %get3A_1] : memref<1x1x512xi32, #tpu.memory_space<vmem>>, vector<1x1x512xi32>
    %get3A_3 = vector.shape_cast %get3A_2 : vector<1x1x512xi32> to vector<512xi32>
    %broadcast_in_dim3A = vector.shape_cast %get3A_3 : vector<512xi32> to vector<512x1xi32>
    %iota3A = tpu.iota {dimensions = array<i32: 1>} : vector<512x16xi32>
    %eq3A = vector.broadcast %broadcast_in_dim3A : vector<512x1xi32> to vector<512x16xi32>
    %eq3A_4 = arith.cmpi eq, %eq3A, %iota3A : vector<512x16xi32>
    %convert_element_type3A = arith.extui %eq3A_4 : vector<512x16xi1> to vector<512x16xi32>
    %convert_element_type3A_5 = arith.sitofp %convert_element_type3A : vector<512x16xi32> to vector<512x16xf32>
    %get3A_6 = arith.constant 0 : index
    %get3A_7 = arith.constant 0 : index
    %get3A_8 = vector.load %arg1[%get3A_6, %get3A_7] : memref<16x256xf32, #tpu.memory_space<vmem>>, vector<16x256xf32>
    %dot_general3A = arith.constant dense<0.000000e+00> : vector<512x256xf32>
    %dot_general3A_9 = tpu.matmul %convert_element_type3A_5, %get3A_8, %dot_general3A {dimension_numbers = #tpu.dot_dimension_numbers<[1], [0], [0], [1], [0, 0, 1, 1], [], []>, precision = #tpu.contract_precision<fp32>, transpose_lhs_hint = false} : vector<512x16xf32>, vector<16x256xf32>, vector<512x256xf32> -> vector<512x256xf32>
    %swap3A = arith.constant 0 : index
    %swap3A_10 = arith.constant 0 : index
    %swap3A_11 = vector.load %arg3[%swap3A, %swap3A_10] : memref<512x256xf32, #tpu.memory_space<vmem>>, vector<512x256xf32>
    tpu.vector_store %arg3[%swap3A, %swap3A_10], %dot_general3A_9 {strides = array<i32>} : memref<512x256xf32, #tpu.memory_space<vmem>>, vector<512x256xf32>,
    return
  }
  func.func @transform_0(%arg0: i32) -> (i32, i32) {
    %c0_i32 = arith.constant 0 : i32
    %c0_i32_0 = arith.constant 0 : i32
    %c0_i32_1 = arith.constant 0 : i32
    return %c0_i32, %c0_i32_0 : i32, i32
  }
  func.func @transform_1(%arg0: i32) -> (i32, i32, i32) {
    %c0_i32 = arith.constant 0 : i32
    %c0_i32_0 = arith.constant 0 : i32
    %c0_i32_1 = arith.constant 0 : i32
    return %arg0, %c0_i32, %c0_i32_0 : i32, i32, i32
  }
  func.func @transform_2(%arg0: i32) -> (i32, i32) {
    %c0_i32 = arith.constant 0 : i32
    %c0_i32_0 = arith.constant 0 : i32
    return %arg0, %c0_i32 : i32, i32
  }
}

</mosaic_0001>

<sc_bundles>
// kernel: kernel.5.cloned.1.call-start
scs
__scs_entry_jumppad:
0x0: {  	(pc) =	sbr.rel $0x88, $3  }
0x1: {  	(tag) =	ssettag $0x0;
	lr =	simm.s32 $0x1  }
0x2: {  	[smem:$0x3F9E] =	sst lr;
	_ =	strace $0xD0000000  }
0x3: {  	_ = 	snop  }
0x4: {  	_ = 	snop  }
0x5: {  	_ = 	snop  }
0x6: {  	_ = 	snop  }
0x7: {  	_ = 	snop  }
__scs_overlays_trampoline_lowered:
0x8: {  	[smem:$0x3FAD] =	sst s0  }
0x9: {  	[smem:$0x3FAE] =	sst s1  }
0xa: {  	[smem:$0x3FAF] =	sst s2  }
0xb: {  	[smem:$0x3FB0] =	sst s3  }
0xc: {  	[smem:$0x3FB1] =	sst s4  }
0xd: {  	[smem:$0x3FB2] =	sst s5  }
0xe: {  	[smem:$0x3FB3] =	sst s6  }
0xf: {  	[smem:$0x3FB4] =	sst s7  }
0x10: {  	[smem:$0x3FB5] =	sst s8  }
0x11: {  	[smem:$0x3FB6] =	sst s9;
	s0 =	simm.s32 @!p0 $0x0  }
0x12: {  	s1 =	sld [smem:$0x3F9C];
	s0 =	simm.s32 @p0 $0x1  }
0x13: {  	[smem:$0x3FB7] =	sst s0;
	s0 =	simm.s32 @!p1 $0x0  }
0x14: {  	s2 =	sld [smem:$0x3F9B];
	s0 =	simm.s32 @p1 $0x1  }
0x15: {  	[smem:$0x3FB8] =	sst s0;
	s0 =	simm.s32 @!p2 $0x0  }
0x16: {  	s3 =	sld [smem:$0x3FDB];
	s0 =	simm.s32 @p2 $0x1  }
0x17: {  	s4 =	simm.s32 $0x1BF5;
	[smem:$0x3FBA] =	sst s0  }
0x18: {  	s0 =	sld [smem:$0x3F9D];
	_ =	swait.ge [sflag:s4], $0x0  }
0x19: {  	s7 =	sld [smem:$0x3F9E]  }
0x1a: {  	s8 =	sadd.s32 $0xFFFFE003, lr  }
0x1b: {  	s9 =	sadd.s32 $0xFFFFFEF7, lr;
	s5 =	simm.s32 $0xFFFFFFFF;
	p2 =	slt.u32 s8, $0xFFFFF086  }
0x1c: {  	p1 =	slt.u32 s9, $0xF7A;
	s5 =	simm.s32 @!p2 $0x0  }
0x1d: {  	s5 =	simm.s32 @p1 $0x1;
	p0 =	seq.s32 s7, s2  }
0x1e: {  	s7 =	smul.u32 @!p0 $0xF7A, s2;
	p2 =	seq.s32 @!p0 s5, $0x0  }
0x1f: {  	s9 =	smul.u32 $0xF7A, s1;
	s8 =	simm.s32 @!p0 $0x1BF5;
	p2 =	por !p2, p0  }
0x20: {  	[sflag:s8] =	ssyncset.s32 @!p0 $0xFFFFF086;
	s6 =	sadd.s32 @!p0 s3, s7;
	s7 =	simm.s32 @!p0 $0x108  }
0x21: {  	s3 =	sadd.s32 s3, s9;
	s6 =	sadd.s32 @!p0 $0x88, s6;
	s7 =	simm.s32 @p2 $0x1082  }
0x22: {  	[simem:s7], [sflag:s8] =	dma.local @!p0 [hbm:s6], $0xF7A  }
0x23: {  	s9 =	sor.u32 $0xD0000000, s2;
	s6 =	simm.s32 $0x108;
	_ =	swait.ge @!p0 [sflag:s8], $0x0  }
0x24: {  	s3 =	sadd.s32 $0x88, s3;
	s6 =	simm.s32 @!p1 $0x1082;
	[sflag:s4] =	ssyncset.s32 $0xFFFFF086  }
0x25: {  	[simem:s6], [sflag:s4] =	dma.local [hbm:s3], $0xF7A  }
0x26: {  	[smem:$0x3F9E] =	sst s1;
	(tag) =	ssettag s2;
	_ =	strace s9  }
0x27: {  	s1 =	sld [smem:$0x3FAE]  }
0x28: {  	s2 =	sld [smem:$0x3FAF]  }
0x29: {  	s4 =	sld [smem:$0x3FB1]  }
0x2a: {  	p0 =	seq.s32 s5, $0x0;
	s5 =	sld [smem:$0x3FB2]  }
0x2b: {  	s6 =	sld [smem:$0x3FB3]  }
0x2c: {  	s7 =	sld [smem:$0x3FB4]  }
0x2d: {  	s3 =	simm.s32 $0x108;
	s8 =	sld [smem:$0x3FB5]  }
0x2e: {  	s3 =	simm.s32 @!p0 $0x1082;
	s9 =	sld [smem:$0x3FB6]  }
0x2f: {  	lr =	sadd.s32 s0, s3;
	s0 =	sld [smem:$0x3FAD]  }
0x30: {  	s3 =	sld [smem:$0x3FB0]  }
0x31: {  	[smem:$0x3FB9] =	sst s10  }
0x32: {  	s10 =	sld [smem:$0x3FB7];
	_ =	sdelay $0x3  }
0x33: {  	p0 =	seq.s32 s10, $0x1;
	s10 =	sld [smem:$0x3FB9];
	_ =	sdelay $0x3  }
0x34: {  	[smem:$0x3FB9] =	sst s10  }
0x35: {  	s10 =	sld [smem:$0x3FB8];
	_ =	sdelay $0x3  }
0x36: {  	p1 =	seq.s32 s10, $0x1;
	s10 =	sld [smem:$0x3FB9];
	_ =	sdelay $0x3  }
0x37: {  	[smem:$0x3FB9] =	sst s10  }
0x38: {  	s10 =	sld [smem:$0x3FBA]  }
0x39: {  	_ = 	snop;
	(pc) =	sbr.ind lr, $3  }
0x3a: {  	_ = 	snop  }
0x3b: {  	_ = 	snop  }
0x3c: {  	p2 =	seq.s32 s10, $0x1;
	s10 =	sld [smem:$0x3FB9]  }
0x3d: {  	_ =	shalt  }
0x3e: {  	_ =	shalt  }
0x3f: {  	_ =	shalt  }
0x40: {  	_ =	shalt  }
0x41: {  	_ =	shalt  }
0x42: {  	_ =	shalt  }
0x43: {  	_ =	shalt  }
0x44: {  	_ =	shalt  }
0x45: {  	_ =	shalt  }
0x46: {  	_ =	shalt  }
0x47: {  	_ =	shalt  }
0x48: {  	_ =	shalt  }
0x49: {  	_ =	shalt  }
0x4a: {  	_ =	shalt  }
0x4b: {  	_ =	shalt  }
0x4c: {  	_ =	shalt  }
0x4d: {  	_ =	shalt  }
0x4e: {  	_ =	shalt  }
0x4f: {  	_ =	shalt  }
0x50: {  	_ =	shalt  }
0x51: {  	_ =	shalt  }
0x52: {  	_ =	shalt  }
0x53: {  	_ =	shalt  }
0x54: {  	_ =	shalt  }
0x55: {  	_ =	shalt  }
0x56: {  	_ =	shalt  }
0x57: {  	_ =	shalt  }
0x58: {  	_ =	shalt  }
0x59: {  	_ =	shalt  }
0x5a: {  	_ =	shalt  }
0x5b: {  	_ =	shalt  }
0x5c: {  	_ =	shalt  }
0x5d: {  	_ =	shalt  }
0x5e: {  	_ =	shalt  }
0x5f: {  	_ =	shalt  }
0x60: {  	_ =	shalt  }
0x61: {  	_ =	shalt  }
0x62: {  	_ =	shalt  }
0x63: {  	_ =	shalt  }
0x64: {  	_ =	shalt  }
0x65: {  	_ =	shalt  }
0x66: {  	_ =	shalt  }
0x67: {  	_ =	shalt  }
0x68: {  	_ =	shalt  }
0x69: {  	_ =	shalt  }
0x6a: {  	_ =	shalt  }
0x6b: {  	_ =	shalt  }
0x6c: {  	_ =	shalt  }
0x6d: {  	_ =	shalt  }
0x6e: {  	_ =	shalt  }
0x6f: {  	_ =	shalt  }
0x70: {  	_ =	shalt  }
0x71: {  	_ =	shalt  }
0x72: {  	_ =	shalt  }
0x73: {  	_ =	shalt  }
0x74: {  	_ =	shalt  }
0x75: {  	_ =	shalt  }
0x76: {  	_ =	shalt  }
0x77: {  	_ =	shalt  }
0x78: {  	_ =	shalt  }
0x79: {  	_ =	shalt  }
0x7a: {  	_ =	shalt  }
0x7b: {  	_ =	shalt  }
0x7c: {  	_ =	shalt  }
0x7d: {  	_ =	shalt  }
0x7e: {  	_ =	shalt  }
0x7f: {  	_ =	shalt  }
0x80: {  	_ =	shalt  }
0x81: {  	_ =	shalt  }
0x82: {  	_ =	shalt  }
0x83: {  	_ =	shalt  }
0x84: {  	_ =	shalt  }
0x85: {  	_ =	shalt  }
0x86: {  	_ =	shalt  }
0x87: {  	_ =	shalt  }
.Lfunc_end0:
.L_simem_size_0:
called_computation_lowered:
.L_overlay_start_0:
0x88: {  	s2 =	sld [smem:$0x3FD9]  }
0x89: {  	s3 =	sld [smem:$0x3FFE];
	_ =	sdelay $0x1  }
0x8a: {  	s1 =	srdreg.scid  }
0x8b: {  	s0 =	sand.u32 $0x1, s1  }
0x8c: {  	s17 =	sshll.u32 s0, $0xA;
	s2 =	sadd.s32 s3, s2  }
0x8d: {  	s2 =	sadd.s32 s2, s17  }
0x8e: {  	[smem:$0x3FC5] =	sst s2  }
0x8f: {  	_ = 	snop  }
0x90: {  	s2 =	sld [smem:$0x3FC8]  }
0x91: {  	s18 =	sld [smem:$0x3FC7]  }
0x92: {  	s4 =	sld [smem:$0x3FD0];
	(tm) =	ssettm $0x1  }
0x93: {  	s5 =	sld [smem:$0x3FFB];
	_ =	sdelay $0x3  }
0x94: {  	_ =	strace s5  }
0x95: {  	s5 =	sld [smem:$0x3FFC];
	_ =	sdelay $0x3  }
0x96: {  	_ =	strace s5  }
0x97: {  	s5 =	sld [smem:$0x3FFD];
	_ =	sdelay $0x3  }
0x98: {  	_ =	strace s5  }
0x99: {  	_ =	strace $0x8FFFFFFF  }
0x9a: {  	s19 =	sld [smem:$0x3FDB];
	_ =	sdelay $0x1  }
0x9b: {  	s6 =	simm.s32 $_scs_section_size  }
0x9c: {  	s7 =	simm.s32 $_size__tile_overlayer_lowered;
	s8 =	simm.s32 $_tile_overlayer_lowered  }
0x9d: {  	s22 =	simm.s32 $0x1BFF;
	s21 =	sshll.u32 s8, $0x1;
	s5 =	sadd.s32 s6, s19  }
0x9e: {  	s9 =	simm.s32 $0x0;
	s20 =	sshll.u32 s7, $0x1;
	s7 =	sadd.s32 s21, s5  }
0x9f: {  	[timem:s9], [sflag:s22] =	dma.local [hbm:s7], s20  }
0xa0: {  	_ =	swait.ge [sflag:s22], s20  }
0xa1: {  	s6 =	ssub.s32 $0x0, s20;
	[sflag:s22] =	ssyncset.done $0x0  }
0xa2: {  	[sflag:s22] =	ssyncadd.s32 s6;
	_ =	sdelay $0x1  }
0xa3: {  	s23 =	simm.s32 $0x1B8B  }
0xa4: {  	_ =	swait.ge [sflag:s23], $0x1  }
0xa5: {  	[sflag:s23] =	ssyncset.done $0x0  }
0xa6: {  	s25 =	simm.s32 $0x1B8E;
	s24 =	sld [smem:$0x3FFE];
	[sflag:s23] =	ssyncadd.s32 $0xFFFFFFFF  }
0xa7: {  	s26 =	simm.s32 $execute0_lowered;
	[smem:$0x3FD2] =	sst s25  }
0xa8: {  	s7 =	sshll.u32 s26, $0x1;
	_ =	strace $0x80000046;
	[dreg:$0x1] =	wrdreg $0xFFFFFFFF  }
0xa9: {  	s28 =	simm.s32 $_size_execute0_lowered;
	s5 =	sadd.s32 s5, s7;
	[dreg:$0x0] =	wrdreg $0x0  }
0xaa: {  	s7 =	sshll.u32 s28, $0x1;
	[dreg:$0x2] =	wrdreg s5  }
0xab: {  	[dreg:$0x3] =	wrdreg s7  }
0xac: {  	[dreg:$0x4] =	wrdreg $0xC0  }
0xad: {  	_ =	task [dreg:s9], $0x5FFFF  }
0xae: {  	[dreg:$0x1] =	wrdreg $0xFFFFFFFF  }
0xaf: {  	[dreg:$0x0] =	wrdreg $0x60  }
0xb0: {  	[dreg:$0x2] =	wrdreg s24  }
0xb1: {  	[dreg:$0x3] =	wrdreg s2  }
0xb2: {  	[dreg:$0x4] =	wrdreg s18  }
0xb3: {  	[dreg:$0x5] =	wrdreg s4  }
0xb4: {  	[dreg:$0x6] =	wrdreg $0x9  }
0xb5: {  	_ =	task.clear_ibuf [dreg:s9], $0x7FFFF;
	_ =	strace $0x90000046  }
0xb6: {  	s29 =	simm.s32 $0x9;
	_ =	strace $0x80000048  }
0xb7: {  	_ =	swait.ge [sflag:s29], $0x1  }
0xb8: {  	[sflag:s29] =	ssyncadd.s32 $0xFFFFFFFF  }
0xb9: {  	_ =	strace $0x90000048  }
0xba: {  	_ =	sfence  }
0xbb: {  	s30 =	sld [smem:$0x0];
	_ =	sdelay $0x2  }
0xbc: {  	s31 =	sshll.u32 s1, $0xD;
	s1 =	sshrl.u32 s1, $0x2  }
0xbd: {  	s3 =	sand.u32 $0x4000, s31;
	s1 =	sadd.s32 s1, s30  }
0xbe: {  	s0 =	sor.u32 s3, s0;
	s1 =	sshll.u32 s1, $0x11  }
0xbf: {  	s0 =	sor.u32 s1, s0  }
0xc0: {  	s0 =	sadd.s32 $0x8F2B, s0  }
0xc1: {  	[sflag:s0] =	ssyncadd.remote.s32 $0x1  }
0xc2: {  	_ =	sfence.sel $0xFFFF  }
0xc3: {  	[dreg:$0x0] =	wrdreg $0xFFFFFFFF;
	(pc) =	sbr.abs _section_cstart, $3  }
0xc4: {  	[dreg:$0x1] =	wrdreg $0xFFFFFFFF  }
0xc5: {  	_ =	task.clear_ibuf [dreg:s9], $0x2FFFF;
	_ =	strace $0x9FFFFFFF  }
0xc6: {  	(tm) =	ssettm $0x7FFFFFFF  }
0xc7: {  	_ =	shalt  }
tec
execute0_lowered:
.L_overlay_start_1:
0x0: {  	(tag) =	ssettag $0x1  }
0x1: {  	s0 =	rddreg [dreg:$0x0]  }
0x2: {  	s1 =	rddreg [dreg:$0x1]  }
0x3: {  	s4 =	rddreg [dreg:$0x2]  }
0x4: {  	s5 =	rddreg [dreg:$0x3];
	s2 =	simm.s32 $0x0;
	s3 =	srdreg.scid  }
0x5: {  	s7 =	stileid.u32;
	s28 =	simm.s32 $0x1600;
	s29 =	simm.s32 $0x1E00  }
0x6: {  	s30 =	simm.s32 $0x2600;
	s31 =	simm.s32 $0x2E00;
	[smem:$0x7FF] =	sst s2  }
0x7: {  	s6 =	sand.u32 $0x1, s3;
	s7 =	sshll.u32 s7, $0xA;
	s3 =	sadd.s32 $0x1000, s0  }
0x8: {  	s0 =	sadd.s32 $0x201000, s0;
	s8 =	sshll.u32 s6, $0x9;
	s6 =	ssub.s32 $0x2, s6  }
0x9: {  	_ =	strace $0x80000047;
	s7 =	sor.u32 s8, s7;
	s25 =	sshrl.u32 s6, $0x1  }
0xa: {  	s9 =	sshrl.u32 s7, $0x3;
	s6 =	ssub.s32 s6, s25;
	s7 =	sshll.u32 s7, $0x5  }
0xb: {  	s26 =	sand.u32 $0x1C0, s9;
	s8 =	sadd.s32 s4, s9;
	s9 =	sor.u32 $0x800, s7  }
0xc: {  	s10 =	sadd.s32 s0, s7;
	s12 =	sor.u32 $0x1000, s7;
	[dreg:$0x6] =	wrdreg s8  }
0xd: {  	s13 =	sadd.s32 s5, s7;
	s15 =	sor.u32 $0x1800, s7;
	[dreg:$0x7] =	wrdreg s10  }
0xe: {  	s17 =	sor.u32 $0x2000, s7;
	s1 =	sadd.s32 s1, s26;
	[dreg:$0x9] =	wrdreg s13  }
0xf: {  	s19 =	sor.u32 $0x2800, s7;
	s11 =	sadd.s32 s0, s9;
	[dreg:$0x5] =	wrdreg s1  }
0x10: {  	s21 =	sor.u32 $0x3000, s7;
	s14 =	sadd.s32 s0, s12;
	[dreg:$0x8] =	wrdreg s11  }
0x11: {  	s23 =	sor.u32 $0x3800, s7;
	s16 =	sadd.s32 s0, s15;
	[dreg:$0xa] =	wrdreg s14  }
0x12: {  	s7 =	simm.s32 $0x4E00;
	s4 =	sadd.s32 s5, s12;
	[dreg:$0xc] =	wrdreg s16  }
0x13: {  	s18 =	sadd.s32 s0, s17;
	s8 =	sadd.s32 s5, s15;
	[dreg:$0xd] =	wrdreg s4  }
0x14: {  	s20 =	sadd.s32 s0, s19;
	s22 =	sadd.s32 s0, s21;
	[dreg:$0xe] =	wrdreg s18  }
0x15: {  	s0 =	sadd.s32 s0, s23;
	s24 =	sadd.s32 s5, s21;
	[dreg:$0xf] =	wrdreg s8  }
0x16: {  	s25 =	sadd.s32 s5, s23;
	s26 =	smax.u32 s6, $0x1;
	[dreg:$0x10] =	wrdreg s20  }
0x17: {  	s23 =	simm.s32 $0x5;
	s6 =	simm.s32 $0x4600;
	[dreg:$0x12] =	wrdreg s22  }
0x18: {  	s10 =	simm.s32 $0x6600;
	s12 =	simm.s32 $0x7600;
	[dreg:$0x14] =	wrdreg s0  }
0x19: {  	s13 =	simm.s32 $0x7E00;
	s15 =	simm.s32 $0x2;
	[dreg:$0x15] =	wrdreg s24  }
0x1a: {  	s1 =	sadd.s32 s5, s9;
	s4 =	sadd.s32 s5, s19;
	[dreg:$0x16] =	wrdreg s25  }
0x1b: {  	[dreg:$0x17] =	wrdreg s26;
	s25 =	simm.s32 $0x600;
	s26 =	simm.s32 $0xE00  }
0x1c: {  	s0 =	simm.s32 $0x3600;
	s24 =	simm.s32 $0x8600;
	s8 =	simm.s32 $0x5600  }
0x1d: {  	s9 =	simm.s32 $0x5E00;
	s11 =	simm.s32 $0x6E00;
	s14 =	simm.s32 $0xC600  }
0x1e: {  	v2 =	vlaneseq.u32;
	s16 =	simm.s32 $0x4;
	[dreg:$0xb] =	wrdreg s1;
	s1 =	sadd.s32 s5, s17  }
0x1f: {  	vm0 =	vmmov $0xffff;
	v1 =	vshrl.u32 v2, $0x3;
	[dreg:$0x13] =	wrdreg s4;
	s4 =	simm.s32 $0x1;
	s5 =	simm.s32 $0x3  }
0x20: {  	v0 =	vand.u32 $0x7, v2;
	v2 =	vor.u32 $0x8, v2;
	v1 =	vmul.u32 $0x8, v1;
	s17 =	simm.s32 $0x0;
	[dreg:$0x11] =	wrdreg s1;
	s1 =	simm.s32 $0x3E00  }
.LBB2_1:
0x21: {  	s18 =	rddreg [dreg:$0x5]  }
0x22: {  	[tilespmem:s2], [sflag:$0x5] =	stream.linear.gather [hbm4b:s18+s2], $0x200, $0x38;
	[tilespmem:$0x10600] =	vst v63  }
0x23: {  	_ =	swait.ge [sflag:s23], $0x200  }
0x24: {  	[sflag:s23] =	ssyncset.done $0x0  }
0x25: {  	s19 =	simm.s32 $0x200;
	s22 =	rddreg [dreg:$0x6];
	[sflag:s23] =	ssyncadd.s32 $0xFFFFFE00  }
0x26: {  	[tilespmem:s19], [sflag:$0x5] =	stream.linear.gather [hbm4b:s22+s2], $0x200, $0x38;
	[tilespmem:$0x10600] =	vst v63  }
0x27: {  	_ =	swait.ge [sflag:s23], $0x200  }
0x28: {  	[sflag:s23] =	ssyncset.done $0x0  }
0x29: {  	s18 =	simm.s32 $0x0;
	[sflag:s23] =	ssyncadd.s32 $0xFFFFFE00  }
0x2a: {  	v3 =	vld [tilespmem:s18+$0x0]  }
0x2b: {  	s19 =	simm.s32 $0x40;
	v4 =	vld [tilespmem:s18+$0x200]  }
.LBB2_2:
0x2c: {  	p0 =	sne.s32 s19, $0x7C0  }
.Ltmp0:
0x2d: {  	_ = 	snop;
	(pc) =	sbr.rel @p0 .LBB2_2-.Ltmp0, $4  }
0x2e: {  	_ = 	snop  }
0x2f: {  	s20 =	sshra.s32 s19, $0x2;
	s19 =	sadd.s32 $0x40, s19;
	v5 =	vshll.u32 v3, $0xC  }
0x30: {  	v3 =	vld [tilespmem:s20+$0x0];
	v5 =	vadd.s32 v4, v5  }
0x31: {  	v4 =	vld [tilespmem:s20+$0x200];
	[tilespmem:s18+$0x400] =	vst v5;
	s18 =	smov.u32 s20  }
0x32: {  	_ =	sdelay $0x2  }
0x33: {  	v3 =	vshll.u32 v3, $0xC  }
0x34: {  	v3 =	vadd.s32 v4, v3  }
0x35: {  	[tilespmem:s18+$0x400] =	vst v3  }
0x36: {  	v3 =	vld [tilespmem:$0x400];
	_ =	sdelay $0x4  }
0x37: {  	v4 =	vshll.u32 v3, $0x1  }
0x38: {  	v3 =	vand.u32 $0x7, v3;
	v4 =	vand.u32 $0xFFFFFFF0, v4  }
0x39: {  	v3 =	vor.u32 v3, v4  }
0x3a: {  	v4 =	vperm.xlane v3, v0;
	_ =	sdelay $0x1  }
0x3b: {  	v3 =	vperm.xlane v3, v2;
	v4 =	vadd.s32 v1, v4;
	_ =	sdelay $0x1  }
0x3c: {  	v3 =	vadd.s32 v1, v3;
	_ =	sdelay $0x1  }
0x3d: {  	s20 =	simm.s32 $0x0  }
0x3e: {  	[tilespmem:s25], [sflag:$0x1] =	stream.indirect_vreg.gather [hbm4b:s3+s20], $0x80, v4, vm0, $0xb8;
	[tilespmem:$0x10600] =	vst v63  }
0x3f: {  	_ = 	snop  }
0x40: {  	[tilespmem:s26], [sflag:$0x1] =	stream.indirect_vreg.gather [hbm4b:s3+s20], $0x80, v3, vm0, $0xb8;
	[tilespmem:$0x10600] =	vst v63  }
0x41: {  	v3 =	vld [tilespmem:$0x410];
	_ =	sdelay $0x4  }
0x42: {  	v4 =	vshll.u32 v3, $0x1  }
0x43: {  	v3 =	vand.u32 $0x7, v3;
	v4 =	vand.u32 $0xFFFFFFF0, v4  }
0x44: {  	v3 =	vor.u32 v3, v4  }
0x45: {  	v4 =	vperm.xlane v3, v0;
	_ =	sdelay $0x1  }
0x46: {  	v3 =	vperm.xlane v3, v2;
	v4 =	vadd.s32 v1, v4;
	_ =	sdelay $0x1  }
0x47: {  	v3 =	vadd.s32 v1, v3;
	_ =	sdelay $0x2  }
0x48: {  	[tilespmem:s28], [sflag:$0x1] =	stream.indirect_vreg.gather [hbm4b:s3+s20], $0x80, v4, vm0, $0xb8;
	[tilespmem:$0x10600] =	vst v63  }
0x49: {  	_ = 	snop  }
0x4a: {  	[tilespmem:s29], [sflag:$0x1] =	stream.indirect_vreg.gather [hbm4b:s3+s20], $0x80, v3, vm0, $0xb8;
	[tilespmem:$0x10600] =	vst v63  }
0x4b: {  	v3 =	vld [tilespmem:$0x420];
	_ =	sdelay $0x4  }
0x4c: {  	v4 =	vshll.u32 v3, $0x1  }
0x4d: {  	v3 =	vand.u32 $0x7, v3;
	v4 =	vand.u32 $0xFFFFFFF0, v4  }
0x4e: {  	v3 =	vor.u32 v3, v4  }
0x4f: {  	v4 =	vperm.xlane v3, v0;
	_ =	sdelay $0x1  }
0x50: {  	v3 =	vperm.xlane v3, v2;
	v4 =	vadd.s32 v1, v4;
	_ =	sdelay $0x1  }
0x51: {  	v3 =	vadd.s32 v1, v3;
	_ =	sdelay $0x2  }
0x52: {  	[tilespmem:s30], [sflag:$0x1] =	stream.indirect_vreg.gather [hbm4b:s3+s20], $0x80, v4, vm0, $0xb8;
	[tilespmem:$0x10600] =	vst v63  }
0x53: {  	_ = 	snop  }
0x54: {  	[tilespmem:s31], [sflag:$0x1] =	stream.indirect_vreg.gather [hbm4b:s3+s20], $0x80, v3, vm0, $0xb8;
	[tilespmem:$0x10600] =	vst v63  }
0x55: {  	v3 =	vld [tilespmem:$0x430];
	_ =	sdelay $0x4  }
0x56: {  	v4 =	vshll.u32 v3, $0x1  }
0x57: {  	v3 =	vand.u32 $0x7, v3;
	v4 =	vand.u32 $0xFFFFFFF0, v4  }
0x58: {  	v3 =	vor.u32 v3, v4  }
0x59: {  	v4 =	vperm.xlane v3, v0;
	_ =	sdelay $0x1  }
0x5a: {  	v3 =	vperm.xlane v3, v2;
	v4 =	vadd.s32 v1, v4;
	_ =	sdelay $0x1  }
0x5b: {  	v3 =	vadd.s32 v1, v3;
	_ =	sdelay $0x2  }
0x5c: {  	[tilespmem:s0], [sflag:$0x1] =	stream.indirect_vreg.gather [hbm4b:s3+s20], $0x80, v4, vm0, $0xb8;
	[tilespmem:$0x10600] =	vst v63  }
0x5d: {  	_ = 	snop  }
0x5e: {  	[tilespmem:s1], [sflag:$0x1] =	stream.indirect_vreg.gather [hbm4b:s3+s20], $0x80, v3, vm0, $0xb8;
	[tilespmem:$0x10600] =	vst v63  }
0x5f: {  	s19 =	rddreg [dreg:$0x7]  }
0x60: {  	[tilespmem:s24], [sflag:$0x3] =	stream.linear.gather [hbm4b:s19+s20], $0x4000, $0x38;
	[tilespmem:$0x10600] =	vst v63  }
0x61: {  	_ =	swait.ge [sflag:s4], $0x4000  }
0x62: {  	[sflag:s4] =	ssyncset.done $0x0  }
0x63: {  	[sflag:s4] =	ssyncadd.s32 $0xFFFFC000  }
0x64: {  	_ =	swait.ge [sflag:s5], $0x4000  }
0x65: {  	[sflag:s5] =	ssyncset.done $0x0  }
0x66: {  	[sflag:s5] =	ssyncadd.s32 $0xFFFFC000  }
0x67: {  	v3 =	vld [tilespmem:$0x440];
	_ =	sdelay $0x4  }
0x68: {  	v4 =	vshll.u32 v3, $0x1  }
0x69: {  	v3 =	vand.u32 $0x7, v3;
	v4 =	vand.u32 $0xFFFFFFF0, v4  }
0x6a: {  	v3 =	vor.u32 v3, v4  }
0x6b: {  	v4 =	vperm.xlane v3, v0;
	_ =	sdelay $0x1  }
0x6c: {  	v3 =	vperm.xlane v3, v2;
	v4 =	vadd.s32 v1, v4;
	_ =	sdelay $0x1  }
0x6d: {  	v3 =	vadd.s32 v1, v3;
	_ =	sdelay $0x2  }
0x6e: {  	[tilespmem:s6], [sflag:$0x2] =	stream.indirect_vreg.gather [hbm4b:s3+s20], $0x80, v4, vm0, $0xb8;
	[tilespmem:$0x10600] =	vst v63  }
0x6f: {  	_ = 	snop  }
0x70: {  	[tilespmem:s7], [sflag:$0x2] =	stream.indirect_vreg.gather [hbm4b:s3+s20], $0x80, v3, vm0, $0xb8;
	[tilespmem:$0x10600] =	vst v63  }
0x71: {  	v3 =	vld [tilespmem:$0x450];
	_ =	sdelay $0x4  }
0x72: {  	v4 =	vshll.u32 v3, $0x1  }
0x73: {  	v3 =	vand.u32 $0x7, v3;
	v4 =	vand.u32 $0xFFFFFFF0, v4  }
0x74: {  	v3 =	vor.u32 v3, v4  }
0x75: {  	v4 =	vperm.xlane v3, v0;
	_ =	sdelay $0x1  }
0x76: {  	v3 =	vperm.xlane v3, v2;
	v4 =	vadd.s32 v1, v4;
	_ =	sdelay $0x1  }
0x77: {  	v3 =	vadd.s32 v1, v3;
	_ =	sdelay $0x2  }
0x78: {  	[tilespmem:s8], [sflag:$0x2] =	stream.indirect_vreg.gather [hbm4b:s3+s20], $0x80, v4, vm0, $0xb8;
	[tilespmem:$0x10600] =	vst v63  }
0x79: {  	_ = 	snop  }
0x7a: {  	[tilespmem:s9], [sflag:$0x2] =	stream.indirect_vreg.gather [hbm4b:s3+s20], $0x80, v3, vm0, $0xb8;
	[tilespmem:$0x10600] =	vst v63  }
0x7b: {  	v3 =	vld [tilespmem:$0x460];
	_ =	sdelay $0x4  }
0x7c: {  	v4 =	vshll.u32 v3, $0x1  }
0x7d: {  	v3 =	vand.u32 $0x7, v3;
	v4 =	vand.u32 $0xFFFFFFF0, v4  }
0x7e: {  	v3 =	vor.u32 v3, v4  }
0x7f: {  	v4 =	vperm.xlane v3, v0;
	_ =	sdelay $0x1  }
0x80: {  	v3 =	vperm.xlane v3, v2;
	v4 =	vadd.s32 v1, v4;
	_ =	sdelay $0x1  }
0x81: {  	v3 =	vadd.s32 v1, v3;
	_ =	sdelay $0x2  }
0x82: {  	[tilespmem:s10], [sflag:$0x2] =	stream.indirect_vreg.gather [hbm4b:s3+s20], $0x80, v4, vm0, $0xb8;
	[tilespmem:$0x10600] =	vst v63  }
0x83: {  	_ = 	snop  }
0x84: {  	[tilespmem:s11], [sflag:$0x2] =	stream.indirect_vreg.gather [hbm4b:s3+s20], $0x80, v3, vm0, $0xb8;
	[tilespmem:$0x10600] =	vst v63  }
0x85: {  	v3 =	vld [tilespmem:$0x470];
	_ =	sdelay $0x4  }
0x86: {  	v4 =	vshll.u32 v3, $0x1  }
0x87: {  	v3 =	vand.u32 $0x7, v3;
	v4 =	vand.u32 $0xFFFFFFF0, v4  }
0x88: {  	v3 =	vor.u32 v3, v4  }
0x89: {  	v4 =	vperm.xlane v3, v0;
	_ =	sdelay $0x1  }
0x8a: {  	v3 =	vperm.xlane v3, v2;
	v4 =	vadd.s32 v1, v4;
	_ =	sdelay $0x1  }
0x8b: {  	v3 =	vadd.s32 v1, v3;
	_ =	sdelay $0x2  }
0x8c: {  	[tilespmem:s12], [sflag:$0x2] =	stream.indirect_vreg.gather [hbm4b:s3+s20], $0x80, v4, vm0, $0xb8;
	[tilespmem:$0x10600] =	vst v63  }
0x8d: {  	s22 =	sand.u32 $0x3800, s20;
	s18 =	sand.u32 $0x380, s20  }
0x8e: {  	[tilespmem:s13], [sflag:$0x2] =	stream.indirect_vreg.gather [hbm4b:s3+s20], $0x80, v3, vm0, $0xb8;
	[tilespmem:$0x10600] =	vst v63  }
0x8f: {  	s18 =	sor.u32 s18, s22;
	s21 =	rddreg [dreg:$0x8]  }
0x90: {  	[tilespmem:s14], [sflag:$0x4] =	stream.linear.gather [hbm4b:s21+s20], $0x4000, $0x38;
	[tilespmem:$0x10600] =	vst v63  }
0x91: {  	v10 =	vld [tilespmem:s18+$0x8600]  }
0x92: {  	v11 =	vld [tilespmem:s18+$0x8610]  }
0x93: {  	v12 =	vld [tilespmem:s18+$0x8620]  }
0x94: {  	v13 =	vld [tilespmem:s18+$0x8630]  }
0x95: {  	v14 =	vld [tilespmem:s18+$0x8640]  }
0x96: {  	v15 =	vld [tilespmem:s18+$0x8650]  }
0x97: {  	v16 =	vld [tilespmem:s18+$0x8660]  }
0x98: {  	v17 =	vld [tilespmem:s18+$0x8670]  }
0x99: {  	v18 =	vld [tilespmem:s18+$0x8A00]  }
0x9a: {  	v9 =	vld [tilespmem:s18+$0x8A10]  }
0x9b: {  	v8 =	vld [tilespmem:s18+$0x8A20]  }
0x9c: {  	v7 =	vld [tilespmem:s18+$0x8A30]  }
0x9d: {  	v6 =	vld [tilespmem:s18+$0x8A40]  }
0x9e: {  	v5 =	vld [tilespmem:s18+$0x8A50]  }
0x9f: {  	v4 =	vld [tilespmem:s18+$0x8A60]  }
0xa0: {  	v3 =	vld [tilespmem:s18+$0x8A70]  }
0xa1: {  	v19 =	vld [tilespmem:s18+$0x600]  }
0xa2: {  	v20 =	vld [tilespmem:s18+$0x610]  }
0xa3: {  	v21 =	vld [tilespmem:s18+$0x620]  }
0xa4: {  	v22 =	vld [tilespmem:s18+$0x630]  }
0xa5: {  	v23 =	vld [tilespmem:s18+$0x640]  }
0xa6: {  	v10 =	vadd.f32 v10, v19;
	v19 =	vld [tilespmem:s18+$0x650]  }
0xa7: {  	v61 =	vld [tilespmem:s18+$0x660];
	v11 =	vadd.f32 v11, v20  }
0xa8: {  	v62 =	vld [tilespmem:s18+$0x670];
	[tilespmem:s18+$0x600] =	vst v10;
	v10 =	vadd.f32 v12, v21  }
0xa9: {  	v63 =	vld [tilespmem:s18+$0xA00];
	[tilespmem:s18+$0x610] =	vst v11;
	v11 =	vadd.f32 v13, v22  }
0xaa: {  	v13 =	vld [tilespmem:s18+$0xA10];
	[tilespmem:s18+$0x620] =	vst v10;
	v10 =	vadd.f32 v14, v23  }
0xab: {  	v12 =	vld [tilespmem:s18+$0xA20];
	[tilespmem:s18+$0x630] =	vst v11;
	v11 =	vadd.f32 v15, v19  }
0xac: {  	v14 =	vadd.f32 v16, v61;
	[tilespmem:s18+$0x640] =	vst v10;
	v10 =	vld [tilespmem:s18+$0xA30]  }
0xad: {  	v16 =	vadd.f32 v17, v62;
	[tilespmem:s18+$0x650] =	vst v11;
	v11 =	vld [tilespmem:s18+$0xA40]  }
0xae: {  	s19 =	simm.s32 $0x80;
	s20 =	simm.s32 $0x100;
	v15 =	vadd.f32 v18, v63;
	[tilespmem:s18+$0x660] =	vst v14;
	v14 =	vld [tilespmem:s18+$0xA50]  }
.LBB2_4:
0xaf: {  	s21 =	sand.u32 $0x3800, s20;
	s22 =	sand.u32 $0x380, s19;
	p0 =	sne.s32 s20, $0x3F00;
	[tilespmem:s18+$0x670] =	vst v16;
	v9 =	vadd.f32 v9, v13;
	v13 =	vld [tilespmem:s18+$0xA60]  }
0xb0: {  	s21 =	sor.u32 s22, s21;
	[tilespmem:s18+$0xA00] =	vst v15;
	v8 =	vadd.f32 v8, v12;
	v12 =	vld [tilespmem:s18+$0xA70]  }
0xb1: {  	v15 =	vld [tilespmem:s21+$0x8600];
	[tilespmem:s18+$0xA10] =	vst v9;
	v7 =	vadd.f32 v7, v10  }
0xb2: {  	v10 =	vld [tilespmem:s21+$0x8610];
	[tilespmem:s18+$0xA20] =	vst v8;
	v6 =	vadd.f32 v6, v11  }
0xb3: {  	v11 =	vld [tilespmem:s21+$0x8620];
	[tilespmem:s18+$0xA30] =	vst v7;
	v5 =	vadd.f32 v5, v14  }
0xb4: {  	v14 =	vld [tilespmem:s21+$0x8630];
	[tilespmem:s18+$0xA40] =	vst v6;
	v4 =	vadd.f32 v4, v13  }
0xb5: {  	v13 =	vld [tilespmem:s21+$0x8640];
	[tilespmem:s18+$0xA50] =	vst v5;
	v3 =	vadd.f32 v3, v12  }
0xb6: {  	v12 =	vld [tilespmem:s21+$0x8650];
	[tilespmem:s18+$0xA60] =	vst v4  }
0xb7: {  	v16 =	vld [tilespmem:s21+$0x8660];
	[tilespmem:s18+$0xA70] =	vst v3;
	s18 =	smov.u32 s21  }
0xb8: {  	v17 =	vld [tilespmem:s18+$0x8670]  }
0xb9: {  	v18 =	vld [tilespmem:s18+$0x8A00]  }
0xba: {  	v9 =	vld [tilespmem:s18+$0x8A10]  }
0xbb: {  	v8 =	vld [tilespmem:s18+$0x8A20]  }
0xbc: {  	v7 =	vld [tilespmem:s18+$0x8A30]  }
0xbd: {  	v6 =	vld [tilespmem:s18+$0x8A40]  }
0xbe: {  	v5 =	vld [tilespmem:s18+$0x8A50]  }
0xbf: {  	v4 =	vld [tilespmem:s18+$0x8A60]  }
0xc0: {  	v3 =	vld [tilespmem:s18+$0x8A70]  }
0xc1: {  	v19 =	vld [tilespmem:s18+$0x600]  }
0xc2: {  	v20 =	vld [tilespmem:s18+$0x610]  }
0xc3: {  	v21 =	vld [tilespmem:s18+$0x620]  }
0xc4: {  	v22 =	vld [tilespmem:s18+$0x630]  }
0xc5: {  	v23 =	vld [tilespmem:s18+$0x640]  }
0xc6: {  	v15 =	vadd.f32 v15, v19;
	v19 =	vld [tilespmem:s18+$0x650]  }
0xc7: {  	v10 =	vadd.f32 v10, v20;
	v20 =	vld [tilespmem:s18+$0x660]  }
0xc8: {  	[tilespmem:s18+$0x600] =	vst v15;
	v11 =	vadd.f32 v11, v21;
	v15 =	vld [tilespmem:s18+$0x670]  }
0xc9: {  	[tilespmem:s18+$0x610] =	vst v10;
	v10 =	vadd.f32 v14, v22;
	v14 =	vld [tilespmem:s18+$0xA00]  }
.Ltmp1:
0xca: {  	[tilespmem:s18+$0x620] =	vst v11;
	v11 =	vadd.f32 v13, v23;
	v13 =	vld [tilespmem:s18+$0xA10];
	(pc) =	sbr.rel @p0 .LBB2_4-.Ltmp1, $4  }
0xcb: {  	[tilespmem:s18+$0x630] =	vst v10;
	v19 =	vadd.f32 v12, v19;
	v12 =	vld [tilespmem:s18+$0xA20]  }
0xcc: {  	[tilespmem:s18+$0x640] =	vst v11;
	v20 =	vadd.f32 v16, v20;
	v10 =	vld [tilespmem:s18+$0xA30]  }
0xcd: {  	[tilespmem:s18+$0x650] =	vst v19;
	v16 =	vadd.f32 v17, v15;
	v11 =	vld [tilespmem:s18+$0xA40]  }
0xce: {  	s19 =	sadd.s32 $0x80, s19;
	s20 =	sadd.s32 $0x100, s20;
	[tilespmem:s18+$0x660] =	vst v20;
	v15 =	vadd.f32 v18, v14;
	v14 =	vld [tilespmem:s18+$0xA50]  }
0xcf: {  	[tilespmem:s18+$0x670] =	vst v16;
	v9 =	vadd.f32 v9, v13;
	v13 =	vld [tilespmem:s18+$0xA60]  }
0xd0: {  	[tilespmem:s18+$0xA00] =	vst v15;
	v8 =	vadd.f32 v8, v12;
	v12 =	vld [tilespmem:s18+$0xA70]  }
0xd1: {  	[tilespmem:s18+$0xA10] =	vst v9;
	v7 =	vadd.f32 v7, v10  }
0xd2: {  	[tilespmem:s18+$0xA20] =	vst v8;
	v6 =	vadd.f32 v6, v11  }
0xd3: {  	[tilespmem:s18+$0xA30] =	vst v7;
	v5 =	vadd.f32 v5, v14  }
0xd4: {  	[tilespmem:s18+$0xA40] =	vst v6;
	v4 =	vadd.f32 v4, v13  }
0xd5: {  	[tilespmem:s18+$0xA50] =	vst v5;
	v3 =	vadd.f32 v3, v12  }
0xd6: {  	[tilespmem:s18+$0xA60] =	vst v4  }
0xd7: {  	s20 =	simm.s32 $0x0;
	s19 =	rddreg [dreg:$0x9];
	[tilespmem:s18+$0xA70] =	vst v3  }
0xd8: {  	[hbm4b:s19+s20] =	stream.linear.scatter [tilespmem:s25], [sflag:$0x5], $0x4000, $0x38;
	[tilespmem:$0x10600] =	vst v63  }
0xd9: {  	_ =	swait.ge [sflag:s23], $0x4000  }
0xda: {  	[sflag:s23] =	ssyncset.done $0x0  }
0xdb: {  	[sflag:s23] =	ssyncadd.s32 $0xFFFFC000  }
0xdc: {  	_ =	swait.ge [sflag:s15], $0x4000  }
0xdd: {  	[sflag:s15] =	ssyncset.done $0x0  }
0xde: {  	[sflag:s15] =	ssyncadd.s32 $0xFFFFC000  }
0xdf: {  	_ =	swait.ge [sflag:s16], $0x4000  }
0xe0: {  	[sflag:s16] =	ssyncset.done $0x0  }
0xe1: {  	[sflag:s16] =	ssyncadd.s32 $0xFFFFC000  }
0xe2: {  	v3 =	vld [tilespmem:$0x480];
	_ =	sdelay $0x4  }
0xe3: {  	v4 =	vshll.u32 v3, $0x1  }
0xe4: {  	v3 =	vand.u32 $0x7, v3;
	v4 =	vand.u32 $0xFFFFFFF0, v4  }
0xe5: {  	v3 =	vor.u32 v3, v4  }
0xe6: {  	v4 =	vperm.xlane v3, v0;
	_ =	sdelay $0x1  }
0xe7: {  	v3 =	vperm.xlane v3, v2;
	v4 =	vadd.s32 v1, v4;
	_ =	sdelay $0x1  }
0xe8: {  	v3 =	vadd.s32 v1, v3;
	_ =	sdelay $0x2  }
0xe9: {  	[tilespmem:s25], [sflag:$0x1] =	stream.indirect_vreg.gather [hbm4b:s3+s20], $0x80, v4, vm0, $0xb8;
	[tilespmem:$0x10600] =	vst v63  }
0xea: {  	_ = 	snop  }
0xeb: {  	[tilespmem:s26], [sflag:$0x1] =	stream.indirect_vreg.gather [hbm4b:s3+s20], $0x80, v3, vm0, $0xb8;
	[tilespmem:$0x10600] =	vst v63  }
0xec: {  	v3 =	vld [tilespmem:$0x490];
	_ =	sdelay $0x4  }
0xed: {  	v4 =	vshll.u32 v3, $0x1  }
0xee: {  	v3 =	vand.u32 $0x7, v3;
	v4 =	vand.u32 $0xFFFFFFF0, v4  }
0xef: {  	v3 =	vor.u32 v3, v4  }
0xf0: {  	v4 =	vperm.xlane v3, v0;
	_ =	sdelay $0x1  }
0xf1: {  	v3 =	vperm.xlane v3, v2;
	v4 =	vadd.s32 v1, v4;
	_ =	sdelay $0x1  }
0xf2: {  	v3 =	vadd.s32 v1, v3;
	_ =	sdelay $0x2  }
0xf3: {  	[tilespmem:s28], [sflag:$0x1] =	stream.indirect_vreg.gather [hbm4b:s3+s20], $0x80, v4, vm0, $0xb8;
	[tilespmem:$0x10600] =	vst v63  }
0xf4: {  	_ = 	snop  }
0xf5: {  	[tilespmem:s29], [sflag:$0x1] =	stream.indirect_vreg.gather [hbm4b:s3+s20], $0x80, v3, vm0, $0xb8;
	[tilespmem:$0x10600] =	vst v63  }
0xf6: {  	v3 =	vld [tilespmem:$0x4A0];
	_ =	sdelay $0x4  }
0xf7: {  	v4 =	vshll.u32 v3, $0x1  }
0xf8: {  	v3 =	vand.u32 $0x7, v3;
	v4 =	vand.u32 $0xFFFFFFF0, v4  }
0xf9: {  	v3 =	vor.u32 v3, v4  }
0xfa: {  	v4 =	vperm.xlane v3, v0;
	_ =	sdelay $0x1  }
0xfb: {  	v3 =	vperm.xlane v3, v2;
	v4 =	vadd.s32 v1, v4;
	_ =	sdelay $0x1  }
0xfc: {  	v3 =	vadd.s32 v1, v3;
	_ =	sdelay $0x2  }
0xfd: {  	[tilespmem:s30], [sflag:$0x1] =	stream.indirect_vreg.gather [hbm4b:s3+s20], $0x80, v4, vm0, $0xb8;
	[tilespmem:$0x10600] =	vst v63  }
0xfe: {  	_ = 	snop  }
0xff: {  	[tilespmem:s31], [sflag:$0x1] =	stream.indirect_vreg.gather [hbm4b:s3+s20], $0x80, v3, vm0, $0xb8;
	[tilespmem:$0x10600] =	vst v63  }
0x100: {  	v3 =	vld [tilespmem:$0x4B0];
	_ =	sdelay $0x4  }
0x101: {  	v4 =	vshll.u32 v3, $0x1  }
0x102: {  	v3 =	vand.u32 $0x7, v3;
	v4 =	vand.u32 $0xFFFFFFF0, v4  }
0x103: {  	v3 =	vor.u32 v3, v4  }
0x104: {  	v4 =	vperm.xlane v3, v0;
	_ =	sdelay $0x1  }
0x105: {  	v3 =	vperm.xlane v3, v2;
	v4 =	vadd.s32 v1, v4;
	_ =	sdelay $0x1  }
0x106: {  	v3 =	vadd.s32 v1, v3;
	_ =	sdelay $0x2  }
0x107: {  	[tilespmem:s0], [sflag:$0x1] =	stream.indirect_vreg.gather [hbm4b:s3+s20], $0x80, v4, vm0, $0xb8;
	[tilespmem:$0x10600] =	vst v63  }
0x108: {  	s22 =	sand.u32 $0x3800, s20;
	s18 =	sand.u32 $0x380, s20  }
0x109: {  	[tilespmem:s1], [sflag:$0x1] =	stream.indirect_vreg.gather [hbm4b:s3+s20], $0x80, v3, vm0, $0xb8;
	[tilespmem:$0x10600] =	vst v63  }
0x10a: {  	s18 =	sor.u32 s18, s22;
	s21 =	rddreg [dreg:$0xa]  }
0x10b: {  	[tilespmem:s24], [sflag:$0x3] =	stream.linear.gather [hbm4b:s21+s20], $0x4000, $0x38;
	[tilespmem:$0x10600] =	vst v63  }
0x10c: {  	v10 =	vld [tilespmem:s18+$0xC600]  }
0x10d: {  	v11 =	vld [tilespmem:s18+$0xC610]  }
0x10e: {  	v12 =	vld [tilespmem:s18+$0xC620]  }
0x10f: {  	v13 =	vld [tilespmem:s18+$0xC630]  }
0x110: {  	v14 =	vld [tilespmem:s18+$0xC640]  }
0x111: {  	v15 =	vld [tilespmem:s18+$0xC650]  }
0x112: {  	v16 =	vld [tilespmem:s18+$0xC660]  }
0x113: {  	v17 =	vld [tilespmem:s18+$0xC670]  }
0x114: {  	v18 =	vld [tilespmem:s18+$0xCA00]  }
0x115: {  	v9 =	vld [tilespmem:s18+$0xCA10]  }
0x116: {  	v8 =	vld [tilespmem:s18+$0xCA20]  }
0x117: {  	v7 =	vld [tilespmem:s18+$0xCA30]  }
0x118: {  	v6 =	vld [tilespmem:s18+$0xCA40]  }
0x119: {  	v5 =	vld [tilespmem:s18+$0xCA50]  }
0x11a: {  	v4 =	vld [tilespmem:s18+$0xCA60]  }
0x11b: {  	v3 =	vld [tilespmem:s18+$0xCA70]  }
0x11c: {  	v19 =	vld [tilespmem:s18+$0x4600]  }
0x11d: {  	v20 =	vld [tilespmem:s18+$0x4610]  }
0x11e: {  	v21 =	vld [tilespmem:s18+$0x4620]  }
0x11f: {  	v22 =	vld [tilespmem:s18+$0x4630]  }
0x120: {  	v23 =	vld [tilespmem:s18+$0x4640]  }
0x121: {  	v10 =	vadd.f32 v10, v19;
	v19 =	vld [tilespmem:s18+$0x4650]  }
0x122: {  	v61 =	vld [tilespmem:s18+$0x4660];
	v11 =	vadd.f32 v11, v20  }
0x123: {  	v62 =	vld [tilespmem:s18+$0x4670];
	[tilespmem:s18+$0x4600] =	vst v10;
	v10 =	vadd.f32 v12, v21  }
0x124: {  	v63 =	vld [tilespmem:s18+$0x4A00];
	[tilespmem:s18+$0x4610] =	vst v11;
	v11 =	vadd.f32 v13, v22  }
0x125: {  	v13 =	vld [tilespmem:s18+$0x4A10];
	[tilespmem:s18+$0x4620] =	vst v10;
	v10 =	vadd.f32 v14, v23  }
0x126: {  	v12 =	vld [tilespmem:s18+$0x4A20];
	[tilespmem:s18+$0x4630] =	vst v11;
	v11 =	vadd.f32 v15, v19  }
0x127: {  	v14 =	vadd.f32 v16, v61;
	[tilespmem:s18+$0x4640] =	vst v10;
	v10 =	vld [tilespmem:s18+$0x4A30]  }
0x128: {  	v16 =	vadd.f32 v17, v62;
	[tilespmem:s18+$0x4650] =	vst v11;
	v11 =	vld [tilespmem:s18+$0x4A40]  }
0x129: {  	s19 =	simm.s32 $0x80;
	s20 =	simm.s32 $0x100;
	v15 =	vadd.f32 v18, v63;
	[tilespmem:s18+$0x4660] =	vst v14;
	v14 =	vld [tilespmem:s18+$0x4A50]  }
.LBB2_6:
0x12a: {  	s21 =	sand.u32 $0x3800, s20;
	s22 =	sand.u32 $0x380, s19;
	p0 =	sne.s32 s20, $0x3F00;
	[tilespmem:s18+$0x4670] =	vst v16;
	v9 =	vadd.f32 v9, v13;
	v13 =	vld [tilespmem:s18+$0x4A60]  }
0x12b: {  	s21 =	sor.u32 s22, s21;
	[tilespmem:s18+$0x4A00] =	vst v15;
	v8 =	vadd.f32 v8, v12;
	v12 =	vld [tilespmem:s18+$0x4A70]  }
0x12c: {  	v15 =	vld [tilespmem:s21+$0xC600];
	[tilespmem:s18+$0x4A10] =	vst v9;
	v7 =	vadd.f32 v7, v10  }
0x12d: {  	v10 =	vld [tilespmem:s21+$0xC610];
	[tilespmem:s18+$0x4A20] =	vst v8;
	v6 =	vadd.f32 v6, v11  }
0x12e: {  	v11 =	vld [tilespmem:s21+$0xC620];
	[tilespmem:s18+$0x4A30] =	vst v7;
	v5 =	vadd.f32 v5, v14  }
0x12f: {  	v14 =	vld [tilespmem:s21+$0xC630];
	[tilespmem:s18+$0x4A40] =	vst v6;
	v4 =	vadd.f32 v4, v13  }
0x130: {  	v13 =	vld [tilespmem:s21+$0xC640];
	[tilespmem:s18+$0x4A50] =	vst v5;
	v3 =	vadd.f32 v3, v12  }
0x131: {  	v12 =	vld [tilespmem:s21+$0xC650];
	[tilespmem:s18+$0x4A60] =	vst v4  }
0x132: {  	v16 =	vld [tilespmem:s21+$0xC660];
	[tilespmem:s18+$0x4A70] =	vst v3;
	s18 =	smov.u32 s21  }
0x133: {  	v17 =	vld [tilespmem:s18+$0xC670]  }
0x134: {  	v18 =	vld [tilespmem:s18+$0xCA00]  }
0x135: {  	v9 =	vld [tilespmem:s18+$0xCA10]  }
0x136: {  	v8 =	vld [tilespmem:s18+$0xCA20]  }
0x137: {  	v7 =	vld [tilespmem:s18+$0xCA30]  }
0x138: {  	v6 =	vld [tilespmem:s18+$0xCA40]  }
0x139: {  	v5 =	vld [tilespmem:s18+$0xCA50]  }
0x13a: {  	v4 =	vld [tilespmem:s18+$0xCA60]  }
0x13b: {  	v3 =	vld [tilespmem:s18+$0xCA70]  }
0x13c: {  	v19 =	vld [tilespmem:s18+$0x4600]  }
0x13d: {  	v20 =	vld [tilespmem:s18+$0x4610]  }
0x13e: {  	v21 =	vld [tilespmem:s18+$0x4620]  }
0x13f: {  	v22 =	vld [tilespmem:s18+$0x4630]  }
0x140: {  	v23 =	vld [tilespmem:s18+$0x4640]  }
0x141: {  	v15 =	vadd.f32 v15, v19;
	v19 =	vld [tilespmem:s18+$0x4650]  }
0x142: {  	v10 =	vadd.f32 v10, v20;
	v20 =	vld [tilespmem:s18+$0x4660]  }
0x143: {  	[tilespmem:s18+$0x4600] =	vst v15;
	v11 =	vadd.f32 v11, v21;
	v15 =	vld [tilespmem:s18+$0x4670]  }
0x144: {  	[tilespmem:s18+$0x4610] =	vst v10;
	v10 =	vadd.f32 v14, v22;
	v14 =	vld [tilespmem:s18+$0x4A00]  }
.Ltmp2:
0x145: {  	[tilespmem:s18+$0x4620] =	vst v11;
	v11 =	vadd.f32 v13, v23;
	v13 =	vld [tilespmem:s18+$0x4A10];
	(pc) =	sbr.rel @p0 .LBB2_6-.Ltmp2, $4  }
0x146: {  	[tilespmem:s18+$0x4630] =	vst v10;
	v19 =	vadd.f32 v12, v19;
	v12 =	vld [tilespmem:s18+$0x4A20]  }
0x147: {  	[tilespmem:s18+$0x4640] =	vst v11;
	v20 =	vadd.f32 v16, v20;
	v10 =	vld [tilespmem:s18+$0x4A30]  }
0x148: {  	[tilespmem:s18+$0x4650] =	vst v19;
	v16 =	vadd.f32 v17, v15;
	v11 =	vld [tilespmem:s18+$0x4A40]  }
0x149: {  	s19 =	sadd.s32 $0x80, s19;
	s20 =	sadd.s32 $0x100, s20;
	[tilespmem:s18+$0x4660] =	vst v20;
	v15 =	vadd.f32 v18, v14;
	v14 =	vld [tilespmem:s18+$0x4A50]  }
0x14a: {  	[tilespmem:s18+$0x4670] =	vst v16;
	v9 =	vadd.f32 v9, v13;
	v13 =	vld [tilespmem:s18+$0x4A60]  }
0x14b: {  	[tilespmem:s18+$0x4A00] =	vst v15;
	v8 =	vadd.f32 v8, v12;
	v12 =	vld [tilespmem:s18+$0x4A70]  }
0x14c: {  	[tilespmem:s18+$0x4A10] =	vst v9;
	v7 =	vadd.f32 v7, v10  }
0x14d: {  	[tilespmem:s18+$0x4A20] =	vst v8;
	v6 =	vadd.f32 v6, v11  }
0x14e: {  	[tilespmem:s18+$0x4A30] =	vst v7;
	v5 =	vadd.f32 v5, v14  }
0x14f: {  	[tilespmem:s18+$0x4A40] =	vst v6;
	v4 =	vadd.f32 v4, v13  }
0x150: {  	[tilespmem:s18+$0x4A50] =	vst v5;
	v3 =	vadd.f32 v3, v12  }
0x151: {  	[tilespmem:s18+$0x4A60] =	vst v4  }
0x152: {  	s20 =	simm.s32 $0x0;
	s19 =	rddreg [dreg:$0xb];
	[tilespmem:s18+$0x4A70] =	vst v3  }
0x153: {  	[hbm4b:s19+s20] =	stream.linear.scatter [tilespmem:s6], [sflag:$0x5], $0x4000, $0x38;
	[tilespmem:$0x10600] =	vst v63  }
0x154: {  	_ =	swait.ge [sflag:s23], $0x4000  }
0x155: {  	[sflag:s23] =	ssyncset.done $0x0  }
0x156: {  	[sflag:s23] =	ssyncadd.s32 $0xFFFFC000  }
0x157: {  	_ =	swait.ge [sflag:s4], $0x4000  }
0x158: {  	[sflag:s4] =	ssyncset.done $0x0  }
0x159: {  	[sflag:s4] =	ssyncadd.s32 $0xFFFFC000  }
0x15a: {  	_ =	swait.ge [sflag:s5], $0x4000  }
0x15b: {  	[sflag:s5] =	ssyncset.done $0x0  }
0x15c: {  	[sflag:s5] =	ssyncadd.s32 $0xFFFFC000  }
0x15d: {  	v3 =	vld [tilespmem:$0x4C0];
	_ =	sdelay $0x4  }
0x15e: {  	v4 =	vshll.u32 v3, $0x1  }
0x15f: {  	v3 =	vand.u32 $0x7, v3;
	v4 =	vand.u32 $0xFFFFFFF0, v4  }
0x160: {  	v3 =	vor.u32 v3, v4  }
0x161: {  	v4 =	vperm.xlane v3, v0;
	_ =	sdelay $0x1  }
0x162: {  	v3 =	vperm.xlane v3, v2;
	v4 =	vadd.s32 v1, v4;
	_ =	sdelay $0x1  }
0x163: {  	v3 =	vadd.s32 v1, v3;
	_ =	sdelay $0x2  }
0x164: {  	[tilespmem:s6], [sflag:$0x2] =	stream.indirect_vreg.gather [hbm4b:s3+s20], $0x80, v4, vm0, $0xb8;
	[tilespmem:$0x10600] =	vst v63  }
0x165: {  	_ = 	snop  }
0x166: {  	[tilespmem:s7], [sflag:$0x2] =	stream.indirect_vreg.gather [hbm4b:s3+s20], $0x80, v3, vm0, $0xb8;
	[tilespmem:$0x10600] =	vst v63  }
0x167: {  	v3 =	vld [tilespmem:$0x4D0];
	_ =	sdelay $0x4  }
0x168: {  	v4 =	vshll.u32 v3, $0x1  }
0x169: {  	v3 =	vand.u32 $0x7, v3;
	v4 =	vand.u32 $0xFFFFFFF0, v4  }
0x16a: {  	v3 =	vor.u32 v3, v4  }
0x16b: {  	v4 =	vperm.xlane v3, v0;
	_ =	sdelay $0x1  }
0x16c: {  	v3 =	vperm.xlane v3, v2;
	v4 =	vadd.s32 v1, v4;
	_ =	sdelay $0x1  }
0x16d: {  	v3 =	vadd.s32 v1, v3;
	_ =	sdelay $0x2  }
0x16e: {  	[tilespmem:s8], [sflag:$0x2] =	stream.indirect_vreg.gather [hbm4b:s3+s20], $0x80, v4, vm0, $0xb8;
	[tilespmem:$0x10600] =	vst v63  }
0x16f: {  	_ = 	snop  }
0x170: {  	[tilespmem:s9], [sflag:$0x2] =	stream.indirect_vreg.gather [hbm4b:s3+s20], $0x80, v3, vm0, $0xb8;
	[tilespmem:$0x10600] =	vst v63  }
0x171: {  	v3 =	vld [tilespmem:$0x4E0];
	_ =	sdelay $0x4  }
0x172: {  	v4 =	vshll.u32 v3, $0x1  }
0x173: {  	v3 =	vand.u32 $0x7, v3;
	v4 =	vand.u32 $0xFFFFFFF0, v4  }
0x174: {  	v3 =	vor.u32 v3, v4  }
0x175: {  	v4 =	vperm.xlane v3, v0;
	_ =	sdelay $0x1  }
0x176: {  	v3 =	vperm.xlane v3, v2;
	v4 =	vadd.s32 v1, v4;
	_ =	sdelay $0x1  }
0x177: {  	v3 =	vadd.s32 v1, v3;
	_ =	sdelay $0x2  }
0x178: {  	[tilespmem:s10], [sflag:$0x2] =	stream.indirect_vreg.gather [hbm4b:s3+s20], $0x80, v4, vm0, $0xb8;
	[tilespmem:$0x10600] =	vst v63  }
0x179: {  	_ = 	snop  }
0x17a: {  	[tilespmem:s11], [sflag:$0x2] =	stream.indirect_vreg.gather [hbm4b:s3+s20], $0x80, v3, vm0, $0xb8;
	[tilespmem:$0x10600] =	vst v63  }
0x17b: {  	v3 =	vld [tilespmem:$0x4F0];
	_ =	sdelay $0x4  }
0x17c: {  	v4 =	vshll.u32 v3, $0x1  }
0x17d: {  	v3 =	vand.u32 $0x7, v3;
	v4 =	vand.u32 $0xFFFFFFF0, v4  }
0x17e: {  	v3 =	vor.u32 v3, v4  }
0x17f: {  	v4 =	vperm.xlane v3, v0;
	_ =	sdelay $0x1  }
0x180: {  	v3 =	vperm.xlane v3, v2;
	v4 =	vadd.s32 v1, v4;
	_ =	sdelay $0x1  }
0x181: {  	v3 =	vadd.s32 v1, v3;
	_ =	sdelay $0x2  }
0x182: {  	[tilespmem:s12], [sflag:$0x2] =	stream.indirect_vreg.gather [hbm4b:s3+s20], $0x80, v4, vm0, $0xb8;
	[tilespmem:$0x10600] =	vst v63  }
0x183: {  	s22 =	sand.u32 $0x3800, s20;
	s18 =	sand.u32 $0x380, s20  }
0x184: {  	[tilespmem:s13], [sflag:$0x2] =	stream.indirect_vreg.gather [hbm4b:s3+s20], $0x80, v3, vm0, $0xb8;
	[tilespmem:$0x10600] =	vst v63  }
0x185: {  	s18 =	sor.u32 s18, s22;
	s21 =	rddreg [dreg:$0xc]  }
0x186: {  	[tilespmem:s14], [sflag:$0x4] =	stream.linear.gather [hbm4b:s21+s20], $0x4000, $0x38;
	[tilespmem:$0x10600] =	vst v63  }
0x187: {  	v10 =	vld [tilespmem:s18+$0x8600]  }
0x188: {  	v11 =	vld [tilespmem:s18+$0x8610]  }
0x189: {  	v12 =	vld [tilespmem:s18+$0x8620]  }
0x18a: {  	v13 =	vld [tilespmem:s18+$0x8630]  }
0x18b: {  	v14 =	vld [tilespmem:s18+$0x8640]  }
0x18c: {  	v15 =	vld [tilespmem:s18+$0x8650]  }
0x18d: {  	v16 =	vld [tilespmem:s18+$0x8660]  }
0x18e: {  	v17 =	vld [tilespmem:s18+$0x8670]  }
0x18f: {  	v18 =	vld [tilespmem:s18+$0x8A00]  }
0x190: {  	v9 =	vld [tilespmem:s18+$0x8A10]  }
0x191: {  	v8 =	vld [tilespmem:s18+$0x8A20]  }
0x192: {  	v7 =	vld [tilespmem:s18+$0x8A30]  }
0x193: {  	v6 =	vld [tilespmem:s18+$0x8A40]  }
0x194: {  	v5 =	vld [tilespmem:s18+$0x8A50]  }
0x195: {  	v4 =	vld [tilespmem:s18+$0x8A60]  }
0x196: {  	v3 =	vld [tilespmem:s18+$0x8A70]  }
0x197: {  	v19 =	vld [tilespmem:s18+$0x600]  }
0x198: {  	v20 =	vld [tilespmem:s18+$0x610]  }
0x199: {  	v21 =	vld [tilespmem:s18+$0x620]  }
0x19a: {  	v22 =	vld [tilespmem:s18+$0x630]  }
0x19b: {  	v23 =	vld [tilespmem:s18+$0x640]  }
0x19c: {  	v10 =	vadd.f32 v10, v19;
	v19 =	vld [tilespmem:s18+$0x650]  }
0x19d: {  	v61 =	vld [tilespmem:s18+$0x660];
	v11 =	vadd.f32 v11, v20  }
0x19e: {  	v62 =	vld [tilespmem:s18+$0x670];
	[tilespmem:s18+$0x600] =	vst v10;
	v10 =	vadd.f32 v12, v21  }
0x19f: {  	v63 =	vld [tilespmem:s18+$0xA00];
	[tilespmem:s18+$0x610] =	vst v11;
	v11 =	vadd.f32 v13, v22  }
0x1a0: {  	v13 =	vld [tilespmem:s18+$0xA10];
	[tilespmem:s18+$0x620] =	vst v10;
	v10 =	vadd.f32 v14, v23  }
0x1a1: {  	v12 =	vld [tilespmem:s18+$0xA20];
	[tilespmem:s18+$0x630] =	vst v11;
	v11 =	vadd.f32 v15, v19  }
0x1a2: {  	v14 =	vadd.f32 v16, v61;
	[tilespmem:s18+$0x640] =	vst v10;
	v10 =	vld [tilespmem:s18+$0xA30]  }
0x1a3: {  	v16 =	vadd.f32 v17, v62;
	[tilespmem:s18+$0x650] =	vst v11;
	v11 =	vld [tilespmem:s18+$0xA40]  }
0x1a4: {  	s19 =	simm.s32 $0x80;
	s20 =	simm.s32 $0x100;
	v15 =	vadd.f32 v18, v63;
	[tilespmem:s18+$0x660] =	vst v14;
	v14 =	vld [tilespmem:s18+$0xA50]  }
.LBB2_8:
0x1a5: {  	s21 =	sand.u32 $0x3800, s20;
	s22 =	sand.u32 $0x380, s19;
	p0 =	sne.s32 s20, $0x3F00;
	[tilespmem:s18+$0x670] =	vst v16;
	v9 =	vadd.f32 v9, v13;
	v13 =	vld [tilespmem:s18+$0xA60]  }
0x1a6: {  	s21 =	sor.u32 s22, s21;
	[tilespmem:s18+$0xA00] =	vst v15;
	v8 =	vadd.f32 v8, v12;
	v12 =	vld [tilespmem:s18+$0xA70]  }
0x1a7: {  	v15 =	vld [tilespmem:s21+$0x8600];
	[tilespmem:s18+$0xA10] =	vst v9;
	v7 =	vadd.f32 v7, v10  }
0x1a8: {  	v10 =	vld [tilespmem:s21+$0x8610];
	[tilespmem:s18+$0xA20] =	vst v8;
	v6 =	vadd.f32 v6, v11  }
0x1a9: {  	v11 =	vld [tilespmem:s21+$0x8620];
	[tilespmem:s18+$0xA30] =	vst v7;
	v5 =	vadd.f32 v5, v14  }
0x1aa: {  	v14 =	vld [tilespmem:s21+$0x8630];
	[tilespmem:s18+$0xA40] =	vst v6;
	v4 =	vadd.f32 v4, v13  }
0x1ab: {  	v13 =	vld [tilespmem:s21+$0x8640];
	[tilespmem:s18+$0xA50] =	vst v5;
	v3 =	vadd.f32 v3, v12  }
0x1ac: {  	v12 =	vld [tilespmem:s21+$0x8650];
	[tilespmem:s18+$0xA60] =	vst v4  }
0x1ad: {  	v16 =	vld [tilespmem:s21+$0x8660];
	[tilespmem:s18+$0xA70] =	vst v3;
	s18 =	smov.u32 s21  }
0x1ae: {  	v17 =	vld [tilespmem:s18+$0x8670]  }
0x1af: {  	v18 =	vld [tilespmem:s18+$0x8A00]  }
0x1b0: {  	v9 =	vld [tilespmem:s18+$0x8A10]  }
0x1b1: {  	v8 =	vld [tilespmem:s18+$0x8A20]  }
0x1b2: {  	v7 =	vld [tilespmem:s18+$0x8A30]  }
0x1b3: {  	v6 =	vld [tilespmem:s18+$0x8A40]  }
0x1b4: {  	v5 =	vld [tilespmem:s18+$0x8A50]  }
0x1b5: {  	v4 =	vld [tilespmem:s18+$0x8A60]  }
0x1b6: {  	v3 =	vld [tilespmem:s18+$0x8A70]  }
0x1b7: {  	v19 =	vld [tilespmem:s18+$0x600]  }
0x1b8: {  	v20 =	vld [tilespmem:s18+$0x610]  }
0x1b9: {  	v21 =	vld [tilespmem:s18+$0x620]  }
0x1ba: {  	v22 =	vld [tilespmem:s18+$0x630]  }
0x1bb: {  	v23 =	vld [tilespmem:s18+$0x640]  }
0x1bc: {  	v15 =	vadd.f32 v15, v19;
	v19 =	vld [tilespmem:s18+$0x650]  }
0x1bd: {  	v10 =	vadd.f32 v10, v20;
	v20 =	vld [tilespmem:s18+$0x660]  }
0x1be: {  	[tilespmem:s18+$0x600] =	vst v15;
	v11 =	vadd.f32 v11, v21;
	v15 =	vld [tilespmem:s18+$0x670]  }
0x1bf: {  	[tilespmem:s18+$0x610] =	vst v10;
	v10 =	vadd.f32 v14, v22;
	v14 =	vld [tilespmem:s18+$0xA00]  }
.Ltmp3:
0x1c0: {  	[tilespmem:s18+$0x620] =	vst v11;
	v11 =	vadd.f32 v13, v23;
	v13 =	vld [tilespmem:s18+$0xA10];
	(pc) =	sbr.rel @p0 .LBB2_8-.Ltmp3, $4  }
0x1c1: {  	[tilespmem:s18+$0x630] =	vst v10;
	v19 =	vadd.f32 v12, v19;
	v12 =	vld [tilespmem:s18+$0xA20]  }
0x1c2: {  	[tilespmem:s18+$0x640] =	vst v11;
	v20 =	vadd.f32 v16, v20;
	v10 =	vld [tilespmem:s18+$0xA30]  }
0x1c3: {  	[tilespmem:s18+$0x650] =	vst v19;
	v16 =	vadd.f32 v17, v15;
	v11 =	vld [tilespmem:s18+$0xA40]  }
0x1c4: {  	s19 =	sadd.s32 $0x80, s19;
	s20 =	sadd.s32 $0x100, s20;
	[tilespmem:s18+$0x660] =	vst v20;
	v15 =	vadd.f32 v18, v14;
	v14 =	vld [tilespmem:s18+$0xA50]  }
0x1c5: {  	[tilespmem:s18+$0x670] =	vst v16;
	v9 =	vadd.f32 v9, v13;
	v13 =	vld [tilespmem:s18+$0xA60]  }
0x1c6: {  	[tilespmem:s18+$0xA00] =	vst v15;
	v8 =	vadd.f32 v8, v12;
	v12 =	vld [tilespmem:s18+$0xA70]  }
0x1c7: {  	[tilespmem:s18+$0xA10] =	vst v9;
	v7 =	vadd.f32 v7, v10  }
0x1c8: {  	[tilespmem:s18+$0xA20] =	vst v8;
	v6 =	vadd.f32 v6, v11  }
0x1c9: {  	[tilespmem:s18+$0xA30] =	vst v7;
	v5 =	vadd.f32 v5, v14  }
0x1ca: {  	[tilespmem:s18+$0xA40] =	vst v6;
	v4 =	vadd.f32 v4, v13  }
0x1cb: {  	[tilespmem:s18+$0xA50] =	vst v5;
	v3 =	vadd.f32 v3, v12  }
0x1cc: {  	[tilespmem:s18+$0xA60] =	vst v4  }
0x1cd: {  	s20 =	simm.s32 $0x0;
	s19 =	rddreg [dreg:$0xd];
	[tilespmem:s18+$0xA70] =	vst v3  }
0x1ce: {  	[hbm4b:s19+s20] =	stream.linear.scatter [tilespmem:s25], [sflag:$0x5], $0x4000, $0x38;
	[tilespmem:$0x10600] =	vst v63  }
0x1cf: {  	_ =	swait.ge [sflag:s23], $0x4000  }
0x1d0: {  	[sflag:s23] =	ssyncset.done $0x0  }
0x1d1: {  	[sflag:s23] =	ssyncadd.s32 $0xFFFFC000  }
0x1d2: {  	_ =	swait.ge [sflag:s15], $0x4000  }
0x1d3: {  	[sflag:s15] =	ssyncset.done $0x0  }
0x1d4: {  	[sflag:s15] =	ssyncadd.s32 $0xFFFFC000  }
0x1d5: {  	_ =	swait.ge [sflag:s16], $0x4000  }
0x1d6: {  	[sflag:s16] =	ssyncset.done $0x0  }
0x1d7: {  	[sflag:s16] =	ssyncadd.s32 $0xFFFFC000  }
0x1d8: {  	v3 =	vld [tilespmem:$0x500];
	_ =	sdelay $0x4  }
0x1d9: {  	v4 =	vshll.u32 v3, $0x1  }
0x1da: {  	v3 =	vand.u32 $0x7, v3;
	v4 =	vand.u32 $0xFFFFFFF0, v4  }
0x1db: {  	v3 =	vor.u32 v3, v4  }
0x1dc: {  	v4 =	vperm.xlane v3, v0;
	_ =	sdelay $0x1  }
0x1dd: {  	v3 =	vperm.xlane v3, v2;
	v4 =	vadd.s32 v1, v4;
	_ =	sdelay $0x1  }
0x1de: {  	v3 =	vadd.s32 v1, v3;
	_ =	sdelay $0x2  }
0x1df: {  	[tilespmem:s25], [sflag:$0x1] =	stream.indirect_vreg.gather [hbm4b:s3+s20], $0x80, v4, vm0, $0xb8;
	[tilespmem:$0x10600] =	vst v63  }
0x1e0: {  	_ = 	snop  }
0x1e1: {  	[tilespmem:s26], [sflag:$0x1] =	stream.indirect_vreg.gather [hbm4b:s3+s20], $0x80, v3, vm0, $0xb8;
	[tilespmem:$0x10600] =	vst v63  }
0x1e2: {  	v3 =	vld [tilespmem:$0x510];
	_ =	sdelay $0x4  }
0x1e3: {  	v4 =	vshll.u32 v3, $0x1  }
0x1e4: {  	v3 =	vand.u32 $0x7, v3;
	v4 =	vand.u32 $0xFFFFFFF0, v4  }
0x1e5: {  	v3 =	vor.u32 v3, v4  }
0x1e6: {  	v4 =	vperm.xlane v3, v0;
	_ =	sdelay $0x1  }
0x1e7: {  	v3 =	vperm.xlane v3, v2;
	v4 =	vadd.s32 v1, v4;
	_ =	sdelay $0x1  }
0x1e8: {  	v3 =	vadd.s32 v1, v3;
	_ =	sdelay $0x2  }
0x1e9: {  	[tilespmem:s28], [sflag:$0x1] =	stream.indirect_vreg.gather [hbm4b:s3+s20], $0x80, v4, vm0, $0xb8;
	[tilespmem:$0x10600] =	vst v63  }
0x1ea: {  	_ = 	snop  }
0x1eb: {  	[tilespmem:s29], [sflag:$0x1] =	stream.indirect_vreg.gather [hbm4b:s3+s20], $0x80, v3, vm0, $0xb8;
	[tilespmem:$0x10600] =	vst v63  }
0x1ec: {  	v3 =	vld [tilespmem:$0x520];
	_ =	sdelay $0x4  }
0x1ed: {  	v4 =	vshll.u32 v3, $0x1  }
0x1ee: {  	v3 =	vand.u32 $0x7, v3;
	v4 =	vand.u32 $0xFFFFFFF0, v4  }
0x1ef: {  	v3 =	vor.u32 v3, v4  }
0x1f0: {  	v4 =	vperm.xlane v3, v0;
	_ =	sdelay $0x1  }
0x1f1: {  	v3 =	vperm.xlane v3, v2;
	v4 =	vadd.s32 v1, v4;
	_ =	sdelay $0x1  }
0x1f2: {  	v3 =	vadd.s32 v1, v3;
	_ =	sdelay $0x2  }
0x1f3: {  	[tilespmem:s30], [sflag:$0x1] =	stream.indirect_vreg.gather [hbm4b:s3+s20], $0x80, v4, vm0, $0xb8;
	[tilespmem:$0x10600] =	vst v63  }
0x1f4: {  	_ = 	snop  }
0x1f5: {  	[tilespmem:s31], [sflag:$0x1] =	stream.indirect_vreg.gather [hbm4b:s3+s20], $0x80, v3, vm0, $0xb8;
	[tilespmem:$0x10600] =	vst v63  }
0x1f6: {  	v3 =	vld [tilespmem:$0x530];
	_ =	sdelay $0x4  }
0x1f7: {  	v4 =	vshll.u32 v3, $0x1  }
0x1f8: {  	v3 =	vand.u32 $0x7, v3;
	v4 =	vand.u32 $0xFFFFFFF0, v4  }
0x1f9: {  	v3 =	vor.u32 v3, v4  }
0x1fa: {  	v4 =	vperm.xlane v3, v0;
	_ =	sdelay $0x1  }
0x1fb: {  	v3 =	vperm.xlane v3, v2;
	v4 =	vadd.s32 v1, v4;
	_ =	sdelay $0x1  }
0x1fc: {  	v3 =	vadd.s32 v1, v3;
	_ =	sdelay $0x2  }
0x1fd: {  	[tilespmem:s0], [sflag:$0x1] =	stream.indirect_vreg.gather [hbm4b:s3+s20], $0x80, v4, vm0, $0xb8;
	[tilespmem:$0x10600] =	vst v63  }
0x1fe: {  	s22 =	sand.u32 $0x3800, s20;
	s18 =	sand.u32 $0x380, s20  }
0x1ff: {  	[tilespmem:s1], [sflag:$0x1] =	stream.indirect_vreg.gather [hbm4b:s3+s20], $0x80, v3, vm0, $0xb8;
	[tilespmem:$0x10600] =	vst v63  }
0x200: {  	s18 =	sor.u32 s18, s22;
	s21 =	rddreg [dreg:$0xe]  }
0x201: {  	[tilespmem:s24], [sflag:$0x3] =	stream.linear.gather [hbm4b:s21+s20], $0x4000, $0x38;
	[tilespmem:$0x10600] =	vst v63  }
0x202: {  	v10 =	vld [tilespmem:s18+$0xC600]  }
0x203: {  	v11 =	vld [tilespmem:s18+$0xC610]  }
0x204: {  	v12 =	vld [tilespmem:s18+$0xC620]  }
0x205: {  	v13 =	vld [tilespmem:s18+$0xC630]  }
0x206: {  	v14 =	vld [tilespmem:s18+$0xC640]  }
0x207: {  	v15 =	vld [tilespmem:s18+$0xC650]  }
0x208: {  	v16 =	vld [tilespmem:s18+$0xC660]  }
0x209: {  	v17 =	vld [tilespmem:s18+$0xC670]  }
0x20a: {  	v18 =	vld [tilespmem:s18+$0xCA00]  }
0x20b: {  	v9 =	vld [tilespmem:s18+$0xCA10]  }
0x20c: {  	v8 =	vld [tilespmem:s18+$0xCA20]  }
0x20d: {  	v7 =	vld [tilespmem:s18+$0xCA30]  }
0x20e: {  	v6 =	vld [tilespmem:s18+$0xCA40]  }
0x20f: {  	v5 =	vld [tilespmem:s18+$0xCA50]  }
0x210: {  	v4 =	vld [tilespmem:s18+$0xCA60]  }
0x211: {  	v3 =	vld [tilespmem:s18+$0xCA70]  }
0x212: {  	v19 =	vld [tilespmem:s18+$0x4600]  }
0x213: {  	v20 =	vld [tilespmem:s18+$0x4610]  }
0x214: {  	v21 =	vld [tilespmem:s18+$0x4620]  }
0x215: {  	v22 =	vld [tilespmem:s18+$0x4630]  }
0x216: {  	v23 =	vld [tilespmem:s18+$0x4640]  }
0x217: {  	v10 =	vadd.f32 v10, v19;
	v19 =	vld [tilespmem:s18+$0x4650]  }
0x218: {  	v61 =	vld [tilespmem:s18+$0x4660];
	v11 =	vadd.f32 v11, v20  }
0x219: {  	v62 =	vld [tilespmem:s18+$0x4670];
	[tilespmem:s18+$0x4600] =	vst v10;
	v10 =	vadd.f32 v12, v21  }
0x21a: {  	v63 =	vld [tilespmem:s18+$0x4A00];
	[tilespmem:s18+$0x4610] =	vst v11;
	v11 =	vadd.f32 v13, v22  }
0x21b: {  	v13 =	vld [tilespmem:s18+$0x4A10];
	[tilespmem:s18+$0x4620] =	vst v10;
	v10 =	vadd.f32 v14, v23  }
0x21c: {  	v12 =	vld [tilespmem:s18+$0x4A20];
	[tilespmem:s18+$0x4630] =	vst v11;
	v11 =	vadd.f32 v15, v19  }
0x21d: {  	v14 =	vadd.f32 v16, v61;
	[tilespmem:s18+$0x4640] =	vst v10;
	v10 =	vld [tilespmem:s18+$0x4A30]  }
0x21e: {  	v16 =	vadd.f32 v17, v62;
	[tilespmem:s18+$0x4650] =	vst v11;
	v11 =	vld [tilespmem:s18+$0x4A40]  }
0x21f: {  	s19 =	simm.s32 $0x80;
	s20 =	simm.s32 $0x100;
	v15 =	vadd.f32 v18, v63;
	[tilespmem:s18+$0x4660] =	vst v14;
	v14 =	vld [tilespmem:s18+$0x4A50]  }
.LBB2_10:
0x220: {  	s21 =	sand.u32 $0x3800, s20;
	s22 =	sand.u32 $0x380, s19;
	p0 =	sne.s32 s20, $0x3F00;
	[tilespmem:s18+$0x4670] =	vst v16;
	v9 =	vadd.f32 v9, v13;
	v13 =	vld [tilespmem:s18+$0x4A60]  }
0x221: {  	s21 =	sor.u32 s22, s21;
	[tilespmem:s18+$0x4A00] =	vst v15;
	v8 =	vadd.f32 v8, v12;
	v12 =	vld [tilespmem:s18+$0x4A70]  }
0x222: {  	v15 =	vld [tilespmem:s21+$0xC600];
	[tilespmem:s18+$0x4A10] =	vst v9;
	v7 =	vadd.f32 v7, v10  }
0x223: {  	v10 =	vld [tilespmem:s21+$0xC610];
	[tilespmem:s18+$0x4A20] =	vst v8;
	v6 =	vadd.f32 v6, v11  }
0x224: {  	v11 =	vld [tilespmem:s21+$0xC620];
	[tilespmem:s18+$0x4A30] =	vst v7;
	v5 =	vadd.f32 v5, v14  }
0x225: {  	v14 =	vld [tilespmem:s21+$0xC630];
	[tilespmem:s18+$0x4A40] =	vst v6;
	v4 =	vadd.f32 v4, v13  }
0x226: {  	v13 =	vld [tilespmem:s21+$0xC640];
	[tilespmem:s18+$0x4A50] =	vst v5;
	v3 =	vadd.f32 v3, v12  }
0x227: {  	v12 =	vld [tilespmem:s21+$0xC650];
	[tilespmem:s18+$0x4A60] =	vst v4  }
0x228: {  	v16 =	vld [tilespmem:s21+$0xC660];
	[tilespmem:s18+$0x4A70] =	vst v3;
	s18 =	smov.u32 s21  }
0x229: {  	v17 =	vld [tilespmem:s18+$0xC670]  }
0x22a: {  	v18 =	vld [tilespmem:s18+$0xCA00]  }
0x22b: {  	v9 =	vld [tilespmem:s18+$0xCA10]  }
0x22c: {  	v8 =	vld [tilespmem:s18+$0xCA20]  }
0x22d: {  	v7 =	vld [tilespmem:s18+$0xCA30]  }
0x22e: {  	v6 =	vld [tilespmem:s18+$0xCA40]  }
0x22f: {  	v5 =	vld [tilespmem:s18+$0xCA50]  }
0x230: {  	v4 =	vld [tilespmem:s18+$0xCA60]  }
0x231: {  	v3 =	vld [tilespmem:s18+$0xCA70]  }
0x232: {  	v19 =	vld [tilespmem:s18+$0x4600]  }
0x233: {  	v20 =	vld [tilespmem:s18+$0x4610]  }
0x234: {  	v21 =	vld [tilespmem:s18+$0x4620]  }
0x235: {  	v22 =	vld [tilespmem:s18+$0x4630]  }
0x236: {  	v23 =	vld [tilespmem:s18+$0x4640]  }
0x237: {  	v15 =	vadd.f32 v15, v19;
	v19 =	vld [tilespmem:s18+$0x4650]  }
0x238: {  	v10 =	vadd.f32 v10, v20;
	v20 =	vld [tilespmem:s18+$0x4660]  }
0x239: {  	[tilespmem:s18+$0x4600] =	vst v15;
	v11 =	vadd.f32 v11, v21;
	v15 =	vld [tilespmem:s18+$0x4670]  }
0x23a: {  	[tilespmem:s18+$0x4610] =	vst v10;
	v10 =	vadd.f32 v14, v22;
	v14 =	vld [tilespmem:s18+$0x4A00]  }
.Ltmp4:
0x23b: {  	[tilespmem:s18+$0x4620] =	vst v11;
	v11 =	vadd.f32 v13, v23;
	v13 =	vld [tilespmem:s18+$0x4A10];
	(pc) =	sbr.rel @p0 .LBB2_10-.Ltmp4, $4  }
0x23c: {  	[tilespmem:s18+$0x4630] =	vst v10;
	v19 =	vadd.f32 v12, v19;
	v12 =	vld [tilespmem:s18+$0x4A20]  }
0x23d: {  	[tilespmem:s18+$0x4640] =	vst v11;
	v20 =	vadd.f32 v16, v20;
	v10 =	vld [tilespmem:s18+$0x4A30]  }
0x23e: {  	[tilespmem:s18+$0x4650] =	vst v19;
	v16 =	vadd.f32 v17, v15;
	v11 =	vld [tilespmem:s18+$0x4A40]  }
0x23f: {  	s19 =	sadd.s32 $0x80, s19;
	s20 =	sadd.s32 $0x100, s20;
	[tilespmem:s18+$0x4660] =	vst v20;
	v15 =	vadd.f32 v18, v14;
	v14 =	vld [tilespmem:s18+$0x4A50]  }
0x240: {  	[tilespmem:s18+$0x4670] =	vst v16;
	v9 =	vadd.f32 v9, v13;
	v13 =	vld [tilespmem:s18+$0x4A60]  }
0x241: {  	[tilespmem:s18+$0x4A00] =	vst v15;
	v8 =	vadd.f32 v8, v12;
	v12 =	vld [tilespmem:s18+$0x4A70]  }
0x242: {  	[tilespmem:s18+$0x4A10] =	vst v9;
	v7 =	vadd.f32 v7, v10  }
0x243: {  	[tilespmem:s18+$0x4A20] =	vst v8;
	v6 =	vadd.f32 v6, v11  }
0x244: {  	[tilespmem:s18+$0x4A30] =	vst v7;
	v5 =	vadd.f32 v5, v14  }
0x245: {  	[tilespmem:s18+$0x4A40] =	vst v6;
	v4 =	vadd.f32 v4, v13  }
0x246: {  	[tilespmem:s18+$0x4A50] =	vst v5;
	v3 =	vadd.f32 v3, v12  }
0x247: {  	[tilespmem:s18+$0x4A60] =	vst v4  }
0x248: {  	s20 =	simm.s32 $0x0;
	s19 =	rddreg [dreg:$0xf];
	[tilespmem:s18+$0x4A70] =	vst v3  }
0x249: {  	[hbm4b:s19+s20] =	stream.linear.scatter [tilespmem:s6], [sflag:$0x5], $0x4000, $0x38;
	[tilespmem:$0x10600] =	vst v63  }
0x24a: {  	_ =	swait.ge [sflag:s23], $0x4000  }
0x24b: {  	[sflag:s23] =	ssyncset.done $0x0  }
0x24c: {  	[sflag:s23] =	ssyncadd.s32 $0xFFFFC000  }
0x24d: {  	_ =	swait.ge [sflag:s4], $0x4000  }
0x24e: {  	[sflag:s4] =	ssyncset.done $0x0  }
0x24f: {  	[sflag:s4] =	ssyncadd.s32 $0xFFFFC000  }
0x250: {  	_ =	swait.ge [sflag:s5], $0x4000  }
0x251: {  	[sflag:s5] =	ssyncset.done $0x0  }
0x252: {  	[sflag:s5] =	ssyncadd.s32 $0xFFFFC000  }
0x253: {  	v3 =	vld [tilespmem:$0x540];
	_ =	sdelay $0x4  }
0x254: {  	v4 =	vshll.u32 v3, $0x1  }
0x255: {  	v3 =	vand.u32 $0x7, v3;
	v4 =	vand.u32 $0xFFFFFFF0, v4  }
0x256: {  	v3 =	vor.u32 v3, v4  }
0x257: {  	v4 =	vperm.xlane v3, v0;
	_ =	sdelay $0x1  }
0x258: {  	v3 =	vperm.xlane v3, v2;
	v4 =	vadd.s32 v1, v4;
	_ =	sdelay $0x1  }
0x259: {  	v3 =	vadd.s32 v1, v3;
	_ =	sdelay $0x2  }
0x25a: {  	[tilespmem:s6], [sflag:$0x2] =	stream.indirect_vreg.gather [hbm4b:s3+s20], $0x80, v4, vm0, $0xb8;
	[tilespmem:$0x10600] =	vst v63  }
0x25b: {  	_ = 	snop  }
0x25c: {  	[tilespmem:s7], [sflag:$0x2] =	stream.indirect_vreg.gather [hbm4b:s3+s20], $0x80, v3, vm0, $0xb8;
	[tilespmem:$0x10600] =	vst v63  }
0x25d: {  	v3 =	vld [tilespmem:$0x550];
	_ =	sdelay $0x4  }
0x25e: {  	v4 =	vshll.u32 v3, $0x1  }
0x25f: {  	v3 =	vand.u32 $0x7, v3;
	v4 =	vand.u32 $0xFFFFFFF0, v4  }
0x260: {  	v3 =	vor.u32 v3, v4  }
0x261: {  	v4 =	vperm.xlane v3, v0;
	_ =	sdelay $0x1  }
0x262: {  	v3 =	vperm.xlane v3, v2;
	v4 =	vadd.s32 v1, v4;
	_ =	sdelay $0x1  }
0x263: {  	v3 =	vadd.s32 v1, v3;
	_ =	sdelay $0x2  }
0x264: {  	[tilespmem:s8], [sflag:$0x2] =	stream.indirect_vreg.gather [hbm4b:s3+s20], $0x80, v4, vm0, $0xb8;
	[tilespmem:$0x10600] =	vst v63  }
0x265: {  	_ = 	snop  }
0x266: {  	[tilespmem:s9], [sflag:$0x2] =	stream.indirect_vreg.gather [hbm4b:s3+s20], $0x80, v3, vm0, $0xb8;
	[tilespmem:$0x10600] =	vst v63  }
0x267: {  	v3 =	vld [tilespmem:$0x560];
	_ =	sdelay $0x4  }
0x268: {  	v4 =	vshll.u32 v3, $0x1  }
0x269: {  	v3 =	vand.u32 $0x7, v3;
	v4 =	vand.u32 $0xFFFFFFF0, v4  }
0x26a: {  	v3 =	vor.u32 v3, v4  }
0x26b: {  	v4 =	vperm.xlane v3, v0;
	_ =	sdelay $0x1  }
0x26c: {  	v3 =	vperm.xlane v3, v2;
	v4 =	vadd.s32 v1, v4;
	_ =	sdelay $0x1  }
0x26d: {  	v3 =	vadd.s32 v1, v3;
	_ =	sdelay $0x2  }
0x26e: {  	[tilespmem:s10], [sflag:$0x2] =	stream.indirect_vreg.gather [hbm4b:s3+s20], $0x80, v4, vm0, $0xb8;
	[tilespmem:$0x10600] =	vst v63  }
0x26f: {  	_ = 	snop  }
0x270: {  	[tilespmem:s11], [sflag:$0x2] =	stream.indirect_vreg.gather [hbm4b:s3+s20], $0x80, v3, vm0, $0xb8;
	[tilespmem:$0x10600] =	vst v63  }
0x271: {  	v3 =	vld [tilespmem:$0x570];
	_ =	sdelay $0x4  }
0x272: {  	v4 =	vshll.u32 v3, $0x1  }
0x273: {  	v3 =	vand.u32 $0x7, v3;
	v4 =	vand.u32 $0xFFFFFFF0, v4  }
0x274: {  	v3 =	vor.u32 v3, v4  }
0x275: {  	v4 =	vperm.xlane v3, v0;
	_ =	sdelay $0x1  }
0x276: {  	v3 =	vperm.xlane v3, v2;
	v4 =	vadd.s32 v1, v4;
	_ =	sdelay $0x1  }
0x277: {  	v3 =	vadd.s32 v1, v3;
	_ =	sdelay $0x2  }
0x278: {  	[tilespmem:s12], [sflag:$0x2] =	stream.indirect_vreg.gather [hbm4b:s3+s20], $0x80, v4, vm0, $0xb8;
	[tilespmem:$0x10600] =	vst v63  }
0x279: {  	s22 =	sand.u32 $0x3800, s20;
	s18 =	sand.u32 $0x380, s20  }
0x27a: {  	[tilespmem:s13], [sflag:$0x2] =	stream.indirect_vreg.gather [hbm4b:s3+s20], $0x80, v3, vm0, $0xb8;
	[tilespmem:$0x10600] =	vst v63  }
0x27b: {  	s18 =	sor.u32 s18, s22;
	s21 =	rddreg [dreg:$0x10]  }
0x27c: {  	[tilespmem:s14], [sflag:$0x4] =	stream.linear.gather [hbm4b:s21+s20], $0x4000, $0x38;
	[tilespmem:$0x10600] =	vst v63  }
0x27d: {  	v10 =	vld [tilespmem:s18+$0x8600]  }
0x27e: {  	v11 =	vld [tilespmem:s18+$0x8610]  }
0x27f: {  	v12 =	vld [tilespmem:s18+$0x8620]  }
0x280: {  	v13 =	vld [tilespmem:s18+$0x8630]  }
0x281: {  	v14 =	vld [tilespmem:s18+$0x8640]  }
0x282: {  	v15 =	vld [tilespmem:s18+$0x8650]  }
0x283: {  	v16 =	vld [tilespmem:s18+$0x8660]  }
0x284: {  	v17 =	vld [tilespmem:s18+$0x8670]  }
0x285: {  	v18 =	vld [tilespmem:s18+$0x8A00]  }
0x286: {  	v9 =	vld [tilespmem:s18+$0x8A10]  }
0x287: {  	v8 =	vld [tilespmem:s18+$0x8A20]  }
0x288: {  	v7 =	vld [tilespmem:s18+$0x8A30]  }
0x289: {  	v6 =	vld [tilespmem:s18+$0x8A40]  }
0x28a: {  	v5 =	vld [tilespmem:s18+$0x8A50]  }
0x28b: {  	v4 =	vld [tilespmem:s18+$0x8A60]  }
0x28c: {  	v3 =	vld [tilespmem:s18+$0x8A70]  }
0x28d: {  	v19 =	vld [tilespmem:s18+$0x600]  }
0x28e: {  	v20 =	vld [tilespmem:s18+$0x610]  }
0x28f: {  	v21 =	vld [tilespmem:s18+$0x620]  }
0x290: {  	v22 =	vld [tilespmem:s18+$0x630]  }
0x291: {  	v23 =	vld [tilespmem:s18+$0x640]  }
0x292: {  	v10 =	vadd.f32 v10, v19;
	v19 =	vld [tilespmem:s18+$0x650]  }
0x293: {  	v61 =	vld [tilespmem:s18+$0x660];
	v11 =	vadd.f32 v11, v20  }
0x294: {  	v62 =	vld [tilespmem:s18+$0x670];
	[tilespmem:s18+$0x600] =	vst v10;
	v10 =	vadd.f32 v12, v21  }
0x295: {  	v63 =	vld [tilespmem:s18+$0xA00];
	[tilespmem:s18+$0x610] =	vst v11;
	v11 =	vadd.f32 v13, v22  }
0x296: {  	v13 =	vld [tilespmem:s18+$0xA10];
	[tilespmem:s18+$0x620] =	vst v10;
	v10 =	vadd.f32 v14, v23  }
0x297: {  	v12 =	vld [tilespmem:s18+$0xA20];
	[tilespmem:s18+$0x630] =	vst v11;
	v11 =	vadd.f32 v15, v19  }
0x298: {  	v14 =	vadd.f32 v16, v61;
	[tilespmem:s18+$0x640] =	vst v10;
	v10 =	vld [tilespmem:s18+$0xA30]  }
0x299: {  	v16 =	vadd.f32 v17, v62;
	[tilespmem:s18+$0x650] =	vst v11;
	v11 =	vld [tilespmem:s18+$0xA40]  }
0x29a: {  	s19 =	simm.s32 $0x80;
	s20 =	simm.s32 $0x100;
	v15 =	vadd.f32 v18, v63;
	[tilespmem:s18+$0x660] =	vst v14;
	v14 =	vld [tilespmem:s18+$0xA50]  }
.LBB2_12:
0x29b: {  	s21 =	sand.u32 $0x3800, s20;
	s22 =	sand.u32 $0x380, s19;
	p0 =	sne.s32 s20, $0x3F00;
	[tilespmem:s18+$0x670] =	vst v16;
	v9 =	vadd.f32 v9, v13;
	v13 =	vld [tilespmem:s18+$0xA60]  }
0x29c: {  	s21 =	sor.u32 s22, s21;
	[tilespmem:s18+$0xA00] =	vst v15;
	v8 =	vadd.f32 v8, v12;
	v12 =	vld [tilespmem:s18+$0xA70]  }
0x29d: {  	v15 =	vld [tilespmem:s21+$0x8600];
	[tilespmem:s18+$0xA10] =	vst v9;
	v7 =	vadd.f32 v7, v10  }
0x29e: {  	v10 =	vld [tilespmem:s21+$0x8610];
	[tilespmem:s18+$0xA20] =	vst v8;
	v6 =	vadd.f32 v6, v11  }
0x29f: {  	v11 =	vld [tilespmem:s21+$0x8620];
	[tilespmem:s18+$0xA30] =	vst v7;
	v5 =	vadd.f32 v5, v14  }
0x2a0: {  	v14 =	vld [tilespmem:s21+$0x8630];
	[tilespmem:s18+$0xA40] =	vst v6;
	v4 =	vadd.f32 v4, v13  }
0x2a1: {  	v13 =	vld [tilespmem:s21+$0x8640];
	[tilespmem:s18+$0xA50] =	vst v5;
	v3 =	vadd.f32 v3, v12  }
0x2a2: {  	v12 =	vld [tilespmem:s21+$0x8650];
	[tilespmem:s18+$0xA60] =	vst v4  }
0x2a3: {  	v16 =	vld [tilespmem:s21+$0x8660];
	[tilespmem:s18+$0xA70] =	vst v3;
	s18 =	smov.u32 s21  }
0x2a4: {  	v17 =	vld [tilespmem:s18+$0x8670]  }
0x2a5: {  	v18 =	vld [tilespmem:s18+$0x8A00]  }
0x2a6: {  	v9 =	vld [tilespmem:s18+$0x8A10]  }
0x2a7: {  	v8 =	vld [tilespmem:s18+$0x8A20]  }
0x2a8: {  	v7 =	vld [tilespmem:s18+$0x8A30]  }
0x2a9: {  	v6 =	vld [tilespmem:s18+$0x8A40]  }
0x2aa: {  	v5 =	vld [tilespmem:s18+$0x8A50]  }
0x2ab: {  	v4 =	vld [tilespmem:s18+$0x8A60]  }
0x2ac: {  	v3 =	vld [tilespmem:s18+$0x8A70]  }
0x2ad: {  	v19 =	vld [tilespmem:s18+$0x600]  }
0x2ae: {  	v20 =	vld [tilespmem:s18+$0x610]  }
0x2af: {  	v21 =	vld [tilespmem:s18+$0x620]  }
0x2b0: {  	v22 =	vld [tilespmem:s18+$0x630]  }
0x2b1: {  	v23 =	vld [tilespmem:s18+$0x640]  }
0x2b2: {  	v15 =	vadd.f32 v15, v19;
	v19 =	vld [tilespmem:s18+$0x650]  }
0x2b3: {  	v10 =	vadd.f32 v10, v20;
	v20 =	vld [tilespmem:s18+$0x660]  }
0x2b4: {  	[tilespmem:s18+$0x600] =	vst v15;
	v11 =	vadd.f32 v11, v21;
	v15 =	vld [tilespmem:s18+$0x670]  }
0x2b5: {  	[tilespmem:s18+$0x610] =	vst v10;
	v10 =	vadd.f32 v14, v22;
	v14 =	vld [tilespmem:s18+$0xA00]  }
.Ltmp5:
0x2b6: {  	[tilespmem:s18+$0x620] =	vst v11;
	v11 =	vadd.f32 v13, v23;
	v13 =	vld [tilespmem:s18+$0xA10];
	(pc) =	sbr.rel @p0 .LBB2_12-.Ltmp5, $4  }
0x2b7: {  	[tilespmem:s18+$0x630] =	vst v10;
	v19 =	vadd.f32 v12, v19;
	v12 =	vld [tilespmem:s18+$0xA20]  }
0x2b8: {  	[tilespmem:s18+$0x640] =	vst v11;
	v20 =	vadd.f32 v16, v20;
	v10 =	vld [tilespmem:s18+$0xA30]  }
0x2b9: {  	[tilespmem:s18+$0x650] =	vst v19;
	v16 =	vadd.f32 v17, v15;
	v11 =	vld [tilespmem:s18+$0xA40]  }
0x2ba: {  	s19 =	sadd.s32 $0x80, s19;
	s20 =	sadd.s32 $0x100, s20;
	[tilespmem:s18+$0x660] =	vst v20;
	v15 =	vadd.f32 v18, v14;
	v14 =	vld [tilespmem:s18+$0xA50]  }
0x2bb: {  	[tilespmem:s18+$0x670] =	vst v16;
	v9 =	vadd.f32 v9, v13;
	v13 =	vld [tilespmem:s18+$0xA60]  }
0x2bc: {  	[tilespmem:s18+$0xA00] =	vst v15;
	v8 =	vadd.f32 v8, v12;
	v12 =	vld [tilespmem:s18+$0xA70]  }
0x2bd: {  	[tilespmem:s18+$0xA10] =	vst v9;
	v7 =	vadd.f32 v7, v10  }
0x2be: {  	[tilespmem:s18+$0xA20] =	vst v8;
	v6 =	vadd.f32 v6, v11  }
0x2bf: {  	[tilespmem:s18+$0xA30] =	vst v7;
	v5 =	vadd.f32 v5, v14  }
0x2c0: {  	[tilespmem:s18+$0xA40] =	vst v6;
	v4 =	vadd.f32 v4, v13  }
0x2c1: {  	[tilespmem:s18+$0xA50] =	vst v5;
	v3 =	vadd.f32 v3, v12  }
0x2c2: {  	[tilespmem:s18+$0xA60] =	vst v4  }
0x2c3: {  	s20 =	simm.s32 $0x0;
	s19 =	rddreg [dreg:$0x11];
	[tilespmem:s18+$0xA70] =	vst v3  }
0x2c4: {  	[hbm4b:s19+s20] =	stream.linear.scatter [tilespmem:s25], [sflag:$0x5], $0x4000, $0x38;
	[tilespmem:$0x10600] =	vst v63  }
0x2c5: {  	_ =	swait.ge [sflag:s23], $0x4000  }
0x2c6: {  	[sflag:s23] =	ssyncset.done $0x0  }
0x2c7: {  	[sflag:s23] =	ssyncadd.s32 $0xFFFFC000  }
0x2c8: {  	_ =	swait.ge [sflag:s15], $0x4000  }
0x2c9: {  	[sflag:s15] =	ssyncset.done $0x0  }
0x2ca: {  	[sflag:s15] =	ssyncadd.s32 $0xFFFFC000  }
0x2cb: {  	_ =	swait.ge [sflag:s16], $0x4000  }
0x2cc: {  	[sflag:s16] =	ssyncset.done $0x0  }
0x2cd: {  	[sflag:s16] =	ssyncadd.s32 $0xFFFFC000  }
0x2ce: {  	v3 =	vld [tilespmem:$0x580];
	_ =	sdelay $0x4  }
0x2cf: {  	v4 =	vshll.u32 v3, $0x1  }
0x2d0: {  	v3 =	vand.u32 $0x7, v3;
	v4 =	vand.u32 $0xFFFFFFF0, v4  }
0x2d1: {  	v3 =	vor.u32 v3, v4  }
0x2d2: {  	v4 =	vperm.xlane v3, v0;
	_ =	sdelay $0x1  }
0x2d3: {  	v3 =	vperm.xlane v3, v2;
	v4 =	vadd.s32 v1, v4;
	_ =	sdelay $0x1  }
0x2d4: {  	v3 =	vadd.s32 v1, v3;
	_ =	sdelay $0x2  }
0x2d5: {  	[tilespmem:s25], [sflag:$0x1] =	stream.indirect_vreg.gather [hbm4b:s3+s20], $0x80, v4, vm0, $0xb8;
	[tilespmem:$0x10600] =	vst v63  }
0x2d6: {  	_ = 	snop  }
0x2d7: {  	[tilespmem:s26], [sflag:$0x1] =	stream.indirect_vreg.gather [hbm4b:s3+s20], $0x80, v3, vm0, $0xb8;
	[tilespmem:$0x10600] =	vst v63  }
0x2d8: {  	v3 =	vld [tilespmem:$0x590];
	_ =	sdelay $0x4  }
0x2d9: {  	v4 =	vshll.u32 v3, $0x1  }
0x2da: {  	v3 =	vand.u32 $0x7, v3;
	v4 =	vand.u32 $0xFFFFFFF0, v4  }
0x2db: {  	v3 =	vor.u32 v3, v4  }
0x2dc: {  	v4 =	vperm.xlane v3, v0;
	_ =	sdelay $0x1  }
0x2dd: {  	v3 =	vperm.xlane v3, v2;
	v4 =	vadd.s32 v1, v4;
	_ =	sdelay $0x1  }
0x2de: {  	v3 =	vadd.s32 v1, v3;
	_ =	sdelay $0x2  }
0x2df: {  	[tilespmem:s28], [sflag:$0x1] =	stream.indirect_vreg.gather [hbm4b:s3+s20], $0x80, v4, vm0, $0xb8;
	[tilespmem:$0x10600] =	vst v63  }
0x2e0: {  	_ = 	snop  }
0x2e1: {  	[tilespmem:s29], [sflag:$0x1] =	stream.indirect_vreg.gather [hbm4b:s3+s20], $0x80, v3, vm0, $0xb8;
	[tilespmem:$0x10600] =	vst v63  }
0x2e2: {  	v3 =	vld [tilespmem:$0x5A0];
	_ =	sdelay $0x4  }
0x2e3: {  	v4 =	vshll.u32 v3, $0x1  }
0x2e4: {  	v3 =	vand.u32 $0x7, v3;
	v4 =	vand.u32 $0xFFFFFFF0, v4  }
0x2e5: {  	v3 =	vor.u32 v3, v4  }
0x2e6: {  	v4 =	vperm.xlane v3, v0;
	_ =	sdelay $0x1  }
0x2e7: {  	v3 =	vperm.xlane v3, v2;
	v4 =	vadd.s32 v1, v4;
	_ =	sdelay $0x1  }
0x2e8: {  	v3 =	vadd.s32 v1, v3;
	_ =	sdelay $0x2  }
0x2e9: {  	[tilespmem:s30], [sflag:$0x1] =	stream.indirect_vreg.gather [hbm4b:s3+s20], $0x80, v4, vm0, $0xb8;
	[tilespmem:$0x10600] =	vst v63  }
0x2ea: {  	_ = 	snop  }
0x2eb: {  	[tilespmem:s31], [sflag:$0x1] =	stream.indirect_vreg.gather [hbm4b:s3+s20], $0x80, v3, vm0, $0xb8;
	[tilespmem:$0x10600] =	vst v63  }
0x2ec: {  	v3 =	vld [tilespmem:$0x5B0];
	_ =	sdelay $0x4  }
0x2ed: {  	v4 =	vshll.u32 v3, $0x1  }
0x2ee: {  	v3 =	vand.u32 $0x7, v3;
	v4 =	vand.u32 $0xFFFFFFF0, v4  }
0x2ef: {  	v3 =	vor.u32 v3, v4  }
0x2f0: {  	v4 =	vperm.xlane v3, v0;
	_ =	sdelay $0x1  }
0x2f1: {  	v3 =	vperm.xlane v3, v2;
	v4 =	vadd.s32 v1, v4;
	_ =	sdelay $0x1  }
0x2f2: {  	v3 =	vadd.s32 v1, v3;
	_ =	sdelay $0x2  }
0x2f3: {  	[tilespmem:s0], [sflag:$0x1] =	stream.indirect_vreg.gather [hbm4b:s3+s20], $0x80, v4, vm0, $0xb8;
	[tilespmem:$0x10600] =	vst v63  }
0x2f4: {  	s22 =	sand.u32 $0x3800, s20;
	s18 =	sand.u32 $0x380, s20  }
0x2f5: {  	[tilespmem:s1], [sflag:$0x1] =	stream.indirect_vreg.gather [hbm4b:s3+s20], $0x80, v3, vm0, $0xb8;
	[tilespmem:$0x10600] =	vst v63  }
0x2f6: {  	s18 =	sor.u32 s18, s22;
	s21 =	rddreg [dreg:$0x12]  }
0x2f7: {  	[tilespmem:s24], [sflag:$0x3] =	stream.linear.gather [hbm4b:s21+s20], $0x4000, $0x38;
	[tilespmem:$0x10600] =	vst v63  }
0x2f8: {  	v10 =	vld [tilespmem:s18+$0xC600]  }
0x2f9: {  	v11 =	vld [tilespmem:s18+$0xC610]  }
0x2fa: {  	v12 =	vld [tilespmem:s18+$0xC620]  }
0x2fb: {  	v13 =	vld [tilespmem:s18+$0xC630]  }
0x2fc: {  	v14 =	vld [tilespmem:s18+$0xC640]  }
0x2fd: {  	v15 =	vld [tilespmem:s18+$0xC650]  }
0x2fe: {  	v16 =	vld [tilespmem:s18+$0xC660]  }
0x2ff: {  	v17 =	vld [tilespmem:s18+$0xC670]  }
0x300: {  	v18 =	vld [tilespmem:s18+$0xCA00]  }
0x301: {  	v9 =	vld [tilespmem:s18+$0xCA10]  }
0x302: {  	v8 =	vld [tilespmem:s18+$0xCA20]  }
0x303: {  	v7 =	vld [tilespmem:s18+$0xCA30]  }
0x304: {  	v6 =	vld [tilespmem:s18+$0xCA40]  }
0x305: {  	v5 =	vld [tilespmem:s18+$0xCA50]  }
0x306: {  	v4 =	vld [tilespmem:s18+$0xCA60]  }
0x307: {  	v3 =	vld [tilespmem:s18+$0xCA70]  }
0x308: {  	v19 =	vld [tilespmem:s18+$0x4600]  }
0x309: {  	v20 =	vld [tilespmem:s18+$0x4610]  }
0x30a: {  	v21 =	vld [tilespmem:s18+$0x4620]  }
0x30b: {  	v22 =	vld [tilespmem:s18+$0x4630]  }
0x30c: {  	v23 =	vld [tilespmem:s18+$0x4640]  }
0x30d: {  	v10 =	vadd.f32 v10, v19;
	v19 =	vld [tilespmem:s18+$0x4650]  }
0x30e: {  	v61 =	vld [tilespmem:s18+$0x4660];
	v11 =	vadd.f32 v11, v20  }
0x30f: {  	v62 =	vld [tilespmem:s18+$0x4670];
	[tilespmem:s18+$0x4600] =	vst v10;
	v10 =	vadd.f32 v12, v21  }
0x310: {  	v63 =	vld [tilespmem:s18+$0x4A00];
	[tilespmem:s18+$0x4610] =	vst v11;
	v11 =	vadd.f32 v13, v22  }
0x311: {  	v13 =	vld [tilespmem:s18+$0x4A10];
	[tilespmem:s18+$0x4620] =	vst v10;
	v10 =	vadd.f32 v14, v23  }
0x312: {  	v12 =	vld [tilespmem:s18+$0x4A20];
	[tilespmem:s18+$0x4630] =	vst v11;
	v11 =	vadd.f32 v15, v19  }
0x313: {  	v14 =	vadd.f32 v16, v61;
	[tilespmem:s18+$0x4640] =	vst v10;
	v10 =	vld [tilespmem:s18+$0x4A30]  }
0x314: {  	v16 =	vadd.f32 v17, v62;
	[tilespmem:s18+$0x4650] =	vst v11;
	v11 =	vld [tilespmem:s18+$0x4A40]  }
0x315: {  	s19 =	simm.s32 $0x80;
	s20 =	simm.s32 $0x100;
	v15 =	vadd.f32 v18, v63;
	[tilespmem:s18+$0x4660] =	vst v14;
	v14 =	vld [tilespmem:s18+$0x4A50]  }
.LBB2_14:
0x316: {  	s21 =	sand.u32 $0x3800, s20;
	s22 =	sand.u32 $0x380, s19;
	p0 =	sne.s32 s20, $0x3F00;
	[tilespmem:s18+$0x4670] =	vst v16;
	v9 =	vadd.f32 v9, v13;
	v13 =	vld [tilespmem:s18+$0x4A60]  }
0x317: {  	s21 =	sor.u32 s22, s21;
	[tilespmem:s18+$0x4A00] =	vst v15;
	v8 =	vadd.f32 v8, v12;
	v12 =	vld [tilespmem:s18+$0x4A70]  }
0x318: {  	v15 =	vld [tilespmem:s21+$0xC600];
	[tilespmem:s18+$0x4A10] =	vst v9;
	v7 =	vadd.f32 v7, v10  }
0x319: {  	v10 =	vld [tilespmem:s21+$0xC610];
	[tilespmem:s18+$0x4A20] =	vst v8;
	v6 =	vadd.f32 v6, v11  }
0x31a: {  	v11 =	vld [tilespmem:s21+$0xC620];
	[tilespmem:s18+$0x4A30] =	vst v7;
	v5 =	vadd.f32 v5, v14  }
0x31b: {  	v14 =	vld [tilespmem:s21+$0xC630];
	[tilespmem:s18+$0x4A40] =	vst v6;
	v4 =	vadd.f32 v4, v13  }
0x31c: {  	v13 =	vld [tilespmem:s21+$0xC640];
	[tilespmem:s18+$0x4A50] =	vst v5;
	v3 =	vadd.f32 v3, v12  }
0x31d: {  	v12 =	vld [tilespmem:s21+$0xC650];
	[tilespmem:s18+$0x4A60] =	vst v4  }
0x31e: {  	v16 =	vld [tilespmem:s21+$0xC660];
	[tilespmem:s18+$0x4A70] =	vst v3;
	s18 =	smov.u32 s21  }
0x31f: {  	v17 =	vld [tilespmem:s18+$0xC670]  }
0x320: {  	v18 =	vld [tilespmem:s18+$0xCA00]  }
0x321: {  	v9 =	vld [tilespmem:s18+$0xCA10]  }
0x322: {  	v8 =	vld [tilespmem:s18+$0xCA20]  }
0x323: {  	v7 =	vld [tilespmem:s18+$0xCA30]  }
0x324: {  	v6 =	vld [tilespmem:s18+$0xCA40]  }
0x325: {  	v5 =	vld [tilespmem:s18+$0xCA50]  }
0x326: {  	v4 =	vld [tilespmem:s18+$0xCA60]  }
0x327: {  	v3 =	vld [tilespmem:s18+$0xCA70]  }
0x328: {  	v19 =	vld [tilespmem:s18+$0x4600]  }
0x329: {  	v20 =	vld [tilespmem:s18+$0x4610]  }
0x32a: {  	v21 =	vld [tilespmem:s18+$0x4620]  }
0x32b: {  	v22 =	vld [tilespmem:s18+$0x4630]  }
0x32c: {  	v23 =	vld [tilespmem:s18+$0x4640]  }
0x32d: {  	v15 =	vadd.f32 v15, v19;
	v19 =	vld [tilespmem:s18+$0x4650]  }
0x32e: {  	v10 =	vadd.f32 v10, v20;
	v20 =	vld [tilespmem:s18+$0x4660]  }
0x32f: {  	[tilespmem:s18+$0x4600] =	vst v15;
	v11 =	vadd.f32 v11, v21;
	v15 =	vld [tilespmem:s18+$0x4670]  }
0x330: {  	[tilespmem:s18+$0x4610] =	vst v10;
	v10 =	vadd.f32 v14, v22;
	v14 =	vld [tilespmem:s18+$0x4A00]  }
.Ltmp6:
0x331: {  	[tilespmem:s18+$0x4620] =	vst v11;
	v11 =	vadd.f32 v13, v23;
	v13 =	vld [tilespmem:s18+$0x4A10];
	(pc) =	sbr.rel @p0 .LBB2_14-.Ltmp6, $4  }
0x332: {  	[tilespmem:s18+$0x4630] =	vst v10;
	v19 =	vadd.f32 v12, v19;
	v12 =	vld [tilespmem:s18+$0x4A20]  }
0x333: {  	[tilespmem:s18+$0x4640] =	vst v11;
	v20 =	vadd.f32 v16, v20;
	v10 =	vld [tilespmem:s18+$0x4A30]  }
0x334: {  	[tilespmem:s18+$0x4650] =	vst v19;
	v16 =	vadd.f32 v17, v15;
	v11 =	vld [tilespmem:s18+$0x4A40]  }
0x335: {  	s19 =	sadd.s32 $0x80, s19;
	s20 =	sadd.s32 $0x100, s20;
	[tilespmem:s18+$0x4660] =	vst v20;
	v15 =	vadd.f32 v18, v14;
	v14 =	vld [tilespmem:s18+$0x4A50]  }
0x336: {  	[tilespmem:s18+$0x4670] =	vst v16;
	v9 =	vadd.f32 v9, v13;
	v13 =	vld [tilespmem:s18+$0x4A60]  }
0x337: {  	[tilespmem:s18+$0x4A00] =	vst v15;
	v8 =	vadd.f32 v8, v12;
	v12 =	vld [tilespmem:s18+$0x4A70]  }
0x338: {  	[tilespmem:s18+$0x4A10] =	vst v9;
	v7 =	vadd.f32 v7, v10  }
0x339: {  	[tilespmem:s18+$0x4A20] =	vst v8;
	v6 =	vadd.f32 v6, v11  }
0x33a: {  	[tilespmem:s18+$0x4A30] =	vst v7;
	v5 =	vadd.f32 v5, v14  }
0x33b: {  	[tilespmem:s18+$0x4A40] =	vst v6;
	v4 =	vadd.f32 v4, v13  }
0x33c: {  	[tilespmem:s18+$0x4A50] =	vst v5;
	v3 =	vadd.f32 v3, v12  }
0x33d: {  	[tilespmem:s18+$0x4A60] =	vst v4  }
0x33e: {  	s20 =	simm.s32 $0x0;
	s19 =	rddreg [dreg:$0x13];
	[tilespmem:s18+$0x4A70] =	vst v3  }
0x33f: {  	[hbm4b:s19+s20] =	stream.linear.scatter [tilespmem:s6], [sflag:$0x5], $0x4000, $0x38;
	[tilespmem:$0x10600] =	vst v63  }
0x340: {  	_ =	swait.ge [sflag:s23], $0x4000  }
0x341: {  	[sflag:s23] =	ssyncset.done $0x0  }
0x342: {  	[sflag:s23] =	ssyncadd.s32 $0xFFFFC000  }
0x343: {  	_ =	swait.ge [sflag:s4], $0x4000  }
0x344: {  	[sflag:s4] =	ssyncset.done $0x0  }
0x345: {  	[sflag:s4] =	ssyncadd.s32 $0xFFFFC000  }
0x346: {  	_ =	swait.ge [sflag:s5], $0x4000  }
0x347: {  	[sflag:s5] =	ssyncset.done $0x0  }
0x348: {  	[sflag:s5] =	ssyncadd.s32 $0xFFFFC000  }
0x349: {  	v3 =	vld [tilespmem:$0x5C0];
	_ =	sdelay $0x4  }
0x34a: {  	v4 =	vshll.u32 v3, $0x1  }
0x34b: {  	v3 =	vand.u32 $0x7, v3;
	v4 =	vand.u32 $0xFFFFFFF0, v4  }
0x34c: {  	v3 =	vor.u32 v3, v4  }
0x34d: {  	v4 =	vperm.xlane v3, v0;
	_ =	sdelay $0x1  }
0x34e: {  	v3 =	vperm.xlane v3, v2;
	v4 =	vadd.s32 v1, v4;
	_ =	sdelay $0x1  }
0x34f: {  	v3 =	vadd.s32 v1, v3;
	_ =	sdelay $0x2  }
0x350: {  	[tilespmem:s6], [sflag:$0x2] =	stream.indirect_vreg.gather [hbm4b:s3+s20], $0x80, v4, vm0, $0xb8;
	[tilespmem:$0x10600] =	vst v63  }
0x351: {  	_ = 	snop  }
0x352: {  	[tilespmem:s7], [sflag:$0x2] =	stream.indirect_vreg.gather [hbm4b:s3+s20], $0x80, v3, vm0, $0xb8;
	[tilespmem:$0x10600] =	vst v63  }
0x353: {  	v3 =	vld [tilespmem:$0x5D0];
	_ =	sdelay $0x4  }
0x354: {  	v4 =	vshll.u32 v3, $0x1  }
0x355: {  	v3 =	vand.u32 $0x7, v3;
	v4 =	vand.u32 $0xFFFFFFF0, v4  }
0x356: {  	v3 =	vor.u32 v3, v4  }
0x357: {  	v4 =	vperm.xlane v3, v0;
	_ =	sdelay $0x1  }
0x358: {  	v3 =	vperm.xlane v3, v2;
	v4 =	vadd.s32 v1, v4;
	_ =	sdelay $0x1  }
0x359: {  	v3 =	vadd.s32 v1, v3;
	_ =	sdelay $0x2  }
0x35a: {  	[tilespmem:s8], [sflag:$0x2] =	stream.indirect_vreg.gather [hbm4b:s3+s20], $0x80, v4, vm0, $0xb8;
	[tilespmem:$0x10600] =	vst v63  }
0x35b: {  	_ = 	snop  }
0x35c: {  	[tilespmem:s9], [sflag:$0x2] =	stream.indirect_vreg.gather [hbm4b:s3+s20], $0x80, v3, vm0, $0xb8;
	[tilespmem:$0x10600] =	vst v63  }
0x35d: {  	v3 =	vld [tilespmem:$0x5E0];
	_ =	sdelay $0x4  }
0x35e: {  	v4 =	vshll.u32 v3, $0x1  }
0x35f: {  	v3 =	vand.u32 $0x7, v3;
	v4 =	vand.u32 $0xFFFFFFF0, v4  }
0x360: {  	v3 =	vor.u32 v3, v4  }
0x361: {  	v4 =	vperm.xlane v3, v0;
	_ =	sdelay $0x1  }
0x362: {  	v3 =	vperm.xlane v3, v2;
	v4 =	vadd.s32 v1, v4;
	_ =	sdelay $0x1  }
0x363: {  	v3 =	vadd.s32 v1, v3;
	_ =	sdelay $0x2  }
0x364: {  	[tilespmem:s10], [sflag:$0x2] =	stream.indirect_vreg.gather [hbm4b:s3+s20], $0x80, v4, vm0, $0xb8;
	[tilespmem:$0x10600] =	vst v63  }
0x365: {  	_ = 	snop  }
0x366: {  	[tilespmem:s11], [sflag:$0x2] =	stream.indirect_vreg.gather [hbm4b:s3+s20], $0x80, v3, vm0, $0xb8;
	[tilespmem:$0x10600] =	vst v63  }
0x367: {  	v3 =	vld [tilespmem:$0x5F0];
	_ =	sdelay $0x4  }
0x368: {  	v4 =	vshll.u32 v3, $0x1  }
0x369: {  	v3 =	vand.u32 $0x7, v3;
	v4 =	vand.u32 $0xFFFFFFF0, v4  }
0x36a: {  	v3 =	vor.u32 v3, v4  }
0x36b: {  	v4 =	vperm.xlane v3, v0;
	_ =	sdelay $0x1  }
0x36c: {  	v3 =	vperm.xlane v3, v2;
	v4 =	vadd.s32 v1, v4;
	_ =	sdelay $0x1  }
0x36d: {  	v3 =	vadd.s32 v1, v3;
	_ =	sdelay $0x2  }
0x36e: {  	[tilespmem:s12], [sflag:$0x2] =	stream.indirect_vreg.gather [hbm4b:s3+s20], $0x80, v4, vm0, $0xb8;
	[tilespmem:$0x10600] =	vst v63  }
0x36f: {  	s22 =	sand.u32 $0x3800, s20;
	s18 =	sand.u32 $0x380, s20  }
0x370: {  	[tilespmem:s13], [sflag:$0x2] =	stream.indirect_vreg.gather [hbm4b:s3+s20], $0x80, v3, vm0, $0xb8;
	[tilespmem:$0x10600] =	vst v63  }
0x371: {  	s18 =	sor.u32 s18, s22;
	s21 =	rddreg [dreg:$0x14]  }
0x372: {  	[tilespmem:s14], [sflag:$0x4] =	stream.linear.gather [hbm4b:s21+s20], $0x4000, $0x38;
	[tilespmem:$0x10600] =	vst v63  }
0x373: {  	v10 =	vld [tilespmem:s18+$0x8600]  }
0x374: {  	v11 =	vld [tilespmem:s18+$0x8610]  }
0x375: {  	v12 =	vld [tilespmem:s18+$0x8620]  }
0x376: {  	v13 =	vld [tilespmem:s18+$0x8630]  }
0x377: {  	v14 =	vld [tilespmem:s18+$0x8640]  }
0x378: {  	v15 =	vld [tilespmem:s18+$0x8650]  }
0x379: {  	v16 =	vld [tilespmem:s18+$0x8660]  }
0x37a: {  	v17 =	vld [tilespmem:s18+$0x8670]  }
0x37b: {  	v18 =	vld [tilespmem:s18+$0x8A00]  }
0x37c: {  	v9 =	vld [tilespmem:s18+$0x8A10]  }
0x37d: {  	v8 =	vld [tilespmem:s18+$0x8A20]  }
0x37e: {  	v7 =	vld [tilespmem:s18+$0x8A30]  }
0x37f: {  	v6 =	vld [tilespmem:s18+$0x8A40]  }
0x380: {  	v5 =	vld [tilespmem:s18+$0x8A50]  }
0x381: {  	v4 =	vld [tilespmem:s18+$0x8A60]  }
0x382: {  	v3 =	vld [tilespmem:s18+$0x8A70]  }
0x383: {  	v19 =	vld [tilespmem:s18+$0x600]  }
0x384: {  	v20 =	vld [tilespmem:s18+$0x610]  }
0x385: {  	v21 =	vld [tilespmem:s18+$0x620]  }
0x386: {  	v22 =	vld [tilespmem:s18+$0x630]  }
0x387: {  	v23 =	vld [tilespmem:s18+$0x640]  }
0x388: {  	v10 =	vadd.f32 v10, v19;
	v19 =	vld [tilespmem:s18+$0x650]  }
0x389: {  	v61 =	vld [tilespmem:s18+$0x660];
	v11 =	vadd.f32 v11, v20  }
0x38a: {  	v62 =	vld [tilespmem:s18+$0x670];
	[tilespmem:s18+$0x600] =	vst v10;
	v10 =	vadd.f32 v12, v21  }
0x38b: {  	v63 =	vld [tilespmem:s18+$0xA00];
	[tilespmem:s18+$0x610] =	vst v11;
	v11 =	vadd.f32 v13, v22  }
0x38c: {  	v13 =	vld [tilespmem:s18+$0xA10];
	[tilespmem:s18+$0x620] =	vst v10;
	v10 =	vadd.f32 v14, v23  }
0x38d: {  	v12 =	vld [tilespmem:s18+$0xA20];
	[tilespmem:s18+$0x630] =	vst v11;
	v11 =	vadd.f32 v15, v19  }
0x38e: {  	v14 =	vadd.f32 v16, v61;
	[tilespmem:s18+$0x640] =	vst v10;
	v10 =	vld [tilespmem:s18+$0xA30]  }
0x38f: {  	v16 =	vadd.f32 v17, v62;
	[tilespmem:s18+$0x650] =	vst v11;
	v11 =	vld [tilespmem:s18+$0xA40]  }
0x390: {  	s19 =	simm.s32 $0x80;
	s20 =	simm.s32 $0x100;
	v15 =	vadd.f32 v18, v63;
	[tilespmem:s18+$0x660] =	vst v14;
	v14 =	vld [tilespmem:s18+$0xA50]  }
.LBB2_16:
0x391: {  	s21 =	sand.u32 $0x3800, s20;
	s22 =	sand.u32 $0x380, s19;
	p0 =	sne.s32 s20, $0x3F00;
	[tilespmem:s18+$0x670] =	vst v16;
	v9 =	vadd.f32 v9, v13;
	v13 =	vld [tilespmem:s18+$0xA60]  }
0x392: {  	s21 =	sor.u32 s22, s21;
	[tilespmem:s18+$0xA00] =	vst v15;
	v8 =	vadd.f32 v8, v12;
	v12 =	vld [tilespmem:s18+$0xA70]  }
0x393: {  	v15 =	vld [tilespmem:s21+$0x8600];
	[tilespmem:s18+$0xA10] =	vst v9;
	v7 =	vadd.f32 v7, v10  }
0x394: {  	v10 =	vld [tilespmem:s21+$0x8610];
	[tilespmem:s18+$0xA20] =	vst v8;
	v6 =	vadd.f32 v6, v11  }
0x395: {  	v11 =	vld [tilespmem:s21+$0x8620];
	[tilespmem:s18+$0xA30] =	vst v7;
	v5 =	vadd.f32 v5, v14  }
0x396: {  	v14 =	vld [tilespmem:s21+$0x8630];
	[tilespmem:s18+$0xA40] =	vst v6;
	v4 =	vadd.f32 v4, v13  }
0x397: {  	v13 =	vld [tilespmem:s21+$0x8640];
	[tilespmem:s18+$0xA50] =	vst v5;
	v3 =	vadd.f32 v3, v12  }
0x398: {  	v12 =	vld [tilespmem:s21+$0x8650];
	[tilespmem:s18+$0xA60] =	vst v4  }
0x399: {  	v16 =	vld [tilespmem:s21+$0x8660];
	[tilespmem:s18+$0xA70] =	vst v3;
	s18 =	smov.u32 s21  }
0x39a: {  	v17 =	vld [tilespmem:s18+$0x8670]  }
0x39b: {  	v18 =	vld [tilespmem:s18+$0x8A00]  }
0x39c: {  	v9 =	vld [tilespmem:s18+$0x8A10]  }
0x39d: {  	v8 =	vld [tilespmem:s18+$0x8A20]  }
0x39e: {  	v7 =	vld [tilespmem:s18+$0x8A30]  }
0x39f: {  	v6 =	vld [tilespmem:s18+$0x8A40]  }
0x3a0: {  	v5 =	vld [tilespmem:s18+$0x8A50]  }
0x3a1: {  	v4 =	vld [tilespmem:s18+$0x8A60]  }
0x3a2: {  	v3 =	vld [tilespmem:s18+$0x8A70]  }
0x3a3: {  	v19 =	vld [tilespmem:s18+$0x600]  }
0x3a4: {  	v20 =	vld [tilespmem:s18+$0x610]  }
0x3a5: {  	v21 =	vld [tilespmem:s18+$0x620]  }
0x3a6: {  	v22 =	vld [tilespmem:s18+$0x630]  }
0x3a7: {  	v23 =	vld [tilespmem:s18+$0x640]  }
0x3a8: {  	v15 =	vadd.f32 v15, v19;
	v19 =	vld [tilespmem:s18+$0x650]  }
0x3a9: {  	v10 =	vadd.f32 v10, v20;
	v20 =	vld [tilespmem:s18+$0x660]  }
0x3aa: {  	[tilespmem:s18+$0x600] =	vst v15;
	v11 =	vadd.f32 v11, v21;
	v15 =	vld [tilespmem:s18+$0x670]  }
0x3ab: {  	[tilespmem:s18+$0x610] =	vst v10;
	v10 =	vadd.f32 v14, v22;
	v14 =	vld [tilespmem:s18+$0xA00]  }
.Ltmp7:
0x3ac: {  	[tilespmem:s18+$0x620] =	vst v11;
	v11 =	vadd.f32 v13, v23;
	v13 =	vld [tilespmem:s18+$0xA10];
	(pc) =	sbr.rel @p0 .LBB2_16-.Ltmp7, $4  }
0x3ad: {  	[tilespmem:s18+$0x630] =	vst v10;
	v19 =	vadd.f32 v12, v19;
	v12 =	vld [tilespmem:s18+$0xA20]  }
0x3ae: {  	[tilespmem:s18+$0x640] =	vst v11;
	v20 =	vadd.f32 v16, v20;
	v10 =	vld [tilespmem:s18+$0xA30]  }
0x3af: {  	[tilespmem:s18+$0x650] =	vst v19;
	v16 =	vadd.f32 v17, v15;
	v11 =	vld [tilespmem:s18+$0xA40]  }
0x3b0: {  	s19 =	sadd.s32 $0x80, s19;
	s20 =	sadd.s32 $0x100, s20;
	[tilespmem:s18+$0x660] =	vst v20;
	v15 =	vadd.f32 v18, v14;
	v14 =	vld [tilespmem:s18+$0xA50]  }
0x3b1: {  	[tilespmem:s18+$0x670] =	vst v16;
	v9 =	vadd.f32 v9, v13;
	v13 =	vld [tilespmem:s18+$0xA60]  }
0x3b2: {  	[tilespmem:s18+$0xA00] =	vst v15;
	v8 =	vadd.f32 v8, v12;
	v12 =	vld [tilespmem:s18+$0xA70]  }
0x3b3: {  	[tilespmem:s18+$0xA10] =	vst v9;
	v7 =	vadd.f32 v7, v10  }
0x3b4: {  	[tilespmem:s18+$0xA20] =	vst v8;
	v6 =	vadd.f32 v6, v11  }
0x3b5: {  	[tilespmem:s18+$0xA30] =	vst v7;
	v5 =	vadd.f32 v5, v14  }
0x3b6: {  	[tilespmem:s18+$0xA40] =	vst v6;
	v4 =	vadd.f32 v4, v13  }
0x3b7: {  	[tilespmem:s18+$0xA50] =	vst v5;
	v3 =	vadd.f32 v3, v12  }
0x3b8: {  	[tilespmem:s18+$0xA60] =	vst v4  }
0x3b9: {  	s21 =	simm.s32 $0x0;
	s19 =	rddreg [dreg:$0x15];
	[tilespmem:s18+$0xA70] =	vst v3  }
0x3ba: {  	[hbm4b:s19+s21] =	stream.linear.scatter [tilespmem:s25], [sflag:$0x5], $0x4000, $0x38;
	[tilespmem:$0x10600] =	vst v63  }
0x3bb: {  	_ =	swait.ge [sflag:s23], $0x4000  }
0x3bc: {  	[sflag:s23] =	ssyncset.done $0x0  }
0x3bd: {  	[sflag:s23] =	ssyncadd.s32 $0xFFFFC000  }
0x3be: {  	_ =	swait.ge [sflag:s15], $0x4000  }
0x3bf: {  	[sflag:s15] =	ssyncset.done $0x0  }
0x3c0: {  	[sflag:s15] =	ssyncadd.s32 $0xFFFFC000  }
0x3c1: {  	_ =	swait.ge [sflag:s16], $0x4000  }
0x3c2: {  	s22 =	sand.u32 $0x3800, s21;
	s18 =	sand.u32 $0x380, s21;
	[sflag:s16] =	ssyncset.done $0x0  }
0x3c3: {  	s18 =	sor.u32 s18, s22;
	[sflag:s16] =	ssyncadd.s32 $0xFFFFC000  }
0x3c4: {  	v10 =	vld [tilespmem:s18+$0xC600]  }
0x3c5: {  	v11 =	vld [tilespmem:s18+$0xC610]  }
0x3c6: {  	v12 =	vld [tilespmem:s18+$0xC620]  }
0x3c7: {  	v13 =	vld [tilespmem:s18+$0xC630]  }
0x3c8: {  	v14 =	vld [tilespmem:s18+$0xC640]  }
0x3c9: {  	v15 =	vld [tilespmem:s18+$0xC650]  }
0x3ca: {  	v16 =	vld [tilespmem:s18+$0xC660]  }
0x3cb: {  	v17 =	vld [tilespmem:s18+$0xC670]  }
0x3cc: {  	v18 =	vld [tilespmem:s18+$0xCA00]  }
0x3cd: {  	v9 =	vld [tilespmem:s18+$0xCA10]  }
0x3ce: {  	v8 =	vld [tilespmem:s18+$0xCA20]  }
0x3cf: {  	v7 =	vld [tilespmem:s18+$0xCA30]  }
0x3d0: {  	v6 =	vld [tilespmem:s18+$0xCA40]  }
0x3d1: {  	v5 =	vld [tilespmem:s18+$0xCA50]  }
0x3d2: {  	v4 =	vld [tilespmem:s18+$0xCA60]  }
0x3d3: {  	v3 =	vld [tilespmem:s18+$0xCA70]  }
0x3d4: {  	v19 =	vld [tilespmem:s18+$0x4600]  }
0x3d5: {  	v20 =	vld [tilespmem:s18+$0x4610]  }
0x3d6: {  	v21 =	vld [tilespmem:s18+$0x4620]  }
0x3d7: {  	v22 =	vld [tilespmem:s18+$0x4630]  }
0x3d8: {  	v23 =	vld [tilespmem:s18+$0x4640]  }
0x3d9: {  	v10 =	vadd.f32 v10, v19;
	v19 =	vld [tilespmem:s18+$0x4650]  }
0x3da: {  	v61 =	vld [tilespmem:s18+$0x4660];
	v11 =	vadd.f32 v11, v20  }
0x3db: {  	v62 =	vld [tilespmem:s18+$0x4670];
	[tilespmem:s18+$0x4600] =	vst v10;
	v10 =	vadd.f32 v12, v21  }
0x3dc: {  	v63 =	vld [tilespmem:s18+$0x4A00];
	[tilespmem:s18+$0x4610] =	vst v11;
	v11 =	vadd.f32 v13, v22  }
0x3dd: {  	v13 =	vld [tilespmem:s18+$0x4A10];
	[tilespmem:s18+$0x4620] =	vst v10;
	v10 =	vadd.f32 v14, v23  }
0x3de: {  	v12 =	vld [tilespmem:s18+$0x4A20];
	[tilespmem:s18+$0x4630] =	vst v11;
	v11 =	vadd.f32 v15, v19  }
0x3df: {  	v14 =	vadd.f32 v16, v61;
	[tilespmem:s18+$0x4640] =	vst v10;
	v10 =	vld [tilespmem:s18+$0x4A30]  }
0x3e0: {  	v16 =	vadd.f32 v17, v62;
	[tilespmem:s18+$0x4650] =	vst v11;
	v11 =	vld [tilespmem:s18+$0x4A40]  }
0x3e1: {  	s20 =	simm.s32 $0x100;
	s19 =	simm.s32 $0x80;
	v15 =	vadd.f32 v18, v63;
	[tilespmem:s18+$0x4660] =	vst v14;
	v14 =	vld [tilespmem:s18+$0x4A50]  }
.LBB2_18:
0x3e2: {  	s21 =	sand.u32 $0x3800, s20;
	s22 =	sand.u32 $0x380, s19;
	p0 =	sne.s32 s20, $0x3F00;
	[tilespmem:s18+$0x4670] =	vst v16;
	v9 =	vadd.f32 v9, v13;
	v13 =	vld [tilespmem:s18+$0x4A60]  }
0x3e3: {  	s21 =	sor.u32 s22, s21;
	[tilespmem:s18+$0x4A00] =	vst v15;
	v8 =	vadd.f32 v8, v12;
	v12 =	vld [tilespmem:s18+$0x4A70]  }
0x3e4: {  	v15 =	vld [tilespmem:s21+$0xC600];
	[tilespmem:s18+$0x4A10] =	vst v9;
	v7 =	vadd.f32 v7, v10  }
0x3e5: {  	v10 =	vld [tilespmem:s21+$0xC610];
	[tilespmem:s18+$0x4A20] =	vst v8;
	v6 =	vadd.f32 v6, v11  }
0x3e6: {  	v11 =	vld [tilespmem:s21+$0xC620];
	[tilespmem:s18+$0x4A30] =	vst v7;
	v5 =	vadd.f32 v5, v14  }
0x3e7: {  	v14 =	vld [tilespmem:s21+$0xC630];
	[tilespmem:s18+$0x4A40] =	vst v6;
	v4 =	vadd.f32 v4, v13  }
0x3e8: {  	v13 =	vld [tilespmem:s21+$0xC640];
	[tilespmem:s18+$0x4A50] =	vst v5;
	v3 =	vadd.f32 v3, v12  }
0x3e9: {  	v12 =	vld [tilespmem:s21+$0xC650];
	[tilespmem:s18+$0x4A60] =	vst v4  }
0x3ea: {  	v16 =	vld [tilespmem:s21+$0xC660];
	[tilespmem:s18+$0x4A70] =	vst v3;
	s18 =	smov.u32 s21  }
0x3eb: {  	v17 =	vld [tilespmem:s18+$0xC670]  }
0x3ec: {  	v18 =	vld [tilespmem:s18+$0xCA00]  }
0x3ed: {  	v9 =	vld [tilespmem:s18+$0xCA10]  }
0x3ee: {  	v8 =	vld [tilespmem:s18+$0xCA20]  }
0x3ef: {  	v7 =	vld [tilespmem:s18+$0xCA30]  }
0x3f0: {  	v6 =	vld [tilespmem:s18+$0xCA40]  }
0x3f1: {  	v5 =	vld [tilespmem:s18+$0xCA50]  }
0x3f2: {  	v4 =	vld [tilespmem:s18+$0xCA60]  }
0x3f3: {  	v3 =	vld [tilespmem:s18+$0xCA70]  }
0x3f4: {  	v19 =	vld [tilespmem:s18+$0x4600]  }
0x3f5: {  	v20 =	vld [tilespmem:s18+$0x4610]  }
0x3f6: {  	v21 =	vld [tilespmem:s18+$0x4620]  }
0x3f7: {  	v22 =	vld [tilespmem:s18+$0x4630]  }
0x3f8: {  	v23 =	vld [tilespmem:s18+$0x4640]  }
0x3f9: {  	v15 =	vadd.f32 v15, v19;
	v19 =	vld [tilespmem:s18+$0x4650]  }
0x3fa: {  	v10 =	vadd.f32 v10, v20;
	v20 =	vld [tilespmem:s18+$0x4660]  }
0x3fb: {  	[tilespmem:s18+$0x4600] =	vst v15;
	v11 =	vadd.f32 v11, v21;
	v15 =	vld [tilespmem:s18+$0x4670]  }
0x3fc: {  	[tilespmem:s18+$0x4610] =	vst v10;
	v10 =	vadd.f32 v14, v22;
	v14 =	vld [tilespmem:s18+$0x4A00]  }
.Ltmp8:
0x3fd: {  	[tilespmem:s18+$0x4620] =	vst v11;
	v11 =	vadd.f32 v13, v23;
	v13 =	vld [tilespmem:s18+$0x4A10];
	(pc) =	sbr.rel @p0 .LBB2_18-.Ltmp8, $4  }
0x3fe: {  	[tilespmem:s18+$0x4630] =	vst v10;
	v19 =	vadd.f32 v12, v19;
	v12 =	vld [tilespmem:s18+$0x4A20]  }
0x3ff: {  	[tilespmem:s18+$0x4640] =	vst v11;
	v20 =	vadd.f32 v16, v20;
	v10 =	vld [tilespmem:s18+$0x4A30]  }
0x400: {  	[tilespmem:s18+$0x4650] =	vst v19;
	v16 =	vadd.f32 v17, v15;
	v11 =	vld [tilespmem:s18+$0x4A40]  }
0x401: {  	s19 =	sadd.s32 $0x80, s19;
	s20 =	sadd.s32 $0x100, s20;
	[tilespmem:s18+$0x4660] =	vst v20;
	v15 =	vadd.f32 v18, v14;
	v14 =	vld [tilespmem:s18+$0x4A50]  }
0x402: {  	[tilespmem:s18+$0x4670] =	vst v16;
	v9 =	vadd.f32 v9, v13;
	v62 =	vld [tilespmem:s18+$0x4A60]  }
0x403: {  	v63 =	vld [tilespmem:s18+$0x4A70];
	[tilespmem:s18+$0x4A00] =	vst v15;
	v8 =	vadd.f32 v8, v12  }
0x404: {  	[tilespmem:s18+$0x4A10] =	vst v9;
	v7 =	vadd.f32 v7, v10  }
0x405: {  	[tilespmem:s18+$0x4A20] =	vst v8;
	v6 =	vadd.f32 v6, v11  }
0x406: {  	[tilespmem:s18+$0x4A30] =	vst v7;
	v5 =	vadd.f32 v5, v14  }
0x407: {  	[tilespmem:s18+$0x4A40] =	vst v6;
	v4 =	vadd.f32 v4, v62  }
0x408: {  	v3 =	vadd.f32 v3, v63;
	[tilespmem:s18+$0x4A50] =	vst v5  }
0x409: {  	[tilespmem:s18+$0x4A60] =	vst v4  }
0x40a: {  	s21 =	rddreg [dreg:$0x16];
	[tilespmem:s18+$0x4A70] =	vst v3  }
0x40b: {  	[hbm4b:s21+s2] =	stream.linear.scatter [tilespmem:s6], [sflag:$0x5], $0x4000, $0x38;
	[tilespmem:$0x10600] =	vst v63  }
0x40c: {  	_ =	swait.ge [sflag:s23], $0x4000  }
0x40d: {  	s17 =	sadd.s32 $0x1, s17;
	s22 =	rddreg [dreg:$0x17]  }
0x40e: {  	p0 =	sne.s32 s17, s22  }
.Ltmp9:
0x40f: {  	_ = 	snop;
	(pc) =	sbr.rel @p0 .LBB2_1-.Ltmp9, $3  }
0x410: {  	_ =	sdelay $0x1  }
0x411: {  	[sflag:s23] =	ssyncset.done $0x0  }
0x412: {  	[sflag:s23] =	ssyncadd.s32 $0xFFFFC000  }
0x413: {  	_ =	sfence.sel $0x180000  }
0x414: {  	[bflag:$0x0] =	sbarrier.arrive $0xFFFF  }
0x415: {  	_ =	strace $0x90000047  }
0x416: {  	s0 =	stileid.u32;
	[bflag:$0x2] =	sbarrier.arrive $0xFFFF  }
0x417: {  	p0 =	sne.s32 s0, $0x0;
	s0 =	rddreg [dreg:$0x4]  }
0x418: {  	s0 =	sadd.s32 @!p0 $0x100000, s0  }
0x419: {  	[sflag:s0] =	ssyncadd.tile.s32 @!p0 $0x1;
	_ =	shalt  }
.Lfunc_end2:
_tile_overlayer_lowered:
.L_overlay_start_2:
0x41a: {  	(tag) =	ssettag $0x2  }
0x41b: {  	s0 =	rddreg [dreg:$0x0];
	s2 =	stileid.u32  }
0x41c: {  	s1 =	rddreg [dreg:$0x1];
	p0 =	sne.s32 s2, $0x0  }
0x41d: {  	s3 =	rddreg [dreg:$0x2];
	[bflag:$0x3] =	sbarrier.arrive $0xFFFF;
	s2 =	simm.s32 @!p0 $0x1C05  }
0x41e: {  	[timem:s3], [sflag:s2] =	dma.local @!p0 [hbm:s0], s1  }
0x41f: {  	s0 =	simm.s32 @!p0 $0x5  }
0x420: {  	_ =	swait.ge @!p0 [sflag:s0], s1  }
0x421: {  	s1 =	ssub.s32 @!p0 $0x0, s1;
	[sflag:s0] =	ssyncset.done @!p0 $0x0  }
0x422: {  	[sflag:s0] =	ssyncadd.s32 @!p0 s1  }
0x423: {  	[bflag:$0x3] =	sbarrier.arrive $0xFFFF  }
0x424: {  	_ =	shalt  }

</sc_bundles>
